<compile_context>
chip_gen: v7x
topology: tpu7x:2x2x1
jax: 0.10.2.dev20260603
libtpu: 0.0.44.dev20260713+nightly
codegen_flags: <defaults>
</compile_context>

<pallas_src>
import functools

import jax
import jax.numpy as jnp
from jax import lax
from jax.experimental import pallas as pl
from jax.experimental.pallas import tpu as pltpu
from jax.experimental.pallas import tpu_sc as plsc

N = 10000
D = 128
OUT = 2
NC = 2
NS = 16
NW = NC * NS
E = 320000
CHUNK = 64
NCH = 159
KPG = CHUNK // 16
EPW = NCH * CHUNK
EPAD = NW * EPW - E
NPAD = 10112
RPT = NPAD // NS
NBUF = 3


def _sc_agg_body(h_hbm, edge_hbm, out_hbm, pvm, si, di,
                 rb0, rb1, rb2, acc, g0, g1, g2, sd):
    c = lax.axis_index("c")
    s = lax.axis_index("s")
    wid = c * NS + s
    r0 = s * RPT
    pltpu.async_copy(h_hbm.at[pl.ds(r0, RPT)], acc.at[pl.ds(r0, RPT)], sd)
    pltpu.sync_copy(edge_hbm.at[wid], pvm)

    rbs = [rb0, rb1, rb2]
    gs = [g0, g1, g2]

    def unpack(j, b):
        for t in range(KPG):
            v = pvm[j, pl.ds(t * 16, 16)]
            si[b, pl.ds(t * 16, 16)] = v & 0x3FFF
            di[b, pl.ds(t * 16, 16)] = lax.shift_right_logical(v, 14)

    for b in range(NBUF):
        unpack(b, b)
        pltpu.async_copy(h_hbm.at[si.at[b]], rbs[b], gs[b])
    pltpu.make_async_copy(h_hbm.at[pl.ds(r0, RPT)], acc.at[pl.ds(r0, RPT)], sd).wait()
    plsc.subcore_barrier()

    def body(i, carry):
        j0 = NBUF * i
        for b in range(NBUF):
            pltpu.make_async_copy(h_hbm.at[si.at[b]], rbs[b], gs[b]).wait()
            pltpu.sync_copy(rbs[b], acc.at[di.at[b]], add=True)
            unpack(j0 + b + NBUF, b)
            pltpu.async_copy(h_hbm.at[si.at[b]], rbs[b], gs[b])
        return carry

    lax.fori_loop(0, NCH // NBUF - 1, body, 0)
    for b in range(NBUF):
        pltpu.make_async_copy(h_hbm.at[si.at[b]], rbs[b], gs[b]).wait()
        pltpu.sync_copy(rbs[b], acc.at[di.at[b]], add=True)

    plsc.subcore_barrier()
    pltpu.sync_copy(acc.at[pl.ds(r0, RPT)], out_hbm.at[c, pl.ds(r0, RPT)])


@functools.cache
def _make_sc_agg():
    return pl.kernel(
        _sc_agg_body,
        out_type=jax.ShapeDtypeStruct((NC, NPAD, D), jnp.float32),
        mesh=plsc.VectorSubcoreMesh(core_axis_name="c", subcore_axis_name="s",
                                    num_cores=NC, num_subcores=NS),
        scratch_types=(
            [pltpu.VMEM((NCH, CHUNK), jnp.int32)]
            + [pltpu.VMEM((NBUF, CHUNK), jnp.int32)]
            + [pltpu.VMEM((NBUF, CHUNK), jnp.int32)]
            + [pltpu.VMEM((CHUNK, D), jnp.float32) for _ in range(NBUF)]
            + [pltpu.VMEM_SHARED((NPAD, D), jnp.float32)]
            + [pltpu.SemaphoreType.DMA for _ in range(NBUF + 1)]
        ),
    )


def _sc_agg(h, edges_r):
    return _make_sc_agg()(h, edges_r)


def _mlp_head(h_ref, p_ref, wa_ref, ba_ref, g_ref, be_ref):
    mask = lax.broadcasted_iota(jnp.int32, (NPAD, 1), 0) < N
    z = p_ref[0] + p_ref[1] - h_ref[...]
    z = jnp.where(mask, z, 0.0)
    a = jnp.dot(z, wa_ref[...], preferred_element_type=jnp.float32) + ba_ref[...]
    am = jnp.where(mask, a, 0.0)
    mean = jnp.sum(am, axis=0, keepdims=True) / N
    cent = a - mean
    var = jnp.sum(jnp.where(mask, cent * cent, 0.0), axis=0, keepdims=True) / N
    an = cent * lax.rsqrt(var + 1e-5) * g_ref[...] + be_ref[...]
    return jnp.maximum(an, 0.0), mask


def _dense_block(h_ref, p_ref, wa_ref, ba_ref, g_ref, be_ref, wb_ref, bb_ref, o_ref):
    an, mask = _mlp_head(h_ref, p_ref, wa_ref, ba_ref, g_ref, be_ref)
    h2 = jnp.dot(an, wb_ref[...], preferred_element_type=jnp.float32) + bb_ref[...]
    o_ref[...] = jnp.where(mask, jnp.maximum(h2, 0.0), 0.0)


def _final_block(h_ref, p_ref, wa_ref, ba_ref, g_ref, be_ref, wb_ref, bb_ref,
                 wo_ref, bo_ref, o_ref):
    an, _ = _mlp_head(h_ref, p_ref, wa_ref, ba_ref, g_ref, be_ref)
    wf = jnp.dot(wb_ref[...], wo_ref[...], preferred_element_type=jnp.float32)
    bf = jnp.dot(bb_ref[...], wo_ref[...], preferred_element_type=jnp.float32) + bo_ref[...]
    o_ref[...] = jnp.dot(an[:N, :], wf, preferred_element_type=jnp.float32) + bf


_dense = pl.pallas_call(
    _dense_block,
    out_shape=jax.ShapeDtypeStruct((NPAD, D), jnp.float32),
)

_final = pl.pallas_call(
    _final_block,
    out_shape=jax.ShapeDtypeStruct((N, OUT), jnp.float32),
)


def kernel(x, edge_index, W1a, b1a, g1, be1, W1b, b1b, W2a, b2a, g2, be2,
           W2b, b2b, W3a, b3a, g3, be3, W3b, b3b, Wo, bo):
    src = edge_index[0]
    dst = edge_index[1]
    pad_ar = jnp.arange(EPAD, dtype=jnp.int32)
    src_p = jnp.concatenate([src, (pad_ar * 131) % N])
    dst_p = jnp.concatenate([dst, N + (pad_ar % NW)])
    edges_r = ((dst_p << 14) | src_p).reshape(NW, NCH, CHUNK)

    hpad = jnp.zeros((NPAD, D), jnp.float32).at[:N].set(x)
    b1a, b1b = b1a.reshape(1, D), b1b.reshape(1, D)
    b2a, b2b = b2a.reshape(1, D), b2b.reshape(1, D)
    b3a, b3b = b3a.reshape(1, D), b3b.reshape(1, D)
    g1, be1 = g1.reshape(1, D), be1.reshape(1, D)
    g2, be2 = g2.reshape(1, D), be2.reshape(1, D)
    g3, be3 = g3.reshape(1, D), be3.reshape(1, D)
    bo = bo.reshape(1, OUT)

    p = _sc_agg(hpad, edges_r)
    h = _dense(hpad, p, W1a, b1a, g1, be1, W1b, b1b)
    p = _sc_agg(h, edges_r)
    h = _dense(h, p, W2a, b2a, g2, be2, W2b, b2b)
    p = _sc_agg(h, edges_r)
    return _final(h, p, W3a, b3a, g3, be3, W3b, b3b, Wo, bo)

# --- scband reference (transcript-rebuilt; emitter-appended) ---
"""Pipeline reference for scband-gin-27977416966468 (READ-ONLY COPY).

The authoritative reference and input builder live on the scoring server;
editing this copy changes nothing except your own understanding.
"""

import jax, jax.numpy as jnp
import numpy as np

N = 10000
E = 320000
D = 128
H = 128
EMB = 128
OUT = 2


def _lin_params(key, fan_in, fan_out):
    k1, k2 = jax.random.split(key)
    s = 1.0 / np.sqrt(fan_in)
    W = jax.random.uniform(k1, (fan_in, fan_out), jnp.float32, -s, s)
    b = jax.random.uniform(k2, (fan_out,), jnp.float32, -s, s)
    return W, b


def setup_inputs(seed: int = 0) -> dict:
    key = jax.random.key(seed)
    ks = jax.random.split(key, 12)
    x = jax.random.normal(ks[0], (N, D), jnp.float32)
    edge_index = jax.random.randint(ks[1], (2, E), 0, N, jnp.int32)
    W1a, b1a = _lin_params(ks[2], D, H)
    W1b, b1b = _lin_params(ks[3], H, H)
    W2a, b2a = _lin_params(ks[4], H, H)
    W2b, b2b = _lin_params(ks[5], H, H)
    W3a, b3a = _lin_params(ks[6], H, H)
    W3b, b3b = _lin_params(ks[7], H, EMB)
    Wo, bo = _lin_params(ks[8], EMB, OUT)
    g1 = jnp.ones((H,), jnp.float32); be1 = jnp.zeros((H,), jnp.float32)
    g2 = jnp.ones((H,), jnp.float32); be2 = jnp.zeros((H,), jnp.float32)
    g3 = jnp.ones((H,), jnp.float32); be3 = jnp.zeros((H,), jnp.float32)
    return {"x": x, "edge_index": edge_index,
            "W1a": W1a, "b1a": b1a, "g1": g1, "be1": be1, "W1b": W1b, "b1b": b1b,
            "W2a": W2a, "b2a": b2a, "g2": g2, "be2": be2, "W2b": W2b, "b2b": b2b,
            "W3a": W3a, "b3a": b3a, "g3": g3, "be3": be3, "W3b": W3b, "b3b": b3b,
            "Wo": Wo, "bo": bo}


def _bn(h, g, b):
    # BatchNorm1d in training mode: batch statistics, eps=1e-5
    mean = jnp.mean(h, axis=0, keepdims=True)
    var = jnp.var(h, axis=0, keepdims=True)
    return (h - mean) / jnp.sqrt(var + 1e-5) * g + b


def _gin_agg(h, src, dst):
    # GINConv (eps=0): (1+eps)*x_i + sum_{j in N(i)} x_j
    return h + jax.ops.segment_sum(h[src], dst, num_segments=N)


def reference(x, edge_index, W1a, b1a, g1, be1, W1b, b1b,
              W2a, b2a, g2, be2, W2b, b2b,
              W3a, b3a, g3, be3, W3b, b3b, Wo, bo):
    src = edge_index[0]
    dst = edge_index[1]
    # gin1: Linear -> BN -> ReLU -> Linear -> ReLU
    z = _gin_agg(x, src, dst)
    h = jnp.maximum(_bn(z @ W1a + b1a, g1, be1), 0.0)
    h = jnp.maximum(h @ W1b + b1b, 0.0)
    # gin_hidden (n_layers-2 = 1 layer): Linear -> BN -> ReLU -> Linear -> ReLU
    z = _gin_agg(h, src, dst)
    h = jnp.maximum(_bn(z @ W2a + b2a, g2, be2), 0.0)
    h = jnp.maximum(h @ W2b + b2b, 0.0)
    # gin2: Linear -> BN -> ReLU -> Linear
    z = _gin_agg(h, src, dst)
    h = jnp.maximum(_bn(z @ W3a + b3a, g3, be3), 0.0)
    h = h @ W3b + b3b
    # Decoder_linear
    out = h @ Wo + bo
    return out

if __name__ == "__main__":
    import jax
    _d = setup_inputs()
    print(jax.jit(kernel)(*tuple(_d.values())))

</pallas_src>

<mosaic_0001>
#map = affine_map<(d0, d1) -> (0, 0)>
#map1 = affine_map<(d0, d1) -> (0, 0, 0)>
module attributes {stable_mosaic.version = 14 : i64} {
  func.func @_sc_agg_body(%arg0: i32, %arg1: i32, %arg2: memref<10112x128xf32, #tpu.memory_space<hbm>>, %arg3: memref<32x159x64xi32, #tpu.memory_space<hbm>>, %arg4: memref<2x10112x128xf32, #tpu.memory_space<hbm>>, %arg5: memref<159x64xi32, #tpu.memory_space<vmem>>, %arg6: memref<3x64xi32, #tpu.memory_space<vmem>>, %arg7: memref<3x64xi32, #tpu.memory_space<vmem>>, %arg8: memref<64x128xf32, #tpu.memory_space<vmem>>, %arg9: memref<64x128xf32, #tpu.memory_space<vmem>>, %arg10: memref<64x128xf32, #tpu.memory_space<vmem>>, %arg11: memref<10112x128xf32, #tpu.memory_space<vmem_shared>>, %arg12: memref<!tpu.dma_semaphore, #tpu.memory_space<semaphore_mem>>, %arg13: memref<!tpu.dma_semaphore, #tpu.memory_space<semaphore_mem>>, %arg14: memref<!tpu.dma_semaphore, #tpu.memory_space<semaphore_mem>>, %arg15: memref<!tpu.dma_semaphore, #tpu.memory_space<semaphore_mem>>) attributes {dimension_semantics = [#tpu.dimension_semantics<core_parallel>, #tpu.dimension_semantics<subcore_parallel>], iteration_bounds = array<i64: 2, 16>, scalar_prefetch = 0 : i64, scratch_operands = 11 : i64, tpu.core_type = #tpu.core_type<sc_vector_subcore>, window_params = [{transform_indices = #map}, {transform_indices = #map1}, {transform_indices = #map1}]} {
    %mul3A = arith.constant 16 : i32
    %mul3A_0 = arith.muli %arg0, %mul3A : i32
    %add3A = arith.addi %mul3A_0, %arg1 : i32
    %mul3A_1 = arith.constant 632 : i32
    %mul3A_2 = arith.muli %arg1, %mul3A_1 : i32
    %dma_start3A = arith.constant 0 : i32
    %dma_start3A_3 = tpu.memref_slice %arg11[%mul3A_2, %dma_start3A] : memref<10112x128xf32, #tpu.memory_space<vmem_shared>> -> memref<632x128xf32, #tpu.memory_space<vmem_shared>>
    %dma_start3A_4 = arith.constant 0 : i32
    %dma_start3A_5 = tpu.memref_slice %arg2[%mul3A_2, %dma_start3A_4] : memref<10112x128xf32, #tpu.memory_space<hbm>> -> memref<632x128xf32, #tpu.memory_space<hbm>>
    tpu.enqueue_dma source(%dma_start3A_5 : memref<632x128xf32, #tpu.memory_space<hbm>>) target(%dma_start3A_3 : memref<632x128xf32, #tpu.memory_space<vmem_shared>>) target_semaphore(%arg15 : memref<!tpu.dma_semaphore, #tpu.memory_space<semaphore_mem>>)
    "tpu.region"() ({
      %run_scoped3A_331 = tpu.sem_alloc : memref<!tpu.dma_semaphore, #tpu.memory_space<semaphore_mem>>
      %dma_start3A_332 = arith.constant 0 : i32
      %dma_start3A_333 = arith.constant 0 : i32
      %dma_start3A_334 = tpu.memref_slice %arg3[%add3A, %dma_start3A_332, %dma_start3A_333] : memref<32x159x64xi32, #tpu.memory_space<hbm>> -> memref<1x159x64xi32, #tpu.memory_space<hbm>>
      %dma_start3A_335 = tpu.memref_squeeze %dma_start3A_334 : memref<1x159x64xi32, #tpu.memory_space<hbm>> -> memref<159x64xi32, #tpu.memory_space<hbm>>
      %dma_start3A_336 = arith.constant 0 : i32
      %dma_start3A_337 = arith.constant 0 : i32
      %dma_start3A_338 = tpu.memref_slice %arg3[%add3A, %dma_start3A_336, %dma_start3A_337] : memref<32x159x64xi32, #tpu.memory_space<hbm>> -> memref<1x159x64xi32, #tpu.memory_space<hbm>>
      %dma_start3A_339 = tpu.memref_squeeze %dma_start3A_338 : memref<1x159x64xi32, #tpu.memory_space<hbm>> -> memref<159x64xi32, #tpu.memory_space<hbm>>
      tpu.enqueue_dma source(%dma_start3A_339 : memref<159x64xi32, #tpu.memory_space<hbm>>) target(%arg5 : memref<159x64xi32, #tpu.memory_space<vmem>>) target_semaphore(%run_scoped3A_331 : memref<!tpu.dma_semaphore, #tpu.memory_space<semaphore_mem>>)
      %dma_wait3A_340 = arith.constant 0 : i32
      %dma_wait3A_341 = arith.constant 0 : i32
      %dma_wait3A_342 = tpu.memref_slice %arg3[%add3A, %dma_wait3A_340, %dma_wait3A_341] : memref<32x159x64xi32, #tpu.memory_space<hbm>> -> memref<1x159x64xi32, #tpu.memory_space<hbm>>
      %dma_wait3A_343 = tpu.memref_squeeze %dma_wait3A_342 : memref<1x159x64xi32, #tpu.memory_space<hbm>> -> memref<159x64xi32, #tpu.memory_space<hbm>>
      %dma_wait3A_344 = arith.constant 0 : i32
      %dma_wait3A_345 = arith.constant 0 : i32
      %dma_wait3A_346 = tpu.memref_slice %arg3[%add3A, %dma_wait3A_344, %dma_wait3A_345] : memref<32x159x64xi32, #tpu.memory_space<hbm>> -> memref<1x159x64xi32, #tpu.memory_space<hbm>>
      %dma_wait3A_347 = tpu.memref_squeeze %dma_wait3A_346 : memref<1x159x64xi32, #tpu.memory_space<hbm>> -> memref<159x64xi32, #tpu.memory_space<hbm>>
      tpu.wait_dma2 semaphore(%run_scoped3A_331 : memref<!tpu.dma_semaphore, #tpu.memory_space<semaphore_mem>>) src(%dma_wait3A_347 : memref<159x64xi32, #tpu.memory_space<hbm>>) dst(%arg5 : memref<159x64xi32, #tpu.memory_space<vmem>>)
      tpu.yield
    }) : () -> ()
    %get3A = arith.constant 0 : i32
    %get3A_6 = arith.index_cast %get3A : i32 to index
    %get3A_7 = arith.constant 0 : index
    %get3A_8 = tpu.vector_load %arg5[%get3A_6, %get3A_7] {strides = array<i32>} : memref<159x64xi32, #tpu.memory_space<vmem>>, vector<1x16xi32>,
    %get3A_9 = vector.shape_cast %get3A_8 : vector<1x16xi32> to vector<16xi32>
    %and3A = arith.constant 16383 : i32
    %and3A_10 = vector.broadcast %and3A : i32 to vector<16xi32>
    %and3A_11 = arith.andi %get3A_9, %and3A_10 : vector<16xi32>
    %swap3A = arith.constant 0 : i32
    %swap3A_12 = arith.index_cast %swap3A : i32 to index
    %swap3A_13 = arith.constant 0 : index
    %swap3A_14 = tpu.vector_load %arg6[%swap3A_12, %swap3A_13] {strides = array<i32>} : memref<3x64xi32, #tpu.memory_space<vmem>>, vector<1x16xi32>,
    %swap3A_15 = vector.shape_cast %swap3A_14 : vector<1x16xi32> to vector<16xi32>
    %swap3A_16 = vector.shape_cast %and3A_11 : vector<16xi32> to vector<1x16xi32>
    tpu.vector_store %arg6[%swap3A_12, %swap3A_13], %swap3A_16 {strides = array<i32>} : memref<3x64xi32, #tpu.memory_space<vmem>>, vector<1x16xi32>,
    %shift_right_logical3A = arith.constant 14 : i32
    %shift_right_logical3A_17 = vector.broadcast %shift_right_logical3A : i32 to vector<16xi32>
    %shift_right_logical3A_18 = arith.shrui %get3A_9, %shift_right_logical3A_17 : vector<16xi32>
    %swap3A_19 = arith.constant 0 : i32
    %swap3A_20 = arith.index_cast %swap3A_19 : i32 to index
    %swap3A_21 = arith.constant 0 : index
    %swap3A_22 = tpu.vector_load %arg7[%swap3A_20, %swap3A_21] {strides = array<i32>} : memref<3x64xi32, #tpu.memory_space<vmem>>, vector<1x16xi32>,
    %swap3A_23 = vector.shape_cast %swap3A_22 : vector<1x16xi32> to vector<16xi32>
    %swap3A_24 = vector.shape_cast %shift_right_logical3A_18 : vector<16xi32> to vector<1x16xi32>
    tpu.vector_store %arg7[%swap3A_20, %swap3A_21], %swap3A_24 {strides = array<i32>} : memref<3x64xi32, #tpu.memory_space<vmem>>, vector<1x16xi32>,
    %get3A_25 = arith.constant 0 : i32
    %get3A_26 = arith.index_cast %get3A_25 : i32 to index
    %get3A_27 = arith.constant 16 : index
    %get3A_28 = tpu.vector_load %arg5[%get3A_26, %get3A_27] {strides = array<i32>} : memref<159x64xi32, #tpu.memory_space<vmem>>, vector<1x16xi32>,
    %get3A_29 = vector.shape_cast %get3A_28 : vector<1x16xi32> to vector<16xi32>
    %and3A_30 = arith.constant 16383 : i32
    %and3A_31 = vector.broadcast %and3A_30 : i32 to vector<16xi32>
    %and3A_32 = arith.andi %get3A_29, %and3A_31 : vector<16xi32>
    %swap3A_33 = arith.constant 0 : i32
    %swap3A_34 = arith.index_cast %swap3A_33 : i32 to index
    %swap3A_35 = arith.constant 16 : index
    %swap3A_36 = tpu.vector_load %arg6[%swap3A_34, %swap3A_35] {strides = array<i32>} : memref<3x64xi32, #tpu.memory_space<vmem>>, vector<1x16xi32>,
    %swap3A_37 = vector.shape_cast %swap3A_36 : vector<1x16xi32> to vector<16xi32>
    %swap3A_38 = vector.shape_cast %and3A_32 : vector<16xi32> to vector<1x16xi32>
    tpu.vector_store %arg6[%swap3A_34, %swap3A_35], %swap3A_38 {strides = array<i32>} : memref<3x64xi32, #tpu.memory_space<vmem>>, vector<1x16xi32>,
    %shift_right_logical3A_39 = arith.constant 14 : i32
    %shift_right_logical3A_40 = vector.broadcast %shift_right_logical3A_39 : i32 to vector<16xi32>
    %shift_right_logical3A_41 = arith.shrui %get3A_29, %shift_right_logical3A_40 : vector<16xi32>
    %swap3A_42 = arith.constant 0 : i32
    %swap3A_43 = arith.index_cast %swap3A_42 : i32 to index
    %swap3A_44 = arith.constant 16 : index
    %swap3A_45 = tpu.vector_load %arg7[%swap3A_43, %swap3A_44] {strides = array<i32>} : memref<3x64xi32, #tpu.memory_space<vmem>>, vector<1x16xi32>,
    %swap3A_46 = vector.shape_cast %swap3A_45 : vector<1x16xi32> to vector<16xi32>
    %swap3A_47 = vector.shape_cast %shift_right_logical3A_41 : vector<16xi32> to vector<1x16xi32>
    tpu.vector_store %arg7[%swap3A_43, %swap3A_44], %swap3A_47 {strides = array<i32>} : memref<3x64xi32, #tpu.memory_space<vmem>>, vector<1x16xi32>,
    %get3A_48 = arith.constant 0 : i32
    %get3A_49 = arith.index_cast %get3A_48 : i32 to index
    %get3A_50 = arith.constant 32 : index
    %get3A_51 = tpu.vector_load %arg5[%get3A_49, %get3A_50] {strides = array<i32>} : memref<159x64xi32, #tpu.memory_space<vmem>>, vector<1x16xi32>,
    %get3A_52 = vector.shape_cast %get3A_51 : vector<1x16xi32> to vector<16xi32>
    %and3A_53 = arith.constant 16383 : i32
    %and3A_54 = vector.broadcast %and3A_53 : i32 to vector<16xi32>
    %and3A_55 = arith.andi %get3A_52, %and3A_54 : vector<16xi32>
    %swap3A_56 = arith.constant 0 : i32
    %swap3A_57 = arith.index_cast %swap3A_56 : i32 to index
    %swap3A_58 = arith.constant 32 : index
    %swap3A_59 = tpu.vector_load %arg6[%swap3A_57, %swap3A_58] {strides = array<i32>} : memref<3x64xi32, #tpu.memory_space<vmem>>, vector<1x16xi32>,
    %swap3A_60 = vector.shape_cast %swap3A_59 : vector<1x16xi32> to vector<16xi32>
    %swap3A_61 = vector.shape_cast %and3A_55 : vector<16xi32> to vector<1x16xi32>
    tpu.vector_store %arg6[%swap3A_57, %swap3A_58], %swap3A_61 {strides = array<i32>} : memref<3x64xi32, #tpu.memory_space<vmem>>, vector<1x16xi32>,
    %shift_right_logical3A_62 = arith.constant 14 : i32
    %shift_right_logical3A_63 = vector.broadcast %shift_right_logical3A_62 : i32 to vector<16xi32>
    %shift_right_logical3A_64 = arith.shrui %get3A_52, %shift_right_logical3A_63 : vector<16xi32>
    %swap3A_65 = arith.constant 0 : i32
    %swap3A_66 = arith.index_cast %swap3A_65 : i32 to index
    %swap3A_67 = arith.constant 32 : index
    %swap3A_68 = tpu.vector_load %arg7[%swap3A_66, %swap3A_67] {strides = array<i32>} : memref<3x64xi32, #tpu.memory_space<vmem>>, vector<1x16xi32>,
    %swap3A_69 = vector.shape_cast %swap3A_68 : vector<1x16xi32> to vector<16xi32>
    %swap3A_70 = vector.shape_cast %shift_right_logical3A_64 : vector<16xi32> to vector<1x16xi32>
    tpu.vector_store %arg7[%swap3A_66, %swap3A_67], %swap3A_70 {strides = array<i32>} : memref<3x64xi32, #tpu.memory_space<vmem>>, vector<1x16xi32>,
    %get3A_71 = arith.constant 0 : i32
    %get3A_72 = arith.index_cast %get3A_71 : i32 to index
    %get3A_73 = arith.constant 48 : index
    %get3A_74 = tpu.vector_load %arg5[%get3A_72, %get3A_73] {strides = array<i32>} : memref<159x64xi32, #tpu.memory_space<vmem>>, vector<1x16xi32>,
    %get3A_75 = vector.shape_cast %get3A_74 : vector<1x16xi32> to vector<16xi32>
    %and3A_76 = arith.constant 16383 : i32
    %and3A_77 = vector.broadcast %and3A_76 : i32 to vector<16xi32>
    %and3A_78 = arith.andi %get3A_75, %and3A_77 : vector<16xi32>
    %swap3A_79 = arith.constant 0 : i32
    %swap3A_80 = arith.index_cast %swap3A_79 : i32 to index
    %swap3A_81 = arith.constant 48 : index
    %swap3A_82 = tpu.vector_load %arg6[%swap3A_80, %swap3A_81] {strides = array<i32>} : memref<3x64xi32, #tpu.memory_space<vmem>>, vector<1x16xi32>,
    %swap3A_83 = vector.shape_cast %swap3A_82 : vector<1x16xi32> to vector<16xi32>
    %swap3A_84 = vector.shape_cast %and3A_78 : vector<16xi32> to vector<1x16xi32>
    tpu.vector_store %arg6[%swap3A_80, %swap3A_81], %swap3A_84 {strides = array<i32>} : memref<3x64xi32, #tpu.memory_space<vmem>>, vector<1x16xi32>,
    %shift_right_logical3A_85 = arith.constant 14 : i32
    %shift_right_logical3A_86 = vector.broadcast %shift_right_logical3A_85 : i32 to vector<16xi32>
    %shift_right_logical3A_87 = arith.shrui %get3A_75, %shift_right_logical3A_86 : vector<16xi32>
    %swap3A_88 = arith.constant 0 : i32
    %swap3A_89 = arith.index_cast %swap3A_88 : i32 to index
    %swap3A_90 = arith.constant 48 : index
    %swap3A_91 = tpu.vector_load %arg7[%swap3A_89, %swap3A_90] {strides = array<i32>} : memref<3x64xi32, #tpu.memory_space<vmem>>, vector<1x16xi32>,
    %swap3A_92 = vector.shape_cast %swap3A_91 : vector<1x16xi32> to vector<16xi32>
    %swap3A_93 = vector.shape_cast %shift_right_logical3A_87 : vector<16xi32> to vector<1x16xi32>
    tpu.vector_store %arg7[%swap3A_89, %swap3A_90], %swap3A_93 {strides = array<i32>} : memref<3x64xi32, #tpu.memory_space<vmem>>, vector<1x16xi32>,
    %dma_start3A_94 = arith.constant 0 : i32
    %dma_start3A_95 = arith.constant 0 : i32
    %dma_start3A_96 = tpu.memref_slice %arg6[%dma_start3A_94, %dma_start3A_95] : memref<3x64xi32, #tpu.memory_space<vmem>> -> memref<1x64xi32, #tpu.memory_space<vmem>>
    %dma_start3A_97 = tpu.memref_squeeze %dma_start3A_96 : memref<1x64xi32, #tpu.memory_space<vmem>> -> memref<64xi32, #tpu.memory_space<vmem>>
    %dma_start3A_98 = arith.constant 0 : i32
    %dma_start3A_99 = arith.constant 0 : i32
    %dma_start3A_100 = tpu.memref_slice %arg2[%dma_start3A_98, %dma_start3A_99] : memref<10112x128xf32, #tpu.memory_space<hbm>> -> memref<10112x128xf32, #tpu.memory_space<hbm>>
    tpu.enqueue_indirect_dma source(%dma_start3A_100 : memref<10112x128xf32, #tpu.memory_space<hbm>>) target(%arg8 : memref<64x128xf32, #tpu.memory_space<vmem>>) offsets(%dma_start3A_97 : memref<64xi32, #tpu.memory_space<vmem>>) semaphore(%arg12 : memref<!tpu.dma_semaphore, #tpu.memory_space<semaphore_mem>>)
    %get3A_101 = arith.constant 1 : i32
    %get3A_102 = arith.index_cast %get3A_101 : i32 to index
    %get3A_103 = arith.constant 0 : index
    %get3A_104 = tpu.vector_load %arg5[%get3A_102, %get3A_103] {strides = array<i32>} : memref<159x64xi32, #tpu.memory_space<vmem>>, vector<1x16xi32>,
    %get3A_105 = vector.shape_cast %get3A_104 : vector<1x16xi32> to vector<16xi32>
    %and3A_106 = arith.constant 16383 : i32
    %and3A_107 = vector.broadcast %and3A_106 : i32 to vector<16xi32>
    %and3A_108 = arith.andi %get3A_105, %and3A_107 : vector<16xi32>
    %swap3A_109 = arith.constant 1 : i32
    %swap3A_110 = arith.index_cast %swap3A_109 : i32 to index
    %swap3A_111 = arith.constant 0 : index
    %swap3A_112 = tpu.vector_load %arg6[%swap3A_110, %swap3A_111] {strides = array<i32>} : memref<3x64xi32, #tpu.memory_space<vmem>>, vector<1x16xi32>,
    %swap3A_113 = vector.shape_cast %swap3A_112 : vector<1x16xi32> to vector<16xi32>
    %swap3A_114 = vector.shape_cast %and3A_108 : vector<16xi32> to vector<1x16xi32>
    tpu.vector_store %arg6[%swap3A_110, %swap3A_111], %swap3A_114 {strides = array<i32>} : memref<3x64xi32, #tpu.memory_space<vmem>>, vector<1x16xi32>,
    %shift_right_logical3A_115 = arith.constant 14 : i32
    %shift_right_logical3A_116 = vector.broadcast %shift_right_logical3A_115 : i32 to vector<16xi32>
    %shift_right_logical3A_117 = arith.shrui %get3A_105, %shift_right_logical3A_116 : vector<16xi32>
    %swap3A_118 = arith.constant 1 : i32
    %swap3A_119 = arith.index_cast %swap3A_118 : i32 to index
    %swap3A_120 = arith.constant 0 : index
    %swap3A_121 = tpu.vector_load %arg7[%swap3A_119, %swap3A_120] {strides = array<i32>} : memref<3x64xi32, #tpu.memory_space<vmem>>, vector<1x16xi32>,
    %swap3A_122 = vector.shape_cast %swap3A_121 : vector<1x16xi32> to vector<16xi32>
    %swap3A_123 = vector.shape_cast %shift_right_logical3A_117 : vector<16xi32> to vector<1x16xi32>
    tpu.vector_store %arg7[%swap3A_119, %swap3A_120], %swap3A_123 {strides = array<i32>} : memref<3x64xi32, #tpu.memory_space<vmem>>, vector<1x16xi32>,
    %get3A_124 = arith.constant 1 : i32
    %get3A_125 = arith.index_cast %get3A_124 : i32 to index
    %get3A_126 = arith.constant 16 : index
    %get3A_127 = tpu.vector_load %arg5[%get3A_125, %get3A_126] {strides = array<i32>} : memref<159x64xi32, #tpu.memory_space<vmem>>, vector<1x16xi32>,
    %get3A_128 = vector.shape_cast %get3A_127 : vector<1x16xi32> to vector<16xi32>
    %and3A_129 = arith.constant 16383 : i32
    %and3A_130 = vector.broadcast %and3A_129 : i32 to vector<16xi32>
    %and3A_131 = arith.andi %get3A_128, %and3A_130 : vector<16xi32>
    %swap3A_132 = arith.constant 1 : i32
    %swap3A_133 = arith.index_cast %swap3A_132 : i32 to index
    %swap3A_134 = arith.constant 16 : index
    %swap3A_135 = tpu.vector_load %arg6[%swap3A_133, %swap3A_134] {strides = array<i32>} : memref<3x64xi32, #tpu.memory_space<vmem>>, vector<1x16xi32>,
    %swap3A_136 = vector.shape_cast %swap3A_135 : vector<1x16xi32> to vector<16xi32>
    %swap3A_137 = vector.shape_cast %and3A_131 : vector<16xi32> to vector<1x16xi32>
    tpu.vector_store %arg6[%swap3A_133, %swap3A_134], %swap3A_137 {strides = array<i32>} : memref<3x64xi32, #tpu.memory_space<vmem>>, vector<1x16xi32>,
    %shift_right_logical3A_138 = arith.constant 14 : i32
    %shift_right_logical3A_139 = vector.broadcast %shift_right_logical3A_138 : i32 to vector<16xi32>
    %shift_right_logical3A_140 = arith.shrui %get3A_128, %shift_right_logical3A_139 : vector<16xi32>
    %swap3A_141 = arith.constant 1 : i32
    %swap3A_142 = arith.index_cast %swap3A_141 : i32 to index
    %swap3A_143 = arith.constant 16 : index
    %swap3A_144 = tpu.vector_load %arg7[%swap3A_142, %swap3A_143] {strides = array<i32>} : memref<3x64xi32, #tpu.memory_space<vmem>>, vector<1x16xi32>,
    %swap3A_145 = vector.shape_cast %swap3A_144 : vector<1x16xi32> to vector<16xi32>
    %swap3A_146 = vector.shape_cast %shift_right_logical3A_140 : vector<16xi32> to vector<1x16xi32>
    tpu.vector_store %arg7[%swap3A_142, %swap3A_143], %swap3A_146 {strides = array<i32>} : memref<3x64xi32, #tpu.memory_space<vmem>>, vector<1x16xi32>,
    %get3A_147 = arith.constant 1 : i32
    %get3A_148 = arith.index_cast %get3A_147 : i32 to index
    %get3A_149 = arith.constant 32 : index
    %get3A_150 = tpu.vector_load %arg5[%get3A_148, %get3A_149] {strides = array<i32>} : memref<159x64xi32, #tpu.memory_space<vmem>>, vector<1x16xi32>,
    %get3A_151 = vector.shape_cast %get3A_150 : vector<1x16xi32> to vector<16xi32>
    %and3A_152 = arith.constant 16383 : i32
    %and3A_153 = vector.broadcast %and3A_152 : i32 to vector<16xi32>
    %and3A_154 = arith.andi %get3A_151, %and3A_153 : vector<16xi32>
    %swap3A_155 = arith.constant 1 : i32
    %swap3A_156 = arith.index_cast %swap3A_155 : i32 to index
    %swap3A_157 = arith.constant 32 : index
    %swap3A_158 = tpu.vector_load %arg6[%swap3A_156, %swap3A_157] {strides = array<i32>} : memref<3x64xi32, #tpu.memory_space<vmem>>, vector<1x16xi32>,
    %swap3A_159 = vector.shape_cast %swap3A_158 : vector<1x16xi32> to vector<16xi32>
    %swap3A_160 = vector.shape_cast %and3A_154 : vector<16xi32> to vector<1x16xi32>
    tpu.vector_store %arg6[%swap3A_156, %swap3A_157], %swap3A_160 {strides = array<i32>} : memref<3x64xi32, #tpu.memory_space<vmem>>, vector<1x16xi32>,
    %shift_right_logical3A_161 = arith.constant 14 : i32
    %shift_right_logical3A_162 = vector.broadcast %shift_right_logical3A_161 : i32 to vector<16xi32>
    %shift_right_logical3A_163 = arith.shrui %get3A_151, %shift_right_logical3A_162 : vector<16xi32>
    %swap3A_164 = arith.constant 1 : i32
    %swap3A_165 = arith.index_cast %swap3A_164 : i32 to index
    %swap3A_166 = arith.constant 32 : index
    %swap3A_167 = tpu.vector_load %arg7[%swap3A_165, %swap3A_166] {strides = array<i32>} : memref<3x64xi32, #tpu.memory_space<vmem>>, vector<1x16xi32>,
    %swap3A_168 = vector.shape_cast %swap3A_167 : vector<1x16xi32> to vector<16xi32>
    %swap3A_169 = vector.shape_cast %shift_right_logical3A_163 : vector<16xi32> to vector<1x16xi32>
    tpu.vector_store %arg7[%swap3A_165, %swap3A_166], %swap3A_169 {strides = array<i32>} : memref<3x64xi32, #tpu.memory_space<vmem>>, vector<1x16xi32>,
    %get3A_170 = arith.constant 1 : i32
    %get3A_171 = arith.index_cast %get3A_170 : i32 to index
    %get3A_172 = arith.constant 48 : index
    %get3A_173 = tpu.vector_load %arg5[%get3A_171, %get3A_172] {strides = array<i32>} : memref<159x64xi32, #tpu.memory_space<vmem>>, vector<1x16xi32>,
    %get3A_174 = vector.shape_cast %get3A_173 : vector<1x16xi32> to vector<16xi32>
    %and3A_175 = arith.constant 16383 : i32
    %and3A_176 = vector.broadcast %and3A_175 : i32 to vector<16xi32>
    %and3A_177 = arith.andi %get3A_174, %and3A_176 : vector<16xi32>
    %swap3A_178 = arith.constant 1 : i32
    %swap3A_179 = arith.index_cast %swap3A_178 : i32 to index
    %swap3A_180 = arith.constant 48 : index
    %swap3A_181 = tpu.vector_load %arg6[%swap3A_179, %swap3A_180] {strides = array<i32>} : memref<3x64xi32, #tpu.memory_space<vmem>>, vector<1x16xi32>,
    %swap3A_182 = vector.shape_cast %swap3A_181 : vector<1x16xi32> to vector<16xi32>
    %swap3A_183 = vector.shape_cast %and3A_177 : vector<16xi32> to vector<1x16xi32>
    tpu.vector_store %arg6[%swap3A_179, %swap3A_180], %swap3A_183 {strides = array<i32>} : memref<3x64xi32, #tpu.memory_space<vmem>>, vector<1x16xi32>,
    %shift_right_logical3A_184 = arith.constant 14 : i32
    %shift_right_logical3A_185 = vector.broadcast %shift_right_logical3A_184 : i32 to vector<16xi32>
    %shift_right_logical3A_186 = arith.shrui %get3A_174, %shift_right_logical3A_185 : vector<16xi32>
    %swap3A_187 = arith.constant 1 : i32
    %swap3A_188 = arith.index_cast %swap3A_187 : i32 to index
    %swap3A_189 = arith.constant 48 : index
    %swap3A_190 = tpu.vector_load %arg7[%swap3A_188, %swap3A_189] {strides = array<i32>} : memref<3x64xi32, #tpu.memory_space<vmem>>, vector<1x16xi32>,
    %swap3A_191 = vector.shape_cast %swap3A_190 : vector<1x16xi32> to vector<16xi32>
    %swap3A_192 = vector.shape_cast %shift_right_logical3A_186 : vector<16xi32> to vector<1x16xi32>
    tpu.vector_store %arg7[%swap3A_188, %swap3A_189], %swap3A_192 {strides = array<i32>} : memref<3x64xi32, #tpu.memory_space<vmem>>, vector<1x16xi32>,
    %dma_start3A_193 = arith.constant 1 : i32
    %dma_start3A_194 = arith.constant 0 : i32
    %dma_start3A_195 = tpu.memref_slice %arg6[%dma_start3A_193, %dma_start3A_194] : memref<3x64xi32, #tpu.memory_space<vmem>> -> memref<1x64xi32, #tpu.memory_space<vmem>>
    %dma_start3A_196 = tpu.memref_squeeze %dma_start3A_195 : memref<1x64xi32, #tpu.memory_space<vmem>> -> memref<64xi32, #tpu.memory_space<vmem>>
    %dma_start3A_197 = arith.constant 0 : i32
    %dma_start3A_198 = arith.constant 0 : i32
    %dma_start3A_199 = tpu.memref_slice %arg2[%dma_start3A_197, %dma_start3A_198] : memref<10112x128xf32, #tpu.memory_space<hbm>> -> memref<10112x128xf32, #tpu.memory_space<hbm>>
    tpu.enqueue_indirect_dma source(%dma_start3A_199 : memref<10112x128xf32, #tpu.memory_space<hbm>>) target(%arg9 : memref<64x128xf32, #tpu.memory_space<vmem>>) offsets(%dma_start3A_196 : memref<64xi32, #tpu.memory_space<vmem>>) semaphore(%arg13 : memref<!tpu.dma_semaphore, #tpu.memory_space<semaphore_mem>>)
    %get3A_200 = arith.constant 2 : i32
    %get3A_201 = arith.index_cast %get3A_200 : i32 to index
    %get3A_202 = arith.constant 0 : index
    %get3A_203 = tpu.vector_load %arg5[%get3A_201, %get3A_202] {strides = array<i32>} : memref<159x64xi32, #tpu.memory_space<vmem>>, vector<1x16xi32>,
    %get3A_204 = vector.shape_cast %get3A_203 : vector<1x16xi32> to vector<16xi32>
    %and3A_205 = arith.constant 16383 : i32
    %and3A_206 = vector.broadcast %and3A_205 : i32 to vector<16xi32>
    %and3A_207 = arith.andi %get3A_204, %and3A_206 : vector<16xi32>
    %swap3A_208 = arith.constant 2 : i32
    %swap3A_209 = arith.index_cast %swap3A_208 : i32 to index
    %swap3A_210 = arith.constant 0 : index
    %swap3A_211 = tpu.vector_load %arg6[%swap3A_209, %swap3A_210] {strides = array<i32>} : memref<3x64xi32, #tpu.memory_space<vmem>>, vector<1x16xi32>,
    %swap3A_212 = vector.shape_cast %swap3A_211 : vector<1x16xi32> to vector<16xi32>
    %swap3A_213 = vector.shape_cast %and3A_207 : vector<16xi32> to vector<1x16xi32>
    tpu.vector_store %arg6[%swap3A_209, %swap3A_210], %swap3A_213 {strides = array<i32>} : memref<3x64xi32, #tpu.memory_space<vmem>>, vector<1x16xi32>,
    %shift_right_logical3A_214 = arith.constant 14 : i32
    %shift_right_logical3A_215 = vector.broadcast %shift_right_logical3A_214 : i32 to vector<16xi32>
    %shift_right_logical3A_216 = arith.shrui %get3A_204, %shift_right_logical3A_215 : vector<16xi32>
    %swap3A_217 = arith.constant 2 : i32
    %swap3A_218 = arith.index_cast %swap3A_217 : i32 to index
    %swap3A_219 = arith.constant 0 : index
    %swap3A_220 = tpu.vector_load %arg7[%swap3A_218, %swap3A_219] {strides = array<i32>} : memref<3x64xi32, #tpu.memory_space<vmem>>, vector<1x16xi32>,
    %swap3A_221 = vector.shape_cast %swap3A_220 : vector<1x16xi32> to vector<16xi32>
    %swap3A_222 = vector.shape_cast %shift_right_logical3A_216 : vector<16xi32> to vector<1x16xi32>
    tpu.vector_store %arg7[%swap3A_218, %swap3A_219], %swap3A_222 {strides = array<i32>} : memref<3x64xi32, #tpu.memory_space<vmem>>, vector<1x16xi32>,
    %get3A_223 = arith.constant 2 : i32
    %get3A_224 = arith.index_cast %get3A_223 : i32 to index
    %get3A_225 = arith.constant 16 : index
    %get3A_226 = tpu.vector_load %arg5[%get3A_224, %get3A_225] {strides = array<i32>} : memref<159x64xi32, #tpu.memory_space<vmem>>, vector<1x16xi32>,
    %get3A_227 = vector.shape_cast %get3A_226 : vector<1x16xi32> to vector<16xi32>
    %and3A_228 = arith.constant 16383 : i32
    %and3A_229 = vector.broadcast %and3A_228 : i32 to vector<16xi32>
    %and3A_230 = arith.andi %get3A_227, %and3A_229 : vector<16xi32>
    %swap3A_231 = arith.constant 2 : i32
    %swap3A_232 = arith.index_cast %swap3A_231 : i32 to index
    %swap3A_233 = arith.constant 16 : index
    %swap3A_234 = tpu.vector_load %arg6[%swap3A_232, %swap3A_233] {strides = array<i32>} : memref<3x64xi32, #tpu.memory_space<vmem>>, vector<1x16xi32>,
    %swap3A_235 = vector.shape_cast %swap3A_234 : vector<1x16xi32> to vector<16xi32>
    %swap3A_236 = vector.shape_cast %and3A_230 : vector<16xi32> to vector<1x16xi32>
    tpu.vector_store %arg6[%swap3A_232, %swap3A_233], %swap3A_236 {strides = array<i32>} : memref<3x64xi32, #tpu.memory_space<vmem>>, vector<1x16xi32>,
    %shift_right_logical3A_237 = arith.constant 14 : i32
    %shift_right_logical3A_238 = vector.broadcast %shift_right_logical3A_237 : i32 to vector<16xi32>
    %shift_right_logical3A_239 = arith.shrui %get3A_227, %shift_right_logical3A_238 : vector<16xi32>
    %swap3A_240 = arith.constant 2 : i32
    %swap3A_241 = arith.index_cast %swap3A_240 : i32 to index
    %swap3A_242 = arith.constant 16 : index
    %swap3A_243 = tpu.vector_load %arg7[%swap3A_241, %swap3A_242] {strides = array<i32>} : memref<3x64xi32, #tpu.memory_space<vmem>>, vector<1x16xi32>,
    %swap3A_244 = vector.shape_cast %swap3A_243 : vector<1x16xi32> to vector<16xi32>
    %swap3A_245 = vector.shape_cast %shift_right_logical3A_239 : vector<16xi32> to vector<1x16xi32>
    tpu.vector_store %arg7[%swap3A_241, %swap3A_242], %swap3A_245 {strides = array<i32>} : memref<3x64xi32, #tpu.memory_space<vmem>>, vector<1x16xi32>,
    %get3A_246 = arith.constant 2 : i32
    %get3A_247 = arith.index_cast %get3A_246 : i32 to index
    %get3A_248 = arith.constant 32 : index
    %get3A_249 = tpu.vector_load %arg5[%get3A_247, %get3A_248] {strides = array<i32>} : memref<159x64xi32, #tpu.memory_space<vmem>>, vector<1x16xi32>,
    %get3A_250 = vector.shape_cast %get3A_249 : vector<1x16xi32> to vector<16xi32>
    %and3A_251 = arith.constant 16383 : i32
    %and3A_252 = vector.broadcast %and3A_251 : i32 to vector<16xi32>
    %and3A_253 = arith.andi %get3A_250, %and3A_252 : vector<16xi32>
    %swap3A_254 = arith.constant 2 : i32
    %swap3A_255 = arith.index_cast %swap3A_254 : i32 to index
    %swap3A_256 = arith.constant 32 : index
    %swap3A_257 = tpu.vector_load %arg6[%swap3A_255, %swap3A_256] {strides = array<i32>} : memref<3x64xi32, #tpu.memory_space<vmem>>, vector<1x16xi32>,
    %swap3A_258 = vector.shape_cast %swap3A_257 : vector<1x16xi32> to vector<16xi32>
    %swap3A_259 = vector.shape_cast %and3A_253 : vector<16xi32> to vector<1x16xi32>
    tpu.vector_store %arg6[%swap3A_255, %swap3A_256], %swap3A_259 {strides = array<i32>} : memref<3x64xi32, #tpu.memory_space<vmem>>, vector<1x16xi32>,
    %shift_right_logical3A_260 = arith.constant 14 : i32
    %shift_right_logical3A_261 = vector.broadcast %shift_right_logical3A_260 : i32 to vector<16xi32>
    %shift_right_logical3A_262 = arith.shrui %get3A_250, %shift_right_logical3A_261 : vector<16xi32>
    %swap3A_263 = arith.constant 2 : i32
    %swap3A_264 = arith.index_cast %swap3A_263 : i32 to index
    %swap3A_265 = arith.constant 32 : index
    %swap3A_266 = tpu.vector_load %arg7[%swap3A_264, %swap3A_265] {strides = array<i32>} : memref<3x64xi32, #tpu.memory_space<vmem>>, vector<1x16xi32>,
    %swap3A_267 = vector.shape_cast %swap3A_266 : vector<1x16xi32> to vector<16xi32>
    %swap3A_268 = vector.shape_cast %shift_right_logical3A_262 : vector<16xi32> to vector<1x16xi32>
    tpu.vector_store %arg7[%swap3A_264, %swap3A_265], %swap3A_268 {strides = array<i32>} : memref<3x64xi32, #tpu.memory_space<vmem>>, vector<1x16xi32>,
    %get3A_269 = arith.constant 2 : i32
    %get3A_270 = arith.index_cast %get3A_269 : i32 to index
    %get3A_271 = arith.constant 48 : index
    %get3A_272 = tpu.vector_load %arg5[%get3A_270, %get3A_271] {strides = array<i32>} : memref<159x64xi32, #tpu.memory_space<vmem>>, vector<1x16xi32>,
    %get3A_273 = vector.shape_cast %get3A_272 : vector<1x16xi32> to vector<16xi32>
    %and3A_274 = arith.constant 16383 : i32
    %and3A_275 = vector.broadcast %and3A_274 : i32 to vector<16xi32>
    %and3A_276 = arith.andi %get3A_273, %and3A_275 : vector<16xi32>
    %swap3A_277 = arith.constant 2 : i32
    %swap3A_278 = arith.index_cast %swap3A_277 : i32 to index
    %swap3A_279 = arith.constant 48 : index
    %swap3A_280 = tpu.vector_load %arg6[%swap3A_278, %swap3A_279] {strides = array<i32>} : memref<3x64xi32, #tpu.memory_space<vmem>>, vector<1x16xi32>,
    %swap3A_281 = vector.shape_cast %swap3A_280 : vector<1x16xi32> to vector<16xi32>
    %swap3A_282 = vector.shape_cast %and3A_276 : vector<16xi32> to vector<1x16xi32>
    tpu.vector_store %arg6[%swap3A_278, %swap3A_279], %swap3A_282 {strides = array<i32>} : memref<3x64xi32, #tpu.memory_space<vmem>>, vector<1x16xi32>,
    %shift_right_logical3A_283 = arith.constant 14 : i32
    %shift_right_logical3A_284 = vector.broadcast %shift_right_logical3A_283 : i32 to vector<16xi32>
    %shift_right_logical3A_285 = arith.shrui %get3A_273, %shift_right_logical3A_284 : vector<16xi32>
    %swap3A_286 = arith.constant 2 : i32
    %swap3A_287 = arith.index_cast %swap3A_286 : i32 to index
    %swap3A_288 = arith.constant 48 : index
    %swap3A_289 = tpu.vector_load %arg7[%swap3A_287, %swap3A_288] {strides = array<i32>} : memref<3x64xi32, #tpu.memory_space<vmem>>, vector<1x16xi32>,
    %swap3A_290 = vector.shape_cast %swap3A_289 : vector<1x16xi32> to vector<16xi32>
    %swap3A_291 = vector.shape_cast %shift_right_logical3A_285 : vector<16xi32> to vector<1x16xi32>
    tpu.vector_store %arg7[%swap3A_287, %swap3A_288], %swap3A_291 {strides = array<i32>} : memref<3x64xi32, #tpu.memory_space<vmem>>, vector<1x16xi32>,
    %dma_start3A_292 = arith.constant 2 : i32
    %dma_start3A_293 = arith.constant 0 : i32
    %dma_start3A_294 = tpu.memref_slice %arg6[%dma_start3A_292, %dma_start3A_293] : memref<3x64xi32, #tpu.memory_space<vmem>> -> memref<1x64xi32, #tpu.memory_space<vmem>>
    %dma_start3A_295 = tpu.memref_squeeze %dma_start3A_294 : memref<1x64xi32, #tpu.memory_space<vmem>> -> memref<64xi32, #tpu.memory_space<vmem>>
    %dma_start3A_296 = arith.constant 0 : i32
    %dma_start3A_297 = arith.constant 0 : i32
    %dma_start3A_298 = tpu.memref_slice %arg2[%dma_start3A_296, %dma_start3A_297] : memref<10112x128xf32, #tpu.memory_space<hbm>> -> memref<10112x128xf32, #tpu.memory_space<hbm>>
    tpu.enqueue_indirect_dma source(%dma_start3A_298 : memref<10112x128xf32, #tpu.memory_space<hbm>>) target(%arg10 : memref<64x128xf32, #tpu.memory_space<vmem>>) offsets(%dma_start3A_295 : memref<64xi32, #tpu.memory_space<vmem>>) semaphore(%arg14 : memref<!tpu.dma_semaphore, #tpu.memory_space<semaphore_mem>>)
    %dma_wait3A = arith.constant 0 : i32
    %dma_wait3A_299 = tpu.memref_slice %arg11[%mul3A_2, %dma_wait3A] : memref<10112x128xf32, #tpu.memory_space<vmem_shared>> -> memref<632x128xf32, #tpu.memory_space<vmem_shared>>
    %dma_wait3A_300 = arith.constant 0 : i32
    %dma_wait3A_301 = tpu.memref_slice %arg2[%mul3A_2, %dma_wait3A_300] : memref<10112x128xf32, #tpu.memory_space<hbm>> -> memref<632x128xf32, #tpu.memory_space<hbm>>
    tpu.wait_dma2 semaphore(%arg15 : memref<!tpu.dma_semaphore, #tpu.memory_space<semaphore_mem>>) src(%dma_wait3A_301 : memref<632x128xf32, #tpu.memory_space<hbm>>) dst(%dma_wait3A_299 : memref<632x128xf32, #tpu.memory_space<vmem_shared>>)
    %barrier3A = arith.constant 0 : index
    tpu.barrier barrier_id(%barrier3A)
    %scan3A = arith.constant 0 : i32
    %scan3A_302 = arith.constant 0 : i32
    %scan3A_303 = arith.constant 52 : i32
    %scan3A_304 = arith.addi %scan3A_302, %scan3A_303 : i32
    %scan3A_305 = arith.constant 1 : i32
    scf.for %scan3A_331 = %scan3A_302 to %scan3A_304 step %scan3A_305  : i32 {
      %mul3A_332 = arith.constant 3 : i32
      %mul3A_333 = arith.muli %mul3A_332, %scan3A_331 : i32
      %dma_wait3A_334 = arith.constant 0 : i32
      %dma_wait3A_335 = arith.constant 0 : i32
      %dma_wait3A_336 = tpu.memref_slice %arg6[%dma_wait3A_334, %dma_wait3A_335] : memref<3x64xi32, #tpu.memory_space<vmem>> -> memref<1x64xi32, #tpu.memory_space<vmem>>
      %dma_wait3A_337 = tpu.memref_squeeze %dma_wait3A_336 : memref<1x64xi32, #tpu.memory_space<vmem>> -> memref<64xi32, #tpu.memory_space<vmem>>
      %dma_wait3A_338 = arith.constant 0 : i32
      %dma_wait3A_339 = arith.constant 0 : i32
      %dma_wait3A_340 = tpu.memref_slice %arg2[%dma_wait3A_338, %dma_wait3A_339] : memref<10112x128xf32, #tpu.memory_space<hbm>> -> memref<10112x128xf32, #tpu.memory_space<hbm>>
      tpu.wait_indirect_dma semaphore(%arg12 : memref<!tpu.dma_semaphore, #tpu.memory_space<semaphore_mem>>) src(%dma_wait3A_340 : memref<10112x128xf32, #tpu.memory_space<hbm>>) dst(%arg8 : memref<64x128xf32, #tpu.memory_space<vmem>>)
      %run_scoped3A_341 = arith.constant 0 : i32
      "tpu.region"() ({
        %run_scoped3A_655 = tpu.sem_alloc : memref<!tpu.dma_semaphore, #tpu.memory_space<semaphore_mem>>
        %dma_start3A_656 = arith.constant 0 : i32
        %dma_start3A_657 = tpu.memref_slice %arg7[%run_scoped3A_341, %dma_start3A_656] : memref<3x64xi32, #tpu.memory_space<vmem>> -> memref<1x64xi32, #tpu.memory_space<vmem>>
        %dma_start3A_658 = tpu.memref_squeeze %dma_start3A_657 : memref<1x64xi32, #tpu.memory_space<vmem>> -> memref<64xi32, #tpu.memory_space<vmem>>
        %dma_start3A_659 = arith.constant 0 : i32
        %dma_start3A_660 = arith.constant 0 : i32
        %dma_start3A_661 = tpu.memref_slice %arg11[%dma_start3A_659, %dma_start3A_660] : memref<10112x128xf32, #tpu.memory_space<vmem_shared>> -> memref<10112x128xf32, #tpu.memory_space<vmem_shared>>
        tpu.enqueue_indirect_dma source(%arg8 : memref<64x128xf32, #tpu.memory_space<vmem>>) target(%dma_start3A_661 : memref<10112x128xf32, #tpu.memory_space<vmem_shared>>) offsets(%dma_start3A_658 : memref<64xi32, #tpu.memory_space<vmem>>) semaphore(%run_scoped3A_655 : memref<!tpu.dma_semaphore, #tpu.memory_space<semaphore_mem>>) {add = true}
        %dma_wait3A_662 = arith.constant 0 : i32
        %dma_wait3A_663 = tpu.memref_slice %arg7[%run_scoped3A_341, %dma_wait3A_662] : memref<3x64xi32, #tpu.memory_space<vmem>> -> memref<1x64xi32, #tpu.memory_space<vmem>>
        %dma_wait3A_664 = tpu.memref_squeeze %dma_wait3A_663 : memref<1x64xi32, #tpu.memory_space<vmem>> -> memref<64xi32, #tpu.memory_space<vmem>>
        %dma_wait3A_665 = arith.constant 0 : i32
        %dma_wait3A_666 = arith.constant 0 : i32
        %dma_wait3A_667 = tpu.memref_slice %arg11[%dma_wait3A_665, %dma_wait3A_666] : memref<10112x128xf32, #tpu.memory_space<vmem_shared>> -> memref<10112x128xf32, #tpu.memory_space<vmem_shared>>
        tpu.wait_indirect_dma semaphore(%run_scoped3A_655 : memref<!tpu.dma_semaphore, #tpu.memory_space<semaphore_mem>>) src(%arg8 : memref<64x128xf32, #tpu.memory_space<vmem>>) dst(%dma_wait3A_667 : memref<10112x128xf32, #tpu.memory_space<vmem_shared>>)
        tpu.yield
      }) : () -> ()
      %add3A_342 = arith.constant 0 : i32
      %add3A_343 = arith.addi %mul3A_333, %add3A_342 : i32
      %add3A_344 = arith.constant 3 : i32
      %add3A_345 = arith.addi %add3A_343, %add3A_344 : i32
      %get3A_346 = arith.index_cast %add3A_345 : i32 to index
      %get3A_347 = arith.constant 0 : index
      %get3A_348 = tpu.vector_load %arg5[%get3A_346, %get3A_347] {strides = array<i32>} : memref<159x64xi32, #tpu.memory_space<vmem>>, vector<1x16xi32>,
      %get3A_349 = vector.shape_cast %get3A_348 : vector<1x16xi32> to vector<16xi32>
      %and3A_350 = arith.constant 16383 : i32
      %and3A_351 = vector.broadcast %and3A_350 : i32 to vector<16xi32>
      %and3A_352 = arith.andi %get3A_349, %and3A_351 : vector<16xi32>
      %swap3A_353 = arith.constant 0 : i32
      %swap3A_354 = arith.index_cast %swap3A_353 : i32 to index
      %swap3A_355 = arith.constant 0 : index
      %swap3A_356 = tpu.vector_load %arg6[%swap3A_354, %swap3A_355] {strides = array<i32>} : memref<3x64xi32, #tpu.memory_space<vmem>>, vector<1x16xi32>,
      %swap3A_357 = vector.shape_cast %swap3A_356 : vector<1x16xi32> to vector<16xi32>
      %swap3A_358 = vector.shape_cast %and3A_352 : vector<16xi32> to vector<1x16xi32>
      tpu.vector_store %arg6[%swap3A_354, %swap3A_355], %swap3A_358 {strides = array<i32>} : memref<3x64xi32, #tpu.memory_space<vmem>>, vector<1x16xi32>,
      %shift_right_logical3A_359 = arith.constant 14 : i32
      %shift_right_logical3A_360 = vector.broadcast %shift_right_logical3A_359 : i32 to vector<16xi32>
      %shift_right_logical3A_361 = arith.shrui %get3A_349, %shift_right_logical3A_360 : vector<16xi32>
      %swap3A_362 = arith.constant 0 : i32
      %swap3A_363 = arith.index_cast %swap3A_362 : i32 to index
      %swap3A_364 = arith.constant 0 : index
      %swap3A_365 = tpu.vector_load %arg7[%swap3A_363, %swap3A_364] {strides = array<i32>} : memref<3x64xi32, #tpu.memory_space<vmem>>, vector<1x16xi32>,
      %swap3A_366 = vector.shape_cast %swap3A_365 : vector<1x16xi32> to vector<16xi32>
      %swap3A_367 = vector.shape_cast %shift_right_logical3A_361 : vector<16xi32> to vector<1x16xi32>
      tpu.vector_store %arg7[%swap3A_363, %swap3A_364], %swap3A_367 {strides = array<i32>} : memref<3x64xi32, #tpu.memory_space<vmem>>, vector<1x16xi32>,
      %get3A_368 = arith.index_cast %add3A_345 : i32 to index
      %get3A_369 = arith.constant 16 : index
      %get3A_370 = tpu.vector_load %arg5[%get3A_368, %get3A_369] {strides = array<i32>} : memref<159x64xi32, #tpu.memory_space<vmem>>, vector<1x16xi32>,
      %get3A_371 = vector.shape_cast %get3A_370 : vector<1x16xi32> to vector<16xi32>
      %and3A_372 = arith.constant 16383 : i32
      %and3A_373 = vector.broadcast %and3A_372 : i32 to vector<16xi32>
      %and3A_374 = arith.andi %get3A_371, %and3A_373 : vector<16xi32>
      %swap3A_375 = arith.constant 0 : i32
      %swap3A_376 = arith.index_cast %swap3A_375 : i32 to index
      %swap3A_377 = arith.constant 16 : index
      %swap3A_378 = tpu.vector_load %arg6[%swap3A_376, %swap3A_377] {strides = array<i32>} : memref<3x64xi32, #tpu.memory_space<vmem>>, vector<1x16xi32>,
      %swap3A_379 = vector.shape_cast %swap3A_378 : vector<1x16xi32> to vector<16xi32>
      %swap3A_380 = vector.shape_cast %and3A_374 : vector<16xi32> to vector<1x16xi32>
      tpu.vector_store %arg6[%swap3A_376, %swap3A_377], %swap3A_380 {strides = array<i32>} : memref<3x64xi32, #tpu.memory_space<vmem>>, vector<1x16xi32>,
      %shift_right_logical3A_381 = arith.constant 14 : i32
      %shift_right_logical3A_382 = vector.broadcast %shift_right_logical3A_381 : i32 to vector<16xi32>
      %shift_right_logical3A_383 = arith.shrui %get3A_371, %shift_right_logical3A_382 : vector<16xi32>
      %swap3A_384 = arith.constant 0 : i32
      %swap3A_385 = arith.index_cast %swap3A_384 : i32 to index
      %swap3A_386 = arith.constant 16 : index
      %swap3A_387 = tpu.vector_load %arg7[%swap3A_385, %swap3A_386] {strides = array<i32>} : memref<3x64xi32, #tpu.memory_space<vmem>>, vector<1x16xi32>,
      %swap3A_388 = vector.shape_cast %swap3A_387 : vector<1x16xi32> to vector<16xi32>
      %swap3A_389 = vector.shape_cast %shift_right_logical3A_383 : vector<16xi32> to vector<1x16xi32>
      tpu.vector_store %arg7[%swap3A_385, %swap3A_386], %swap3A_389 {strides = array<i32>} : memref<3x64xi32, #tpu.memory_space<vmem>>, vector<1x16xi32>,
      %get3A_390 = arith.index_cast %add3A_345 : i32 to index
      %get3A_391 = arith.constant 32 : index
      %get3A_392 = tpu.vector_load %arg5[%get3A_390, %get3A_391] {strides = array<i32>} : memref<159x64xi32, #tpu.memory_space<vmem>>, vector<1x16xi32>,
      %get3A_393 = vector.shape_cast %get3A_392 : vector<1x16xi32> to vector<16xi32>
      %and3A_394 = arith.constant 16383 : i32
      %and3A_395 = vector.broadcast %and3A_394 : i32 to vector<16xi32>
      %and3A_396 = arith.andi %get3A_393, %and3A_395 : vector<16xi32>
      %swap3A_397 = arith.constant 0 : i32
      %swap3A_398 = arith.index_cast %swap3A_397 : i32 to index
      %swap3A_399 = arith.constant 32 : index
      %swap3A_400 = tpu.vector_load %arg6[%swap3A_398, %swap3A_399] {strides = array<i32>} : memref<3x64xi32, #tpu.memory_space<vmem>>, vector<1x16xi32>,
      %swap3A_401 = vector.shape_cast %swap3A_400 : vector<1x16xi32> to vector<16xi32>
      %swap3A_402 = vector.shape_cast %and3A_396 : vector<16xi32> to vector<1x16xi32>
      tpu.vector_store %arg6[%swap3A_398, %swap3A_399], %swap3A_402 {strides = array<i32>} : memref<3x64xi32, #tpu.memory_space<vmem>>, vector<1x16xi32>,
      %shift_right_logical3A_403 = arith.constant 14 : i32
      %shift_right_logical3A_404 = vector.broadcast %shift_right_logical3A_403 : i32 to vector<16xi32>
      %shift_right_logical3A_405 = arith.shrui %get3A_393, %shift_right_logical3A_404 : vector<16xi32>
      %swap3A_406 = arith.constant 0 : i32
      %swap3A_407 = arith.index_cast %swap3A_406 : i32 to index
      %swap3A_408 = arith.constant 32 : index
      %swap3A_409 = tpu.vector_load %arg7[%swap3A_407, %swap3A_408] {strides = array<i32>} : memref<3x64xi32, #tpu.memory_space<vmem>>, vector<1x16xi32>,
      %swap3A_410 = vector.shape_cast %swap3A_409 : vector<1x16xi32> to vector<16xi32>
      %swap3A_411 = vector.shape_cast %shift_right_logical3A_405 : vector<16xi32> to vector<1x16xi32>
      tpu.vector_store %arg7[%swap3A_407, %swap3A_408], %swap3A_411 {strides = array<i32>} : memref<3x64xi32, #tpu.memory_space<vmem>>, vector<1x16xi32>,
      %get3A_412 = arith.index_cast %add3A_345 : i32 to index
      %get3A_413 = arith.constant 48 : index
      %get3A_414 = tpu.vector_load %arg5[%get3A_412, %get3A_413] {strides = array<i32>} : memref<159x64xi32, #tpu.memory_space<vmem>>, vector<1x16xi32>,
      %get3A_415 = vector.shape_cast %get3A_414 : vector<1x16xi32> to vector<16xi32>
      %and3A_416 = arith.constant 16383 : i32
      %and3A_417 = vector.broadcast %and3A_416 : i32 to vector<16xi32>
      %and3A_418 = arith.andi %get3A_415, %and3A_417 : vector<16xi32>
      %swap3A_419 = arith.constant 0 : i32
      %swap3A_420 = arith.index_cast %swap3A_419 : i32 to index
      %swap3A_421 = arith.constant 48 : index
      %swap3A_422 = tpu.vector_load %arg6[%swap3A_420, %swap3A_421] {strides = array<i32>} : memref<3x64xi32, #tpu.memory_space<vmem>>, vector<1x16xi32>,
      %swap3A_423 = vector.shape_cast %swap3A_422 : vector<1x16xi32> to vector<16xi32>
      %swap3A_424 = vector.shape_cast %and3A_418 : vector<16xi32> to vector<1x16xi32>
      tpu.vector_store %arg6[%swap3A_420, %swap3A_421], %swap3A_424 {strides = array<i32>} : memref<3x64xi32, #tpu.memory_space<vmem>>, vector<1x16xi32>,
      %shift_right_logical3A_425 = arith.constant 14 : i32
      %shift_right_logical3A_426 = vector.broadcast %shift_right_logical3A_425 : i32 to vector<16xi32>
      %shift_right_logical3A_427 = arith.shrui %get3A_415, %shift_right_logical3A_426 : vector<16xi32>
      %swap3A_428 = arith.constant 0 : i32
      %swap3A_429 = arith.index_cast %swap3A_428 : i32 to index
      %swap3A_430 = arith.constant 48 : index
      %swap3A_431 = tpu.vector_load %arg7[%swap3A_429, %swap3A_430] {strides = array<i32>} : memref<3x64xi32, #tpu.memory_space<vmem>>, vector<1x16xi32>,
      %swap3A_432 = vector.shape_cast %swap3A_431 : vector<1x16xi32> to vector<16xi32>
      %swap3A_433 = vector.shape_cast %shift_right_logical3A_427 : vector<16xi32> to vector<1x16xi32>
      tpu.vector_store %arg7[%swap3A_429, %swap3A_430], %swap3A_433 {strides = array<i32>} : memref<3x64xi32, #tpu.memory_space<vmem>>, vector<1x16xi32>,
      %dma_start3A_434 = arith.constant 0 : i32
      %dma_start3A_435 = arith.constant 0 : i32
      %dma_start3A_436 = tpu.memref_slice %arg6[%dma_start3A_434, %dma_start3A_435] : memref<3x64xi32, #tpu.memory_space<vmem>> -> memref<1x64xi32, #tpu.memory_space<vmem>>
      %dma_start3A_437 = tpu.memref_squeeze %dma_start3A_436 : memref<1x64xi32, #tpu.memory_space<vmem>> -> memref<64xi32, #tpu.memory_space<vmem>>
      %dma_start3A_438 = arith.constant 0 : i32
      %dma_start3A_439 = arith.constant 0 : i32
      %dma_start3A_440 = tpu.memref_slice %arg2[%dma_start3A_438, %dma_start3A_439] : memref<10112x128xf32, #tpu.memory_space<hbm>> -> memref<10112x128xf32, #tpu.memory_space<hbm>>
      tpu.enqueue_indirect_dma source(%dma_start3A_440 : memref<10112x128xf32, #tpu.memory_space<hbm>>) target(%arg8 : memref<64x128xf32, #tpu.memory_space<vmem>>) offsets(%dma_start3A_437 : memref<64xi32, #tpu.memory_space<vmem>>) semaphore(%arg12 : memref<!tpu.dma_semaphore, #tpu.memory_space<semaphore_mem>>)
      %dma_wait3A_441 = arith.constant 1 : i32
      %dma_wait3A_442 = arith.constant 0 : i32
      %dma_wait3A_443 = tpu.memref_slice %arg6[%dma_wait3A_441, %dma_wait3A_442] : memref<3x64xi32, #tpu.memory_space<vmem>> -> memref<1x64xi32, #tpu.memory_space<vmem>>
      %dma_wait3A_444 = tpu.memref_squeeze %dma_wait3A_443 : memref<1x64xi32, #tpu.memory_space<vmem>> -> memref<64xi32, #tpu.memory_space<vmem>>
      %dma_wait3A_445 = arith.constant 0 : i32
      %dma_wait3A_446 = arith.constant 0 : i32
      %dma_wait3A_447 = tpu.memref_slice %arg2[%dma_wait3A_445, %dma_wait3A_446] : memref<10112x128xf32, #tpu.memory_space<hbm>> -> memref<10112x128xf32, #tpu.memory_space<hbm>>
      tpu.wait_indirect_dma semaphore(%arg13 : memref<!tpu.dma_semaphore, #tpu.memory_space<semaphore_mem>>) src(%dma_wait3A_447 : memref<10112x128xf32, #tpu.memory_space<hbm>>) dst(%arg9 : memref<64x128xf32, #tpu.memory_space<vmem>>)
      %run_scoped3A_448 = arith.constant 1 : i32
      "tpu.region"() ({
        %run_scoped3A_655 = tpu.sem_alloc : memref<!tpu.dma_semaphore, #tpu.memory_space<semaphore_mem>>
        %dma_start3A_656 = arith.constant 0 : i32
        %dma_start3A_657 = tpu.memref_slice %arg7[%run_scoped3A_448, %dma_start3A_656] : memref<3x64xi32, #tpu.memory_space<vmem>> -> memref<1x64xi32, #tpu.memory_space<vmem>>
        %dma_start3A_658 = tpu.memref_squeeze %dma_start3A_657 : memref<1x64xi32, #tpu.memory_space<vmem>> -> memref<64xi32, #tpu.memory_space<vmem>>
        %dma_start3A_659 = arith.constant 0 : i32
        %dma_start3A_660 = arith.constant 0 : i32
        %dma_start3A_661 = tpu.memref_slice %arg11[%dma_start3A_659, %dma_start3A_660] : memref<10112x128xf32, #tpu.memory_space<vmem_shared>> -> memref<10112x128xf32, #tpu.memory_space<vmem_shared>>
        tpu.enqueue_indirect_dma source(%arg9 : memref<64x128xf32, #tpu.memory_space<vmem>>) target(%dma_start3A_661 : memref<10112x128xf32, #tpu.memory_space<vmem_shared>>) offsets(%dma_start3A_658 : memref<64xi32, #tpu.memory_space<vmem>>) semaphore(%run_scoped3A_655 : memref<!tpu.dma_semaphore, #tpu.memory_space<semaphore_mem>>) {add = true}
        %dma_wait3A_662 = arith.constant 0 : i32
        %dma_wait3A_663 = tpu.memref_slice %arg7[%run_scoped3A_448, %dma_wait3A_662] : memref<3x64xi32, #tpu.memory_space<vmem>> -> memref<1x64xi32, #tpu.memory_space<vmem>>
        %dma_wait3A_664 = tpu.memref_squeeze %dma_wait3A_663 : memref<1x64xi32, #tpu.memory_space<vmem>> -> memref<64xi32, #tpu.memory_space<vmem>>
        %dma_wait3A_665 = arith.constant 0 : i32
        %dma_wait3A_666 = arith.constant 0 : i32
        %dma_wait3A_667 = tpu.memref_slice %arg11[%dma_wait3A_665, %dma_wait3A_666] : memref<10112x128xf32, #tpu.memory_space<vmem_shared>> -> memref<10112x128xf32, #tpu.memory_space<vmem_shared>>
        tpu.wait_indirect_dma semaphore(%run_scoped3A_655 : memref<!tpu.dma_semaphore, #tpu.memory_space<semaphore_mem>>) src(%arg9 : memref<64x128xf32, #tpu.memory_space<vmem>>) dst(%dma_wait3A_667 : memref<10112x128xf32, #tpu.memory_space<vmem_shared>>)
        tpu.yield
      }) : () -> ()
      %add3A_449 = arith.constant 1 : i32
      %add3A_450 = arith.addi %mul3A_333, %add3A_449 : i32
      %add3A_451 = arith.constant 3 : i32
      %add3A_452 = arith.addi %add3A_450, %add3A_451 : i32
      %get3A_453 = arith.index_cast %add3A_452 : i32 to index
      %get3A_454 = arith.constant 0 : index
      %get3A_455 = tpu.vector_load %arg5[%get3A_453, %get3A_454] {strides = array<i32>} : memref<159x64xi32, #tpu.memory_space<vmem>>, vector<1x16xi32>,
      %get3A_456 = vector.shape_cast %get3A_455 : vector<1x16xi32> to vector<16xi32>
      %and3A_457 = arith.constant 16383 : i32
      %and3A_458 = vector.broadcast %and3A_457 : i32 to vector<16xi32>
      %and3A_459 = arith.andi %get3A_456, %and3A_458 : vector<16xi32>
      %swap3A_460 = arith.constant 1 : i32
      %swap3A_461 = arith.index_cast %swap3A_460 : i32 to index
      %swap3A_462 = arith.constant 0 : index
      %swap3A_463 = tpu.vector_load %arg6[%swap3A_461, %swap3A_462] {strides = array<i32>} : memref<3x64xi32, #tpu.memory_space<vmem>>, vector<1x16xi32>,
      %swap3A_464 = vector.shape_cast %swap3A_463 : vector<1x16xi32> to vector<16xi32>
      %swap3A_465 = vector.shape_cast %and3A_459 : vector<16xi32> to vector<1x16xi32>
      tpu.vector_store %arg6[%swap3A_461, %swap3A_462], %swap3A_465 {strides = array<i32>} : memref<3x64xi32, #tpu.memory_space<vmem>>, vector<1x16xi32>,
      %shift_right_logical3A_466 = arith.constant 14 : i32
      %shift_right_logical3A_467 = vector.broadcast %shift_right_logical3A_466 : i32 to vector<16xi32>
      %shift_right_logical3A_468 = arith.shrui %get3A_456, %shift_right_logical3A_467 : vector<16xi32>
      %swap3A_469 = arith.constant 1 : i32
      %swap3A_470 = arith.index_cast %swap3A_469 : i32 to index
      %swap3A_471 = arith.constant 0 : index
      %swap3A_472 = tpu.vector_load %arg7[%swap3A_470, %swap3A_471] {strides = array<i32>} : memref<3x64xi32, #tpu.memory_space<vmem>>, vector<1x16xi32>,
      %swap3A_473 = vector.shape_cast %swap3A_472 : vector<1x16xi32> to vector<16xi32>
      %swap3A_474 = vector.shape_cast %shift_right_logical3A_468 : vector<16xi32> to vector<1x16xi32>
      tpu.vector_store %arg7[%swap3A_470, %swap3A_471], %swap3A_474 {strides = array<i32>} : memref<3x64xi32, #tpu.memory_space<vmem>>, vector<1x16xi32>,
      %get3A_475 = arith.index_cast %add3A_452 : i32 to index
      %get3A_476 = arith.constant 16 : index
      %get3A_477 = tpu.vector_load %arg5[%get3A_475, %get3A_476] {strides = array<i32>} : memref<159x64xi32, #tpu.memory_space<vmem>>, vector<1x16xi32>,
      %get3A_478 = vector.shape_cast %get3A_477 : vector<1x16xi32> to vector<16xi32>
      %and3A_479 = arith.constant 16383 : i32
      %and3A_480 = vector.broadcast %and3A_479 : i32 to vector<16xi32>
      %and3A_481 = arith.andi %get3A_478, %and3A_480 : vector<16xi32>
      %swap3A_482 = arith.constant 1 : i32
      %swap3A_483 = arith.index_cast %swap3A_482 : i32 to index
      %swap3A_484 = arith.constant 16 : index
      %swap3A_485 = tpu.vector_load %arg6[%swap3A_483, %swap3A_484] {strides = array<i32>} : memref<3x64xi32, #tpu.memory_space<vmem>>, vector<1x16xi32>,
      %swap3A_486 = vector.shape_cast %swap3A_485 : vector<1x16xi32> to vector<16xi32>
      %swap3A_487 = vector.shape_cast %and3A_481 : vector<16xi32> to vector<1x16xi32>
      tpu.vector_store %arg6[%swap3A_483, %swap3A_484], %swap3A_487 {strides = array<i32>} : memref<3x64xi32, #tpu.memory_space<vmem>>, vector<1x16xi32>,
      %shift_right_logical3A_488 = arith.constant 14 : i32
      %shift_right_logical3A_489 = vector.broadcast %shift_right_logical3A_488 : i32 to vector<16xi32>
      %shift_right_logical3A_490 = arith.shrui %get3A_478, %shift_right_logical3A_489 : vector<16xi32>
      %swap3A_491 = arith.constant 1 : i32
      %swap3A_492 = arith.index_cast %swap3A_491 : i32 to index
      %swap3A_493 = arith.constant 16 : index
      %swap3A_494 = tpu.vector_load %arg7[%swap3A_492, %swap3A_493] {strides = array<i32>} : memref<3x64xi32, #tpu.memory_space<vmem>>, vector<1x16xi32>,
      %swap3A_495 = vector.shape_cast %swap3A_494 : vector<1x16xi32> to vector<16xi32>
      %swap3A_496 = vector.shape_cast %shift_right_logical3A_490 : vector<16xi32> to vector<1x16xi32>
      tpu.vector_store %arg7[%swap3A_492, %swap3A_493], %swap3A_496 {strides = array<i32>} : memref<3x64xi32, #tpu.memory_space<vmem>>, vector<1x16xi32>,
      %get3A_497 = arith.index_cast %add3A_452 : i32 to index
      %get3A_498 = arith.constant 32 : index
      %get3A_499 = tpu.vector_load %arg5[%get3A_497, %get3A_498] {strides = array<i32>} : memref<159x64xi32, #tpu.memory_space<vmem>>, vector<1x16xi32>,
      %get3A_500 = vector.shape_cast %get3A_499 : vector<1x16xi32> to vector<16xi32>
      %and3A_501 = arith.constant 16383 : i32
      %and3A_502 = vector.broadcast %and3A_501 : i32 to vector<16xi32>
      %and3A_503 = arith.andi %get3A_500, %and3A_502 : vector<16xi32>
      %swap3A_504 = arith.constant 1 : i32
      %swap3A_505 = arith.index_cast %swap3A_504 : i32 to index
      %swap3A_506 = arith.constant 32 : index
      %swap3A_507 = tpu.vector_load %arg6[%swap3A_505, %swap3A_506] {strides = array<i32>} : memref<3x64xi32, #tpu.memory_space<vmem>>, vector<1x16xi32>,
      %swap3A_508 = vector.shape_cast %swap3A_507 : vector<1x16xi32> to vector<16xi32>
      %swap3A_509 = vector.shape_cast %and3A_503 : vector<16xi32> to vector<1x16xi32>
      tpu.vector_store %arg6[%swap3A_505, %swap3A_506], %swap3A_509 {strides = array<i32>} : memref<3x64xi32, #tpu.memory_space<vmem>>, vector<1x16xi32>,
      %shift_right_logical3A_510 = arith.constant 14 : i32
      %shift_right_logical3A_511 = vector.broadcast %shift_right_logical3A_510 : i32 to vector<16xi32>
      %shift_right_logical3A_512 = arith.shrui %get3A_500, %shift_right_logical3A_511 : vector<16xi32>
      %swap3A_513 = arith.constant 1 : i32
      %swap3A_514 = arith.index_cast %swap3A_513 : i32 to index
      %swap3A_515 = arith.constant 32 : index
      %swap3A_516 = tpu.vector_load %arg7[%swap3A_514, %swap3A_515] {strides = array<i32>} : memref<3x64xi32, #tpu.memory_space<vmem>>, vector<1x16xi32>,
      %swap3A_517 = vector.shape_cast %swap3A_516 : vector<1x16xi32> to vector<16xi32>
      %swap3A_518 = vector.shape_cast %shift_right_logical3A_512 : vector<16xi32> to vector<1x16xi32>
      tpu.vector_store %arg7[%swap3A_514, %swap3A_515], %swap3A_518 {strides = array<i32>} : memref<3x64xi32, #tpu.memory_space<vmem>>, vector<1x16xi32>,
      %get3A_519 = arith.index_cast %add3A_452 : i32 to index
      %get3A_520 = arith.constant 48 : index
      %get3A_521 = tpu.vector_load %arg5[%get3A_519, %get3A_520] {strides = array<i32>} : memref<159x64xi32, #tpu.memory_space<vmem>>, vector<1x16xi32>,
      %get3A_522 = vector.shape_cast %get3A_521 : vector<1x16xi32> to vector<16xi32>
      %and3A_523 = arith.constant 16383 : i32
      %and3A_524 = vector.broadcast %and3A_523 : i32 to vector<16xi32>
      %and3A_525 = arith.andi %get3A_522, %and3A_524 : vector<16xi32>
      %swap3A_526 = arith.constant 1 : i32
      %swap3A_527 = arith.index_cast %swap3A_526 : i32 to index
      %swap3A_528 = arith.constant 48 : index
      %swap3A_529 = tpu.vector_load %arg6[%swap3A_527, %swap3A_528] {strides = array<i32>} : memref<3x64xi32, #tpu.memory_space<vmem>>, vector<1x16xi32>,
      %swap3A_530 = vector.shape_cast %swap3A_529 : vector<1x16xi32> to vector<16xi32>
      %swap3A_531 = vector.shape_cast %and3A_525 : vector<16xi32> to vector<1x16xi32>
      tpu.vector_store %arg6[%swap3A_527, %swap3A_528], %swap3A_531 {strides = array<i32>} : memref<3x64xi32, #tpu.memory_space<vmem>>, vector<1x16xi32>,
      %shift_right_logical3A_532 = arith.constant 14 : i32
      %shift_right_logical3A_533 = vector.broadcast %shift_right_logical3A_532 : i32 to vector<16xi32>
      %shift_right_logical3A_534 = arith.shrui %get3A_522, %shift_right_logical3A_533 : vector<16xi32>
      %swap3A_535 = arith.constant 1 : i32
      %swap3A_536 = arith.index_cast %swap3A_535 : i32 to index
      %swap3A_537 = arith.constant 48 : index
      %swap3A_538 = tpu.vector_load %arg7[%swap3A_536, %swap3A_537] {strides = array<i32>} : memref<3x64xi32, #tpu.memory_space<vmem>>, vector<1x16xi32>,
      %swap3A_539 = vector.shape_cast %swap3A_538 : vector<1x16xi32> to vector<16xi32>
      %swap3A_540 = vector.shape_cast %shift_right_logical3A_534 : vector<16xi32> to vector<1x16xi32>
      tpu.vector_store %arg7[%swap3A_536, %swap3A_537], %swap3A_540 {strides = array<i32>} : memref<3x64xi32, #tpu.memory_space<vmem>>, vector<1x16xi32>,
      %dma_start3A_541 = arith.constant 1 : i32
      %dma_start3A_542 = arith.constant 0 : i32
      %dma_start3A_543 = tpu.memref_slice %arg6[%dma_start3A_541, %dma_start3A_542] : memref<3x64xi32, #tpu.memory_space<vmem>> -> memref<1x64xi32, #tpu.memory_space<vmem>>
      %dma_start3A_544 = tpu.memref_squeeze %dma_start3A_543 : memref<1x64xi32, #tpu.memory_space<vmem>> -> memref<64xi32, #tpu.memory_space<vmem>>
      %dma_start3A_545 = arith.constant 0 : i32
      %dma_start3A_546 = arith.constant 0 : i32
      %dma_start3A_547 = tpu.memref_slice %arg2[%dma_start3A_545, %dma_start3A_546] : memref<10112x128xf32, #tpu.memory_space<hbm>> -> memref<10112x128xf32, #tpu.memory_space<hbm>>
      tpu.enqueue_indirect_dma source(%dma_start3A_547 : memref<10112x128xf32, #tpu.memory_space<hbm>>) target(%arg9 : memref<64x128xf32, #tpu.memory_space<vmem>>) offsets(%dma_start3A_544 : memref<64xi32, #tpu.memory_space<vmem>>) semaphore(%arg13 : memref<!tpu.dma_semaphore, #tpu.memory_space<semaphore_mem>>)
      %dma_wait3A_548 = arith.constant 2 : i32
      %dma_wait3A_549 = arith.constant 0 : i32
      %dma_wait3A_550 = tpu.memref_slice %arg6[%dma_wait3A_548, %dma_wait3A_549] : memref<3x64xi32, #tpu.memory_space<vmem>> -> memref<1x64xi32, #tpu.memory_space<vmem>>
      %dma_wait3A_551 = tpu.memref_squeeze %dma_wait3A_550 : memref<1x64xi32, #tpu.memory_space<vmem>> -> memref<64xi32, #tpu.memory_space<vmem>>
      %dma_wait3A_552 = arith.constant 0 : i32
      %dma_wait3A_553 = arith.constant 0 : i32
      %dma_wait3A_554 = tpu.memref_slice %arg2[%dma_wait3A_552, %dma_wait3A_553] : memref<10112x128xf32, #tpu.memory_space<hbm>> -> memref<10112x128xf32, #tpu.memory_space<hbm>>
      tpu.wait_indirect_dma semaphore(%arg14 : memref<!tpu.dma_semaphore, #tpu.memory_space<semaphore_mem>>) src(%dma_wait3A_554 : memref<10112x128xf32, #tpu.memory_space<hbm>>) dst(%arg10 : memref<64x128xf32, #tpu.memory_space<vmem>>)
      %run_scoped3A_555 = arith.constant 2 : i32
      "tpu.region"() ({
        %run_scoped3A_655 = tpu.sem_alloc : memref<!tpu.dma_semaphore, #tpu.memory_space<semaphore_mem>>
        %dma_start3A_656 = arith.constant 0 : i32
        %dma_start3A_657 = tpu.memref_slice %arg7[%run_scoped3A_555, %dma_start3A_656] : memref<3x64xi32, #tpu.memory_space<vmem>> -> memref<1x64xi32, #tpu.memory_space<vmem>>
        %dma_start3A_658 = tpu.memref_squeeze %dma_start3A_657 : memref<1x64xi32, #tpu.memory_space<vmem>> -> memref<64xi32, #tpu.memory_space<vmem>>
        %dma_start3A_659 = arith.constant 0 : i32
        %dma_start3A_660 = arith.constant 0 : i32
        %dma_start3A_661 = tpu.memref_slice %arg11[%dma_start3A_659, %dma_start3A_660] : memref<10112x128xf32, #tpu.memory_space<vmem_shared>> -> memref<10112x128xf32, #tpu.memory_space<vmem_shared>>
        tpu.enqueue_indirect_dma source(%arg10 : memref<64x128xf32, #tpu.memory_space<vmem>>) target(%dma_start3A_661 : memref<10112x128xf32, #tpu.memory_space<vmem_shared>>) offsets(%dma_start3A_658 : memref<64xi32, #tpu.memory_space<vmem>>) semaphore(%run_scoped3A_655 : memref<!tpu.dma_semaphore, #tpu.memory_space<semaphore_mem>>) {add = true}
        %dma_wait3A_662 = arith.constant 0 : i32
        %dma_wait3A_663 = tpu.memref_slice %arg7[%run_scoped3A_555, %dma_wait3A_662] : memref<3x64xi32, #tpu.memory_space<vmem>> -> memref<1x64xi32, #tpu.memory_space<vmem>>
        %dma_wait3A_664 = tpu.memref_squeeze %dma_wait3A_663 : memref<1x64xi32, #tpu.memory_space<vmem>> -> memref<64xi32, #tpu.memory_space<vmem>>
        %dma_wait3A_665 = arith.constant 0 : i32
        %dma_wait3A_666 = arith.constant 0 : i32
        %dma_wait3A_667 = tpu.memref_slice %arg11[%dma_wait3A_665, %dma_wait3A_666] : memref<10112x128xf32, #tpu.memory_space<vmem_shared>> -> memref<10112x128xf32, #tpu.memory_space<vmem_shared>>
        tpu.wait_indirect_dma semaphore(%run_scoped3A_655 : memref<!tpu.dma_semaphore, #tpu.memory_space<semaphore_mem>>) src(%arg10 : memref<64x128xf32, #tpu.memory_space<vmem>>) dst(%dma_wait3A_667 : memref<10112x128xf32, #tpu.memory_space<vmem_shared>>)
        tpu.yield
      }) : () -> ()
      %add3A_556 = arith.constant 2 : i32
      %add3A_557 = arith.addi %mul3A_333, %add3A_556 : i32
      %add3A_558 = arith.constant 3 : i32
      %add3A_559 = arith.addi %add3A_557, %add3A_558 : i32
      %get3A_560 = arith.index_cast %add3A_559 : i32 to index
      %get3A_561 = arith.constant 0 : index
      %get3A_562 = tpu.vector_load %arg5[%get3A_560, %get3A_561] {strides = array<i32>} : memref<159x64xi32, #tpu.memory_space<vmem>>, vector<1x16xi32>,
      %get3A_563 = vector.shape_cast %get3A_562 : vector<1x16xi32> to vector<16xi32>
      %and3A_564 = arith.constant 16383 : i32
      %and3A_565 = vector.broadcast %and3A_564 : i32 to vector<16xi32>
      %and3A_566 = arith.andi %get3A_563, %and3A_565 : vector<16xi32>
      %swap3A_567 = arith.constant 2 : i32
      %swap3A_568 = arith.index_cast %swap3A_567 : i32 to index
      %swap3A_569 = arith.constant 0 : index
      %swap3A_570 = tpu.vector_load %arg6[%swap3A_568, %swap3A_569] {strides = array<i32>} : memref<3x64xi32, #tpu.memory_space<vmem>>, vector<1x16xi32>,
      %swap3A_571 = vector.shape_cast %swap3A_570 : vector<1x16xi32> to vector<16xi32>
      %swap3A_572 = vector.shape_cast %and3A_566 : vector<16xi32> to vector<1x16xi32>
      tpu.vector_store %arg6[%swap3A_568, %swap3A_569], %swap3A_572 {strides = array<i32>} : memref<3x64xi32, #tpu.memory_space<vmem>>, vector<1x16xi32>,
      %shift_right_logical3A_573 = arith.constant 14 : i32
      %shift_right_logical3A_574 = vector.broadcast %shift_right_logical3A_573 : i32 to vector<16xi32>
      %shift_right_logical3A_575 = arith.shrui %get3A_563, %shift_right_logical3A_574 : vector<16xi32>
      %swap3A_576 = arith.constant 2 : i32
      %swap3A_577 = arith.index_cast %swap3A_576 : i32 to index
      %swap3A_578 = arith.constant 0 : index
      %swap3A_579 = tpu.vector_load %arg7[%swap3A_577, %swap3A_578] {strides = array<i32>} : memref<3x64xi32, #tpu.memory_space<vmem>>, vector<1x16xi32>,
      %swap3A_580 = vector.shape_cast %swap3A_579 : vector<1x16xi32> to vector<16xi32>
      %swap3A_581 = vector.shape_cast %shift_right_logical3A_575 : vector<16xi32> to vector<1x16xi32>
      tpu.vector_store %arg7[%swap3A_577, %swap3A_578], %swap3A_581 {strides = array<i32>} : memref<3x64xi32, #tpu.memory_space<vmem>>, vector<1x16xi32>,
      %get3A_582 = arith.index_cast %add3A_559 : i32 to index
      %get3A_583 = arith.constant 16 : index
      %get3A_584 = tpu.vector_load %arg5[%get3A_582, %get3A_583] {strides = array<i32>} : memref<159x64xi32, #tpu.memory_space<vmem>>, vector<1x16xi32>,
      %get3A_585 = vector.shape_cast %get3A_584 : vector<1x16xi32> to vector<16xi32>
      %and3A_586 = arith.constant 16383 : i32
      %and3A_587 = vector.broadcast %and3A_586 : i32 to vector<16xi32>
      %and3A_588 = arith.andi %get3A_585, %and3A_587 : vector<16xi32>
      %swap3A_589 = arith.constant 2 : i32
      %swap3A_590 = arith.index_cast %swap3A_589 : i32 to index
      %swap3A_591 = arith.constant 16 : index
      %swap3A_592 = tpu.vector_load %arg6[%swap3A_590, %swap3A_591] {strides = array<i32>} : memref<3x64xi32, #tpu.memory_space<vmem>>, vector<1x16xi32>,
      %swap3A_593 = vector.shape_cast %swap3A_592 : vector<1x16xi32> to vector<16xi32>
      %swap3A_594 = vector.shape_cast %and3A_588 : vector<16xi32> to vector<1x16xi32>
      tpu.vector_store %arg6[%swap3A_590, %swap3A_591], %swap3A_594 {strides = array<i32>} : memref<3x64xi32, #tpu.memory_space<vmem>>, vector<1x16xi32>,
      %shift_right_logical3A_595 = arith.constant 14 : i32
      %shift_right_logical3A_596 = vector.broadcast %shift_right_logical3A_595 : i32 to vector<16xi32>
      %shift_right_logical3A_597 = arith.shrui %get3A_585, %shift_right_logical3A_596 : vector<16xi32>
      %swap3A_598 = arith.constant 2 : i32
      %swap3A_599 = arith.index_cast %swap3A_598 : i32 to index
      %swap3A_600 = arith.constant 16 : index
      %swap3A_601 = tpu.vector_load %arg7[%swap3A_599, %swap3A_600] {strides = array<i32>} : memref<3x64xi32, #tpu.memory_space<vmem>>, vector<1x16xi32>,
      %swap3A_602 = vector.shape_cast %swap3A_601 : vector<1x16xi32> to vector<16xi32>
      %swap3A_603 = vector.shape_cast %shift_right_logical3A_597 : vector<16xi32> to vector<1x16xi32>
      tpu.vector_store %arg7[%swap3A_599, %swap3A_600], %swap3A_603 {strides = array<i32>} : memref<3x64xi32, #tpu.memory_space<vmem>>, vector<1x16xi32>,
      %get3A_604 = arith.index_cast %add3A_559 : i32 to index
      %get3A_605 = arith.constant 32 : index
      %get3A_606 = tpu.vector_load %arg5[%get3A_604, %get3A_605] {strides = array<i32>} : memref<159x64xi32, #tpu.memory_space<vmem>>, vector<1x16xi32>,
      %get3A_607 = vector.shape_cast %get3A_606 : vector<1x16xi32> to vector<16xi32>
      %and3A_608 = arith.constant 16383 : i32
      %and3A_609 = vector.broadcast %and3A_608 : i32 to vector<16xi32>
      %and3A_610 = arith.andi %get3A_607, %and3A_609 : vector<16xi32>
      %swap3A_611 = arith.constant 2 : i32
      %swap3A_612 = arith.index_cast %swap3A_611 : i32 to index
      %swap3A_613 = arith.constant 32 : index
      %swap3A_614 = tpu.vector_load %arg6[%swap3A_612, %swap3A_613] {strides = array<i32>} : memref<3x64xi32, #tpu.memory_space<vmem>>, vector<1x16xi32>,
      %swap3A_615 = vector.shape_cast %swap3A_614 : vector<1x16xi32> to vector<16xi32>
      %swap3A_616 = vector.shape_cast %and3A_610 : vector<16xi32> to vector<1x16xi32>
      tpu.vector_store %arg6[%swap3A_612, %swap3A_613], %swap3A_616 {strides = array<i32>} : memref<3x64xi32, #tpu.memory_space<vmem>>, vector<1x16xi32>,
      %shift_right_logical3A_617 = arith.constant 14 : i32
      %shift_right_logical3A_618 = vector.broadcast %shift_right_logical3A_617 : i32 to vector<16xi32>
      %shift_right_logical3A_619 = arith.shrui %get3A_607, %shift_right_logical3A_618 : vector<16xi32>
      %swap3A_620 = arith.constant 2 : i32
      %swap3A_621 = arith.index_cast %swap3A_620 : i32 to index
      %swap3A_622 = arith.constant 32 : index
      %swap3A_623 = tpu.vector_load %arg7[%swap3A_621, %swap3A_622] {strides = array<i32>} : memref<3x64xi32, #tpu.memory_space<vmem>>, vector<1x16xi32>,
      %swap3A_624 = vector.shape_cast %swap3A_623 : vector<1x16xi32> to vector<16xi32>
      %swap3A_625 = vector.shape_cast %shift_right_logical3A_619 : vector<16xi32> to vector<1x16xi32>
      tpu.vector_store %arg7[%swap3A_621, %swap3A_622], %swap3A_625 {strides = array<i32>} : memref<3x64xi32, #tpu.memory_space<vmem>>, vector<1x16xi32>,
      %get3A_626 = arith.index_cast %add3A_559 : i32 to index
      %get3A_627 = arith.constant 48 : index
      %get3A_628 = tpu.vector_load %arg5[%get3A_626, %get3A_627] {strides = array<i32>} : memref<159x64xi32, #tpu.memory_space<vmem>>, vector<1x16xi32>,
      %get3A_629 = vector.shape_cast %get3A_628 : vector<1x16xi32> to vector<16xi32>
      %and3A_630 = arith.constant 16383 : i32
      %and3A_631 = vector.broadcast %and3A_630 : i32 to vector<16xi32>
      %and3A_632 = arith.andi %get3A_629, %and3A_631 : vector<16xi32>
      %swap3A_633 = arith.constant 2 : i32
      %swap3A_634 = arith.index_cast %swap3A_633 : i32 to index
      %swap3A_635 = arith.constant 48 : index
      %swap3A_636 = tpu.vector_load %arg6[%swap3A_634, %swap3A_635] {strides = array<i32>} : memref<3x64xi32, #tpu.memory_space<vmem>>, vector<1x16xi32>,
      %swap3A_637 = vector.shape_cast %swap3A_636 : vector<1x16xi32> to vector<16xi32>
      %swap3A_638 = vector.shape_cast %and3A_632 : vector<16xi32> to vector<1x16xi32>
      tpu.vector_store %arg6[%swap3A_634, %swap3A_635], %swap3A_638 {strides = array<i32>} : memref<3x64xi32, #tpu.memory_space<vmem>>, vector<1x16xi32>,
      %shift_right_logical3A_639 = arith.constant 14 : i32
      %shift_right_logical3A_640 = vector.broadcast %shift_right_logical3A_639 : i32 to vector<16xi32>
      %shift_right_logical3A_641 = arith.shrui %get3A_629, %shift_right_logical3A_640 : vector<16xi32>
      %swap3A_642 = arith.constant 2 : i32
      %swap3A_643 = arith.index_cast %swap3A_642 : i32 to index
      %swap3A_644 = arith.constant 48 : index
      %swap3A_645 = tpu.vector_load %arg7[%swap3A_643, %swap3A_644] {strides = array<i32>} : memref<3x64xi32, #tpu.memory_space<vmem>>, vector<1x16xi32>,
      %swap3A_646 = vector.shape_cast %swap3A_645 : vector<1x16xi32> to vector<16xi32>
      %swap3A_647 = vector.shape_cast %shift_right_logical3A_641 : vector<16xi32> to vector<1x16xi32>
      tpu.vector_store %arg7[%swap3A_643, %swap3A_644], %swap3A_647 {strides = array<i32>} : memref<3x64xi32, #tpu.memory_space<vmem>>, vector<1x16xi32>,
      %dma_start3A_648 = arith.constant 2 : i32
      %dma_start3A_649 = arith.constant 0 : i32
      %dma_start3A_650 = tpu.memref_slice %arg6[%dma_start3A_648, %dma_start3A_649] : memref<3x64xi32, #tpu.memory_space<vmem>> -> memref<1x64xi32, #tpu.memory_space<vmem>>
      %dma_start3A_651 = tpu.memref_squeeze %dma_start3A_650 : memref<1x64xi32, #tpu.memory_space<vmem>> -> memref<64xi32, #tpu.memory_space<vmem>>
      %dma_start3A_652 = arith.constant 0 : i32
      %dma_start3A_653 = arith.constant 0 : i32
      %dma_start3A_654 = tpu.memref_slice %arg2[%dma_start3A_652, %dma_start3A_653] : memref<10112x128xf32, #tpu.memory_space<hbm>> -> memref<10112x128xf32, #tpu.memory_space<hbm>>
      tpu.enqueue_indirect_dma source(%dma_start3A_654 : memref<10112x128xf32, #tpu.memory_space<hbm>>) target(%arg10 : memref<64x128xf32, #tpu.memory_space<vmem>>) offsets(%dma_start3A_651 : memref<64xi32, #tpu.memory_space<vmem>>) semaphore(%arg14 : memref<!tpu.dma_semaphore, #tpu.memory_space<semaphore_mem>>)
    }
    %scan3A_306 = arith.constant 52 : i32
    %dma_wait3A_307 = arith.constant 0 : i32
    %dma_wait3A_308 = arith.constant 0 : i32
    %dma_wait3A_309 = tpu.memref_slice %arg6[%dma_wait3A_307, %dma_wait3A_308] : memref<3x64xi32, #tpu.memory_space<vmem>> -> memref<1x64xi32, #tpu.memory_space<vmem>>
    %dma_wait3A_310 = tpu.memref_squeeze %dma_wait3A_309 : memref<1x64xi32, #tpu.memory_space<vmem>> -> memref<64xi32, #tpu.memory_space<vmem>>
    %dma_wait3A_311 = arith.constant 0 : i32
    %dma_wait3A_312 = arith.constant 0 : i32
    %dma_wait3A_313 = tpu.memref_slice %arg2[%dma_wait3A_311, %dma_wait3A_312] : memref<10112x128xf32, #tpu.memory_space<hbm>> -> memref<10112x128xf32, #tpu.memory_space<hbm>>
    tpu.wait_indirect_dma semaphore(%arg12 : memref<!tpu.dma_semaphore, #tpu.memory_space<semaphore_mem>>) src(%dma_wait3A_313 : memref<10112x128xf32, #tpu.memory_space<hbm>>) dst(%arg8 : memref<64x128xf32, #tpu.memory_space<vmem>>)
    %run_scoped3A = arith.constant 0 : i32
    "tpu.region"() ({
      %run_scoped3A_331 = tpu.sem_alloc : memref<!tpu.dma_semaphore, #tpu.memory_space<semaphore_mem>>
      %dma_start3A_332 = arith.constant 0 : i32
      %dma_start3A_333 = tpu.memref_slice %arg7[%run_scoped3A, %dma_start3A_332] : memref<3x64xi32, #tpu.memory_space<vmem>> -> memref<1x64xi32, #tpu.memory_space<vmem>>
      %dma_start3A_334 = tpu.memref_squeeze %dma_start3A_333 : memref<1x64xi32, #tpu.memory_space<vmem>> -> memref<64xi32, #tpu.memory_space<vmem>>
      %dma_start3A_335 = arith.constant 0 : i32
      %dma_start3A_336 = arith.constant 0 : i32
      %dma_start3A_337 = tpu.memref_slice %arg11[%dma_start3A_335, %dma_start3A_336] : memref<10112x128xf32, #tpu.memory_space<vmem_shared>> -> memref<10112x128xf32, #tpu.memory_space<vmem_shared>>
      tpu.enqueue_indirect_dma source(%arg8 : memref<64x128xf32, #tpu.memory_space<vmem>>) target(%dma_start3A_337 : memref<10112x128xf32, #tpu.memory_space<vmem_shared>>) offsets(%dma_start3A_334 : memref<64xi32, #tpu.memory_space<vmem>>) semaphore(%run_scoped3A_331 : memref<!tpu.dma_semaphore, #tpu.memory_space<semaphore_mem>>) {add = true}
      %dma_wait3A_338 = arith.constant 0 : i32
      %dma_wait3A_339 = tpu.memref_slice %arg7[%run_scoped3A, %dma_wait3A_338] : memref<3x64xi32, #tpu.memory_space<vmem>> -> memref<1x64xi32, #tpu.memory_space<vmem>>
      %dma_wait3A_340 = tpu.memref_squeeze %dma_wait3A_339 : memref<1x64xi32, #tpu.memory_space<vmem>> -> memref<64xi32, #tpu.memory_space<vmem>>
      %dma_wait3A_341 = arith.constant 0 : i32
      %dma_wait3A_342 = arith.constant 0 : i32
      %dma_wait3A_343 = tpu.memref_slice %arg11[%dma_wait3A_341, %dma_wait3A_342] : memref<10112x128xf32, #tpu.memory_space<vmem_shared>> -> memref<10112x128xf32, #tpu.memory_space<vmem_shared>>
      tpu.wait_indirect_dma semaphore(%run_scoped3A_331 : memref<!tpu.dma_semaphore, #tpu.memory_space<semaphore_mem>>) src(%arg8 : memref<64x128xf32, #tpu.memory_space<vmem>>) dst(%dma_wait3A_343 : memref<10112x128xf32, #tpu.memory_space<vmem_shared>>)
      tpu.yield
    }) : () -> ()
    %dma_wait3A_314 = arith.constant 1 : i32
    %dma_wait3A_315 = arith.constant 0 : i32
    %dma_wait3A_316 = tpu.memref_slice %arg6[%dma_wait3A_314, %dma_wait3A_315] : memref<3x64xi32, #tpu.memory_space<vmem>> -> memref<1x64xi32, #tpu.memory_space<vmem>>
    %dma_wait3A_317 = tpu.memref_squeeze %dma_wait3A_316 : memref<1x64xi32, #tpu.memory_space<vmem>> -> memref<64xi32, #tpu.memory_space<vmem>>
    %dma_wait3A_318 = arith.constant 0 : i32
    %dma_wait3A_319 = arith.constant 0 : i32
    %dma_wait3A_320 = tpu.memref_slice %arg2[%dma_wait3A_318, %dma_wait3A_319] : memref<10112x128xf32, #tpu.memory_space<hbm>> -> memref<10112x128xf32, #tpu.memory_space<hbm>>
    tpu.wait_indirect_dma semaphore(%arg13 : memref<!tpu.dma_semaphore, #tpu.memory_space<semaphore_mem>>) src(%dma_wait3A_320 : memref<10112x128xf32, #tpu.memory_space<hbm>>) dst(%arg9 : memref<64x128xf32, #tpu.memory_space<vmem>>)
    %run_scoped3A_321 = arith.constant 1 : i32
    "tpu.region"() ({
      %run_scoped3A_331 = tpu.sem_alloc : memref<!tpu.dma_semaphore, #tpu.memory_space<semaphore_mem>>
      %dma_start3A_332 = arith.constant 0 : i32
      %dma_start3A_333 = tpu.memref_slice %arg7[%run_scoped3A_321, %dma_start3A_332] : memref<3x64xi32, #tpu.memory_space<vmem>> -> memref<1x64xi32, #tpu.memory_space<vmem>>
      %dma_start3A_334 = tpu.memref_squeeze %dma_start3A_333 : memref<1x64xi32, #tpu.memory_space<vmem>> -> memref<64xi32, #tpu.memory_space<vmem>>
      %dma_start3A_335 = arith.constant 0 : i32
      %dma_start3A_336 = arith.constant 0 : i32
      %dma_start3A_337 = tpu.memref_slice %arg11[%dma_start3A_335, %dma_start3A_336] : memref<10112x128xf32, #tpu.memory_space<vmem_shared>> -> memref<10112x128xf32, #tpu.memory_space<vmem_shared>>
      tpu.enqueue_indirect_dma source(%arg9 : memref<64x128xf32, #tpu.memory_space<vmem>>) target(%dma_start3A_337 : memref<10112x128xf32, #tpu.memory_space<vmem_shared>>) offsets(%dma_start3A_334 : memref<64xi32, #tpu.memory_space<vmem>>) semaphore(%run_scoped3A_331 : memref<!tpu.dma_semaphore, #tpu.memory_space<semaphore_mem>>) {add = true}
      %dma_wait3A_338 = arith.constant 0 : i32
      %dma_wait3A_339 = tpu.memref_slice %arg7[%run_scoped3A_321, %dma_wait3A_338] : memref<3x64xi32, #tpu.memory_space<vmem>> -> memref<1x64xi32, #tpu.memory_space<vmem>>
      %dma_wait3A_340 = tpu.memref_squeeze %dma_wait3A_339 : memref<1x64xi32, #tpu.memory_space<vmem>> -> memref<64xi32, #tpu.memory_space<vmem>>
      %dma_wait3A_341 = arith.constant 0 : i32
      %dma_wait3A_342 = arith.constant 0 : i32
      %dma_wait3A_343 = tpu.memref_slice %arg11[%dma_wait3A_341, %dma_wait3A_342] : memref<10112x128xf32, #tpu.memory_space<vmem_shared>> -> memref<10112x128xf32, #tpu.memory_space<vmem_shared>>
      tpu.wait_indirect_dma semaphore(%run_scoped3A_331 : memref<!tpu.dma_semaphore, #tpu.memory_space<semaphore_mem>>) src(%arg9 : memref<64x128xf32, #tpu.memory_space<vmem>>) dst(%dma_wait3A_343 : memref<10112x128xf32, #tpu.memory_space<vmem_shared>>)
      tpu.yield
    }) : () -> ()
    %dma_wait3A_322 = arith.constant 2 : i32
    %dma_wait3A_323 = arith.constant 0 : i32
    %dma_wait3A_324 = tpu.memref_slice %arg6[%dma_wait3A_322, %dma_wait3A_323] : memref<3x64xi32, #tpu.memory_space<vmem>> -> memref<1x64xi32, #tpu.memory_space<vmem>>
    %dma_wait3A_325 = tpu.memref_squeeze %dma_wait3A_324 : memref<1x64xi32, #tpu.memory_space<vmem>> -> memref<64xi32, #tpu.memory_space<vmem>>
    %dma_wait3A_326 = arith.constant 0 : i32
    %dma_wait3A_327 = arith.constant 0 : i32
    %dma_wait3A_328 = tpu.memref_slice %arg2[%dma_wait3A_326, %dma_wait3A_327] : memref<10112x128xf32, #tpu.memory_space<hbm>> -> memref<10112x128xf32, #tpu.memory_space<hbm>>
    tpu.wait_indirect_dma semaphore(%arg14 : memref<!tpu.dma_semaphore, #tpu.memory_space<semaphore_mem>>) src(%dma_wait3A_328 : memref<10112x128xf32, #tpu.memory_space<hbm>>) dst(%arg10 : memref<64x128xf32, #tpu.memory_space<vmem>>)
    %run_scoped3A_329 = arith.constant 2 : i32
    "tpu.region"() ({
      %run_scoped3A_331 = tpu.sem_alloc : memref<!tpu.dma_semaphore, #tpu.memory_space<semaphore_mem>>
      %dma_start3A_332 = arith.constant 0 : i32
      %dma_start3A_333 = tpu.memref_slice %arg7[%run_scoped3A_329, %dma_start3A_332] : memref<3x64xi32, #tpu.memory_space<vmem>> -> memref<1x64xi32, #tpu.memory_space<vmem>>
      %dma_start3A_334 = tpu.memref_squeeze %dma_start3A_333 : memref<1x64xi32, #tpu.memory_space<vmem>> -> memref<64xi32, #tpu.memory_space<vmem>>
      %dma_start3A_335 = arith.constant 0 : i32
      %dma_start3A_336 = arith.constant 0 : i32
      %dma_start3A_337 = tpu.memref_slice %arg11[%dma_start3A_335, %dma_start3A_336] : memref<10112x128xf32, #tpu.memory_space<vmem_shared>> -> memref<10112x128xf32, #tpu.memory_space<vmem_shared>>
      tpu.enqueue_indirect_dma source(%arg10 : memref<64x128xf32, #tpu.memory_space<vmem>>) target(%dma_start3A_337 : memref<10112x128xf32, #tpu.memory_space<vmem_shared>>) offsets(%dma_start3A_334 : memref<64xi32, #tpu.memory_space<vmem>>) semaphore(%run_scoped3A_331 : memref<!tpu.dma_semaphore, #tpu.memory_space<semaphore_mem>>) {add = true}
      %dma_wait3A_338 = arith.constant 0 : i32
      %dma_wait3A_339 = tpu.memref_slice %arg7[%run_scoped3A_329, %dma_wait3A_338] : memref<3x64xi32, #tpu.memory_space<vmem>> -> memref<1x64xi32, #tpu.memory_space<vmem>>
      %dma_wait3A_340 = tpu.memref_squeeze %dma_wait3A_339 : memref<1x64xi32, #tpu.memory_space<vmem>> -> memref<64xi32, #tpu.memory_space<vmem>>
      %dma_wait3A_341 = arith.constant 0 : i32
      %dma_wait3A_342 = arith.constant 0 : i32
      %dma_wait3A_343 = tpu.memref_slice %arg11[%dma_wait3A_341, %dma_wait3A_342] : memref<10112x128xf32, #tpu.memory_space<vmem_shared>> -> memref<10112x128xf32, #tpu.memory_space<vmem_shared>>
      tpu.wait_indirect_dma semaphore(%run_scoped3A_331 : memref<!tpu.dma_semaphore, #tpu.memory_space<semaphore_mem>>) src(%arg10 : memref<64x128xf32, #tpu.memory_space<vmem>>) dst(%dma_wait3A_343 : memref<10112x128xf32, #tpu.memory_space<vmem_shared>>)
      tpu.yield
    }) : () -> ()
    %barrier3A_330 = arith.constant 0 : index
    tpu.barrier barrier_id(%barrier3A_330)
    "tpu.region"() ({
      %run_scoped3A_331 = tpu.sem_alloc : memref<!tpu.dma_semaphore, #tpu.memory_space<semaphore_mem>>
      %dma_start3A_332 = arith.constant 0 : i32
      %dma_start3A_333 = tpu.memref_slice %arg4[%arg0, %mul3A_2, %dma_start3A_332] : memref<2x10112x128xf32, #tpu.memory_space<hbm>> -> memref<1x632x128xf32, #tpu.memory_space<hbm>>
      %dma_start3A_334 = tpu.memref_squeeze %dma_start3A_333 : memref<1x632x128xf32, #tpu.memory_space<hbm>> -> memref<632x128xf32, #tpu.memory_space<hbm>>
      %dma_start3A_335 = arith.constant 0 : i32
      %dma_start3A_336 = tpu.memref_slice %arg11[%mul3A_2, %dma_start3A_335] : memref<10112x128xf32, #tpu.memory_space<vmem_shared>> -> memref<632x128xf32, #tpu.memory_space<vmem_shared>>
      tpu.enqueue_dma source(%dma_start3A_336 : memref<632x128xf32, #tpu.memory_space<vmem_shared>>) target(%dma_start3A_334 : memref<632x128xf32, #tpu.memory_space<hbm>>) target_semaphore(%run_scoped3A_331 : memref<!tpu.dma_semaphore, #tpu.memory_space<semaphore_mem>>)
      %dma_wait3A_337 = arith.constant 0 : i32
      %dma_wait3A_338 = tpu.memref_slice %arg4[%arg0, %mul3A_2, %dma_wait3A_337] : memref<2x10112x128xf32, #tpu.memory_space<hbm>> -> memref<1x632x128xf32, #tpu.memory_space<hbm>>
      %dma_wait3A_339 = tpu.memref_squeeze %dma_wait3A_338 : memref<1x632x128xf32, #tpu.memory_space<hbm>> -> memref<632x128xf32, #tpu.memory_space<hbm>>
      %dma_wait3A_340 = arith.constant 0 : i32
      %dma_wait3A_341 = tpu.memref_slice %arg11[%mul3A_2, %dma_wait3A_340] : memref<10112x128xf32, #tpu.memory_space<vmem_shared>> -> memref<632x128xf32, #tpu.memory_space<vmem_shared>>
      tpu.wait_dma2 semaphore(%run_scoped3A_331 : memref<!tpu.dma_semaphore, #tpu.memory_space<semaphore_mem>>) src(%dma_wait3A_341 : memref<632x128xf32, #tpu.memory_space<vmem_shared>>) dst(%dma_wait3A_339 : memref<632x128xf32, #tpu.memory_space<hbm>>)
      tpu.yield
    }) : () -> ()
    return
  }
}

#map = affine_map<(d0, d1) -> (0, 0)>
#map1 = affine_map<(d0, d1) -> (0, 0, 0)>
module attributes {stable_mosaic.version = 14 : i64} {
  func.func @_sc_agg_body(%arg0: i32, %arg1: i32, %arg2: memref<10112x128xf32, #tpu.memory_space<hbm>>, %arg3: memref<32x159x64xi32, #tpu.memory_space<hbm>>, %arg4: memref<2x10112x128xf32, #tpu.memory_space<hbm>>, %arg5: memref<159x64xi32, #tpu.memory_space<vmem>>, %arg6: memref<3x64xi32, #tpu.memory_space<vmem>>, %arg7: memref<3x64xi32, #tpu.memory_space<vmem>>, %arg8: memref<64x128xf32, #tpu.memory_space<vmem>>, %arg9: memref<64x128xf32, #tpu.memory_space<vmem>>, %arg10: memref<64x128xf32, #tpu.memory_space<vmem>>, %arg11: memref<10112x128xf32, #tpu.memory_space<vmem_shared>>, %arg12: memref<!tpu.dma_semaphore, #tpu.memory_space<semaphore_mem>>, %arg13: memref<!tpu.dma_semaphore, #tpu.memory_space<semaphore_mem>>, %arg14: memref<!tpu.dma_semaphore, #tpu.memory_space<semaphore_mem>>, %arg15: memref<!tpu.dma_semaphore, #tpu.memory_space<semaphore_mem>>) attributes {dimension_semantics = [#tpu.dimension_semantics<core_parallel>, #tpu.dimension_semantics<subcore_parallel>], iteration_bounds = array<i64: 2, 16>, scalar_prefetch = 0 : i64, scratch_operands = 11 : i64, tpu.core_type = #tpu.core_type<sc_vector_subcore>, window_params = [{transform_indices = #map}, {transform_indices = #map1}, {transform_indices = #map1}]} {
    %mul3A = arith.constant 16 : i32
    %mul3A_0 = arith.muli %arg0, %mul3A : i32
    %add3A = arith.addi %mul3A_0, %arg1 : i32
    %mul3A_1 = arith.constant 632 : i32
    %mul3A_2 = arith.muli %arg1, %mul3A_1 : i32
    %dma_start3A = arith.constant 0 : i32
    %dma_start3A_3 = tpu.memref_slice %arg11[%mul3A_2, %dma_start3A] : memref<10112x128xf32, #tpu.memory_space<vmem_shared>> -> memref<632x128xf32, #tpu.memory_space<vmem_shared>>
    %dma_start3A_4 = arith.constant 0 : i32
    %dma_start3A_5 = tpu.memref_slice %arg2[%mul3A_2, %dma_start3A_4] : memref<10112x128xf32, #tpu.memory_space<hbm>> -> memref<632x128xf32, #tpu.memory_space<hbm>>
    tpu.enqueue_dma source(%dma_start3A_5 : memref<632x128xf32, #tpu.memory_space<hbm>>) target(%dma_start3A_3 : memref<632x128xf32, #tpu.memory_space<vmem_shared>>) target_semaphore(%arg15 : memref<!tpu.dma_semaphore, #tpu.memory_space<semaphore_mem>>)
    "tpu.region"() ({
      %run_scoped3A_331 = tpu.sem_alloc : memref<!tpu.dma_semaphore, #tpu.memory_space<semaphore_mem>>
      %dma_start3A_332 = arith.constant 0 : i32
      %dma_start3A_333 = arith.constant 0 : i32
      %dma_start3A_334 = tpu.memref_slice %arg3[%add3A, %dma_start3A_332, %dma_start3A_333] : memref<32x159x64xi32, #tpu.memory_space<hbm>> -> memref<1x159x64xi32, #tpu.memory_space<hbm>>
      %dma_start3A_335 = tpu.memref_squeeze %dma_start3A_334 : memref<1x159x64xi32, #tpu.memory_space<hbm>> -> memref<159x64xi32, #tpu.memory_space<hbm>>
      %dma_start3A_336 = arith.constant 0 : i32
      %dma_start3A_337 = arith.constant 0 : i32
      %dma_start3A_338 = tpu.memref_slice %arg3[%add3A, %dma_start3A_336, %dma_start3A_337] : memref<32x159x64xi32, #tpu.memory_space<hbm>> -> memref<1x159x64xi32, #tpu.memory_space<hbm>>
      %dma_start3A_339 = tpu.memref_squeeze %dma_start3A_338 : memref<1x159x64xi32, #tpu.memory_space<hbm>> -> memref<159x64xi32, #tpu.memory_space<hbm>>
      tpu.enqueue_dma source(%dma_start3A_339 : memref<159x64xi32, #tpu.memory_space<hbm>>) target(%arg5 : memref<159x64xi32, #tpu.memory_space<vmem>>) target_semaphore(%run_scoped3A_331 : memref<!tpu.dma_semaphore, #tpu.memory_space<semaphore_mem>>)
      %dma_wait3A_340 = arith.constant 0 : i32
      %dma_wait3A_341 = arith.constant 0 : i32
      %dma_wait3A_342 = tpu.memref_slice %arg3[%add3A, %dma_wait3A_340, %dma_wait3A_341] : memref<32x159x64xi32, #tpu.memory_space<hbm>> -> memref<1x159x64xi32, #tpu.memory_space<hbm>>
      %dma_wait3A_343 = tpu.memref_squeeze %dma_wait3A_342 : memref<1x159x64xi32, #tpu.memory_space<hbm>> -> memref<159x64xi32, #tpu.memory_space<hbm>>
      %dma_wait3A_344 = arith.constant 0 : i32
      %dma_wait3A_345 = arith.constant 0 : i32
      %dma_wait3A_346 = tpu.memref_slice %arg3[%add3A, %dma_wait3A_344, %dma_wait3A_345] : memref<32x159x64xi32, #tpu.memory_space<hbm>> -> memref<1x159x64xi32, #tpu.memory_space<hbm>>
      %dma_wait3A_347 = tpu.memref_squeeze %dma_wait3A_346 : memref<1x159x64xi32, #tpu.memory_space<hbm>> -> memref<159x64xi32, #tpu.memory_space<hbm>>
      tpu.wait_dma2 semaphore(%run_scoped3A_331 : memref<!tpu.dma_semaphore, #tpu.memory_space<semaphore_mem>>) src(%dma_wait3A_347 : memref<159x64xi32, #tpu.memory_space<hbm>>) dst(%arg5 : memref<159x64xi32, #tpu.memory_space<vmem>>)
      tpu.yield
    }) : () -> ()
    %get3A = arith.constant 0 : i32
    %get3A_6 = arith.index_cast %get3A : i32 to index
    %get3A_7 = arith.constant 0 : index
    %get3A_8 = tpu.vector_load %arg5[%get3A_6, %get3A_7] {strides = array<i32>} : memref<159x64xi32, #tpu.memory_space<vmem>>, vector<1x16xi32>,
    %get3A_9 = vector.shape_cast %get3A_8 : vector<1x16xi32> to vector<16xi32>
    %and3A = arith.constant 16383 : i32
    %and3A_10 = vector.broadcast %and3A : i32 to vector<16xi32>
    %and3A_11 = arith.andi %get3A_9, %and3A_10 : vector<16xi32>
    %swap3A = arith.constant 0 : i32
    %swap3A_12 = arith.index_cast %swap3A : i32 to index
    %swap3A_13 = arith.constant 0 : index
    %swap3A_14 = tpu.vector_load %arg6[%swap3A_12, %swap3A_13] {strides = array<i32>} : memref<3x64xi32, #tpu.memory_space<vmem>>, vector<1x16xi32>,
    %swap3A_15 = vector.shape_cast %swap3A_14 : vector<1x16xi32> to vector<16xi32>
    %swap3A_16 = vector.shape_cast %and3A_11 : vector<16xi32> to vector<1x16xi32>
    tpu.vector_store %arg6[%swap3A_12, %swap3A_13], %swap3A_16 {strides = array<i32>} : memref<3x64xi32, #tpu.memory_space<vmem>>, vector<1x16xi32>,
    %shift_right_logical3A = arith.constant 14 : i32
    %shift_right_logical3A_17 = vector.broadcast %shift_right_logical3A : i32 to vector<16xi32>
    %shift_right_logical3A_18 = arith.shrui %get3A_9, %shift_right_logical3A_17 : vector<16xi32>
    %swap3A_19 = arith.constant 0 : i32
    %swap3A_20 = arith.index_cast %swap3A_19 : i32 to index
    %swap3A_21 = arith.constant 0 : index
    %swap3A_22 = tpu.vector_load %arg7[%swap3A_20, %swap3A_21] {strides = array<i32>} : memref<3x64xi32, #tpu.memory_space<vmem>>, vector<1x16xi32>,
    %swap3A_23 = vector.shape_cast %swap3A_22 : vector<1x16xi32> to vector<16xi32>
    %swap3A_24 = vector.shape_cast %shift_right_logical3A_18 : vector<16xi32> to vector<1x16xi32>
    tpu.vector_store %arg7[%swap3A_20, %swap3A_21], %swap3A_24 {strides = array<i32>} : memref<3x64xi32, #tpu.memory_space<vmem>>, vector<1x16xi32>,
    %get3A_25 = arith.constant 0 : i32
    %get3A_26 = arith.index_cast %get3A_25 : i32 to index
    %get3A_27 = arith.constant 16 : index
    %get3A_28 = tpu.vector_load %arg5[%get3A_26, %get3A_27] {strides = array<i32>} : memref<159x64xi32, #tpu.memory_space<vmem>>, vector<1x16xi32>,
    %get3A_29 = vector.shape_cast %get3A_28 : vector<1x16xi32> to vector<16xi32>
    %and3A_30 = arith.constant 16383 : i32
    %and3A_31 = vector.broadcast %and3A_30 : i32 to vector<16xi32>
    %and3A_32 = arith.andi %get3A_29, %and3A_31 : vector<16xi32>
    %swap3A_33 = arith.constant 0 : i32
    %swap3A_34 = arith.index_cast %swap3A_33 : i32 to index
    %swap3A_35 = arith.constant 16 : index
    %swap3A_36 = tpu.vector_load %arg6[%swap3A_34, %swap3A_35] {strides = array<i32>} : memref<3x64xi32, #tpu.memory_space<vmem>>, vector<1x16xi32>,
    %swap3A_37 = vector.shape_cast %swap3A_36 : vector<1x16xi32> to vector<16xi32>
    %swap3A_38 = vector.shape_cast %and3A_32 : vector<16xi32> to vector<1x16xi32>
    tpu.vector_store %arg6[%swap3A_34, %swap3A_35], %swap3A_38 {strides = array<i32>} : memref<3x64xi32, #tpu.memory_space<vmem>>, vector<1x16xi32>,
    %shift_right_logical3A_39 = arith.constant 14 : i32
    %shift_right_logical3A_40 = vector.broadcast %shift_right_logical3A_39 : i32 to vector<16xi32>
    %shift_right_logical3A_41 = arith.shrui %get3A_29, %shift_right_logical3A_40 : vector<16xi32>
    %swap3A_42 = arith.constant 0 : i32
    %swap3A_43 = arith.index_cast %swap3A_42 : i32 to index
    %swap3A_44 = arith.constant 16 : index
    %swap3A_45 = tpu.vector_load %arg7[%swap3A_43, %swap3A_44] {strides = array<i32>} : memref<3x64xi32, #tpu.memory_space<vmem>>, vector<1x16xi32>,
    %swap3A_46 = vector.shape_cast %swap3A_45 : vector<1x16xi32> to vector<16xi32>
    %swap3A_47 = vector.shape_cast %shift_right_logical3A_41 : vector<16xi32> to vector<1x16xi32>
    tpu.vector_store %arg7[%swap3A_43, %swap3A_44], %swap3A_47 {strides = array<i32>} : memref<3x64xi32, #tpu.memory_space<vmem>>, vector<1x16xi32>,
    %get3A_48 = arith.constant 0 : i32
    %get3A_49 = arith.index_cast %get3A_48 : i32 to index
    %get3A_50 = arith.constant 32 : index
    %get3A_51 = tpu.vector_load %arg5[%get3A_49, %get3A_50] {strides = array<i32>} : memref<159x64xi32, #tpu.memory_space<vmem>>, vector<1x16xi32>,
    %get3A_52 = vector.shape_cast %get3A_51 : vector<1x16xi32> to vector<16xi32>
    %and3A_53 = arith.constant 16383 : i32
    %and3A_54 = vector.broadcast %and3A_53 : i32 to vector<16xi32>
    %and3A_55 = arith.andi %get3A_52, %and3A_54 : vector<16xi32>
    %swap3A_56 = arith.constant 0 : i32
    %swap3A_57 = arith.index_cast %swap3A_56 : i32 to index
    %swap3A_58 = arith.constant 32 : index
    %swap3A_59 = tpu.vector_load %arg6[%swap3A_57, %swap3A_58] {strides = array<i32>} : memref<3x64xi32, #tpu.memory_space<vmem>>, vector<1x16xi32>,
    %swap3A_60 = vector.shape_cast %swap3A_59 : vector<1x16xi32> to vector<16xi32>
    %swap3A_61 = vector.shape_cast %and3A_55 : vector<16xi32> to vector<1x16xi32>
    tpu.vector_store %arg6[%swap3A_57, %swap3A_58], %swap3A_61 {strides = array<i32>} : memref<3x64xi32, #tpu.memory_space<vmem>>, vector<1x16xi32>,
    %shift_right_logical3A_62 = arith.constant 14 : i32
    %shift_right_logical3A_63 = vector.broadcast %shift_right_logical3A_62 : i32 to vector<16xi32>
    %shift_right_logical3A_64 = arith.shrui %get3A_52, %shift_right_logical3A_63 : vector<16xi32>
    %swap3A_65 = arith.constant 0 : i32
    %swap3A_66 = arith.index_cast %swap3A_65 : i32 to index
    %swap3A_67 = arith.constant 32 : index
    %swap3A_68 = tpu.vector_load %arg7[%swap3A_66, %swap3A_67] {strides = array<i32>} : memref<3x64xi32, #tpu.memory_space<vmem>>, vector<1x16xi32>,
    %swap3A_69 = vector.shape_cast %swap3A_68 : vector<1x16xi32> to vector<16xi32>
    %swap3A_70 = vector.shape_cast %shift_right_logical3A_64 : vector<16xi32> to vector<1x16xi32>
    tpu.vector_store %arg7[%swap3A_66, %swap3A_67], %swap3A_70 {strides = array<i32>} : memref<3x64xi32, #tpu.memory_space<vmem>>, vector<1x16xi32>,
    %get3A_71 = arith.constant 0 : i32
    %get3A_72 = arith.index_cast %get3A_71 : i32 to index
    %get3A_73 = arith.constant 48 : index
    %get3A_74 = tpu.vector_load %arg5[%get3A_72, %get3A_73] {strides = array<i32>} : memref<159x64xi32, #tpu.memory_space<vmem>>, vector<1x16xi32>,
    %get3A_75 = vector.shape_cast %get3A_74 : vector<1x16xi32> to vector<16xi32>
    %and3A_76 = arith.constant 16383 : i32
    %and3A_77 = vector.broadcast %and3A_76 : i32 to vector<16xi32>
    %and3A_78 = arith.andi %get3A_75, %and3A_77 : vector<16xi32>
    %swap3A_79 = arith.constant 0 : i32
    %swap3A_80 = arith.index_cast %swap3A_79 : i32 to index
    %swap3A_81 = arith.constant 48 : index
    %swap3A_82 = tpu.vector_load %arg6[%swap3A_80, %swap3A_81] {strides = array<i32>} : memref<3x64xi32, #tpu.memory_space<vmem>>, vector<1x16xi32>,
    %swap3A_83 = vector.shape_cast %swap3A_82 : vector<1x16xi32> to vector<16xi32>
    %swap3A_84 = vector.shape_cast %and3A_78 : vector<16xi32> to vector<1x16xi32>
    tpu.vector_store %arg6[%swap3A_80, %swap3A_81], %swap3A_84 {strides = array<i32>} : memref<3x64xi32, #tpu.memory_space<vmem>>, vector<1x16xi32>,
    %shift_right_logical3A_85 = arith.constant 14 : i32
    %shift_right_logical3A_86 = vector.broadcast %shift_right_logical3A_85 : i32 to vector<16xi32>
    %shift_right_logical3A_87 = arith.shrui %get3A_75, %shift_right_logical3A_86 : vector<16xi32>
    %swap3A_88 = arith.constant 0 : i32
    %swap3A_89 = arith.index_cast %swap3A_88 : i32 to index
    %swap3A_90 = arith.constant 48 : index
    %swap3A_91 = tpu.vector_load %arg7[%swap3A_89, %swap3A_90] {strides = array<i32>} : memref<3x64xi32, #tpu.memory_space<vmem>>, vector<1x16xi32>,
    %swap3A_92 = vector.shape_cast %swap3A_91 : vector<1x16xi32> to vector<16xi32>
    %swap3A_93 = vector.shape_cast %shift_right_logical3A_87 : vector<16xi32> to vector<1x16xi32>
    tpu.vector_store %arg7[%swap3A_89, %swap3A_90], %swap3A_93 {strides = array<i32>} : memref<3x64xi32, #tpu.memory_space<vmem>>, vector<1x16xi32>,
    %dma_start3A_94 = arith.constant 0 : i32
    %dma_start3A_95 = arith.constant 0 : i32
    %dma_start3A_96 = tpu.memref_slice %arg6[%dma_start3A_94, %dma_start3A_95] : memref<3x64xi32, #tpu.memory_space<vmem>> -> memref<1x64xi32, #tpu.memory_space<vmem>>
    %dma_start3A_97 = tpu.memref_squeeze %dma_start3A_96 : memref<1x64xi32, #tpu.memory_space<vmem>> -> memref<64xi32, #tpu.memory_space<vmem>>
    %dma_start3A_98 = arith.constant 0 : i32
    %dma_start3A_99 = arith.constant 0 : i32
    %dma_start3A_100 = tpu.memref_slice %arg2[%dma_start3A_98, %dma_start3A_99] : memref<10112x128xf32, #tpu.memory_space<hbm>> -> memref<10112x128xf32, #tpu.memory_space<hbm>>
    tpu.enqueue_indirect_dma source(%dma_start3A_100 : memref<10112x128xf32, #tpu.memory_space<hbm>>) target(%arg8 : memref<64x128xf32, #tpu.memory_space<vmem>>) offsets(%dma_start3A_97 : memref<64xi32, #tpu.memory_space<vmem>>) semaphore(%arg12 : memref<!tpu.dma_semaphore, #tpu.memory_space<semaphore_mem>>)
    %get3A_101 = arith.constant 1 : i32
    %get3A_102 = arith.index_cast %get3A_101 : i32 to index
    %get3A_103 = arith.constant 0 : index
    %get3A_104 = tpu.vector_load %arg5[%get3A_102, %get3A_103] {strides = array<i32>} : memref<159x64xi32, #tpu.memory_space<vmem>>, vector<1x16xi32>,
    %get3A_105 = vector.shape_cast %get3A_104 : vector<1x16xi32> to vector<16xi32>
    %and3A_106 = arith.constant 16383 : i32
    %and3A_107 = vector.broadcast %and3A_106 : i32 to vector<16xi32>
    %and3A_108 = arith.andi %get3A_105, %and3A_107 : vector<16xi32>
    %swap3A_109 = arith.constant 1 : i32
    %swap3A_110 = arith.index_cast %swap3A_109 : i32 to index
    %swap3A_111 = arith.constant 0 : index
    %swap3A_112 = tpu.vector_load %arg6[%swap3A_110, %swap3A_111] {strides = array<i32>} : memref<3x64xi32, #tpu.memory_space<vmem>>, vector<1x16xi32>,
    %swap3A_113 = vector.shape_cast %swap3A_112 : vector<1x16xi32> to vector<16xi32>
    %swap3A_114 = vector.shape_cast %and3A_108 : vector<16xi32> to vector<1x16xi32>
    tpu.vector_store %arg6[%swap3A_110, %swap3A_111], %swap3A_114 {strides = array<i32>} : memref<3x64xi32, #tpu.memory_space<vmem>>, vector<1x16xi32>,
    %shift_right_logical3A_115 = arith.constant 14 : i32
    %shift_right_logical3A_116 = vector.broadcast %shift_right_logical3A_115 : i32 to vector<16xi32>
    %shift_right_logical3A_117 = arith.shrui %get3A_105, %shift_right_logical3A_116 : vector<16xi32>
    %swap3A_118 = arith.constant 1 : i32
    %swap3A_119 = arith.index_cast %swap3A_118 : i32 to index
    %swap3A_120 = arith.constant 0 : index
    %swap3A_121 = tpu.vector_load %arg7[%swap3A_119, %swap3A_120] {strides = array<i32>} : memref<3x64xi32, #tpu.memory_space<vmem>>, vector<1x16xi32>,
    %swap3A_122 = vector.shape_cast %swap3A_121 : vector<1x16xi32> to vector<16xi32>
    %swap3A_123 = vector.shape_cast %shift_right_logical3A_117 : vector<16xi32> to vector<1x16xi32>
    tpu.vector_store %arg7[%swap3A_119, %swap3A_120], %swap3A_123 {strides = array<i32>} : memref<3x64xi32, #tpu.memory_space<vmem>>, vector<1x16xi32>,
    %get3A_124 = arith.constant 1 : i32
    %get3A_125 = arith.index_cast %get3A_124 : i32 to index
    %get3A_126 = arith.constant 16 : index
    %get3A_127 = tpu.vector_load %arg5[%get3A_125, %get3A_126] {strides = array<i32>} : memref<159x64xi32, #tpu.memory_space<vmem>>, vector<1x16xi32>,
    %get3A_128 = vector.shape_cast %get3A_127 : vector<1x16xi32> to vector<16xi32>
    %and3A_129 = arith.constant 16383 : i32
    %and3A_130 = vector.broadcast %and3A_129 : i32 to vector<16xi32>
    %and3A_131 = arith.andi %get3A_128, %and3A_130 : vector<16xi32>
    %swap3A_132 = arith.constant 1 : i32
    %swap3A_133 = arith.index_cast %swap3A_132 : i32 to index
    %swap3A_134 = arith.constant 16 : index
    %swap3A_135 = tpu.vector_load %arg6[%swap3A_133, %swap3A_134] {strides = array<i32>} : memref<3x64xi32, #tpu.memory_space<vmem>>, vector<1x16xi32>,
    %swap3A_136 = vector.shape_cast %swap3A_135 : vector<1x16xi32> to vector<16xi32>
    %swap3A_137 = vector.shape_cast %and3A_131 : vector<16xi32> to vector<1x16xi32>
    tpu.vector_store %arg6[%swap3A_133, %swap3A_134], %swap3A_137 {strides = array<i32>} : memref<3x64xi32, #tpu.memory_space<vmem>>, vector<1x16xi32>,
    %shift_right_logical3A_138 = arith.constant 14 : i32
    %shift_right_logical3A_139 = vector.broadcast %shift_right_logical3A_138 : i32 to vector<16xi32>
    %shift_right_logical3A_140 = arith.shrui %get3A_128, %shift_right_logical3A_139 : vector<16xi32>
    %swap3A_141 = arith.constant 1 : i32
    %swap3A_142 = arith.index_cast %swap3A_141 : i32 to index
    %swap3A_143 = arith.constant 16 : index
    %swap3A_144 = tpu.vector_load %arg7[%swap3A_142, %swap3A_143] {strides = array<i32>} : memref<3x64xi32, #tpu.memory_space<vmem>>, vector<1x16xi32>,
    %swap3A_145 = vector.shape_cast %swap3A_144 : vector<1x16xi32> to vector<16xi32>
    %swap3A_146 = vector.shape_cast %shift_right_logical3A_140 : vector<16xi32> to vector<1x16xi32>
    tpu.vector_store %arg7[%swap3A_142, %swap3A_143], %swap3A_146 {strides = array<i32>} : memref<3x64xi32, #tpu.memory_space<vmem>>, vector<1x16xi32>,
    %get3A_147 = arith.constant 1 : i32
    %get3A_148 = arith.index_cast %get3A_147 : i32 to index
    %get3A_149 = arith.constant 32 : index
    %get3A_150 = tpu.vector_load %arg5[%get3A_148, %get3A_149] {strides = array<i32>} : memref<159x64xi32, #tpu.memory_space<vmem>>, vector<1x16xi32>,
    %get3A_151 = vector.shape_cast %get3A_150 : vector<1x16xi32> to vector<16xi32>
    %and3A_152 = arith.constant 16383 : i32
    %and3A_153 = vector.broadcast %and3A_152 : i32 to vector<16xi32>
    %and3A_154 = arith.andi %get3A_151, %and3A_153 : vector<16xi32>
    %swap3A_155 = arith.constant 1 : i32
    %swap3A_156 = arith.index_cast %swap3A_155 : i32 to index
    %swap3A_157 = arith.constant 32 : index
    %swap3A_158 = tpu.vector_load %arg6[%swap3A_156, %swap3A_157] {strides = array<i32>} : memref<3x64xi32, #tpu.memory_space<vmem>>, vector<1x16xi32>,
    %swap3A_159 = vector.shape_cast %swap3A_158 : vector<1x16xi32> to vector<16xi32>
    %swap3A_160 = vector.shape_cast %and3A_154 : vector<16xi32> to vector<1x16xi32>
    tpu.vector_store %arg6[%swap3A_156, %swap3A_157], %swap3A_160 {strides = array<i32>} : memref<3x64xi32, #tpu.memory_space<vmem>>, vector<1x16xi32>,
    %shift_right_logical3A_161 = arith.constant 14 : i32
    %shift_right_logical3A_162 = vector.broadcast %shift_right_logical3A_161 : i32 to vector<16xi32>
    %shift_right_logical3A_163 = arith.shrui %get3A_151, %shift_right_logical3A_162 : vector<16xi32>
    %swap3A_164 = arith.constant 1 : i32
    %swap3A_165 = arith.index_cast %swap3A_164 : i32 to index
    %swap3A_166 = arith.constant 32 : index
    %swap3A_167 = tpu.vector_load %arg7[%swap3A_165, %swap3A_166] {strides = array<i32>} : memref<3x64xi32, #tpu.memory_space<vmem>>, vector<1x16xi32>,
    %swap3A_168 = vector.shape_cast %swap3A_167 : vector<1x16xi32> to vector<16xi32>
    %swap3A_169 = vector.shape_cast %shift_right_logical3A_163 : vector<16xi32> to vector<1x16xi32>
    tpu.vector_store %arg7[%swap3A_165, %swap3A_166], %swap3A_169 {strides = array<i32>} : memref<3x64xi32, #tpu.memory_space<vmem>>, vector<1x16xi32>,
    %get3A_170 = arith.constant 1 : i32
    %get3A_171 = arith.index_cast %get3A_170 : i32 to index
    %get3A_172 = arith.constant 48 : index
    %get3A_173 = tpu.vector_load %arg5[%get3A_171, %get3A_172] {strides = array<i32>} : memref<159x64xi32, #tpu.memory_space<vmem>>, vector<1x16xi32>,
    %get3A_174 = vector.shape_cast %get3A_173 : vector<1x16xi32> to vector<16xi32>
    %and3A_175 = arith.constant 16383 : i32
    %and3A_176 = vector.broadcast %and3A_175 : i32 to vector<16xi32>
    %and3A_177 = arith.andi %get3A_174, %and3A_176 : vector<16xi32>
    %swap3A_178 = arith.constant 1 : i32
    %swap3A_179 = arith.index_cast %swap3A_178 : i32 to index
    %swap3A_180 = arith.constant 48 : index
    %swap3A_181 = tpu.vector_load %arg6[%swap3A_179, %swap3A_180] {strides = array<i32>} : memref<3x64xi32, #tpu.memory_space<vmem>>, vector<1x16xi32>,
    %swap3A_182 = vector.shape_cast %swap3A_181 : vector<1x16xi32> to vector<16xi32>
    %swap3A_183 = vector.shape_cast %and3A_177 : vector<16xi32> to vector<1x16xi32>
    tpu.vector_store %arg6[%swap3A_179, %swap3A_180], %swap3A_183 {strides = array<i32>} : memref<3x64xi32, #tpu.memory_space<vmem>>, vector<1x16xi32>,
    %shift_right_logical3A_184 = arith.constant 14 : i32
    %shift_right_logical3A_185 = vector.broadcast %shift_right_logical3A_184 : i32 to vector<16xi32>
    %shift_right_logical3A_186 = arith.shrui %get3A_174, %shift_right_logical3A_185 : vector<16xi32>
    %swap3A_187 = arith.constant 1 : i32
    %swap3A_188 = arith.index_cast %swap3A_187 : i32 to index
    %swap3A_189 = arith.constant 48 : index
    %swap3A_190 = tpu.vector_load %arg7[%swap3A_188, %swap3A_189] {strides = array<i32>} : memref<3x64xi32, #tpu.memory_space<vmem>>, vector<1x16xi32>,
    %swap3A_191 = vector.shape_cast %swap3A_190 : vector<1x16xi32> to vector<16xi32>
    %swap3A_192 = vector.shape_cast %shift_right_logical3A_186 : vector<16xi32> to vector<1x16xi32>
    tpu.vector_store %arg7[%swap3A_188, %swap3A_189], %swap3A_192 {strides = array<i32>} : memref<3x64xi32, #tpu.memory_space<vmem>>, vector<1x16xi32>,
    %dma_start3A_193 = arith.constant 1 : i32
    %dma_start3A_194 = arith.constant 0 : i32
    %dma_start3A_195 = tpu.memref_slice %arg6[%dma_start3A_193, %dma_start3A_194] : memref<3x64xi32, #tpu.memory_space<vmem>> -> memref<1x64xi32, #tpu.memory_space<vmem>>
    %dma_start3A_196 = tpu.memref_squeeze %dma_start3A_195 : memref<1x64xi32, #tpu.memory_space<vmem>> -> memref<64xi32, #tpu.memory_space<vmem>>
    %dma_start3A_197 = arith.constant 0 : i32
    %dma_start3A_198 = arith.constant 0 : i32
    %dma_start3A_199 = tpu.memref_slice %arg2[%dma_start3A_197, %dma_start3A_198] : memref<10112x128xf32, #tpu.memory_space<hbm>> -> memref<10112x128xf32, #tpu.memory_space<hbm>>
    tpu.enqueue_indirect_dma source(%dma_start3A_199 : memref<10112x128xf32, #tpu.memory_space<hbm>>) target(%arg9 : memref<64x128xf32, #tpu.memory_space<vmem>>) offsets(%dma_start3A_196 : memref<64xi32, #tpu.memory_space<vmem>>) semaphore(%arg13 : memref<!tpu.dma_semaphore, #tpu.memory_space<semaphore_mem>>)
    %get3A_200 = arith.constant 2 : i32
    %get3A_201 = arith.index_cast %get3A_200 : i32 to index
    %get3A_202 = arith.constant 0 : index
    %get3A_203 = tpu.vector_load %arg5[%get3A_201, %get3A_202] {strides = array<i32>} : memref<159x64xi32, #tpu.memory_space<vmem>>, vector<1x16xi32>,
    %get3A_204 = vector.shape_cast %get3A_203 : vector<1x16xi32> to vector<16xi32>
    %and3A_205 = arith.constant 16383 : i32
    %and3A_206 = vector.broadcast %and3A_205 : i32 to vector<16xi32>
    %and3A_207 = arith.andi %get3A_204, %and3A_206 : vector<16xi32>
    %swap3A_208 = arith.constant 2 : i32
    %swap3A_209 = arith.index_cast %swap3A_208 : i32 to index
    %swap3A_210 = arith.constant 0 : index
    %swap3A_211 = tpu.vector_load %arg6[%swap3A_209, %swap3A_210] {strides = array<i32>} : memref<3x64xi32, #tpu.memory_space<vmem>>, vector<1x16xi32>,
    %swap3A_212 = vector.shape_cast %swap3A_211 : vector<1x16xi32> to vector<16xi32>
    %swap3A_213 = vector.shape_cast %and3A_207 : vector<16xi32> to vector<1x16xi32>
    tpu.vector_store %arg6[%swap3A_209, %swap3A_210], %swap3A_213 {strides = array<i32>} : memref<3x64xi32, #tpu.memory_space<vmem>>, vector<1x16xi32>,
    %shift_right_logical3A_214 = arith.constant 14 : i32
    %shift_right_logical3A_215 = vector.broadcast %shift_right_logical3A_214 : i32 to vector<16xi32>
    %shift_right_logical3A_216 = arith.shrui %get3A_204, %shift_right_logical3A_215 : vector<16xi32>
    %swap3A_217 = arith.constant 2 : i32
    %swap3A_218 = arith.index_cast %swap3A_217 : i32 to index
    %swap3A_219 = arith.constant 0 : index
    %swap3A_220 = tpu.vector_load %arg7[%swap3A_218, %swap3A_219] {strides = array<i32>} : memref<3x64xi32, #tpu.memory_space<vmem>>, vector<1x16xi32>,
    %swap3A_221 = vector.shape_cast %swap3A_220 : vector<1x16xi32> to vector<16xi32>
    %swap3A_222 = vector.shape_cast %shift_right_logical3A_216 : vector<16xi32> to vector<1x16xi32>
    tpu.vector_store %arg7[%swap3A_218, %swap3A_219], %swap3A_222 {strides = array<i32>} : memref<3x64xi32, #tpu.memory_space<vmem>>, vector<1x16xi32>,
    %get3A_223 = arith.constant 2 : i32
    %get3A_224 = arith.index_cast %get3A_223 : i32 to index
    %get3A_225 = arith.constant 16 : index
    %get3A_226 = tpu.vector_load %arg5[%get3A_224, %get3A_225] {strides = array<i32>} : memref<159x64xi32, #tpu.memory_space<vmem>>, vector<1x16xi32>,
    %get3A_227 = vector.shape_cast %get3A_226 : vector<1x16xi32> to vector<16xi32>
    %and3A_228 = arith.constant 16383 : i32
    %and3A_229 = vector.broadcast %and3A_228 : i32 to vector<16xi32>
    %and3A_230 = arith.andi %get3A_227, %and3A_229 : vector<16xi32>
    %swap3A_231 = arith.constant 2 : i32
    %swap3A_232 = arith.index_cast %swap3A_231 : i32 to index
    %swap3A_233 = arith.constant 16 : index
    %swap3A_234 = tpu.vector_load %arg6[%swap3A_232, %swap3A_233] {strides = array<i32>} : memref<3x64xi32, #tpu.memory_space<vmem>>, vector<1x16xi32>,
    %swap3A_235 = vector.shape_cast %swap3A_234 : vector<1x16xi32> to vector<16xi32>
    %swap3A_236 = vector.shape_cast %and3A_230 : vector<16xi32> to vector<1x16xi32>
    tpu.vector_store %arg6[%swap3A_232, %swap3A_233], %swap3A_236 {strides = array<i32>} : memref<3x64xi32, #tpu.memory_space<vmem>>, vector<1x16xi32>,
    %shift_right_logical3A_237 = arith.constant 14 : i32
    %shift_right_logical3A_238 = vector.broadcast %shift_right_logical3A_237 : i32 to vector<16xi32>
    %shift_right_logical3A_239 = arith.shrui %get3A_227, %shift_right_logical3A_238 : vector<16xi32>
    %swap3A_240 = arith.constant 2 : i32
    %swap3A_241 = arith.index_cast %swap3A_240 : i32 to index
    %swap3A_242 = arith.constant 16 : index
    %swap3A_243 = tpu.vector_load %arg7[%swap3A_241, %swap3A_242] {strides = array<i32>} : memref<3x64xi32, #tpu.memory_space<vmem>>, vector<1x16xi32>,
    %swap3A_244 = vector.shape_cast %swap3A_243 : vector<1x16xi32> to vector<16xi32>
    %swap3A_245 = vector.shape_cast %shift_right_logical3A_239 : vector<16xi32> to vector<1x16xi32>
    tpu.vector_store %arg7[%swap3A_241, %swap3A_242], %swap3A_245 {strides = array<i32>} : memref<3x64xi32, #tpu.memory_space<vmem>>, vector<1x16xi32>,
    %get3A_246 = arith.constant 2 : i32
    %get3A_247 = arith.index_cast %get3A_246 : i32 to index
    %get3A_248 = arith.constant 32 : index
    %get3A_249 = tpu.vector_load %arg5[%get3A_247, %get3A_248] {strides = array<i32>} : memref<159x64xi32, #tpu.memory_space<vmem>>, vector<1x16xi32>,
    %get3A_250 = vector.shape_cast %get3A_249 : vector<1x16xi32> to vector<16xi32>
    %and3A_251 = arith.constant 16383 : i32
    %and3A_252 = vector.broadcast %and3A_251 : i32 to vector<16xi32>
    %and3A_253 = arith.andi %get3A_250, %and3A_252 : vector<16xi32>
    %swap3A_254 = arith.constant 2 : i32
    %swap3A_255 = arith.index_cast %swap3A_254 : i32 to index
    %swap3A_256 = arith.constant 32 : index
    %swap3A_257 = tpu.vector_load %arg6[%swap3A_255, %swap3A_256] {strides = array<i32>} : memref<3x64xi32, #tpu.memory_space<vmem>>, vector<1x16xi32>,
    %swap3A_258 = vector.shape_cast %swap3A_257 : vector<1x16xi32> to vector<16xi32>
    %swap3A_259 = vector.shape_cast %and3A_253 : vector<16xi32> to vector<1x16xi32>
    tpu.vector_store %arg6[%swap3A_255, %swap3A_256], %swap3A_259 {strides = array<i32>} : memref<3x64xi32, #tpu.memory_space<vmem>>, vector<1x16xi32>,
    %shift_right_logical3A_260 = arith.constant 14 : i32
    %shift_right_logical3A_261 = vector.broadcast %shift_right_logical3A_260 : i32 to vector<16xi32>
    %shift_right_logical3A_262 = arith.shrui %get3A_250, %shift_right_logical3A_261 : vector<16xi32>
    %swap3A_263 = arith.constant 2 : i32
    %swap3A_264 = arith.index_cast %swap3A_263 : i32 to index
    %swap3A_265 = arith.constant 32 : index
    %swap3A_266 = tpu.vector_load %arg7[%swap3A_264, %swap3A_265] {strides = array<i32>} : memref<3x64xi32, #tpu.memory_space<vmem>>, vector<1x16xi32>,
    %swap3A_267 = vector.shape_cast %swap3A_266 : vector<1x16xi32> to vector<16xi32>
    %swap3A_268 = vector.shape_cast %shift_right_logical3A_262 : vector<16xi32> to vector<1x16xi32>
    tpu.vector_store %arg7[%swap3A_264, %swap3A_265], %swap3A_268 {strides = array<i32>} : memref<3x64xi32, #tpu.memory_space<vmem>>, vector<1x16xi32>,
    %get3A_269 = arith.constant 2 : i32
    %get3A_270 = arith.index_cast %get3A_269 : i32 to index
    %get3A_271 = arith.constant 48 : index
    %get3A_272 = tpu.vector_load %arg5[%get3A_270, %get3A_271] {strides = array<i32>} : memref<159x64xi32, #tpu.memory_space<vmem>>, vector<1x16xi32>,
    %get3A_273 = vector.shape_cast %get3A_272 : vector<1x16xi32> to vector<16xi32>
    %and3A_274 = arith.constant 16383 : i32
    %and3A_275 = vector.broadcast %and3A_274 : i32 to vector<16xi32>
    %and3A_276 = arith.andi %get3A_273, %and3A_275 : vector<16xi32>
    %swap3A_277 = arith.constant 2 : i32
    %swap3A_278 = arith.index_cast %swap3A_277 : i32 to index
    %swap3A_279 = arith.constant 48 : index
    %swap3A_280 = tpu.vector_load %arg6[%swap3A_278, %swap3A_279] {strides = array<i32>} : memref<3x64xi32, #tpu.memory_space<vmem>>, vector<1x16xi32>,
    %swap3A_281 = vector.shape_cast %swap3A_280 : vector<1x16xi32> to vector<16xi32>
    %swap3A_282 = vector.shape_cast %and3A_276 : vector<16xi32> to vector<1x16xi32>
    tpu.vector_store %arg6[%swap3A_278, %swap3A_279], %swap3A_282 {strides = array<i32>} : memref<3x64xi32, #tpu.memory_space<vmem>>, vector<1x16xi32>,
    %shift_right_logical3A_283 = arith.constant 14 : i32
    %shift_right_logical3A_284 = vector.broadcast %shift_right_logical3A_283 : i32 to vector<16xi32>
    %shift_right_logical3A_285 = arith.shrui %get3A_273, %shift_right_logical3A_284 : vector<16xi32>
    %swap3A_286 = arith.constant 2 : i32
    %swap3A_287 = arith.index_cast %swap3A_286 : i32 to index
    %swap3A_288 = arith.constant 48 : index
    %swap3A_289 = tpu.vector_load %arg7[%swap3A_287, %swap3A_288] {strides = array<i32>} : memref<3x64xi32, #tpu.memory_space<vmem>>, vector<1x16xi32>,
    %swap3A_290 = vector.shape_cast %swap3A_289 : vector<1x16xi32> to vector<16xi32>
    %swap3A_291 = vector.shape_cast %shift_right_logical3A_285 : vector<16xi32> to vector<1x16xi32>
    tpu.vector_store %arg7[%swap3A_287, %swap3A_288], %swap3A_291 {strides = array<i32>} : memref<3x64xi32, #tpu.memory_space<vmem>>, vector<1x16xi32>,
    %dma_start3A_292 = arith.constant 2 : i32
    %dma_start3A_293 = arith.constant 0 : i32
    %dma_start3A_294 = tpu.memref_slice %arg6[%dma_start3A_292, %dma_start3A_293] : memref<3x64xi32, #tpu.memory_space<vmem>> -> memref<1x64xi32, #tpu.memory_space<vmem>>
    %dma_start3A_295 = tpu.memref_squeeze %dma_start3A_294 : memref<1x64xi32, #tpu.memory_space<vmem>> -> memref<64xi32, #tpu.memory_space<vmem>>
    %dma_start3A_296 = arith.constant 0 : i32
    %dma_start3A_297 = arith.constant 0 : i32
    %dma_start3A_298 = tpu.memref_slice %arg2[%dma_start3A_296, %dma_start3A_297] : memref<10112x128xf32, #tpu.memory_space<hbm>> -> memref<10112x128xf32, #tpu.memory_space<hbm>>
    tpu.enqueue_indirect_dma source(%dma_start3A_298 : memref<10112x128xf32, #tpu.memory_space<hbm>>) target(%arg10 : memref<64x128xf32, #tpu.memory_space<vmem>>) offsets(%dma_start3A_295 : memref<64xi32, #tpu.memory_space<vmem>>) semaphore(%arg14 : memref<!tpu.dma_semaphore, #tpu.memory_space<semaphore_mem>>)
    %dma_wait3A = arith.constant 0 : i32
    %dma_wait3A_299 = tpu.memref_slice %arg11[%mul3A_2, %dma_wait3A] : memref<10112x128xf32, #tpu.memory_space<vmem_shared>> -> memref<632x128xf32, #tpu.memory_space<vmem_shared>>
    %dma_wait3A_300 = arith.constant 0 : i32
    %dma_wait3A_301 = tpu.memref_slice %arg2[%mul3A_2, %dma_wait3A_300] : memref<10112x128xf32, #tpu.memory_space<hbm>> -> memref<632x128xf32, #tpu.memory_space<hbm>>
    tpu.wait_dma2 semaphore(%arg15 : memref<!tpu.dma_semaphore, #tpu.memory_space<semaphore_mem>>) src(%dma_wait3A_301 : memref<632x128xf32, #tpu.memory_space<hbm>>) dst(%dma_wait3A_299 : memref<632x128xf32, #tpu.memory_space<vmem_shared>>)
    %barrier3A = arith.constant 0 : index
    tpu.barrier barrier_id(%barrier3A)
    %scan3A = arith.constant 0 : i32
    %scan3A_302 = arith.constant 0 : i32
    %scan3A_303 = arith.constant 52 : i32
    %scan3A_304 = arith.addi %scan3A_302, %scan3A_303 : i32
    %scan3A_305 = arith.constant 1 : i32
    scf.for %scan3A_331 = %scan3A_302 to %scan3A_304 step %scan3A_305  : i32 {
      %mul3A_332 = arith.constant 3 : i32
      %mul3A_333 = arith.muli %mul3A_332, %scan3A_331 : i32
      %dma_wait3A_334 = arith.constant 0 : i32
      %dma_wait3A_335 = arith.constant 0 : i32
      %dma_wait3A_336 = tpu.memref_slice %arg6[%dma_wait3A_334, %dma_wait3A_335] : memref<3x64xi32, #tpu.memory_space<vmem>> -> memref<1x64xi32, #tpu.memory_space<vmem>>
      %dma_wait3A_337 = tpu.memref_squeeze %dma_wait3A_336 : memref<1x64xi32, #tpu.memory_space<vmem>> -> memref<64xi32, #tpu.memory_space<vmem>>
      %dma_wait3A_338 = arith.constant 0 : i32
      %dma_wait3A_339 = arith.constant 0 : i32
      %dma_wait3A_340 = tpu.memref_slice %arg2[%dma_wait3A_338, %dma_wait3A_339] : memref<10112x128xf32, #tpu.memory_space<hbm>> -> memref<10112x128xf32, #tpu.memory_space<hbm>>
      tpu.wait_indirect_dma semaphore(%arg12 : memref<!tpu.dma_semaphore, #tpu.memory_space<semaphore_mem>>) src(%dma_wait3A_340 : memref<10112x128xf32, #tpu.memory_space<hbm>>) dst(%arg8 : memref<64x128xf32, #tpu.memory_space<vmem>>)
      %run_scoped3A_341 = arith.constant 0 : i32
      "tpu.region"() ({
        %run_scoped3A_655 = tpu.sem_alloc : memref<!tpu.dma_semaphore, #tpu.memory_space<semaphore_mem>>
        %dma_start3A_656 = arith.constant 0 : i32
        %dma_start3A_657 = tpu.memref_slice %arg7[%run_scoped3A_341, %dma_start3A_656] : memref<3x64xi32, #tpu.memory_space<vmem>> -> memref<1x64xi32, #tpu.memory_space<vmem>>
        %dma_start3A_658 = tpu.memref_squeeze %dma_start3A_657 : memref<1x64xi32, #tpu.memory_space<vmem>> -> memref<64xi32, #tpu.memory_space<vmem>>
        %dma_start3A_659 = arith.constant 0 : i32
        %dma_start3A_660 = arith.constant 0 : i32
        %dma_start3A_661 = tpu.memref_slice %arg11[%dma_start3A_659, %dma_start3A_660] : memref<10112x128xf32, #tpu.memory_space<vmem_shared>> -> memref<10112x128xf32, #tpu.memory_space<vmem_shared>>
        tpu.enqueue_indirect_dma source(%arg8 : memref<64x128xf32, #tpu.memory_space<vmem>>) target(%dma_start3A_661 : memref<10112x128xf32, #tpu.memory_space<vmem_shared>>) offsets(%dma_start3A_658 : memref<64xi32, #tpu.memory_space<vmem>>) semaphore(%run_scoped3A_655 : memref<!tpu.dma_semaphore, #tpu.memory_space<semaphore_mem>>) {add = true}
        %dma_wait3A_662 = arith.constant 0 : i32
        %dma_wait3A_663 = tpu.memref_slice %arg7[%run_scoped3A_341, %dma_wait3A_662] : memref<3x64xi32, #tpu.memory_space<vmem>> -> memref<1x64xi32, #tpu.memory_space<vmem>>
        %dma_wait3A_664 = tpu.memref_squeeze %dma_wait3A_663 : memref<1x64xi32, #tpu.memory_space<vmem>> -> memref<64xi32, #tpu.memory_space<vmem>>
        %dma_wait3A_665 = arith.constant 0 : i32
        %dma_wait3A_666 = arith.constant 0 : i32
        %dma_wait3A_667 = tpu.memref_slice %arg11[%dma_wait3A_665, %dma_wait3A_666] : memref<10112x128xf32, #tpu.memory_space<vmem_shared>> -> memref<10112x128xf32, #tpu.memory_space<vmem_shared>>
        tpu.wait_indirect_dma semaphore(%run_scoped3A_655 : memref<!tpu.dma_semaphore, #tpu.memory_space<semaphore_mem>>) src(%arg8 : memref<64x128xf32, #tpu.memory_space<vmem>>) dst(%dma_wait3A_667 : memref<10112x128xf32, #tpu.memory_space<vmem_shared>>)
        tpu.yield
      }) : () -> ()
      %add3A_342 = arith.constant 0 : i32
      %add3A_343 = arith.addi %mul3A_333, %add3A_342 : i32
      %add3A_344 = arith.constant 3 : i32
      %add3A_345 = arith.addi %add3A_343, %add3A_344 : i32
      %get3A_346 = arith.index_cast %add3A_345 : i32 to index
      %get3A_347 = arith.constant 0 : index
      %get3A_348 = tpu.vector_load %arg5[%get3A_346, %get3A_347] {strides = array<i32>} : memref<159x64xi32, #tpu.memory_space<vmem>>, vector<1x16xi32>,
      %get3A_349 = vector.shape_cast %get3A_348 : vector<1x16xi32> to vector<16xi32>
      %and3A_350 = arith.constant 16383 : i32
      %and3A_351 = vector.broadcast %and3A_350 : i32 to vector<16xi32>
      %and3A_352 = arith.andi %get3A_349, %and3A_351 : vector<16xi32>
      %swap3A_353 = arith.constant 0 : i32
      %swap3A_354 = arith.index_cast %swap3A_353 : i32 to index
      %swap3A_355 = arith.constant 0 : index
      %swap3A_356 = tpu.vector_load %arg6[%swap3A_354, %swap3A_355] {strides = array<i32>} : memref<3x64xi32, #tpu.memory_space<vmem>>, vector<1x16xi32>,
      %swap3A_357 = vector.shape_cast %swap3A_356 : vector<1x16xi32> to vector<16xi32>
      %swap3A_358 = vector.shape_cast %and3A_352 : vector<16xi32> to vector<1x16xi32>
      tpu.vector_store %arg6[%swap3A_354, %swap3A_355], %swap3A_358 {strides = array<i32>} : memref<3x64xi32, #tpu.memory_space<vmem>>, vector<1x16xi32>,
      %shift_right_logical3A_359 = arith.constant 14 : i32
      %shift_right_logical3A_360 = vector.broadcast %shift_right_logical3A_359 : i32 to vector<16xi32>
      %shift_right_logical3A_361 = arith.shrui %get3A_349, %shift_right_logical3A_360 : vector<16xi32>
      %swap3A_362 = arith.constant 0 : i32
      %swap3A_363 = arith.index_cast %swap3A_362 : i32 to index
      %swap3A_364 = arith.constant 0 : index
      %swap3A_365 = tpu.vector_load %arg7[%swap3A_363, %swap3A_364] {strides = array<i32>} : memref<3x64xi32, #tpu.memory_space<vmem>>, vector<1x16xi32>,
      %swap3A_366 = vector.shape_cast %swap3A_365 : vector<1x16xi32> to vector<16xi32>
      %swap3A_367 = vector.shape_cast %shift_right_logical3A_361 : vector<16xi32> to vector<1x16xi32>
      tpu.vector_store %arg7[%swap3A_363, %swap3A_364], %swap3A_367 {strides = array<i32>} : memref<3x64xi32, #tpu.memory_space<vmem>>, vector<1x16xi32>,
      %get3A_368 = arith.index_cast %add3A_345 : i32 to index
      %get3A_369 = arith.constant 16 : index
      %get3A_370 = tpu.vector_load %arg5[%get3A_368, %get3A_369] {strides = array<i32>} : memref<159x64xi32, #tpu.memory_space<vmem>>, vector<1x16xi32>,
      %get3A_371 = vector.shape_cast %get3A_370 : vector<1x16xi32> to vector<16xi32>
      %and3A_372 = arith.constant 16383 : i32
      %and3A_373 = vector.broadcast %and3A_372 : i32 to vector<16xi32>
      %and3A_374 = arith.andi %get3A_371, %and3A_373 : vector<16xi32>
      %swap3A_375 = arith.constant 0 : i32
      %swap3A_376 = arith.index_cast %swap3A_375 : i32 to index
      %swap3A_377 = arith.constant 16 : index
      %swap3A_378 = tpu.vector_load %arg6[%swap3A_376, %swap3A_377] {strides = array<i32>} : memref<3x64xi32, #tpu.memory_space<vmem>>, vector<1x16xi32>,
      %swap3A_379 = vector.shape_cast %swap3A_378 : vector<1x16xi32> to vector<16xi32>
      %swap3A_380 = vector.shape_cast %and3A_374 : vector<16xi32> to vector<1x16xi32>
      tpu.vector_store %arg6[%swap3A_376, %swap3A_377], %swap3A_380 {strides = array<i32>} : memref<3x64xi32, #tpu.memory_space<vmem>>, vector<1x16xi32>,
      %shift_right_logical3A_381 = arith.constant 14 : i32
      %shift_right_logical3A_382 = vector.broadcast %shift_right_logical3A_381 : i32 to vector<16xi32>
      %shift_right_logical3A_383 = arith.shrui %get3A_371, %shift_right_logical3A_382 : vector<16xi32>
      %swap3A_384 = arith.constant 0 : i32
      %swap3A_385 = arith.index_cast %swap3A_384 : i32 to index
      %swap3A_386 = arith.constant 16 : index
      %swap3A_387 = tpu.vector_load %arg7[%swap3A_385, %swap3A_386] {strides = array<i32>} : memref<3x64xi32, #tpu.memory_space<vmem>>, vector<1x16xi32>,
      %swap3A_388 = vector.shape_cast %swap3A_387 : vector<1x16xi32> to vector<16xi32>
      %swap3A_389 = vector.shape_cast %shift_right_logical3A_383 : vector<16xi32> to vector<1x16xi32>
      tpu.vector_store %arg7[%swap3A_385, %swap3A_386], %swap3A_389 {strides = array<i32>} : memref<3x64xi32, #tpu.memory_space<vmem>>, vector<1x16xi32>,
      %get3A_390 = arith.index_cast %add3A_345 : i32 to index
      %get3A_391 = arith.constant 32 : index
      %get3A_392 = tpu.vector_load %arg5[%get3A_390, %get3A_391] {strides = array<i32>} : memref<159x64xi32, #tpu.memory_space<vmem>>, vector<1x16xi32>,
      %get3A_393 = vector.shape_cast %get3A_392 : vector<1x16xi32> to vector<16xi32>
      %and3A_394 = arith.constant 16383 : i32
      %and3A_395 = vector.broadcast %and3A_394 : i32 to vector<16xi32>
      %and3A_396 = arith.andi %get3A_393, %and3A_395 : vector<16xi32>
      %swap3A_397 = arith.constant 0 : i32
      %swap3A_398 = arith.index_cast %swap3A_397 : i32 to index
      %swap3A_399 = arith.constant 32 : index
      %swap3A_400 = tpu.vector_load %arg6[%swap3A_398, %swap3A_399] {strides = array<i32>} : memref<3x64xi32, #tpu.memory_space<vmem>>, vector<1x16xi32>,
      %swap3A_401 = vector.shape_cast %swap3A_400 : vector<1x16xi32> to vector<16xi32>
      %swap3A_402 = vector.shape_cast %and3A_396 : vector<16xi32> to vector<1x16xi32>
      tpu.vector_store %arg6[%swap3A_398, %swap3A_399], %swap3A_402 {strides = array<i32>} : memref<3x64xi32, #tpu.memory_space<vmem>>, vector<1x16xi32>,
      %shift_right_logical3A_403 = arith.constant 14 : i32
      %shift_right_logical3A_404 = vector.broadcast %shift_right_logical3A_403 : i32 to vector<16xi32>
      %shift_right_logical3A_405 = arith.shrui %get3A_393, %shift_right_logical3A_404 : vector<16xi32>
      %swap3A_406 = arith.constant 0 : i32
      %swap3A_407 = arith.index_cast %swap3A_406 : i32 to index
      %swap3A_408 = arith.constant 32 : index
      %swap3A_409 = tpu.vector_load %arg7[%swap3A_407, %swap3A_408] {strides = array<i32>} : memref<3x64xi32, #tpu.memory_space<vmem>>, vector<1x16xi32>,
      %swap3A_410 = vector.shape_cast %swap3A_409 : vector<1x16xi32> to vector<16xi32>
      %swap3A_411 = vector.shape_cast %shift_right_logical3A_405 : vector<16xi32> to vector<1x16xi32>
      tpu.vector_store %arg7[%swap3A_407, %swap3A_408], %swap3A_411 {strides = array<i32>} : memref<3x64xi32, #tpu.memory_space<vmem>>, vector<1x16xi32>,
      %get3A_412 = arith.index_cast %add3A_345 : i32 to index
      %get3A_413 = arith.constant 48 : index
      %get3A_414 = tpu.vector_load %arg5[%get3A_412, %get3A_413] {strides = array<i32>} : memref<159x64xi32, #tpu.memory_space<vmem>>, vector<1x16xi32>,
      %get3A_415 = vector.shape_cast %get3A_414 : vector<1x16xi32> to vector<16xi32>
      %and3A_416 = arith.constant 16383 : i32
      %and3A_417 = vector.broadcast %and3A_416 : i32 to vector<16xi32>
      %and3A_418 = arith.andi %get3A_415, %and3A_417 : vector<16xi32>
      %swap3A_419 = arith.constant 0 : i32
      %swap3A_420 = arith.index_cast %swap3A_419 : i32 to index
      %swap3A_421 = arith.constant 48 : index
      %swap3A_422 = tpu.vector_load %arg6[%swap3A_420, %swap3A_421] {strides = array<i32>} : memref<3x64xi32, #tpu.memory_space<vmem>>, vector<1x16xi32>,
      %swap3A_423 = vector.shape_cast %swap3A_422 : vector<1x16xi32> to vector<16xi32>
      %swap3A_424 = vector.shape_cast %and3A_418 : vector<16xi32> to vector<1x16xi32>
      tpu.vector_store %arg6[%swap3A_420, %swap3A_421], %swap3A_424 {strides = array<i32>} : memref<3x64xi32, #tpu.memory_space<vmem>>, vector<1x16xi32>,
      %shift_right_logical3A_425 = arith.constant 14 : i32
      %shift_right_logical3A_426 = vector.broadcast %shift_right_logical3A_425 : i32 to vector<16xi32>
      %shift_right_logical3A_427 = arith.shrui %get3A_415, %shift_right_logical3A_426 : vector<16xi32>
      %swap3A_428 = arith.constant 0 : i32
      %swap3A_429 = arith.index_cast %swap3A_428 : i32 to index
      %swap3A_430 = arith.constant 48 : index
      %swap3A_431 = tpu.vector_load %arg7[%swap3A_429, %swap3A_430] {strides = array<i32>} : memref<3x64xi32, #tpu.memory_space<vmem>>, vector<1x16xi32>,
      %swap3A_432 = vector.shape_cast %swap3A_431 : vector<1x16xi32> to vector<16xi32>
      %swap3A_433 = vector.shape_cast %shift_right_logical3A_427 : vector<16xi32> to vector<1x16xi32>
      tpu.vector_store %arg7[%swap3A_429, %swap3A_430], %swap3A_433 {strides = array<i32>} : memref<3x64xi32, #tpu.memory_space<vmem>>, vector<1x16xi32>,
      %dma_start3A_434 = arith.constant 0 : i32
      %dma_start3A_435 = arith.constant 0 : i32
      %dma_start3A_436 = tpu.memref_slice %arg6[%dma_start3A_434, %dma_start3A_435] : memref<3x64xi32, #tpu.memory_space<vmem>> -> memref<1x64xi32, #tpu.memory_space<vmem>>
      %dma_start3A_437 = tpu.memref_squeeze %dma_start3A_436 : memref<1x64xi32, #tpu.memory_space<vmem>> -> memref<64xi32, #tpu.memory_space<vmem>>
      %dma_start3A_438 = arith.constant 0 : i32
      %dma_start3A_439 = arith.constant 0 : i32
      %dma_start3A_440 = tpu.memref_slice %arg2[%dma_start3A_438, %dma_start3A_439] : memref<10112x128xf32, #tpu.memory_space<hbm>> -> memref<10112x128xf32, #tpu.memory_space<hbm>>
      tpu.enqueue_indirect_dma source(%dma_start3A_440 : memref<10112x128xf32, #tpu.memory_space<hbm>>) target(%arg8 : memref<64x128xf32, #tpu.memory_space<vmem>>) offsets(%dma_start3A_437 : memref<64xi32, #tpu.memory_space<vmem>>) semaphore(%arg12 : memref<!tpu.dma_semaphore, #tpu.memory_space<semaphore_mem>>)
      %dma_wait3A_441 = arith.constant 1 : i32
      %dma_wait3A_442 = arith.constant 0 : i32
      %dma_wait3A_443 = tpu.memref_slice %arg6[%dma_wait3A_441, %dma_wait3A_442] : memref<3x64xi32, #tpu.memory_space<vmem>> -> memref<1x64xi32, #tpu.memory_space<vmem>>
      %dma_wait3A_444 = tpu.memref_squeeze %dma_wait3A_443 : memref<1x64xi32, #tpu.memory_space<vmem>> -> memref<64xi32, #tpu.memory_space<vmem>>
      %dma_wait3A_445 = arith.constant 0 : i32
      %dma_wait3A_446 = arith.constant 0 : i32
      %dma_wait3A_447 = tpu.memref_slice %arg2[%dma_wait3A_445, %dma_wait3A_446] : memref<10112x128xf32, #tpu.memory_space<hbm>> -> memref<10112x128xf32, #tpu.memory_space<hbm>>
      tpu.wait_indirect_dma semaphore(%arg13 : memref<!tpu.dma_semaphore, #tpu.memory_space<semaphore_mem>>) src(%dma_wait3A_447 : memref<10112x128xf32, #tpu.memory_space<hbm>>) dst(%arg9 : memref<64x128xf32, #tpu.memory_space<vmem>>)
      %run_scoped3A_448 = arith.constant 1 : i32
      "tpu.region"() ({
        %run_scoped3A_655 = tpu.sem_alloc : memref<!tpu.dma_semaphore, #tpu.memory_space<semaphore_mem>>
        %dma_start3A_656 = arith.constant 0 : i32
        %dma_start3A_657 = tpu.memref_slice %arg7[%run_scoped3A_448, %dma_start3A_656] : memref<3x64xi32, #tpu.memory_space<vmem>> -> memref<1x64xi32, #tpu.memory_space<vmem>>
        %dma_start3A_658 = tpu.memref_squeeze %dma_start3A_657 : memref<1x64xi32, #tpu.memory_space<vmem>> -> memref<64xi32, #tpu.memory_space<vmem>>
        %dma_start3A_659 = arith.constant 0 : i32
        %dma_start3A_660 = arith.constant 0 : i32
        %dma_start3A_661 = tpu.memref_slice %arg11[%dma_start3A_659, %dma_start3A_660] : memref<10112x128xf32, #tpu.memory_space<vmem_shared>> -> memref<10112x128xf32, #tpu.memory_space<vmem_shared>>
        tpu.enqueue_indirect_dma source(%arg9 : memref<64x128xf32, #tpu.memory_space<vmem>>) target(%dma_start3A_661 : memref<10112x128xf32, #tpu.memory_space<vmem_shared>>) offsets(%dma_start3A_658 : memref<64xi32, #tpu.memory_space<vmem>>) semaphore(%run_scoped3A_655 : memref<!tpu.dma_semaphore, #tpu.memory_space<semaphore_mem>>) {add = true}
        %dma_wait3A_662 = arith.constant 0 : i32
        %dma_wait3A_663 = tpu.memref_slice %arg7[%run_scoped3A_448, %dma_wait3A_662] : memref<3x64xi32, #tpu.memory_space<vmem>> -> memref<1x64xi32, #tpu.memory_space<vmem>>
        %dma_wait3A_664 = tpu.memref_squeeze %dma_wait3A_663 : memref<1x64xi32, #tpu.memory_space<vmem>> -> memref<64xi32, #tpu.memory_space<vmem>>
        %dma_wait3A_665 = arith.constant 0 : i32
        %dma_wait3A_666 = arith.constant 0 : i32
        %dma_wait3A_667 = tpu.memref_slice %arg11[%dma_wait3A_665, %dma_wait3A_666] : memref<10112x128xf32, #tpu.memory_space<vmem_shared>> -> memref<10112x128xf32, #tpu.memory_space<vmem_shared>>
        tpu.wait_indirect_dma semaphore(%run_scoped3A_655 : memref<!tpu.dma_semaphore, #tpu.memory_space<semaphore_mem>>) src(%arg9 : memref<64x128xf32, #tpu.memory_space<vmem>>) dst(%dma_wait3A_667 : memref<10112x128xf32, #tpu.memory_space<vmem_shared>>)
        tpu.yield
      }) : () -> ()
      %add3A_449 = arith.constant 1 : i32
      %add3A_450 = arith.addi %mul3A_333, %add3A_449 : i32
      %add3A_451 = arith.constant 3 : i32
      %add3A_452 = arith.addi %add3A_450, %add3A_451 : i32
      %get3A_453 = arith.index_cast %add3A_452 : i32 to index
      %get3A_454 = arith.constant 0 : index
      %get3A_455 = tpu.vector_load %arg5[%get3A_453, %get3A_454] {strides = array<i32>} : memref<159x64xi32, #tpu.memory_space<vmem>>, vector<1x16xi32>,
      %get3A_456 = vector.shape_cast %get3A_455 : vector<1x16xi32> to vector<16xi32>
      %and3A_457 = arith.constant 16383 : i32
      %and3A_458 = vector.broadcast %and3A_457 : i32 to vector<16xi32>
      %and3A_459 = arith.andi %get3A_456, %and3A_458 : vector<16xi32>
      %swap3A_460 = arith.constant 1 : i32
      %swap3A_461 = arith.index_cast %swap3A_460 : i32 to index
      %swap3A_462 = arith.constant 0 : index
      %swap3A_463 = tpu.vector_load %arg6[%swap3A_461, %swap3A_462] {strides = array<i32>} : memref<3x64xi32, #tpu.memory_space<vmem>>, vector<1x16xi32>,
      %swap3A_464 = vector.shape_cast %swap3A_463 : vector<1x16xi32> to vector<16xi32>
      %swap3A_465 = vector.shape_cast %and3A_459 : vector<16xi32> to vector<1x16xi32>
      tpu.vector_store %arg6[%swap3A_461, %swap3A_462], %swap3A_465 {strides = array<i32>} : memref<3x64xi32, #tpu.memory_space<vmem>>, vector<1x16xi32>,
      %shift_right_logical3A_466 = arith.constant 14 : i32
      %shift_right_logical3A_467 = vector.broadcast %shift_right_logical3A_466 : i32 to vector<16xi32>
      %shift_right_logical3A_468 = arith.shrui %get3A_456, %shift_right_logical3A_467 : vector<16xi32>
      %swap3A_469 = arith.constant 1 : i32
      %swap3A_470 = arith.index_cast %swap3A_469 : i32 to index
      %swap3A_471 = arith.constant 0 : index
      %swap3A_472 = tpu.vector_load %arg7[%swap3A_470, %swap3A_471] {strides = array<i32>} : memref<3x64xi32, #tpu.memory_space<vmem>>, vector<1x16xi32>,
      %swap3A_473 = vector.shape_cast %swap3A_472 : vector<1x16xi32> to vector<16xi32>
      %swap3A_474 = vector.shape_cast %shift_right_logical3A_468 : vector<16xi32> to vector<1x16xi32>
      tpu.vector_store %arg7[%swap3A_470, %swap3A_471], %swap3A_474 {strides = array<i32>} : memref<3x64xi32, #tpu.memory_space<vmem>>, vector<1x16xi32>,
      %get3A_475 = arith.index_cast %add3A_452 : i32 to index
      %get3A_476 = arith.constant 16 : index
      %get3A_477 = tpu.vector_load %arg5[%get3A_475, %get3A_476] {strides = array<i32>} : memref<159x64xi32, #tpu.memory_space<vmem>>, vector<1x16xi32>,
      %get3A_478 = vector.shape_cast %get3A_477 : vector<1x16xi32> to vector<16xi32>
      %and3A_479 = arith.constant 16383 : i32
      %and3A_480 = vector.broadcast %and3A_479 : i32 to vector<16xi32>
      %and3A_481 = arith.andi %get3A_478, %and3A_480 : vector<16xi32>
      %swap3A_482 = arith.constant 1 : i32
      %swap3A_483 = arith.index_cast %swap3A_482 : i32 to index
      %swap3A_484 = arith.constant 16 : index
      %swap3A_485 = tpu.vector_load %arg6[%swap3A_483, %swap3A_484] {strides = array<i32>} : memref<3x64xi32, #tpu.memory_space<vmem>>, vector<1x16xi32>,
      %swap3A_486 = vector.shape_cast %swap3A_485 : vector<1x16xi32> to vector<16xi32>
      %swap3A_487 = vector.shape_cast %and3A_481 : vector<16xi32> to vector<1x16xi32>
      tpu.vector_store %arg6[%swap3A_483, %swap3A_484], %swap3A_487 {strides = array<i32>} : memref<3x64xi32, #tpu.memory_space<vmem>>, vector<1x16xi32>,
      %shift_right_logical3A_488 = arith.constant 14 : i32
      %shift_right_logical3A_489 = vector.broadcast %shift_right_logical3A_488 : i32 to vector<16xi32>
      %shift_right_logical3A_490 = arith.shrui %get3A_478, %shift_right_logical3A_489 : vector<16xi32>
      %swap3A_491 = arith.constant 1 : i32
      %swap3A_492 = arith.index_cast %swap3A_491 : i32 to index
      %swap3A_493 = arith.constant 16 : index
      %swap3A_494 = tpu.vector_load %arg7[%swap3A_492, %swap3A_493] {strides = array<i32>} : memref<3x64xi32, #tpu.memory_space<vmem>>, vector<1x16xi32>,
      %swap3A_495 = vector.shape_cast %swap3A_494 : vector<1x16xi32> to vector<16xi32>
      %swap3A_496 = vector.shape_cast %shift_right_logical3A_490 : vector<16xi32> to vector<1x16xi32>
      tpu.vector_store %arg7[%swap3A_492, %swap3A_493], %swap3A_496 {strides = array<i32>} : memref<3x64xi32, #tpu.memory_space<vmem>>, vector<1x16xi32>,
      %get3A_497 = arith.index_cast %add3A_452 : i32 to index
      %get3A_498 = arith.constant 32 : index
      %get3A_499 = tpu.vector_load %arg5[%get3A_497, %get3A_498] {strides = array<i32>} : memref<159x64xi32, #tpu.memory_space<vmem>>, vector<1x16xi32>,
      %get3A_500 = vector.shape_cast %get3A_499 : vector<1x16xi32> to vector<16xi32>
      %and3A_501 = arith.constant 16383 : i32
      %and3A_502 = vector.broadcast %and3A_501 : i32 to vector<16xi32>
      %and3A_503 = arith.andi %get3A_500, %and3A_502 : vector<16xi32>
      %swap3A_504 = arith.constant 1 : i32
      %swap3A_505 = arith.index_cast %swap3A_504 : i32 to index
      %swap3A_506 = arith.constant 32 : index
      %swap3A_507 = tpu.vector_load %arg6[%swap3A_505, %swap3A_506] {strides = array<i32>} : memref<3x64xi32, #tpu.memory_space<vmem>>, vector<1x16xi32>,
      %swap3A_508 = vector.shape_cast %swap3A_507 : vector<1x16xi32> to vector<16xi32>
      %swap3A_509 = vector.shape_cast %and3A_503 : vector<16xi32> to vector<1x16xi32>
      tpu.vector_store %arg6[%swap3A_505, %swap3A_506], %swap3A_509 {strides = array<i32>} : memref<3x64xi32, #tpu.memory_space<vmem>>, vector<1x16xi32>,
      %shift_right_logical3A_510 = arith.constant 14 : i32
      %shift_right_logical3A_511 = vector.broadcast %shift_right_logical3A_510 : i32 to vector<16xi32>
      %shift_right_logical3A_512 = arith.shrui %get3A_500, %shift_right_logical3A_511 : vector<16xi32>
      %swap3A_513 = arith.constant 1 : i32
      %swap3A_514 = arith.index_cast %swap3A_513 : i32 to index
      %swap3A_515 = arith.constant 32 : index
      %swap3A_516 = tpu.vector_load %arg7[%swap3A_514, %swap3A_515] {strides = array<i32>} : memref<3x64xi32, #tpu.memory_space<vmem>>, vector<1x16xi32>,
      %swap3A_517 = vector.shape_cast %swap3A_516 : vector<1x16xi32> to vector<16xi32>
      %swap3A_518 = vector.shape_cast %shift_right_logical3A_512 : vector<16xi32> to vector<1x16xi32>
      tpu.vector_store %arg7[%swap3A_514, %swap3A_515], %swap3A_518 {strides = array<i32>} : memref<3x64xi32, #tpu.memory_space<vmem>>, vector<1x16xi32>,
      %get3A_519 = arith.index_cast %add3A_452 : i32 to index
      %get3A_520 = arith.constant 48 : index
      %get3A_521 = tpu.vector_load %arg5[%get3A_519, %get3A_520] {strides = array<i32>} : memref<159x64xi32, #tpu.memory_space<vmem>>, vector<1x16xi32>,
      %get3A_522 = vector.shape_cast %get3A_521 : vector<1x16xi32> to vector<16xi32>
      %and3A_523 = arith.constant 16383 : i32
      %and3A_524 = vector.broadcast %and3A_523 : i32 to vector<16xi32>
      %and3A_525 = arith.andi %get3A_522, %and3A_524 : vector<16xi32>
      %swap3A_526 = arith.constant 1 : i32
      %swap3A_527 = arith.index_cast %swap3A_526 : i32 to index
      %swap3A_528 = arith.constant 48 : index
      %swap3A_529 = tpu.vector_load %arg6[%swap3A_527, %swap3A_528] {strides = array<i32>} : memref<3x64xi32, #tpu.memory_space<vmem>>, vector<1x16xi32>,
      %swap3A_530 = vector.shape_cast %swap3A_529 : vector<1x16xi32> to vector<16xi32>
      %swap3A_531 = vector.shape_cast %and3A_525 : vector<16xi32> to vector<1x16xi32>
      tpu.vector_store %arg6[%swap3A_527, %swap3A_528], %swap3A_531 {strides = array<i32>} : memref<3x64xi32, #tpu.memory_space<vmem>>, vector<1x16xi32>,
      %shift_right_logical3A_532 = arith.constant 14 : i32
      %shift_right_logical3A_533 = vector.broadcast %shift_right_logical3A_532 : i32 to vector<16xi32>
      %shift_right_logical3A_534 = arith.shrui %get3A_522, %shift_right_logical3A_533 : vector<16xi32>
      %swap3A_535 = arith.constant 1 : i32
      %swap3A_536 = arith.index_cast %swap3A_535 : i32 to index
      %swap3A_537 = arith.constant 48 : index
      %swap3A_538 = tpu.vector_load %arg7[%swap3A_536, %swap3A_537] {strides = array<i32>} : memref<3x64xi32, #tpu.memory_space<vmem>>, vector<1x16xi32>,
      %swap3A_539 = vector.shape_cast %swap3A_538 : vector<1x16xi32> to vector<16xi32>
      %swap3A_540 = vector.shape_cast %shift_right_logical3A_534 : vector<16xi32> to vector<1x16xi32>
      tpu.vector_store %arg7[%swap3A_536, %swap3A_537], %swap3A_540 {strides = array<i32>} : memref<3x64xi32, #tpu.memory_space<vmem>>, vector<1x16xi32>,
      %dma_start3A_541 = arith.constant 1 : i32
      %dma_start3A_542 = arith.constant 0 : i32
      %dma_start3A_543 = tpu.memref_slice %arg6[%dma_start3A_541, %dma_start3A_542] : memref<3x64xi32, #tpu.memory_space<vmem>> -> memref<1x64xi32, #tpu.memory_space<vmem>>
      %dma_start3A_544 = tpu.memref_squeeze %dma_start3A_543 : memref<1x64xi32, #tpu.memory_space<vmem>> -> memref<64xi32, #tpu.memory_space<vmem>>
      %dma_start3A_545 = arith.constant 0 : i32
      %dma_start3A_546 = arith.constant 0 : i32
      %dma_start3A_547 = tpu.memref_slice %arg2[%dma_start3A_545, %dma_start3A_546] : memref<10112x128xf32, #tpu.memory_space<hbm>> -> memref<10112x128xf32, #tpu.memory_space<hbm>>
      tpu.enqueue_indirect_dma source(%dma_start3A_547 : memref<10112x128xf32, #tpu.memory_space<hbm>>) target(%arg9 : memref<64x128xf32, #tpu.memory_space<vmem>>) offsets(%dma_start3A_544 : memref<64xi32, #tpu.memory_space<vmem>>) semaphore(%arg13 : memref<!tpu.dma_semaphore, #tpu.memory_space<semaphore_mem>>)
      %dma_wait3A_548 = arith.constant 2 : i32
      %dma_wait3A_549 = arith.constant 0 : i32
      %dma_wait3A_550 = tpu.memref_slice %arg6[%dma_wait3A_548, %dma_wait3A_549] : memref<3x64xi32, #tpu.memory_space<vmem>> -> memref<1x64xi32, #tpu.memory_space<vmem>>
      %dma_wait3A_551 = tpu.memref_squeeze %dma_wait3A_550 : memref<1x64xi32, #tpu.memory_space<vmem>> -> memref<64xi32, #tpu.memory_space<vmem>>
      %dma_wait3A_552 = arith.constant 0 : i32
      %dma_wait3A_553 = arith.constant 0 : i32
      %dma_wait3A_554 = tpu.memref_slice %arg2[%dma_wait3A_552, %dma_wait3A_553] : memref<10112x128xf32, #tpu.memory_space<hbm>> -> memref<10112x128xf32, #tpu.memory_space<hbm>>
      tpu.wait_indirect_dma semaphore(%arg14 : memref<!tpu.dma_semaphore, #tpu.memory_space<semaphore_mem>>) src(%dma_wait3A_554 : memref<10112x128xf32, #tpu.memory_space<hbm>>) dst(%arg10 : memref<64x128xf32, #tpu.memory_space<vmem>>)
      %run_scoped3A_555 = arith.constant 2 : i32
      "tpu.region"() ({
        %run_scoped3A_655 = tpu.sem_alloc : memref<!tpu.dma_semaphore, #tpu.memory_space<semaphore_mem>>
        %dma_start3A_656 = arith.constant 0 : i32
        %dma_start3A_657 = tpu.memref_slice %arg7[%run_scoped3A_555, %dma_start3A_656] : memref<3x64xi32, #tpu.memory_space<vmem>> -> memref<1x64xi32, #tpu.memory_space<vmem>>
        %dma_start3A_658 = tpu.memref_squeeze %dma_start3A_657 : memref<1x64xi32, #tpu.memory_space<vmem>> -> memref<64xi32, #tpu.memory_space<vmem>>
        %dma_start3A_659 = arith.constant 0 : i32
        %dma_start3A_660 = arith.constant 0 : i32
        %dma_start3A_661 = tpu.memref_slice %arg11[%dma_start3A_659, %dma_start3A_660] : memref<10112x128xf32, #tpu.memory_space<vmem_shared>> -> memref<10112x128xf32, #tpu.memory_space<vmem_shared>>
        tpu.enqueue_indirect_dma source(%arg10 : memref<64x128xf32, #tpu.memory_space<vmem>>) target(%dma_start3A_661 : memref<10112x128xf32, #tpu.memory_space<vmem_shared>>) offsets(%dma_start3A_658 : memref<64xi32, #tpu.memory_space<vmem>>) semaphore(%run_scoped3A_655 : memref<!tpu.dma_semaphore, #tpu.memory_space<semaphore_mem>>) {add = true}
        %dma_wait3A_662 = arith.constant 0 : i32
        %dma_wait3A_663 = tpu.memref_slice %arg7[%run_scoped3A_555, %dma_wait3A_662] : memref<3x64xi32, #tpu.memory_space<vmem>> -> memref<1x64xi32, #tpu.memory_space<vmem>>
        %dma_wait3A_664 = tpu.memref_squeeze %dma_wait3A_663 : memref<1x64xi32, #tpu.memory_space<vmem>> -> memref<64xi32, #tpu.memory_space<vmem>>
        %dma_wait3A_665 = arith.constant 0 : i32
        %dma_wait3A_666 = arith.constant 0 : i32
        %dma_wait3A_667 = tpu.memref_slice %arg11[%dma_wait3A_665, %dma_wait3A_666] : memref<10112x128xf32, #tpu.memory_space<vmem_shared>> -> memref<10112x128xf32, #tpu.memory_space<vmem_shared>>
        tpu.wait_indirect_dma semaphore(%run_scoped3A_655 : memref<!tpu.dma_semaphore, #tpu.memory_space<semaphore_mem>>) src(%arg10 : memref<64x128xf32, #tpu.memory_space<vmem>>) dst(%dma_wait3A_667 : memref<10112x128xf32, #tpu.memory_space<vmem_shared>>)
        tpu.yield
      }) : () -> ()
      %add3A_556 = arith.constant 2 : i32
      %add3A_557 = arith.addi %mul3A_333, %add3A_556 : i32
      %add3A_558 = arith.constant 3 : i32
      %add3A_559 = arith.addi %add3A_557, %add3A_558 : i32
      %get3A_560 = arith.index_cast %add3A_559 : i32 to index
      %get3A_561 = arith.constant 0 : index
      %get3A_562 = tpu.vector_load %arg5[%get3A_560, %get3A_561] {strides = array<i32>} : memref<159x64xi32, #tpu.memory_space<vmem>>, vector<1x16xi32>,
      %get3A_563 = vector.shape_cast %get3A_562 : vector<1x16xi32> to vector<16xi32>
      %and3A_564 = arith.constant 16383 : i32
      %and3A_565 = vector.broadcast %and3A_564 : i32 to vector<16xi32>
      %and3A_566 = arith.andi %get3A_563, %and3A_565 : vector<16xi32>
      %swap3A_567 = arith.constant 2 : i32
      %swap3A_568 = arith.index_cast %swap3A_567 : i32 to index
      %swap3A_569 = arith.constant 0 : index
      %swap3A_570 = tpu.vector_load %arg6[%swap3A_568, %swap3A_569] {strides = array<i32>} : memref<3x64xi32, #tpu.memory_space<vmem>>, vector<1x16xi32>,
      %swap3A_571 = vector.shape_cast %swap3A_570 : vector<1x16xi32> to vector<16xi32>
      %swap3A_572 = vector.shape_cast %and3A_566 : vector<16xi32> to vector<1x16xi32>
      tpu.vector_store %arg6[%swap3A_568, %swap3A_569], %swap3A_572 {strides = array<i32>} : memref<3x64xi32, #tpu.memory_space<vmem>>, vector<1x16xi32>,
      %shift_right_logical3A_573 = arith.constant 14 : i32
      %shift_right_logical3A_574 = vector.broadcast %shift_right_logical3A_573 : i32 to vector<16xi32>
      %shift_right_logical3A_575 = arith.shrui %get3A_563, %shift_right_logical3A_574 : vector<16xi32>
      %swap3A_576 = arith.constant 2 : i32
      %swap3A_577 = arith.index_cast %swap3A_576 : i32 to index
      %swap3A_578 = arith.constant 0 : index
      %swap3A_579 = tpu.vector_load %arg7[%swap3A_577, %swap3A_578] {strides = array<i32>} : memref<3x64xi32, #tpu.memory_space<vmem>>, vector<1x16xi32>,
      %swap3A_580 = vector.shape_cast %swap3A_579 : vector<1x16xi32> to vector<16xi32>
      %swap3A_581 = vector.shape_cast %shift_right_logical3A_575 : vector<16xi32> to vector<1x16xi32>
      tpu.vector_store %arg7[%swap3A_577, %swap3A_578], %swap3A_581 {strides = array<i32>} : memref<3x64xi32, #tpu.memory_space<vmem>>, vector<1x16xi32>,
      %get3A_582 = arith.index_cast %add3A_559 : i32 to index
      %get3A_583 = arith.constant 16 : index
      %get3A_584 = tpu.vector_load %arg5[%get3A_582, %get3A_583] {strides = array<i32>} : memref<159x64xi32, #tpu.memory_space<vmem>>, vector<1x16xi32>,
      %get3A_585 = vector.shape_cast %get3A_584 : vector<1x16xi32> to vector<16xi32>
      %and3A_586 = arith.constant 16383 : i32
      %and3A_587 = vector.broadcast %and3A_586 : i32 to vector<16xi32>
      %and3A_588 = arith.andi %get3A_585, %and3A_587 : vector<16xi32>
      %swap3A_589 = arith.constant 2 : i32
      %swap3A_590 = arith.index_cast %swap3A_589 : i32 to index
      %swap3A_591 = arith.constant 16 : index
      %swap3A_592 = tpu.vector_load %arg6[%swap3A_590, %swap3A_591] {strides = array<i32>} : memref<3x64xi32, #tpu.memory_space<vmem>>, vector<1x16xi32>,
      %swap3A_593 = vector.shape_cast %swap3A_592 : vector<1x16xi32> to vector<16xi32>
      %swap3A_594 = vector.shape_cast %and3A_588 : vector<16xi32> to vector<1x16xi32>
      tpu.vector_store %arg6[%swap3A_590, %swap3A_591], %swap3A_594 {strides = array<i32>} : memref<3x64xi32, #tpu.memory_space<vmem>>, vector<1x16xi32>,
      %shift_right_logical3A_595 = arith.constant 14 : i32
      %shift_right_logical3A_596 = vector.broadcast %shift_right_logical3A_595 : i32 to vector<16xi32>
      %shift_right_logical3A_597 = arith.shrui %get3A_585, %shift_right_logical3A_596 : vector<16xi32>
      %swap3A_598 = arith.constant 2 : i32
      %swap3A_599 = arith.index_cast %swap3A_598 : i32 to index
      %swap3A_600 = arith.constant 16 : index
      %swap3A_601 = tpu.vector_load %arg7[%swap3A_599, %swap3A_600] {strides = array<i32>} : memref<3x64xi32, #tpu.memory_space<vmem>>, vector<1x16xi32>,
      %swap3A_602 = vector.shape_cast %swap3A_601 : vector<1x16xi32> to vector<16xi32>
      %swap3A_603 = vector.shape_cast %shift_right_logical3A_597 : vector<16xi32> to vector<1x16xi32>
      tpu.vector_store %arg7[%swap3A_599, %swap3A_600], %swap3A_603 {strides = array<i32>} : memref<3x64xi32, #tpu.memory_space<vmem>>, vector<1x16xi32>,
      %get3A_604 = arith.index_cast %add3A_559 : i32 to index
      %get3A_605 = arith.constant 32 : index
      %get3A_606 = tpu.vector_load %arg5[%get3A_604, %get3A_605] {strides = array<i32>} : memref<159x64xi32, #tpu.memory_space<vmem>>, vector<1x16xi32>,
      %get3A_607 = vector.shape_cast %get3A_606 : vector<1x16xi32> to vector<16xi32>
      %and3A_608 = arith.constant 16383 : i32
      %and3A_609 = vector.broadcast %and3A_608 : i32 to vector<16xi32>
      %and3A_610 = arith.andi %get3A_607, %and3A_609 : vector<16xi32>
      %swap3A_611 = arith.constant 2 : i32
      %swap3A_612 = arith.index_cast %swap3A_611 : i32 to index
      %swap3A_613 = arith.constant 32 : index
      %swap3A_614 = tpu.vector_load %arg6[%swap3A_612, %swap3A_613] {strides = array<i32>} : memref<3x64xi32, #tpu.memory_space<vmem>>, vector<1x16xi32>,
      %swap3A_615 = vector.shape_cast %swap3A_614 : vector<1x16xi32> to vector<16xi32>
      %swap3A_616 = vector.shape_cast %and3A_610 : vector<16xi32> to vector<1x16xi32>
      tpu.vector_store %arg6[%swap3A_612, %swap3A_613], %swap3A_616 {strides = array<i32>} : memref<3x64xi32, #tpu.memory_space<vmem>>, vector<1x16xi32>,
      %shift_right_logical3A_617 = arith.constant 14 : i32
      %shift_right_logical3A_618 = vector.broadcast %shift_right_logical3A_617 : i32 to vector<16xi32>
      %shift_right_logical3A_619 = arith.shrui %get3A_607, %shift_right_logical3A_618 : vector<16xi32>
      %swap3A_620 = arith.constant 2 : i32
      %swap3A_621 = arith.index_cast %swap3A_620 : i32 to index
      %swap3A_622 = arith.constant 32 : index
      %swap3A_623 = tpu.vector_load %arg7[%swap3A_621, %swap3A_622] {strides = array<i32>} : memref<3x64xi32, #tpu.memory_space<vmem>>, vector<1x16xi32>,
      %swap3A_624 = vector.shape_cast %swap3A_623 : vector<1x16xi32> to vector<16xi32>
      %swap3A_625 = vector.shape_cast %shift_right_logical3A_619 : vector<16xi32> to vector<1x16xi32>
      tpu.vector_store %arg7[%swap3A_621, %swap3A_622], %swap3A_625 {strides = array<i32>} : memref<3x64xi32, #tpu.memory_space<vmem>>, vector<1x16xi32>,
      %get3A_626 = arith.index_cast %add3A_559 : i32 to index
      %get3A_627 = arith.constant 48 : index
      %get3A_628 = tpu.vector_load %arg5[%get3A_626, %get3A_627] {strides = array<i32>} : memref<159x64xi32, #tpu.memory_space<vmem>>, vector<1x16xi32>,
      %get3A_629 = vector.shape_cast %get3A_628 : vector<1x16xi32> to vector<16xi32>
      %and3A_630 = arith.constant 16383 : i32
      %and3A_631 = vector.broadcast %and3A_630 : i32 to vector<16xi32>
      %and3A_632 = arith.andi %get3A_629, %and3A_631 : vector<16xi32>
      %swap3A_633 = arith.constant 2 : i32
      %swap3A_634 = arith.index_cast %swap3A_633 : i32 to index
      %swap3A_635 = arith.constant 48 : index
      %swap3A_636 = tpu.vector_load %arg6[%swap3A_634, %swap3A_635] {strides = array<i32>} : memref<3x64xi32, #tpu.memory_space<vmem>>, vector<1x16xi32>,
      %swap3A_637 = vector.shape_cast %swap3A_636 : vector<1x16xi32> to vector<16xi32>
      %swap3A_638 = vector.shape_cast %and3A_632 : vector<16xi32> to vector<1x16xi32>
      tpu.vector_store %arg6[%swap3A_634, %swap3A_635], %swap3A_638 {strides = array<i32>} : memref<3x64xi32, #tpu.memory_space<vmem>>, vector<1x16xi32>,
      %shift_right_logical3A_639 = arith.constant 14 : i32
      %shift_right_logical3A_640 = vector.broadcast %shift_right_logical3A_639 : i32 to vector<16xi32>
      %shift_right_logical3A_641 = arith.shrui %get3A_629, %shift_right_logical3A_640 : vector<16xi32>
      %swap3A_642 = arith.constant 2 : i32
      %swap3A_643 = arith.index_cast %swap3A_642 : i32 to index
      %swap3A_644 = arith.constant 48 : index
      %swap3A_645 = tpu.vector_load %arg7[%swap3A_643, %swap3A_644] {strides = array<i32>} : memref<3x64xi32, #tpu.memory_space<vmem>>, vector<1x16xi32>,
      %swap3A_646 = vector.shape_cast %swap3A_645 : vector<1x16xi32> to vector<16xi32>
      %swap3A_647 = vector.shape_cast %shift_right_logical3A_641 : vector<16xi32> to vector<1x16xi32>
      tpu.vector_store %arg7[%swap3A_643, %swap3A_644], %swap3A_647 {strides = array<i32>} : memref<3x64xi32, #tpu.memory_space<vmem>>, vector<1x16xi32>,
      %dma_start3A_648 = arith.constant 2 : i32
      %dma_start3A_649 = arith.constant 0 : i32
      %dma_start3A_650 = tpu.memref_slice %arg6[%dma_start3A_648, %dma_start3A_649] : memref<3x64xi32, #tpu.memory_space<vmem>> -> memref<1x64xi32, #tpu.memory_space<vmem>>
      %dma_start3A_651 = tpu.memref_squeeze %dma_start3A_650 : memref<1x64xi32, #tpu.memory_space<vmem>> -> memref<64xi32, #tpu.memory_space<vmem>>
      %dma_start3A_652 = arith.constant 0 : i32
      %dma_start3A_653 = arith.constant 0 : i32
      %dma_start3A_654 = tpu.memref_slice %arg2[%dma_start3A_652, %dma_start3A_653] : memref<10112x128xf32, #tpu.memory_space<hbm>> -> memref<10112x128xf32, #tpu.memory_space<hbm>>
      tpu.enqueue_indirect_dma source(%dma_start3A_654 : memref<10112x128xf32, #tpu.memory_space<hbm>>) target(%arg10 : memref<64x128xf32, #tpu.memory_space<vmem>>) offsets(%dma_start3A_651 : memref<64xi32, #tpu.memory_space<vmem>>) semaphore(%arg14 : memref<!tpu.dma_semaphore, #tpu.memory_space<semaphore_mem>>)
    }
    %scan3A_306 = arith.constant 52 : i32
    %dma_wait3A_307 = arith.constant 0 : i32
    %dma_wait3A_308 = arith.constant 0 : i32
    %dma_wait3A_309 = tpu.memref_slice %arg6[%dma_wait3A_307, %dma_wait3A_308] : memref<3x64xi32, #tpu.memory_space<vmem>> -> memref<1x64xi32, #tpu.memory_space<vmem>>
    %dma_wait3A_310 = tpu.memref_squeeze %dma_wait3A_309 : memref<1x64xi32, #tpu.memory_space<vmem>> -> memref<64xi32, #tpu.memory_space<vmem>>
    %dma_wait3A_311 = arith.constant 0 : i32
    %dma_wait3A_312 = arith.constant 0 : i32
    %dma_wait3A_313 = tpu.memref_slice %arg2[%dma_wait3A_311, %dma_wait3A_312] : memref<10112x128xf32, #tpu.memory_space<hbm>> -> memref<10112x128xf32, #tpu.memory_space<hbm>>
    tpu.wait_indirect_dma semaphore(%arg12 : memref<!tpu.dma_semaphore, #tpu.memory_space<semaphore_mem>>) src(%dma_wait3A_313 : memref<10112x128xf32, #tpu.memory_space<hbm>>) dst(%arg8 : memref<64x128xf32, #tpu.memory_space<vmem>>)
    %run_scoped3A = arith.constant 0 : i32
    "tpu.region"() ({
      %run_scoped3A_331 = tpu.sem_alloc : memref<!tpu.dma_semaphore, #tpu.memory_space<semaphore_mem>>
      %dma_start3A_332 = arith.constant 0 : i32
      %dma_start3A_333 = tpu.memref_slice %arg7[%run_scoped3A, %dma_start3A_332] : memref<3x64xi32, #tpu.memory_space<vmem>> -> memref<1x64xi32, #tpu.memory_space<vmem>>
      %dma_start3A_334 = tpu.memref_squeeze %dma_start3A_333 : memref<1x64xi32, #tpu.memory_space<vmem>> -> memref<64xi32, #tpu.memory_space<vmem>>
      %dma_start3A_335 = arith.constant 0 : i32
      %dma_start3A_336 = arith.constant 0 : i32
      %dma_start3A_337 = tpu.memref_slice %arg11[%dma_start3A_335, %dma_start3A_336] : memref<10112x128xf32, #tpu.memory_space<vmem_shared>> -> memref<10112x128xf32, #tpu.memory_space<vmem_shared>>
      tpu.enqueue_indirect_dma source(%arg8 : memref<64x128xf32, #tpu.memory_space<vmem>>) target(%dma_start3A_337 : memref<10112x128xf32, #tpu.memory_space<vmem_shared>>) offsets(%dma_start3A_334 : memref<64xi32, #tpu.memory_space<vmem>>) semaphore(%run_scoped3A_331 : memref<!tpu.dma_semaphore, #tpu.memory_space<semaphore_mem>>) {add = true}
      %dma_wait3A_338 = arith.constant 0 : i32
      %dma_wait3A_339 = tpu.memref_slice %arg7[%run_scoped3A, %dma_wait3A_338] : memref<3x64xi32, #tpu.memory_space<vmem>> -> memref<1x64xi32, #tpu.memory_space<vmem>>
      %dma_wait3A_340 = tpu.memref_squeeze %dma_wait3A_339 : memref<1x64xi32, #tpu.memory_space<vmem>> -> memref<64xi32, #tpu.memory_space<vmem>>
      %dma_wait3A_341 = arith.constant 0 : i32
      %dma_wait3A_342 = arith.constant 0 : i32
      %dma_wait3A_343 = tpu.memref_slice %arg11[%dma_wait3A_341, %dma_wait3A_342] : memref<10112x128xf32, #tpu.memory_space<vmem_shared>> -> memref<10112x128xf32, #tpu.memory_space<vmem_shared>>
      tpu.wait_indirect_dma semaphore(%run_scoped3A_331 : memref<!tpu.dma_semaphore, #tpu.memory_space<semaphore_mem>>) src(%arg8 : memref<64x128xf32, #tpu.memory_space<vmem>>) dst(%dma_wait3A_343 : memref<10112x128xf32, #tpu.memory_space<vmem_shared>>)
      tpu.yield
    }) : () -> ()
    %dma_wait3A_314 = arith.constant 1 : i32
    %dma_wait3A_315 = arith.constant 0 : i32
    %dma_wait3A_316 = tpu.memref_slice %arg6[%dma_wait3A_314, %dma_wait3A_315] : memref<3x64xi32, #tpu.memory_space<vmem>> -> memref<1x64xi32, #tpu.memory_space<vmem>>
    %dma_wait3A_317 = tpu.memref_squeeze %dma_wait3A_316 : memref<1x64xi32, #tpu.memory_space<vmem>> -> memref<64xi32, #tpu.memory_space<vmem>>
    %dma_wait3A_318 = arith.constant 0 : i32
    %dma_wait3A_319 = arith.constant 0 : i32
    %dma_wait3A_320 = tpu.memref_slice %arg2[%dma_wait3A_318, %dma_wait3A_319] : memref<10112x128xf32, #tpu.memory_space<hbm>> -> memref<10112x128xf32, #tpu.memory_space<hbm>>
    tpu.wait_indirect_dma semaphore(%arg13 : memref<!tpu.dma_semaphore, #tpu.memory_space<semaphore_mem>>) src(%dma_wait3A_320 : memref<10112x128xf32, #tpu.memory_space<hbm>>) dst(%arg9 : memref<64x128xf32, #tpu.memory_space<vmem>>)
    %run_scoped3A_321 = arith.constant 1 : i32
    "tpu.region"() ({
      %run_scoped3A_331 = tpu.sem_alloc : memref<!tpu.dma_semaphore, #tpu.memory_space<semaphore_mem>>
      %dma_start3A_332 = arith.constant 0 : i32
      %dma_start3A_333 = tpu.memref_slice %arg7[%run_scoped3A_321, %dma_start3A_332] : memref<3x64xi32, #tpu.memory_space<vmem>> -> memref<1x64xi32, #tpu.memory_space<vmem>>
      %dma_start3A_334 = tpu.memref_squeeze %dma_start3A_333 : memref<1x64xi32, #tpu.memory_space<vmem>> -> memref<64xi32, #tpu.memory_space<vmem>>
      %dma_start3A_335 = arith.constant 0 : i32
      %dma_start3A_336 = arith.constant 0 : i32
      %dma_start3A_337 = tpu.memref_slice %arg11[%dma_start3A_335, %dma_start3A_336] : memref<10112x128xf32, #tpu.memory_space<vmem_shared>> -> memref<10112x128xf32, #tpu.memory_space<vmem_shared>>
      tpu.enqueue_indirect_dma source(%arg9 : memref<64x128xf32, #tpu.memory_space<vmem>>) target(%dma_start3A_337 : memref<10112x128xf32, #tpu.memory_space<vmem_shared>>) offsets(%dma_start3A_334 : memref<64xi32, #tpu.memory_space<vmem>>) semaphore(%run_scoped3A_331 : memref<!tpu.dma_semaphore, #tpu.memory_space<semaphore_mem>>) {add = true}
      %dma_wait3A_338 = arith.constant 0 : i32
      %dma_wait3A_339 = tpu.memref_slice %arg7[%run_scoped3A_321, %dma_wait3A_338] : memref<3x64xi32, #tpu.memory_space<vmem>> -> memref<1x64xi32, #tpu.memory_space<vmem>>
      %dma_wait3A_340 = tpu.memref_squeeze %dma_wait3A_339 : memref<1x64xi32, #tpu.memory_space<vmem>> -> memref<64xi32, #tpu.memory_space<vmem>>
      %dma_wait3A_341 = arith.constant 0 : i32
      %dma_wait3A_342 = arith.constant 0 : i32
      %dma_wait3A_343 = tpu.memref_slice %arg11[%dma_wait3A_341, %dma_wait3A_342] : memref<10112x128xf32, #tpu.memory_space<vmem_shared>> -> memref<10112x128xf32, #tpu.memory_space<vmem_shared>>
      tpu.wait_indirect_dma semaphore(%run_scoped3A_331 : memref<!tpu.dma_semaphore, #tpu.memory_space<semaphore_mem>>) src(%arg9 : memref<64x128xf32, #tpu.memory_space<vmem>>) dst(%dma_wait3A_343 : memref<10112x128xf32, #tpu.memory_space<vmem_shared>>)
      tpu.yield
    }) : () -> ()
    %dma_wait3A_322 = arith.constant 2 : i32
    %dma_wait3A_323 = arith.constant 0 : i32
    %dma_wait3A_324 = tpu.memref_slice %arg6[%dma_wait3A_322, %dma_wait3A_323] : memref<3x64xi32, #tpu.memory_space<vmem>> -> memref<1x64xi32, #tpu.memory_space<vmem>>
    %dma_wait3A_325 = tpu.memref_squeeze %dma_wait3A_324 : memref<1x64xi32, #tpu.memory_space<vmem>> -> memref<64xi32, #tpu.memory_space<vmem>>
    %dma_wait3A_326 = arith.constant 0 : i32
    %dma_wait3A_327 = arith.constant 0 : i32
    %dma_wait3A_328 = tpu.memref_slice %arg2[%dma_wait3A_326, %dma_wait3A_327] : memref<10112x128xf32, #tpu.memory_space<hbm>> -> memref<10112x128xf32, #tpu.memory_space<hbm>>
    tpu.wait_indirect_dma semaphore(%arg14 : memref<!tpu.dma_semaphore, #tpu.memory_space<semaphore_mem>>) src(%dma_wait3A_328 : memref<10112x128xf32, #tpu.memory_space<hbm>>) dst(%arg10 : memref<64x128xf32, #tpu.memory_space<vmem>>)
    %run_scoped3A_329 = arith.constant 2 : i32
    "tpu.region"() ({
      %run_scoped3A_331 = tpu.sem_alloc : memref<!tpu.dma_semaphore, #tpu.memory_space<semaphore_mem>>
      %dma_start3A_332 = arith.constant 0 : i32
      %dma_start3A_333 = tpu.memref_slice %arg7[%run_scoped3A_329, %dma_start3A_332] : memref<3x64xi32, #tpu.memory_space<vmem>> -> memref<1x64xi32, #tpu.memory_space<vmem>>
      %dma_start3A_334 = tpu.memref_squeeze %dma_start3A_333 : memref<1x64xi32, #tpu.memory_space<vmem>> -> memref<64xi32, #tpu.memory_space<vmem>>
      %dma_start3A_335 = arith.constant 0 : i32
      %dma_start3A_336 = arith.constant 0 : i32
      %dma_start3A_337 = tpu.memref_slice %arg11[%dma_start3A_335, %dma_start3A_336] : memref<10112x128xf32, #tpu.memory_space<vmem_shared>> -> memref<10112x128xf32, #tpu.memory_space<vmem_shared>>
      tpu.enqueue_indirect_dma source(%arg10 : memref<64x128xf32, #tpu.memory_space<vmem>>) target(%dma_start3A_337 : memref<10112x128xf32, #tpu.memory_space<vmem_shared>>) offsets(%dma_start3A_334 : memref<64xi32, #tpu.memory_space<vmem>>) semaphore(%run_scoped3A_331 : memref<!tpu.dma_semaphore, #tpu.memory_space<semaphore_mem>>) {add = true}
      %dma_wait3A_338 = arith.constant 0 : i32
      %dma_wait3A_339 = tpu.memref_slice %arg7[%run_scoped3A_329, %dma_wait3A_338] : memref<3x64xi32, #tpu.memory_space<vmem>> -> memref<1x64xi32, #tpu.memory_space<vmem>>
      %dma_wait3A_340 = tpu.memref_squeeze %dma_wait3A_339 : memref<1x64xi32, #tpu.memory_space<vmem>> -> memref<64xi32, #tpu.memory_space<vmem>>
      %dma_wait3A_341 = arith.constant 0 : i32
      %dma_wait3A_342 = arith.constant 0 : i32
      %dma_wait3A_343 = tpu.memref_slice %arg11[%dma_wait3A_341, %dma_wait3A_342] : memref<10112x128xf32, #tpu.memory_space<vmem_shared>> -> memref<10112x128xf32, #tpu.memory_space<vmem_shared>>
      tpu.wait_indirect_dma semaphore(%run_scoped3A_331 : memref<!tpu.dma_semaphore, #tpu.memory_space<semaphore_mem>>) src(%arg10 : memref<64x128xf32, #tpu.memory_space<vmem>>) dst(%dma_wait3A_343 : memref<10112x128xf32, #tpu.memory_space<vmem_shared>>)
      tpu.yield
    }) : () -> ()
    %barrier3A_330 = arith.constant 0 : index
    tpu.barrier barrier_id(%barrier3A_330)
    "tpu.region"() ({
      %run_scoped3A_331 = tpu.sem_alloc : memref<!tpu.dma_semaphore, #tpu.memory_space<semaphore_mem>>
      %dma_start3A_332 = arith.constant 0 : i32
      %dma_start3A_333 = tpu.memref_slice %arg4[%arg0, %mul3A_2, %dma_start3A_332] : memref<2x10112x128xf32, #tpu.memory_space<hbm>> -> memref<1x632x128xf32, #tpu.memory_space<hbm>>
      %dma_start3A_334 = tpu.memref_squeeze %dma_start3A_333 : memref<1x632x128xf32, #tpu.memory_space<hbm>> -> memref<632x128xf32, #tpu.memory_space<hbm>>
      %dma_start3A_335 = arith.constant 0 : i32
      %dma_start3A_336 = tpu.memref_slice %arg11[%mul3A_2, %dma_start3A_335] : memref<10112x128xf32, #tpu.memory_space<vmem_shared>> -> memref<632x128xf32, #tpu.memory_space<vmem_shared>>
      tpu.enqueue_dma source(%dma_start3A_336 : memref<632x128xf32, #tpu.memory_space<vmem_shared>>) target(%dma_start3A_334 : memref<632x128xf32, #tpu.memory_space<hbm>>) target_semaphore(%run_scoped3A_331 : memref<!tpu.dma_semaphore, #tpu.memory_space<semaphore_mem>>)
      %dma_wait3A_337 = arith.constant 0 : i32
      %dma_wait3A_338 = tpu.memref_slice %arg4[%arg0, %mul3A_2, %dma_wait3A_337] : memref<2x10112x128xf32, #tpu.memory_space<hbm>> -> memref<1x632x128xf32, #tpu.memory_space<hbm>>
      %dma_wait3A_339 = tpu.memref_squeeze %dma_wait3A_338 : memref<1x632x128xf32, #tpu.memory_space<hbm>> -> memref<632x128xf32, #tpu.memory_space<hbm>>
      %dma_wait3A_340 = arith.constant 0 : i32
      %dma_wait3A_341 = tpu.memref_slice %arg11[%mul3A_2, %dma_wait3A_340] : memref<10112x128xf32, #tpu.memory_space<vmem_shared>> -> memref<632x128xf32, #tpu.memory_space<vmem_shared>>
      tpu.wait_dma2 semaphore(%run_scoped3A_331 : memref<!tpu.dma_semaphore, #tpu.memory_space<semaphore_mem>>) src(%dma_wait3A_341 : memref<632x128xf32, #tpu.memory_space<vmem_shared>>) dst(%dma_wait3A_339 : memref<632x128xf32, #tpu.memory_space<hbm>>)
      tpu.yield
    }) : () -> ()
    return
  }
}

#map = affine_map<(d0, d1) -> (0, 0)>
#map1 = affine_map<(d0, d1) -> (0, 0, 0)>
module attributes {stable_mosaic.version = 14 : i64} {
  func.func @_sc_agg_body(%arg0: i32, %arg1: i32, %arg2: memref<10112x128xf32, #tpu.memory_space<hbm>>, %arg3: memref<32x159x64xi32, #tpu.memory_space<hbm>>, %arg4: memref<2x10112x128xf32, #tpu.memory_space<hbm>>, %arg5: memref<159x64xi32, #tpu.memory_space<vmem>>, %arg6: memref<3x64xi32, #tpu.memory_space<vmem>>, %arg7: memref<3x64xi32, #tpu.memory_space<vmem>>, %arg8: memref<64x128xf32, #tpu.memory_space<vmem>>, %arg9: memref<64x128xf32, #tpu.memory_space<vmem>>, %arg10: memref<64x128xf32, #tpu.memory_space<vmem>>, %arg11: memref<10112x128xf32, #tpu.memory_space<vmem_shared>>, %arg12: memref<!tpu.dma_semaphore, #tpu.memory_space<semaphore_mem>>, %arg13: memref<!tpu.dma_semaphore, #tpu.memory_space<semaphore_mem>>, %arg14: memref<!tpu.dma_semaphore, #tpu.memory_space<semaphore_mem>>, %arg15: memref<!tpu.dma_semaphore, #tpu.memory_space<semaphore_mem>>) attributes {dimension_semantics = [#tpu.dimension_semantics<core_parallel>, #tpu.dimension_semantics<subcore_parallel>], iteration_bounds = array<i64: 2, 16>, scalar_prefetch = 0 : i64, scratch_operands = 11 : i64, tpu.core_type = #tpu.core_type<sc_vector_subcore>, window_params = [{transform_indices = #map}, {transform_indices = #map1}, {transform_indices = #map1}]} {
    %mul3A = arith.constant 16 : i32
    %mul3A_0 = arith.muli %arg0, %mul3A : i32
    %add3A = arith.addi %mul3A_0, %arg1 : i32
    %mul3A_1 = arith.constant 632 : i32
    %mul3A_2 = arith.muli %arg1, %mul3A_1 : i32
    %dma_start3A = arith.constant 0 : i32
    %dma_start3A_3 = tpu.memref_slice %arg11[%mul3A_2, %dma_start3A] : memref<10112x128xf32, #tpu.memory_space<vmem_shared>> -> memref<632x128xf32, #tpu.memory_space<vmem_shared>>
    %dma_start3A_4 = arith.constant 0 : i32
    %dma_start3A_5 = tpu.memref_slice %arg2[%mul3A_2, %dma_start3A_4] : memref<10112x128xf32, #tpu.memory_space<hbm>> -> memref<632x128xf32, #tpu.memory_space<hbm>>
    tpu.enqueue_dma source(%dma_start3A_5 : memref<632x128xf32, #tpu.memory_space<hbm>>) target(%dma_start3A_3 : memref<632x128xf32, #tpu.memory_space<vmem_shared>>) target_semaphore(%arg15 : memref<!tpu.dma_semaphore, #tpu.memory_space<semaphore_mem>>)
    "tpu.region"() ({
      %run_scoped3A_331 = tpu.sem_alloc : memref<!tpu.dma_semaphore, #tpu.memory_space<semaphore_mem>>
      %dma_start3A_332 = arith.constant 0 : i32
      %dma_start3A_333 = arith.constant 0 : i32
      %dma_start3A_334 = tpu.memref_slice %arg3[%add3A, %dma_start3A_332, %dma_start3A_333] : memref<32x159x64xi32, #tpu.memory_space<hbm>> -> memref<1x159x64xi32, #tpu.memory_space<hbm>>
      %dma_start3A_335 = tpu.memref_squeeze %dma_start3A_334 : memref<1x159x64xi32, #tpu.memory_space<hbm>> -> memref<159x64xi32, #tpu.memory_space<hbm>>
      %dma_start3A_336 = arith.constant 0 : i32
      %dma_start3A_337 = arith.constant 0 : i32
      %dma_start3A_338 = tpu.memref_slice %arg3[%add3A, %dma_start3A_336, %dma_start3A_337] : memref<32x159x64xi32, #tpu.memory_space<hbm>> -> memref<1x159x64xi32, #tpu.memory_space<hbm>>
      %dma_start3A_339 = tpu.memref_squeeze %dma_start3A_338 : memref<1x159x64xi32, #tpu.memory_space<hbm>> -> memref<159x64xi32, #tpu.memory_space<hbm>>
      tpu.enqueue_dma source(%dma_start3A_339 : memref<159x64xi32, #tpu.memory_space<hbm>>) target(%arg5 : memref<159x64xi32, #tpu.memory_space<vmem>>) target_semaphore(%run_scoped3A_331 : memref<!tpu.dma_semaphore, #tpu.memory_space<semaphore_mem>>)
      %dma_wait3A_340 = arith.constant 0 : i32
      %dma_wait3A_341 = arith.constant 0 : i32
      %dma_wait3A_342 = tpu.memref_slice %arg3[%add3A, %dma_wait3A_340, %dma_wait3A_341] : memref<32x159x64xi32, #tpu.memory_space<hbm>> -> memref<1x159x64xi32, #tpu.memory_space<hbm>>
      %dma_wait3A_343 = tpu.memref_squeeze %dma_wait3A_342 : memref<1x159x64xi32, #tpu.memory_space<hbm>> -> memref<159x64xi32, #tpu.memory_space<hbm>>
      %dma_wait3A_344 = arith.constant 0 : i32
      %dma_wait3A_345 = arith.constant 0 : i32
      %dma_wait3A_346 = tpu.memref_slice %arg3[%add3A, %dma_wait3A_344, %dma_wait3A_345] : memref<32x159x64xi32, #tpu.memory_space<hbm>> -> memref<1x159x64xi32, #tpu.memory_space<hbm>>
      %dma_wait3A_347 = tpu.memref_squeeze %dma_wait3A_346 : memref<1x159x64xi32, #tpu.memory_space<hbm>> -> memref<159x64xi32, #tpu.memory_space<hbm>>
      tpu.wait_dma2 semaphore(%run_scoped3A_331 : memref<!tpu.dma_semaphore, #tpu.memory_space<semaphore_mem>>) src(%dma_wait3A_347 : memref<159x64xi32, #tpu.memory_space<hbm>>) dst(%arg5 : memref<159x64xi32, #tpu.memory_space<vmem>>)
      tpu.yield
    }) : () -> ()
    %get3A = arith.constant 0 : i32
    %get3A_6 = arith.index_cast %get3A : i32 to index
    %get3A_7 = arith.constant 0 : index
    %get3A_8 = tpu.vector_load %arg5[%get3A_6, %get3A_7] {strides = array<i32>} : memref<159x64xi32, #tpu.memory_space<vmem>>, vector<1x16xi32>,
    %get3A_9 = vector.shape_cast %get3A_8 : vector<1x16xi32> to vector<16xi32>
    %and3A = arith.constant 16383 : i32
    %and3A_10 = vector.broadcast %and3A : i32 to vector<16xi32>
    %and3A_11 = arith.andi %get3A_9, %and3A_10 : vector<16xi32>
    %swap3A = arith.constant 0 : i32
    %swap3A_12 = arith.index_cast %swap3A : i32 to index
    %swap3A_13 = arith.constant 0 : index
    %swap3A_14 = tpu.vector_load %arg6[%swap3A_12, %swap3A_13] {strides = array<i32>} : memref<3x64xi32, #tpu.memory_space<vmem>>, vector<1x16xi32>,
    %swap3A_15 = vector.shape_cast %swap3A_14 : vector<1x16xi32> to vector<16xi32>
    %swap3A_16 = vector.shape_cast %and3A_11 : vector<16xi32> to vector<1x16xi32>
    tpu.vector_store %arg6[%swap3A_12, %swap3A_13], %swap3A_16 {strides = array<i32>} : memref<3x64xi32, #tpu.memory_space<vmem>>, vector<1x16xi32>,
    %shift_right_logical3A = arith.constant 14 : i32
    %shift_right_logical3A_17 = vector.broadcast %shift_right_logical3A : i32 to vector<16xi32>
    %shift_right_logical3A_18 = arith.shrui %get3A_9, %shift_right_logical3A_17 : vector<16xi32>
    %swap3A_19 = arith.constant 0 : i32
    %swap3A_20 = arith.index_cast %swap3A_19 : i32 to index
    %swap3A_21 = arith.constant 0 : index
    %swap3A_22 = tpu.vector_load %arg7[%swap3A_20, %swap3A_21] {strides = array<i32>} : memref<3x64xi32, #tpu.memory_space<vmem>>, vector<1x16xi32>,
    %swap3A_23 = vector.shape_cast %swap3A_22 : vector<1x16xi32> to vector<16xi32>
    %swap3A_24 = vector.shape_cast %shift_right_logical3A_18 : vector<16xi32> to vector<1x16xi32>
    tpu.vector_store %arg7[%swap3A_20, %swap3A_21], %swap3A_24 {strides = array<i32>} : memref<3x64xi32, #tpu.memory_space<vmem>>, vector<1x16xi32>,
    %get3A_25 = arith.constant 0 : i32
    %get3A_26 = arith.index_cast %get3A_25 : i32 to index
    %get3A_27 = arith.constant 16 : index
    %get3A_28 = tpu.vector_load %arg5[%get3A_26, %get3A_27] {strides = array<i32>} : memref<159x64xi32, #tpu.memory_space<vmem>>, vector<1x16xi32>,
    %get3A_29 = vector.shape_cast %get3A_28 : vector<1x16xi32> to vector<16xi32>
    %and3A_30 = arith.constant 16383 : i32
    %and3A_31 = vector.broadcast %and3A_30 : i32 to vector<16xi32>
    %and3A_32 = arith.andi %get3A_29, %and3A_31 : vector<16xi32>
    %swap3A_33 = arith.constant 0 : i32
    %swap3A_34 = arith.index_cast %swap3A_33 : i32 to index
    %swap3A_35 = arith.constant 16 : index
    %swap3A_36 = tpu.vector_load %arg6[%swap3A_34, %swap3A_35] {strides = array<i32>} : memref<3x64xi32, #tpu.memory_space<vmem>>, vector<1x16xi32>,
    %swap3A_37 = vector.shape_cast %swap3A_36 : vector<1x16xi32> to vector<16xi32>
    %swap3A_38 = vector.shape_cast %and3A_32 : vector<16xi32> to vector<1x16xi32>
    tpu.vector_store %arg6[%swap3A_34, %swap3A_35], %swap3A_38 {strides = array<i32>} : memref<3x64xi32, #tpu.memory_space<vmem>>, vector<1x16xi32>,
    %shift_right_logical3A_39 = arith.constant 14 : i32
    %shift_right_logical3A_40 = vector.broadcast %shift_right_logical3A_39 : i32 to vector<16xi32>
    %shift_right_logical3A_41 = arith.shrui %get3A_29, %shift_right_logical3A_40 : vector<16xi32>
    %swap3A_42 = arith.constant 0 : i32
    %swap3A_43 = arith.index_cast %swap3A_42 : i32 to index
    %swap3A_44 = arith.constant 16 : index
    %swap3A_45 = tpu.vector_load %arg7[%swap3A_43, %swap3A_44] {strides = array<i32>} : memref<3x64xi32, #tpu.memory_space<vmem>>, vector<1x16xi32>,
    %swap3A_46 = vector.shape_cast %swap3A_45 : vector<1x16xi32> to vector<16xi32>
    %swap3A_47 = vector.shape_cast %shift_right_logical3A_41 : vector<16xi32> to vector<1x16xi32>
    tpu.vector_store %arg7[%swap3A_43, %swap3A_44], %swap3A_47 {strides = array<i32>} : memref<3x64xi32, #tpu.memory_space<vmem>>, vector<1x16xi32>,
    %get3A_48 = arith.constant 0 : i32
    %get3A_49 = arith.index_cast %get3A_48 : i32 to index
    %get3A_50 = arith.constant 32 : index
    %get3A_51 = tpu.vector_load %arg5[%get3A_49, %get3A_50] {strides = array<i32>} : memref<159x64xi32, #tpu.memory_space<vmem>>, vector<1x16xi32>,
    %get3A_52 = vector.shape_cast %get3A_51 : vector<1x16xi32> to vector<16xi32>
    %and3A_53 = arith.constant 16383 : i32
    %and3A_54 = vector.broadcast %and3A_53 : i32 to vector<16xi32>
    %and3A_55 = arith.andi %get3A_52, %and3A_54 : vector<16xi32>
    %swap3A_56 = arith.constant 0 : i32
    %swap3A_57 = arith.index_cast %swap3A_56 : i32 to index
    %swap3A_58 = arith.constant 32 : index
    %swap3A_59 = tpu.vector_load %arg6[%swap3A_57, %swap3A_58] {strides = array<i32>} : memref<3x64xi32, #tpu.memory_space<vmem>>, vector<1x16xi32>,
    %swap3A_60 = vector.shape_cast %swap3A_59 : vector<1x16xi32> to vector<16xi32>
    %swap3A_61 = vector.shape_cast %and3A_55 : vector<16xi32> to vector<1x16xi32>
    tpu.vector_store %arg6[%swap3A_57, %swap3A_58], %swap3A_61 {strides = array<i32>} : memref<3x64xi32, #tpu.memory_space<vmem>>, vector<1x16xi32>,
    %shift_right_logical3A_62 = arith.constant 14 : i32
    %shift_right_logical3A_63 = vector.broadcast %shift_right_logical3A_62 : i32 to vector<16xi32>
    %shift_right_logical3A_64 = arith.shrui %get3A_52, %shift_right_logical3A_63 : vector<16xi32>
    %swap3A_65 = arith.constant 0 : i32
    %swap3A_66 = arith.index_cast %swap3A_65 : i32 to index
    %swap3A_67 = arith.constant 32 : index
    %swap3A_68 = tpu.vector_load %arg7[%swap3A_66, %swap3A_67] {strides = array<i32>} : memref<3x64xi32, #tpu.memory_space<vmem>>, vector<1x16xi32>,
    %swap3A_69 = vector.shape_cast %swap3A_68 : vector<1x16xi32> to vector<16xi32>
    %swap3A_70 = vector.shape_cast %shift_right_logical3A_64 : vector<16xi32> to vector<1x16xi32>
    tpu.vector_store %arg7[%swap3A_66, %swap3A_67], %swap3A_70 {strides = array<i32>} : memref<3x64xi32, #tpu.memory_space<vmem>>, vector<1x16xi32>,
    %get3A_71 = arith.constant 0 : i32
    %get3A_72 = arith.index_cast %get3A_71 : i32 to index
    %get3A_73 = arith.constant 48 : index
    %get3A_74 = tpu.vector_load %arg5[%get3A_72, %get3A_73] {strides = array<i32>} : memref<159x64xi32, #tpu.memory_space<vmem>>, vector<1x16xi32>,
    %get3A_75 = vector.shape_cast %get3A_74 : vector<1x16xi32> to vector<16xi32>
    %and3A_76 = arith.constant 16383 : i32
    %and3A_77 = vector.broadcast %and3A_76 : i32 to vector<16xi32>
    %and3A_78 = arith.andi %get3A_75, %and3A_77 : vector<16xi32>
    %swap3A_79 = arith.constant 0 : i32
    %swap3A_80 = arith.index_cast %swap3A_79 : i32 to index
    %swap3A_81 = arith.constant 48 : index
    %swap3A_82 = tpu.vector_load %arg6[%swap3A_80, %swap3A_81] {strides = array<i32>} : memref<3x64xi32, #tpu.memory_space<vmem>>, vector<1x16xi32>,
    %swap3A_83 = vector.shape_cast %swap3A_82 : vector<1x16xi32> to vector<16xi32>
    %swap3A_84 = vector.shape_cast %and3A_78 : vector<16xi32> to vector<1x16xi32>
    tpu.vector_store %arg6[%swap3A_80, %swap3A_81], %swap3A_84 {strides = array<i32>} : memref<3x64xi32, #tpu.memory_space<vmem>>, vector<1x16xi32>,
    %shift_right_logical3A_85 = arith.constant 14 : i32
    %shift_right_logical3A_86 = vector.broadcast %shift_right_logical3A_85 : i32 to vector<16xi32>
    %shift_right_logical3A_87 = arith.shrui %get3A_75, %shift_right_logical3A_86 : vector<16xi32>
    %swap3A_88 = arith.constant 0 : i32
    %swap3A_89 = arith.index_cast %swap3A_88 : i32 to index
    %swap3A_90 = arith.constant 48 : index
    %swap3A_91 = tpu.vector_load %arg7[%swap3A_89, %swap3A_90] {strides = array<i32>} : memref<3x64xi32, #tpu.memory_space<vmem>>, vector<1x16xi32>,
    %swap3A_92 = vector.shape_cast %swap3A_91 : vector<1x16xi32> to vector<16xi32>
    %swap3A_93 = vector.shape_cast %shift_right_logical3A_87 : vector<16xi32> to vector<1x16xi32>
    tpu.vector_store %arg7[%swap3A_89, %swap3A_90], %swap3A_93 {strides = array<i32>} : memref<3x64xi32, #tpu.memory_space<vmem>>, vector<1x16xi32>,
    %dma_start3A_94 = arith.constant 0 : i32
    %dma_start3A_95 = arith.constant 0 : i32
    %dma_start3A_96 = tpu.memref_slice %arg6[%dma_start3A_94, %dma_start3A_95] : memref<3x64xi32, #tpu.memory_space<vmem>> -> memref<1x64xi32, #tpu.memory_space<vmem>>
    %dma_start3A_97 = tpu.memref_squeeze %dma_start3A_96 : memref<1x64xi32, #tpu.memory_space<vmem>> -> memref<64xi32, #tpu.memory_space<vmem>>
    %dma_start3A_98 = arith.constant 0 : i32
    %dma_start3A_99 = arith.constant 0 : i32
    %dma_start3A_100 = tpu.memref_slice %arg2[%dma_start3A_98, %dma_start3A_99] : memref<10112x128xf32, #tpu.memory_space<hbm>> -> memref<10112x128xf32, #tpu.memory_space<hbm>>
    tpu.enqueue_indirect_dma source(%dma_start3A_100 : memref<10112x128xf32, #tpu.memory_space<hbm>>) target(%arg8 : memref<64x128xf32, #tpu.memory_space<vmem>>) offsets(%dma_start3A_97 : memref<64xi32, #tpu.memory_space<vmem>>) semaphore(%arg12 : memref<!tpu.dma_semaphore, #tpu.memory_space<semaphore_mem>>)
    %get3A_101 = arith.constant 1 : i32
    %get3A_102 = arith.index_cast %get3A_101 : i32 to index
    %get3A_103 = arith.constant 0 : index
    %get3A_104 = tpu.vector_load %arg5[%get3A_102, %get3A_103] {strides = array<i32>} : memref<159x64xi32, #tpu.memory_space<vmem>>, vector<1x16xi32>,
    %get3A_105 = vector.shape_cast %get3A_104 : vector<1x16xi32> to vector<16xi32>
    %and3A_106 = arith.constant 16383 : i32
    %and3A_107 = vector.broadcast %and3A_106 : i32 to vector<16xi32>
    %and3A_108 = arith.andi %get3A_105, %and3A_107 : vector<16xi32>
    %swap3A_109 = arith.constant 1 : i32
    %swap3A_110 = arith.index_cast %swap3A_109 : i32 to index
    %swap3A_111 = arith.constant 0 : index
    %swap3A_112 = tpu.vector_load %arg6[%swap3A_110, %swap3A_111] {strides = array<i32>} : memref<3x64xi32, #tpu.memory_space<vmem>>, vector<1x16xi32>,
    %swap3A_113 = vector.shape_cast %swap3A_112 : vector<1x16xi32> to vector<16xi32>
    %swap3A_114 = vector.shape_cast %and3A_108 : vector<16xi32> to vector<1x16xi32>
    tpu.vector_store %arg6[%swap3A_110, %swap3A_111], %swap3A_114 {strides = array<i32>} : memref<3x64xi32, #tpu.memory_space<vmem>>, vector<1x16xi32>,
    %shift_right_logical3A_115 = arith.constant 14 : i32
    %shift_right_logical3A_116 = vector.broadcast %shift_right_logical3A_115 : i32 to vector<16xi32>
    %shift_right_logical3A_117 = arith.shrui %get3A_105, %shift_right_logical3A_116 : vector<16xi32>
    %swap3A_118 = arith.constant 1 : i32
    %swap3A_119 = arith.index_cast %swap3A_118 : i32 to index
    %swap3A_120 = arith.constant 0 : index
    %swap3A_121 = tpu.vector_load %arg7[%swap3A_119, %swap3A_120] {strides = array<i32>} : memref<3x64xi32, #tpu.memory_space<vmem>>, vector<1x16xi32>,
    %swap3A_122 = vector.shape_cast %swap3A_121 : vector<1x16xi32> to vector<16xi32>
    %swap3A_123 = vector.shape_cast %shift_right_logical3A_117 : vector<16xi32> to vector<1x16xi32>
    tpu.vector_store %arg7[%swap3A_119, %swap3A_120], %swap3A_123 {strides = array<i32>} : memref<3x64xi32, #tpu.memory_space<vmem>>, vector<1x16xi32>,
    %get3A_124 = arith.constant 1 : i32
    %get3A_125 = arith.index_cast %get3A_124 : i32 to index
    %get3A_126 = arith.constant 16 : index
    %get3A_127 = tpu.vector_load %arg5[%get3A_125, %get3A_126] {strides = array<i32>} : memref<159x64xi32, #tpu.memory_space<vmem>>, vector<1x16xi32>,
    %get3A_128 = vector.shape_cast %get3A_127 : vector<1x16xi32> to vector<16xi32>
    %and3A_129 = arith.constant 16383 : i32
    %and3A_130 = vector.broadcast %and3A_129 : i32 to vector<16xi32>
    %and3A_131 = arith.andi %get3A_128, %and3A_130 : vector<16xi32>
    %swap3A_132 = arith.constant 1 : i32
    %swap3A_133 = arith.index_cast %swap3A_132 : i32 to index
    %swap3A_134 = arith.constant 16 : index
    %swap3A_135 = tpu.vector_load %arg6[%swap3A_133, %swap3A_134] {strides = array<i32>} : memref<3x64xi32, #tpu.memory_space<vmem>>, vector<1x16xi32>,
    %swap3A_136 = vector.shape_cast %swap3A_135 : vector<1x16xi32> to vector<16xi32>
    %swap3A_137 = vector.shape_cast %and3A_131 : vector<16xi32> to vector<1x16xi32>
    tpu.vector_store %arg6[%swap3A_133, %swap3A_134], %swap3A_137 {strides = array<i32>} : memref<3x64xi32, #tpu.memory_space<vmem>>, vector<1x16xi32>,
    %shift_right_logical3A_138 = arith.constant 14 : i32
    %shift_right_logical3A_139 = vector.broadcast %shift_right_logical3A_138 : i32 to vector<16xi32>
    %shift_right_logical3A_140 = arith.shrui %get3A_128, %shift_right_logical3A_139 : vector<16xi32>
    %swap3A_141 = arith.constant 1 : i32
    %swap3A_142 = arith.index_cast %swap3A_141 : i32 to index
    %swap3A_143 = arith.constant 16 : index
    %swap3A_144 = tpu.vector_load %arg7[%swap3A_142, %swap3A_143] {strides = array<i32>} : memref<3x64xi32, #tpu.memory_space<vmem>>, vector<1x16xi32>,
    %swap3A_145 = vector.shape_cast %swap3A_144 : vector<1x16xi32> to vector<16xi32>
    %swap3A_146 = vector.shape_cast %shift_right_logical3A_140 : vector<16xi32> to vector<1x16xi32>
    tpu.vector_store %arg7[%swap3A_142, %swap3A_143], %swap3A_146 {strides = array<i32>} : memref<3x64xi32, #tpu.memory_space<vmem>>, vector<1x16xi32>,
    %get3A_147 = arith.constant 1 : i32
    %get3A_148 = arith.index_cast %get3A_147 : i32 to index
    %get3A_149 = arith.constant 32 : index
    %get3A_150 = tpu.vector_load %arg5[%get3A_148, %get3A_149] {strides = array<i32>} : memref<159x64xi32, #tpu.memory_space<vmem>>, vector<1x16xi32>,
    %get3A_151 = vector.shape_cast %get3A_150 : vector<1x16xi32> to vector<16xi32>
    %and3A_152 = arith.constant 16383 : i32
    %and3A_153 = vector.broadcast %and3A_152 : i32 to vector<16xi32>
    %and3A_154 = arith.andi %get3A_151, %and3A_153 : vector<16xi32>
    %swap3A_155 = arith.constant 1 : i32
    %swap3A_156 = arith.index_cast %swap3A_155 : i32 to index
    %swap3A_157 = arith.constant 32 : index
    %swap3A_158 = tpu.vector_load %arg6[%swap3A_156, %swap3A_157] {strides = array<i32>} : memref<3x64xi32, #tpu.memory_space<vmem>>, vector<1x16xi32>,
    %swap3A_159 = vector.shape_cast %swap3A_158 : vector<1x16xi32> to vector<16xi32>
    %swap3A_160 = vector.shape_cast %and3A_154 : vector<16xi32> to vector<1x16xi32>
    tpu.vector_store %arg6[%swap3A_156, %swap3A_157], %swap3A_160 {strides = array<i32>} : memref<3x64xi32, #tpu.memory_space<vmem>>, vector<1x16xi32>,
    %shift_right_logical3A_161 = arith.constant 14 : i32
    %shift_right_logical3A_162 = vector.broadcast %shift_right_logical3A_161 : i32 to vector<16xi32>
    %shift_right_logical3A_163 = arith.shrui %get3A_151, %shift_right_logical3A_162 : vector<16xi32>
    %swap3A_164 = arith.constant 1 : i32
    %swap3A_165 = arith.index_cast %swap3A_164 : i32 to index
    %swap3A_166 = arith.constant 32 : index
    %swap3A_167 = tpu.vector_load %arg7[%swap3A_165, %swap3A_166] {strides = array<i32>} : memref<3x64xi32, #tpu.memory_space<vmem>>, vector<1x16xi32>,
    %swap3A_168 = vector.shape_cast %swap3A_167 : vector<1x16xi32> to vector<16xi32>
    %swap3A_169 = vector.shape_cast %shift_right_logical3A_163 : vector<16xi32> to vector<1x16xi32>
    tpu.vector_store %arg7[%swap3A_165, %swap3A_166], %swap3A_169 {strides = array<i32>} : memref<3x64xi32, #tpu.memory_space<vmem>>, vector<1x16xi32>,
    %get3A_170 = arith.constant 1 : i32
    %get3A_171 = arith.index_cast %get3A_170 : i32 to index
    %get3A_172 = arith.constant 48 : index
    %get3A_173 = tpu.vector_load %arg5[%get3A_171, %get3A_172] {strides = array<i32>} : memref<159x64xi32, #tpu.memory_space<vmem>>, vector<1x16xi32>,
    %get3A_174 = vector.shape_cast %get3A_173 : vector<1x16xi32> to vector<16xi32>
    %and3A_175 = arith.constant 16383 : i32
    %and3A_176 = vector.broadcast %and3A_175 : i32 to vector<16xi32>
    %and3A_177 = arith.andi %get3A_174, %and3A_176 : vector<16xi32>
    %swap3A_178 = arith.constant 1 : i32
    %swap3A_179 = arith.index_cast %swap3A_178 : i32 to index
    %swap3A_180 = arith.constant 48 : index
    %swap3A_181 = tpu.vector_load %arg6[%swap3A_179, %swap3A_180] {strides = array<i32>} : memref<3x64xi32, #tpu.memory_space<vmem>>, vector<1x16xi32>,
    %swap3A_182 = vector.shape_cast %swap3A_181 : vector<1x16xi32> to vector<16xi32>
    %swap3A_183 = vector.shape_cast %and3A_177 : vector<16xi32> to vector<1x16xi32>
    tpu.vector_store %arg6[%swap3A_179, %swap3A_180], %swap3A_183 {strides = array<i32>} : memref<3x64xi32, #tpu.memory_space<vmem>>, vector<1x16xi32>,
    %shift_right_logical3A_184 = arith.constant 14 : i32
    %shift_right_logical3A_185 = vector.broadcast %shift_right_logical3A_184 : i32 to vector<16xi32>
    %shift_right_logical3A_186 = arith.shrui %get3A_174, %shift_right_logical3A_185 : vector<16xi32>
    %swap3A_187 = arith.constant 1 : i32
    %swap3A_188 = arith.index_cast %swap3A_187 : i32 to index
    %swap3A_189 = arith.constant 48 : index
    %swap3A_190 = tpu.vector_load %arg7[%swap3A_188, %swap3A_189] {strides = array<i32>} : memref<3x64xi32, #tpu.memory_space<vmem>>, vector<1x16xi32>,
    %swap3A_191 = vector.shape_cast %swap3A_190 : vector<1x16xi32> to vector<16xi32>
    %swap3A_192 = vector.shape_cast %shift_right_logical3A_186 : vector<16xi32> to vector<1x16xi32>
    tpu.vector_store %arg7[%swap3A_188, %swap3A_189], %swap3A_192 {strides = array<i32>} : memref<3x64xi32, #tpu.memory_space<vmem>>, vector<1x16xi32>,
    %dma_start3A_193 = arith.constant 1 : i32
    %dma_start3A_194 = arith.constant 0 : i32
    %dma_start3A_195 = tpu.memref_slice %arg6[%dma_start3A_193, %dma_start3A_194] : memref<3x64xi32, #tpu.memory_space<vmem>> -> memref<1x64xi32, #tpu.memory_space<vmem>>
    %dma_start3A_196 = tpu.memref_squeeze %dma_start3A_195 : memref<1x64xi32, #tpu.memory_space<vmem>> -> memref<64xi32, #tpu.memory_space<vmem>>
    %dma_start3A_197 = arith.constant 0 : i32
    %dma_start3A_198 = arith.constant 0 : i32
    %dma_start3A_199 = tpu.memref_slice %arg2[%dma_start3A_197, %dma_start3A_198] : memref<10112x128xf32, #tpu.memory_space<hbm>> -> memref<10112x128xf32, #tpu.memory_space<hbm>>
    tpu.enqueue_indirect_dma source(%dma_start3A_199 : memref<10112x128xf32, #tpu.memory_space<hbm>>) target(%arg9 : memref<64x128xf32, #tpu.memory_space<vmem>>) offsets(%dma_start3A_196 : memref<64xi32, #tpu.memory_space<vmem>>) semaphore(%arg13 : memref<!tpu.dma_semaphore, #tpu.memory_space<semaphore_mem>>)
    %get3A_200 = arith.constant 2 : i32
    %get3A_201 = arith.index_cast %get3A_200 : i32 to index
    %get3A_202 = arith.constant 0 : index
    %get3A_203 = tpu.vector_load %arg5[%get3A_201, %get3A_202] {strides = array<i32>} : memref<159x64xi32, #tpu.memory_space<vmem>>, vector<1x16xi32>,
    %get3A_204 = vector.shape_cast %get3A_203 : vector<1x16xi32> to vector<16xi32>
    %and3A_205 = arith.constant 16383 : i32
    %and3A_206 = vector.broadcast %and3A_205 : i32 to vector<16xi32>
    %and3A_207 = arith.andi %get3A_204, %and3A_206 : vector<16xi32>
    %swap3A_208 = arith.constant 2 : i32
    %swap3A_209 = arith.index_cast %swap3A_208 : i32 to index
    %swap3A_210 = arith.constant 0 : index
    %swap3A_211 = tpu.vector_load %arg6[%swap3A_209, %swap3A_210] {strides = array<i32>} : memref<3x64xi32, #tpu.memory_space<vmem>>, vector<1x16xi32>,
    %swap3A_212 = vector.shape_cast %swap3A_211 : vector<1x16xi32> to vector<16xi32>
    %swap3A_213 = vector.shape_cast %and3A_207 : vector<16xi32> to vector<1x16xi32>
    tpu.vector_store %arg6[%swap3A_209, %swap3A_210], %swap3A_213 {strides = array<i32>} : memref<3x64xi32, #tpu.memory_space<vmem>>, vector<1x16xi32>,
    %shift_right_logical3A_214 = arith.constant 14 : i32
    %shift_right_logical3A_215 = vector.broadcast %shift_right_logical3A_214 : i32 to vector<16xi32>
    %shift_right_logical3A_216 = arith.shrui %get3A_204, %shift_right_logical3A_215 : vector<16xi32>
    %swap3A_217 = arith.constant 2 : i32
    %swap3A_218 = arith.index_cast %swap3A_217 : i32 to index
    %swap3A_219 = arith.constant 0 : index
    %swap3A_220 = tpu.vector_load %arg7[%swap3A_218, %swap3A_219] {strides = array<i32>} : memref<3x64xi32, #tpu.memory_space<vmem>>, vector<1x16xi32>,
    %swap3A_221 = vector.shape_cast %swap3A_220 : vector<1x16xi32> to vector<16xi32>
    %swap3A_222 = vector.shape_cast %shift_right_logical3A_216 : vector<16xi32> to vector<1x16xi32>
    tpu.vector_store %arg7[%swap3A_218, %swap3A_219], %swap3A_222 {strides = array<i32>} : memref<3x64xi32, #tpu.memory_space<vmem>>, vector<1x16xi32>,
    %get3A_223 = arith.constant 2 : i32
    %get3A_224 = arith.index_cast %get3A_223 : i32 to index
    %get3A_225 = arith.constant 16 : index
    %get3A_226 = tpu.vector_load %arg5[%get3A_224, %get3A_225] {strides = array<i32>} : memref<159x64xi32, #tpu.memory_space<vmem>>, vector<1x16xi32>,
    %get3A_227 = vector.shape_cast %get3A_226 : vector<1x16xi32> to vector<16xi32>
    %and3A_228 = arith.constant 16383 : i32
    %and3A_229 = vector.broadcast %and3A_228 : i32 to vector<16xi32>
    %and3A_230 = arith.andi %get3A_227, %and3A_229 : vector<16xi32>
    %swap3A_231 = arith.constant 2 : i32
    %swap3A_232 = arith.index_cast %swap3A_231 : i32 to index
    %swap3A_233 = arith.constant 16 : index
    %swap3A_234 = tpu.vector_load %arg6[%swap3A_232, %swap3A_233] {strides = array<i32>} : memref<3x64xi32, #tpu.memory_space<vmem>>, vector<1x16xi32>,
    %swap3A_235 = vector.shape_cast %swap3A_234 : vector<1x16xi32> to vector<16xi32>
    %swap3A_236 = vector.shape_cast %and3A_230 : vector<16xi32> to vector<1x16xi32>
    tpu.vector_store %arg6[%swap3A_232, %swap3A_233], %swap3A_236 {strides = array<i32>} : memref<3x64xi32, #tpu.memory_space<vmem>>, vector<1x16xi32>,
    %shift_right_logical3A_237 = arith.constant 14 : i32
    %shift_right_logical3A_238 = vector.broadcast %shift_right_logical3A_237 : i32 to vector<16xi32>
    %shift_right_logical3A_239 = arith.shrui %get3A_227, %shift_right_logical3A_238 : vector<16xi32>
    %swap3A_240 = arith.constant 2 : i32
    %swap3A_241 = arith.index_cast %swap3A_240 : i32 to index
    %swap3A_242 = arith.constant 16 : index
    %swap3A_243 = tpu.vector_load %arg7[%swap3A_241, %swap3A_242] {strides = array<i32>} : memref<3x64xi32, #tpu.memory_space<vmem>>, vector<1x16xi32>,
    %swap3A_244 = vector.shape_cast %swap3A_243 : vector<1x16xi32> to vector<16xi32>
    %swap3A_245 = vector.shape_cast %shift_right_logical3A_239 : vector<16xi32> to vector<1x16xi32>
    tpu.vector_store %arg7[%swap3A_241, %swap3A_242], %swap3A_245 {strides = array<i32>} : memref<3x64xi32, #tpu.memory_space<vmem>>, vector<1x16xi32>,
    %get3A_246 = arith.constant 2 : i32
    %get3A_247 = arith.index_cast %get3A_246 : i32 to index
    %get3A_248 = arith.constant 32 : index
    %get3A_249 = tpu.vector_load %arg5[%get3A_247, %get3A_248] {strides = array<i32>} : memref<159x64xi32, #tpu.memory_space<vmem>>, vector<1x16xi32>,
    %get3A_250 = vector.shape_cast %get3A_249 : vector<1x16xi32> to vector<16xi32>
    %and3A_251 = arith.constant 16383 : i32
    %and3A_252 = vector.broadcast %and3A_251 : i32 to vector<16xi32>
    %and3A_253 = arith.andi %get3A_250, %and3A_252 : vector<16xi32>
    %swap3A_254 = arith.constant 2 : i32
    %swap3A_255 = arith.index_cast %swap3A_254 : i32 to index
    %swap3A_256 = arith.constant 32 : index
    %swap3A_257 = tpu.vector_load %arg6[%swap3A_255, %swap3A_256] {strides = array<i32>} : memref<3x64xi32, #tpu.memory_space<vmem>>, vector<1x16xi32>,
    %swap3A_258 = vector.shape_cast %swap3A_257 : vector<1x16xi32> to vector<16xi32>
    %swap3A_259 = vector.shape_cast %and3A_253 : vector<16xi32> to vector<1x16xi32>
    tpu.vector_store %arg6[%swap3A_255, %swap3A_256], %swap3A_259 {strides = array<i32>} : memref<3x64xi32, #tpu.memory_space<vmem>>, vector<1x16xi32>,
    %shift_right_logical3A_260 = arith.constant 14 : i32
    %shift_right_logical3A_261 = vector.broadcast %shift_right_logical3A_260 : i32 to vector<16xi32>
    %shift_right_logical3A_262 = arith.shrui %get3A_250, %shift_right_logical3A_261 : vector<16xi32>
    %swap3A_263 = arith.constant 2 : i32
    %swap3A_264 = arith.index_cast %swap3A_263 : i32 to index
    %swap3A_265 = arith.constant 32 : index
    %swap3A_266 = tpu.vector_load %arg7[%swap3A_264, %swap3A_265] {strides = array<i32>} : memref<3x64xi32, #tpu.memory_space<vmem>>, vector<1x16xi32>,
    %swap3A_267 = vector.shape_cast %swap3A_266 : vector<1x16xi32> to vector<16xi32>
    %swap3A_268 = vector.shape_cast %shift_right_logical3A_262 : vector<16xi32> to vector<1x16xi32>
    tpu.vector_store %arg7[%swap3A_264, %swap3A_265], %swap3A_268 {strides = array<i32>} : memref<3x64xi32, #tpu.memory_space<vmem>>, vector<1x16xi32>,
    %get3A_269 = arith.constant 2 : i32
    %get3A_270 = arith.index_cast %get3A_269 : i32 to index
    %get3A_271 = arith.constant 48 : index
    %get3A_272 = tpu.vector_load %arg5[%get3A_270, %get3A_271] {strides = array<i32>} : memref<159x64xi32, #tpu.memory_space<vmem>>, vector<1x16xi32>,
    %get3A_273 = vector.shape_cast %get3A_272 : vector<1x16xi32> to vector<16xi32>
    %and3A_274 = arith.constant 16383 : i32
    %and3A_275 = vector.broadcast %and3A_274 : i32 to vector<16xi32>
    %and3A_276 = arith.andi %get3A_273, %and3A_275 : vector<16xi32>
    %swap3A_277 = arith.constant 2 : i32
    %swap3A_278 = arith.index_cast %swap3A_277 : i32 to index
    %swap3A_279 = arith.constant 48 : index
    %swap3A_280 = tpu.vector_load %arg6[%swap3A_278, %swap3A_279] {strides = array<i32>} : memref<3x64xi32, #tpu.memory_space<vmem>>, vector<1x16xi32>,
    %swap3A_281 = vector.shape_cast %swap3A_280 : vector<1x16xi32> to vector<16xi32>
    %swap3A_282 = vector.shape_cast %and3A_276 : vector<16xi32> to vector<1x16xi32>
    tpu.vector_store %arg6[%swap3A_278, %swap3A_279], %swap3A_282 {strides = array<i32>} : memref<3x64xi32, #tpu.memory_space<vmem>>, vector<1x16xi32>,
    %shift_right_logical3A_283 = arith.constant 14 : i32
    %shift_right_logical3A_284 = vector.broadcast %shift_right_logical3A_283 : i32 to vector<16xi32>
    %shift_right_logical3A_285 = arith.shrui %get3A_273, %shift_right_logical3A_284 : vector<16xi32>
    %swap3A_286 = arith.constant 2 : i32
    %swap3A_287 = arith.index_cast %swap3A_286 : i32 to index
    %swap3A_288 = arith.constant 48 : index
    %swap3A_289 = tpu.vector_load %arg7[%swap3A_287, %swap3A_288] {strides = array<i32>} : memref<3x64xi32, #tpu.memory_space<vmem>>, vector<1x16xi32>,
    %swap3A_290 = vector.shape_cast %swap3A_289 : vector<1x16xi32> to vector<16xi32>
    %swap3A_291 = vector.shape_cast %shift_right_logical3A_285 : vector<16xi32> to vector<1x16xi32>
    tpu.vector_store %arg7[%swap3A_287, %swap3A_288], %swap3A_291 {strides = array<i32>} : memref<3x64xi32, #tpu.memory_space<vmem>>, vector<1x16xi32>,
    %dma_start3A_292 = arith.constant 2 : i32
    %dma_start3A_293 = arith.constant 0 : i32
    %dma_start3A_294 = tpu.memref_slice %arg6[%dma_start3A_292, %dma_start3A_293] : memref<3x64xi32, #tpu.memory_space<vmem>> -> memref<1x64xi32, #tpu.memory_space<vmem>>
    %dma_start3A_295 = tpu.memref_squeeze %dma_start3A_294 : memref<1x64xi32, #tpu.memory_space<vmem>> -> memref<64xi32, #tpu.memory_space<vmem>>
    %dma_start3A_296 = arith.constant 0 : i32
    %dma_start3A_297 = arith.constant 0 : i32
    %dma_start3A_298 = tpu.memref_slice %arg2[%dma_start3A_296, %dma_start3A_297] : memref<10112x128xf32, #tpu.memory_space<hbm>> -> memref<10112x128xf32, #tpu.memory_space<hbm>>
    tpu.enqueue_indirect_dma source(%dma_start3A_298 : memref<10112x128xf32, #tpu.memory_space<hbm>>) target(%arg10 : memref<64x128xf32, #tpu.memory_space<vmem>>) offsets(%dma_start3A_295 : memref<64xi32, #tpu.memory_space<vmem>>) semaphore(%arg14 : memref<!tpu.dma_semaphore, #tpu.memory_space<semaphore_mem>>)
    %dma_wait3A = arith.constant 0 : i32
    %dma_wait3A_299 = tpu.memref_slice %arg11[%mul3A_2, %dma_wait3A] : memref<10112x128xf32, #tpu.memory_space<vmem_shared>> -> memref<632x128xf32, #tpu.memory_space<vmem_shared>>
    %dma_wait3A_300 = arith.constant 0 : i32
    %dma_wait3A_301 = tpu.memref_slice %arg2[%mul3A_2, %dma_wait3A_300] : memref<10112x128xf32, #tpu.memory_space<hbm>> -> memref<632x128xf32, #tpu.memory_space<hbm>>
    tpu.wait_dma2 semaphore(%arg15 : memref<!tpu.dma_semaphore, #tpu.memory_space<semaphore_mem>>) src(%dma_wait3A_301 : memref<632x128xf32, #tpu.memory_space<hbm>>) dst(%dma_wait3A_299 : memref<632x128xf32, #tpu.memory_space<vmem_shared>>)
    %barrier3A = arith.constant 0 : index
    tpu.barrier barrier_id(%barrier3A)
    %scan3A = arith.constant 0 : i32
    %scan3A_302 = arith.constant 0 : i32
    %scan3A_303 = arith.constant 52 : i32
    %scan3A_304 = arith.addi %scan3A_302, %scan3A_303 : i32
    %scan3A_305 = arith.constant 1 : i32
    scf.for %scan3A_331 = %scan3A_302 to %scan3A_304 step %scan3A_305  : i32 {
      %mul3A_332 = arith.constant 3 : i32
      %mul3A_333 = arith.muli %mul3A_332, %scan3A_331 : i32
      %dma_wait3A_334 = arith.constant 0 : i32
      %dma_wait3A_335 = arith.constant 0 : i32
      %dma_wait3A_336 = tpu.memref_slice %arg6[%dma_wait3A_334, %dma_wait3A_335] : memref<3x64xi32, #tpu.memory_space<vmem>> -> memref<1x64xi32, #tpu.memory_space<vmem>>
      %dma_wait3A_337 = tpu.memref_squeeze %dma_wait3A_336 : memref<1x64xi32, #tpu.memory_space<vmem>> -> memref<64xi32, #tpu.memory_space<vmem>>
      %dma_wait3A_338 = arith.constant 0 : i32
      %dma_wait3A_339 = arith.constant 0 : i32
      %dma_wait3A_340 = tpu.memref_slice %arg2[%dma_wait3A_338, %dma_wait3A_339] : memref<10112x128xf32, #tpu.memory_space<hbm>> -> memref<10112x128xf32, #tpu.memory_space<hbm>>
      tpu.wait_indirect_dma semaphore(%arg12 : memref<!tpu.dma_semaphore, #tpu.memory_space<semaphore_mem>>) src(%dma_wait3A_340 : memref<10112x128xf32, #tpu.memory_space<hbm>>) dst(%arg8 : memref<64x128xf32, #tpu.memory_space<vmem>>)
      %run_scoped3A_341 = arith.constant 0 : i32
      "tpu.region"() ({
        %run_scoped3A_655 = tpu.sem_alloc : memref<!tpu.dma_semaphore, #tpu.memory_space<semaphore_mem>>
        %dma_start3A_656 = arith.constant 0 : i32
        %dma_start3A_657 = tpu.memref_slice %arg7[%run_scoped3A_341, %dma_start3A_656] : memref<3x64xi32, #tpu.memory_space<vmem>> -> memref<1x64xi32, #tpu.memory_space<vmem>>
        %dma_start3A_658 = tpu.memref_squeeze %dma_start3A_657 : memref<1x64xi32, #tpu.memory_space<vmem>> -> memref<64xi32, #tpu.memory_space<vmem>>
        %dma_start3A_659 = arith.constant 0 : i32
        %dma_start3A_660 = arith.constant 0 : i32
        %dma_start3A_661 = tpu.memref_slice %arg11[%dma_start3A_659, %dma_start3A_660] : memref<10112x128xf32, #tpu.memory_space<vmem_shared>> -> memref<10112x128xf32, #tpu.memory_space<vmem_shared>>
        tpu.enqueue_indirect_dma source(%arg8 : memref<64x128xf32, #tpu.memory_space<vmem>>) target(%dma_start3A_661 : memref<10112x128xf32, #tpu.memory_space<vmem_shared>>) offsets(%dma_start3A_658 : memref<64xi32, #tpu.memory_space<vmem>>) semaphore(%run_scoped3A_655 : memref<!tpu.dma_semaphore, #tpu.memory_space<semaphore_mem>>) {add = true}
        %dma_wait3A_662 = arith.constant 0 : i32
        %dma_wait3A_663 = tpu.memref_slice %arg7[%run_scoped3A_341, %dma_wait3A_662] : memref<3x64xi32, #tpu.memory_space<vmem>> -> memref<1x64xi32, #tpu.memory_space<vmem>>
        %dma_wait3A_664 = tpu.memref_squeeze %dma_wait3A_663 : memref<1x64xi32, #tpu.memory_space<vmem>> -> memref<64xi32, #tpu.memory_space<vmem>>
        %dma_wait3A_665 = arith.constant 0 : i32
        %dma_wait3A_666 = arith.constant 0 : i32
        %dma_wait3A_667 = tpu.memref_slice %arg11[%dma_wait3A_665, %dma_wait3A_666] : memref<10112x128xf32, #tpu.memory_space<vmem_shared>> -> memref<10112x128xf32, #tpu.memory_space<vmem_shared>>
        tpu.wait_indirect_dma semaphore(%run_scoped3A_655 : memref<!tpu.dma_semaphore, #tpu.memory_space<semaphore_mem>>) src(%arg8 : memref<64x128xf32, #tpu.memory_space<vmem>>) dst(%dma_wait3A_667 : memref<10112x128xf32, #tpu.memory_space<vmem_shared>>)
        tpu.yield
      }) : () -> ()
      %add3A_342 = arith.constant 0 : i32
      %add3A_343 = arith.addi %mul3A_333, %add3A_342 : i32
      %add3A_344 = arith.constant 3 : i32
      %add3A_345 = arith.addi %add3A_343, %add3A_344 : i32
      %get3A_346 = arith.index_cast %add3A_345 : i32 to index
      %get3A_347 = arith.constant 0 : index
      %get3A_348 = tpu.vector_load %arg5[%get3A_346, %get3A_347] {strides = array<i32>} : memref<159x64xi32, #tpu.memory_space<vmem>>, vector<1x16xi32>,
      %get3A_349 = vector.shape_cast %get3A_348 : vector<1x16xi32> to vector<16xi32>
      %and3A_350 = arith.constant 16383 : i32
      %and3A_351 = vector.broadcast %and3A_350 : i32 to vector<16xi32>
      %and3A_352 = arith.andi %get3A_349, %and3A_351 : vector<16xi32>
      %swap3A_353 = arith.constant 0 : i32
      %swap3A_354 = arith.index_cast %swap3A_353 : i32 to index
      %swap3A_355 = arith.constant 0 : index
      %swap3A_356 = tpu.vector_load %arg6[%swap3A_354, %swap3A_355] {strides = array<i32>} : memref<3x64xi32, #tpu.memory_space<vmem>>, vector<1x16xi32>,
      %swap3A_357 = vector.shape_cast %swap3A_356 : vector<1x16xi32> to vector<16xi32>
      %swap3A_358 = vector.shape_cast %and3A_352 : vector<16xi32> to vector<1x16xi32>
      tpu.vector_store %arg6[%swap3A_354, %swap3A_355], %swap3A_358 {strides = array<i32>} : memref<3x64xi32, #tpu.memory_space<vmem>>, vector<1x16xi32>,
      %shift_right_logical3A_359 = arith.constant 14 : i32
      %shift_right_logical3A_360 = vector.broadcast %shift_right_logical3A_359 : i32 to vector<16xi32>
      %shift_right_logical3A_361 = arith.shrui %get3A_349, %shift_right_logical3A_360 : vector<16xi32>
      %swap3A_362 = arith.constant 0 : i32
      %swap3A_363 = arith.index_cast %swap3A_362 : i32 to index
      %swap3A_364 = arith.constant 0 : index
      %swap3A_365 = tpu.vector_load %arg7[%swap3A_363, %swap3A_364] {strides = array<i32>} : memref<3x64xi32, #tpu.memory_space<vmem>>, vector<1x16xi32>,
      %swap3A_366 = vector.shape_cast %swap3A_365 : vector<1x16xi32> to vector<16xi32>
      %swap3A_367 = vector.shape_cast %shift_right_logical3A_361 : vector<16xi32> to vector<1x16xi32>
      tpu.vector_store %arg7[%swap3A_363, %swap3A_364], %swap3A_367 {strides = array<i32>} : memref<3x64xi32, #tpu.memory_space<vmem>>, vector<1x16xi32>,
      %get3A_368 = arith.index_cast %add3A_345 : i32 to index
      %get3A_369 = arith.constant 16 : index
      %get3A_370 = tpu.vector_load %arg5[%get3A_368, %get3A_369] {strides = array<i32>} : memref<159x64xi32, #tpu.memory_space<vmem>>, vector<1x16xi32>,
      %get3A_371 = vector.shape_cast %get3A_370 : vector<1x16xi32> to vector<16xi32>
      %and3A_372 = arith.constant 16383 : i32
      %and3A_373 = vector.broadcast %and3A_372 : i32 to vector<16xi32>
      %and3A_374 = arith.andi %get3A_371, %and3A_373 : vector<16xi32>
      %swap3A_375 = arith.constant 0 : i32
      %swap3A_376 = arith.index_cast %swap3A_375 : i32 to index
      %swap3A_377 = arith.constant 16 : index
      %swap3A_378 = tpu.vector_load %arg6[%swap3A_376, %swap3A_377] {strides = array<i32>} : memref<3x64xi32, #tpu.memory_space<vmem>>, vector<1x16xi32>,
      %swap3A_379 = vector.shape_cast %swap3A_378 : vector<1x16xi32> to vector<16xi32>
      %swap3A_380 = vector.shape_cast %and3A_374 : vector<16xi32> to vector<1x16xi32>
      tpu.vector_store %arg6[%swap3A_376, %swap3A_377], %swap3A_380 {strides = array<i32>} : memref<3x64xi32, #tpu.memory_space<vmem>>, vector<1x16xi32>,
      %shift_right_logical3A_381 = arith.constant 14 : i32
      %shift_right_logical3A_382 = vector.broadcast %shift_right_logical3A_381 : i32 to vector<16xi32>
      %shift_right_logical3A_383 = arith.shrui %get3A_371, %shift_right_logical3A_382 : vector<16xi32>
      %swap3A_384 = arith.constant 0 : i32
      %swap3A_385 = arith.index_cast %swap3A_384 : i32 to index
      %swap3A_386 = arith.constant 16 : index
      %swap3A_387 = tpu.vector_load %arg7[%swap3A_385, %swap3A_386] {strides = array<i32>} : memref<3x64xi32, #tpu.memory_space<vmem>>, vector<1x16xi32>,
      %swap3A_388 = vector.shape_cast %swap3A_387 : vector<1x16xi32> to vector<16xi32>
      %swap3A_389 = vector.shape_cast %shift_right_logical3A_383 : vector<16xi32> to vector<1x16xi32>
      tpu.vector_store %arg7[%swap3A_385, %swap3A_386], %swap3A_389 {strides = array<i32>} : memref<3x64xi32, #tpu.memory_space<vmem>>, vector<1x16xi32>,
      %get3A_390 = arith.index_cast %add3A_345 : i32 to index
      %get3A_391 = arith.constant 32 : index
      %get3A_392 = tpu.vector_load %arg5[%get3A_390, %get3A_391] {strides = array<i32>} : memref<159x64xi32, #tpu.memory_space<vmem>>, vector<1x16xi32>,
      %get3A_393 = vector.shape_cast %get3A_392 : vector<1x16xi32> to vector<16xi32>
      %and3A_394 = arith.constant 16383 : i32
      %and3A_395 = vector.broadcast %and3A_394 : i32 to vector<16xi32>
      %and3A_396 = arith.andi %get3A_393, %and3A_395 : vector<16xi32>
      %swap3A_397 = arith.constant 0 : i32
      %swap3A_398 = arith.index_cast %swap3A_397 : i32 to index
      %swap3A_399 = arith.constant 32 : index
      %swap3A_400 = tpu.vector_load %arg6[%swap3A_398, %swap3A_399] {strides = array<i32>} : memref<3x64xi32, #tpu.memory_space<vmem>>, vector<1x16xi32>,
      %swap3A_401 = vector.shape_cast %swap3A_400 : vector<1x16xi32> to vector<16xi32>
      %swap3A_402 = vector.shape_cast %and3A_396 : vector<16xi32> to vector<1x16xi32>
      tpu.vector_store %arg6[%swap3A_398, %swap3A_399], %swap3A_402 {strides = array<i32>} : memref<3x64xi32, #tpu.memory_space<vmem>>, vector<1x16xi32>,
      %shift_right_logical3A_403 = arith.constant 14 : i32
      %shift_right_logical3A_404 = vector.broadcast %shift_right_logical3A_403 : i32 to vector<16xi32>
      %shift_right_logical3A_405 = arith.shrui %get3A_393, %shift_right_logical3A_404 : vector<16xi32>
      %swap3A_406 = arith.constant 0 : i32
      %swap3A_407 = arith.index_cast %swap3A_406 : i32 to index
      %swap3A_408 = arith.constant 32 : index
      %swap3A_409 = tpu.vector_load %arg7[%swap3A_407, %swap3A_408] {strides = array<i32>} : memref<3x64xi32, #tpu.memory_space<vmem>>, vector<1x16xi32>,
      %swap3A_410 = vector.shape_cast %swap3A_409 : vector<1x16xi32> to vector<16xi32>
      %swap3A_411 = vector.shape_cast %shift_right_logical3A_405 : vector<16xi32> to vector<1x16xi32>
      tpu.vector_store %arg7[%swap3A_407, %swap3A_408], %swap3A_411 {strides = array<i32>} : memref<3x64xi32, #tpu.memory_space<vmem>>, vector<1x16xi32>,
      %get3A_412 = arith.index_cast %add3A_345 : i32 to index
      %get3A_413 = arith.constant 48 : index
      %get3A_414 = tpu.vector_load %arg5[%get3A_412, %get3A_413] {strides = array<i32>} : memref<159x64xi32, #tpu.memory_space<vmem>>, vector<1x16xi32>,
      %get3A_415 = vector.shape_cast %get3A_414 : vector<1x16xi32> to vector<16xi32>
      %and3A_416 = arith.constant 16383 : i32
      %and3A_417 = vector.broadcast %and3A_416 : i32 to vector<16xi32>
      %and3A_418 = arith.andi %get3A_415, %and3A_417 : vector<16xi32>
      %swap3A_419 = arith.constant 0 : i32
      %swap3A_420 = arith.index_cast %swap3A_419 : i32 to index
      %swap3A_421 = arith.constant 48 : index
      %swap3A_422 = tpu.vector_load %arg6[%swap3A_420, %swap3A_421] {strides = array<i32>} : memref<3x64xi32, #tpu.memory_space<vmem>>, vector<1x16xi32>,
      %swap3A_423 = vector.shape_cast %swap3A_422 : vector<1x16xi32> to vector<16xi32>
      %swap3A_424 = vector.shape_cast %and3A_418 : vector<16xi32> to vector<1x16xi32>
      tpu.vector_store %arg6[%swap3A_420, %swap3A_421], %swap3A_424 {strides = array<i32>} : memref<3x64xi32, #tpu.memory_space<vmem>>, vector<1x16xi32>,
      %shift_right_logical3A_425 = arith.constant 14 : i32
      %shift_right_logical3A_426 = vector.broadcast %shift_right_logical3A_425 : i32 to vector<16xi32>
      %shift_right_logical3A_427 = arith.shrui %get3A_415, %shift_right_logical3A_426 : vector<16xi32>
      %swap3A_428 = arith.constant 0 : i32
      %swap3A_429 = arith.index_cast %swap3A_428 : i32 to index
      %swap3A_430 = arith.constant 48 : index
      %swap3A_431 = tpu.vector_load %arg7[%swap3A_429, %swap3A_430] {strides = array<i32>} : memref<3x64xi32, #tpu.memory_space<vmem>>, vector<1x16xi32>,
      %swap3A_432 = vector.shape_cast %swap3A_431 : vector<1x16xi32> to vector<16xi32>
      %swap3A_433 = vector.shape_cast %shift_right_logical3A_427 : vector<16xi32> to vector<1x16xi32>
      tpu.vector_store %arg7[%swap3A_429, %swap3A_430], %swap3A_433 {strides = array<i32>} : memref<3x64xi32, #tpu.memory_space<vmem>>, vector<1x16xi32>,
      %dma_start3A_434 = arith.constant 0 : i32
      %dma_start3A_435 = arith.constant 0 : i32
      %dma_start3A_436 = tpu.memref_slice %arg6[%dma_start3A_434, %dma_start3A_435] : memref<3x64xi32, #tpu.memory_space<vmem>> -> memref<1x64xi32, #tpu.memory_space<vmem>>
      %dma_start3A_437 = tpu.memref_squeeze %dma_start3A_436 : memref<1x64xi32, #tpu.memory_space<vmem>> -> memref<64xi32, #tpu.memory_space<vmem>>
      %dma_start3A_438 = arith.constant 0 : i32
      %dma_start3A_439 = arith.constant 0 : i32
      %dma_start3A_440 = tpu.memref_slice %arg2[%dma_start3A_438, %dma_start3A_439] : memref<10112x128xf32, #tpu.memory_space<hbm>> -> memref<10112x128xf32, #tpu.memory_space<hbm>>
      tpu.enqueue_indirect_dma source(%dma_start3A_440 : memref<10112x128xf32, #tpu.memory_space<hbm>>) target(%arg8 : memref<64x128xf32, #tpu.memory_space<vmem>>) offsets(%dma_start3A_437 : memref<64xi32, #tpu.memory_space<vmem>>) semaphore(%arg12 : memref<!tpu.dma_semaphore, #tpu.memory_space<semaphore_mem>>)
      %dma_wait3A_441 = arith.constant 1 : i32
      %dma_wait3A_442 = arith.constant 0 : i32
      %dma_wait3A_443 = tpu.memref_slice %arg6[%dma_wait3A_441, %dma_wait3A_442] : memref<3x64xi32, #tpu.memory_space<vmem>> -> memref<1x64xi32, #tpu.memory_space<vmem>>
      %dma_wait3A_444 = tpu.memref_squeeze %dma_wait3A_443 : memref<1x64xi32, #tpu.memory_space<vmem>> -> memref<64xi32, #tpu.memory_space<vmem>>
      %dma_wait3A_445 = arith.constant 0 : i32
      %dma_wait3A_446 = arith.constant 0 : i32
      %dma_wait3A_447 = tpu.memref_slice %arg2[%dma_wait3A_445, %dma_wait3A_446] : memref<10112x128xf32, #tpu.memory_space<hbm>> -> memref<10112x128xf32, #tpu.memory_space<hbm>>
      tpu.wait_indirect_dma semaphore(%arg13 : memref<!tpu.dma_semaphore, #tpu.memory_space<semaphore_mem>>) src(%dma_wait3A_447 : memref<10112x128xf32, #tpu.memory_space<hbm>>) dst(%arg9 : memref<64x128xf32, #tpu.memory_space<vmem>>)
      %run_scoped3A_448 = arith.constant 1 : i32
      "tpu.region"() ({
        %run_scoped3A_655 = tpu.sem_alloc : memref<!tpu.dma_semaphore, #tpu.memory_space<semaphore_mem>>
        %dma_start3A_656 = arith.constant 0 : i32
        %dma_start3A_657 = tpu.memref_slice %arg7[%run_scoped3A_448, %dma_start3A_656] : memref<3x64xi32, #tpu.memory_space<vmem>> -> memref<1x64xi32, #tpu.memory_space<vmem>>
        %dma_start3A_658 = tpu.memref_squeeze %dma_start3A_657 : memref<1x64xi32, #tpu.memory_space<vmem>> -> memref<64xi32, #tpu.memory_space<vmem>>
        %dma_start3A_659 = arith.constant 0 : i32
        %dma_start3A_660 = arith.constant 0 : i32
        %dma_start3A_661 = tpu.memref_slice %arg11[%dma_start3A_659, %dma_start3A_660] : memref<10112x128xf32, #tpu.memory_space<vmem_shared>> -> memref<10112x128xf32, #tpu.memory_space<vmem_shared>>
        tpu.enqueue_indirect_dma source(%arg9 : memref<64x128xf32, #tpu.memory_space<vmem>>) target(%dma_start3A_661 : memref<10112x128xf32, #tpu.memory_space<vmem_shared>>) offsets(%dma_start3A_658 : memref<64xi32, #tpu.memory_space<vmem>>) semaphore(%run_scoped3A_655 : memref<!tpu.dma_semaphore, #tpu.memory_space<semaphore_mem>>) {add = true}
        %dma_wait3A_662 = arith.constant 0 : i32
        %dma_wait3A_663 = tpu.memref_slice %arg7[%run_scoped3A_448, %dma_wait3A_662] : memref<3x64xi32, #tpu.memory_space<vmem>> -> memref<1x64xi32, #tpu.memory_space<vmem>>
        %dma_wait3A_664 = tpu.memref_squeeze %dma_wait3A_663 : memref<1x64xi32, #tpu.memory_space<vmem>> -> memref<64xi32, #tpu.memory_space<vmem>>
        %dma_wait3A_665 = arith.constant 0 : i32
        %dma_wait3A_666 = arith.constant 0 : i32
        %dma_wait3A_667 = tpu.memref_slice %arg11[%dma_wait3A_665, %dma_wait3A_666] : memref<10112x128xf32, #tpu.memory_space<vmem_shared>> -> memref<10112x128xf32, #tpu.memory_space<vmem_shared>>
        tpu.wait_indirect_dma semaphore(%run_scoped3A_655 : memref<!tpu.dma_semaphore, #tpu.memory_space<semaphore_mem>>) src(%arg9 : memref<64x128xf32, #tpu.memory_space<vmem>>) dst(%dma_wait3A_667 : memref<10112x128xf32, #tpu.memory_space<vmem_shared>>)
        tpu.yield
      }) : () -> ()
      %add3A_449 = arith.constant 1 : i32
      %add3A_450 = arith.addi %mul3A_333, %add3A_449 : i32
      %add3A_451 = arith.constant 3 : i32
      %add3A_452 = arith.addi %add3A_450, %add3A_451 : i32
      %get3A_453 = arith.index_cast %add3A_452 : i32 to index
      %get3A_454 = arith.constant 0 : index
      %get3A_455 = tpu.vector_load %arg5[%get3A_453, %get3A_454] {strides = array<i32>} : memref<159x64xi32, #tpu.memory_space<vmem>>, vector<1x16xi32>,
      %get3A_456 = vector.shape_cast %get3A_455 : vector<1x16xi32> to vector<16xi32>
      %and3A_457 = arith.constant 16383 : i32
      %and3A_458 = vector.broadcast %and3A_457 : i32 to vector<16xi32>
      %and3A_459 = arith.andi %get3A_456, %and3A_458 : vector<16xi32>
      %swap3A_460 = arith.constant 1 : i32
      %swap3A_461 = arith.index_cast %swap3A_460 : i32 to index
      %swap3A_462 = arith.constant 0 : index
      %swap3A_463 = tpu.vector_load %arg6[%swap3A_461, %swap3A_462] {strides = array<i32>} : memref<3x64xi32, #tpu.memory_space<vmem>>, vector<1x16xi32>,
      %swap3A_464 = vector.shape_cast %swap3A_463 : vector<1x16xi32> to vector<16xi32>
      %swap3A_465 = vector.shape_cast %and3A_459 : vector<16xi32> to vector<1x16xi32>
      tpu.vector_store %arg6[%swap3A_461, %swap3A_462], %swap3A_465 {strides = array<i32>} : memref<3x64xi32, #tpu.memory_space<vmem>>, vector<1x16xi32>,
      %shift_right_logical3A_466 = arith.constant 14 : i32
      %shift_right_logical3A_467 = vector.broadcast %shift_right_logical3A_466 : i32 to vector<16xi32>
      %shift_right_logical3A_468 = arith.shrui %get3A_456, %shift_right_logical3A_467 : vector<16xi32>
      %swap3A_469 = arith.constant 1 : i32
      %swap3A_470 = arith.index_cast %swap3A_469 : i32 to index
      %swap3A_471 = arith.constant 0 : index
      %swap3A_472 = tpu.vector_load %arg7[%swap3A_470, %swap3A_471] {strides = array<i32>} : memref<3x64xi32, #tpu.memory_space<vmem>>, vector<1x16xi32>,
      %swap3A_473 = vector.shape_cast %swap3A_472 : vector<1x16xi32> to vector<16xi32>
      %swap3A_474 = vector.shape_cast %shift_right_logical3A_468 : vector<16xi32> to vector<1x16xi32>
      tpu.vector_store %arg7[%swap3A_470, %swap3A_471], %swap3A_474 {strides = array<i32>} : memref<3x64xi32, #tpu.memory_space<vmem>>, vector<1x16xi32>,
      %get3A_475 = arith.index_cast %add3A_452 : i32 to index
      %get3A_476 = arith.constant 16 : index
      %get3A_477 = tpu.vector_load %arg5[%get3A_475, %get3A_476] {strides = array<i32>} : memref<159x64xi32, #tpu.memory_space<vmem>>, vector<1x16xi32>,
      %get3A_478 = vector.shape_cast %get3A_477 : vector<1x16xi32> to vector<16xi32>
      %and3A_479 = arith.constant 16383 : i32
      %and3A_480 = vector.broadcast %and3A_479 : i32 to vector<16xi32>
      %and3A_481 = arith.andi %get3A_478, %and3A_480 : vector<16xi32>
      %swap3A_482 = arith.constant 1 : i32
      %swap3A_483 = arith.index_cast %swap3A_482 : i32 to index
      %swap3A_484 = arith.constant 16 : index
      %swap3A_485 = tpu.vector_load %arg6[%swap3A_483, %swap3A_484] {strides = array<i32>} : memref<3x64xi32, #tpu.memory_space<vmem>>, vector<1x16xi32>,
      %swap3A_486 = vector.shape_cast %swap3A_485 : vector<1x16xi32> to vector<16xi32>
      %swap3A_487 = vector.shape_cast %and3A_481 : vector<16xi32> to vector<1x16xi32>
      tpu.vector_store %arg6[%swap3A_483, %swap3A_484], %swap3A_487 {strides = array<i32>} : memref<3x64xi32, #tpu.memory_space<vmem>>, vector<1x16xi32>,
      %shift_right_logical3A_488 = arith.constant 14 : i32
      %shift_right_logical3A_489 = vector.broadcast %shift_right_logical3A_488 : i32 to vector<16xi32>
      %shift_right_logical3A_490 = arith.shrui %get3A_478, %shift_right_logical3A_489 : vector<16xi32>
      %swap3A_491 = arith.constant 1 : i32
      %swap3A_492 = arith.index_cast %swap3A_491 : i32 to index
      %swap3A_493 = arith.constant 16 : index
      %swap3A_494 = tpu.vector_load %arg7[%swap3A_492, %swap3A_493] {strides = array<i32>} : memref<3x64xi32, #tpu.memory_space<vmem>>, vector<1x16xi32>,
      %swap3A_495 = vector.shape_cast %swap3A_494 : vector<1x16xi32> to vector<16xi32>
      %swap3A_496 = vector.shape_cast %shift_right_logical3A_490 : vector<16xi32> to vector<1x16xi32>
      tpu.vector_store %arg7[%swap3A_492, %swap3A_493], %swap3A_496 {strides = array<i32>} : memref<3x64xi32, #tpu.memory_space<vmem>>, vector<1x16xi32>,
      %get3A_497 = arith.index_cast %add3A_452 : i32 to index
      %get3A_498 = arith.constant 32 : index
      %get3A_499 = tpu.vector_load %arg5[%get3A_497, %get3A_498] {strides = array<i32>} : memref<159x64xi32, #tpu.memory_space<vmem>>, vector<1x16xi32>,
      %get3A_500 = vector.shape_cast %get3A_499 : vector<1x16xi32> to vector<16xi32>
      %and3A_501 = arith.constant 16383 : i32
      %and3A_502 = vector.broadcast %and3A_501 : i32 to vector<16xi32>
      %and3A_503 = arith.andi %get3A_500, %and3A_502 : vector<16xi32>
      %swap3A_504 = arith.constant 1 : i32
      %swap3A_505 = arith.index_cast %swap3A_504 : i32 to index
      %swap3A_506 = arith.constant 32 : index
      %swap3A_507 = tpu.vector_load %arg6[%swap3A_505, %swap3A_506] {strides = array<i32>} : memref<3x64xi32, #tpu.memory_space<vmem>>, vector<1x16xi32>,
      %swap3A_508 = vector.shape_cast %swap3A_507 : vector<1x16xi32> to vector<16xi32>
      %swap3A_509 = vector.shape_cast %and3A_503 : vector<16xi32> to vector<1x16xi32>
      tpu.vector_store %arg6[%swap3A_505, %swap3A_506], %swap3A_509 {strides = array<i32>} : memref<3x64xi32, #tpu.memory_space<vmem>>, vector<1x16xi32>,
      %shift_right_logical3A_510 = arith.constant 14 : i32
      %shift_right_logical3A_511 = vector.broadcast %shift_right_logical3A_510 : i32 to vector<16xi32>
      %shift_right_logical3A_512 = arith.shrui %get3A_500, %shift_right_logical3A_511 : vector<16xi32>
      %swap3A_513 = arith.constant 1 : i32
      %swap3A_514 = arith.index_cast %swap3A_513 : i32 to index
      %swap3A_515 = arith.constant 32 : index
      %swap3A_516 = tpu.vector_load %arg7[%swap3A_514, %swap3A_515] {strides = array<i32>} : memref<3x64xi32, #tpu.memory_space<vmem>>, vector<1x16xi32>,
      %swap3A_517 = vector.shape_cast %swap3A_516 : vector<1x16xi32> to vector<16xi32>
      %swap3A_518 = vector.shape_cast %shift_right_logical3A_512 : vector<16xi32> to vector<1x16xi32>
      tpu.vector_store %arg7[%swap3A_514, %swap3A_515], %swap3A_518 {strides = array<i32>} : memref<3x64xi32, #tpu.memory_space<vmem>>, vector<1x16xi32>,
      %get3A_519 = arith.index_cast %add3A_452 : i32 to index
      %get3A_520 = arith.constant 48 : index
      %get3A_521 = tpu.vector_load %arg5[%get3A_519, %get3A_520] {strides = array<i32>} : memref<159x64xi32, #tpu.memory_space<vmem>>, vector<1x16xi32>,
      %get3A_522 = vector.shape_cast %get3A_521 : vector<1x16xi32> to vector<16xi32>
      %and3A_523 = arith.constant 16383 : i32
      %and3A_524 = vector.broadcast %and3A_523 : i32 to vector<16xi32>
      %and3A_525 = arith.andi %get3A_522, %and3A_524 : vector<16xi32>
      %swap3A_526 = arith.constant 1 : i32
      %swap3A_527 = arith.index_cast %swap3A_526 : i32 to index
      %swap3A_528 = arith.constant 48 : index
      %swap3A_529 = tpu.vector_load %arg6[%swap3A_527, %swap3A_528] {strides = array<i32>} : memref<3x64xi32, #tpu.memory_space<vmem>>, vector<1x16xi32>,
      %swap3A_530 = vector.shape_cast %swap3A_529 : vector<1x16xi32> to vector<16xi32>
      %swap3A_531 = vector.shape_cast %and3A_525 : vector<16xi32> to vector<1x16xi32>
      tpu.vector_store %arg6[%swap3A_527, %swap3A_528], %swap3A_531 {strides = array<i32>} : memref<3x64xi32, #tpu.memory_space<vmem>>, vector<1x16xi32>,
      %shift_right_logical3A_532 = arith.constant 14 : i32
      %shift_right_logical3A_533 = vector.broadcast %shift_right_logical3A_532 : i32 to vector<16xi32>
      %shift_right_logical3A_534 = arith.shrui %get3A_522, %shift_right_logical3A_533 : vector<16xi32>
      %swap3A_535 = arith.constant 1 : i32
      %swap3A_536 = arith.index_cast %swap3A_535 : i32 to index
      %swap3A_537 = arith.constant 48 : index
      %swap3A_538 = tpu.vector_load %arg7[%swap3A_536, %swap3A_537] {strides = array<i32>} : memref<3x64xi32, #tpu.memory_space<vmem>>, vector<1x16xi32>,
      %swap3A_539 = vector.shape_cast %swap3A_538 : vector<1x16xi32> to vector<16xi32>
      %swap3A_540 = vector.shape_cast %shift_right_logical3A_534 : vector<16xi32> to vector<1x16xi32>
      tpu.vector_store %arg7[%swap3A_536, %swap3A_537], %swap3A_540 {strides = array<i32>} : memref<3x64xi32, #tpu.memory_space<vmem>>, vector<1x16xi32>,
      %dma_start3A_541 = arith.constant 1 : i32
      %dma_start3A_542 = arith.constant 0 : i32
      %dma_start3A_543 = tpu.memref_slice %arg6[%dma_start3A_541, %dma_start3A_542] : memref<3x64xi32, #tpu.memory_space<vmem>> -> memref<1x64xi32, #tpu.memory_space<vmem>>
      %dma_start3A_544 = tpu.memref_squeeze %dma_start3A_543 : memref<1x64xi32, #tpu.memory_space<vmem>> -> memref<64xi32, #tpu.memory_space<vmem>>
      %dma_start3A_545 = arith.constant 0 : i32
      %dma_start3A_546 = arith.constant 0 : i32
      %dma_start3A_547 = tpu.memref_slice %arg2[%dma_start3A_545, %dma_start3A_546] : memref<10112x128xf32, #tpu.memory_space<hbm>> -> memref<10112x128xf32, #tpu.memory_space<hbm>>
      tpu.enqueue_indirect_dma source(%dma_start3A_547 : memref<10112x128xf32, #tpu.memory_space<hbm>>) target(%arg9 : memref<64x128xf32, #tpu.memory_space<vmem>>) offsets(%dma_start3A_544 : memref<64xi32, #tpu.memory_space<vmem>>) semaphore(%arg13 : memref<!tpu.dma_semaphore, #tpu.memory_space<semaphore_mem>>)
      %dma_wait3A_548 = arith.constant 2 : i32
      %dma_wait3A_549 = arith.constant 0 : i32
      %dma_wait3A_550 = tpu.memref_slice %arg6[%dma_wait3A_548, %dma_wait3A_549] : memref<3x64xi32, #tpu.memory_space<vmem>> -> memref<1x64xi32, #tpu.memory_space<vmem>>
      %dma_wait3A_551 = tpu.memref_squeeze %dma_wait3A_550 : memref<1x64xi32, #tpu.memory_space<vmem>> -> memref<64xi32, #tpu.memory_space<vmem>>
      %dma_wait3A_552 = arith.constant 0 : i32
      %dma_wait3A_553 = arith.constant 0 : i32
      %dma_wait3A_554 = tpu.memref_slice %arg2[%dma_wait3A_552, %dma_wait3A_553] : memref<10112x128xf32, #tpu.memory_space<hbm>> -> memref<10112x128xf32, #tpu.memory_space<hbm>>
      tpu.wait_indirect_dma semaphore(%arg14 : memref<!tpu.dma_semaphore, #tpu.memory_space<semaphore_mem>>) src(%dma_wait3A_554 : memref<10112x128xf32, #tpu.memory_space<hbm>>) dst(%arg10 : memref<64x128xf32, #tpu.memory_space<vmem>>)
      %run_scoped3A_555 = arith.constant 2 : i32
      "tpu.region"() ({
        %run_scoped3A_655 = tpu.sem_alloc : memref<!tpu.dma_semaphore, #tpu.memory_space<semaphore_mem>>
        %dma_start3A_656 = arith.constant 0 : i32
        %dma_start3A_657 = tpu.memref_slice %arg7[%run_scoped3A_555, %dma_start3A_656] : memref<3x64xi32, #tpu.memory_space<vmem>> -> memref<1x64xi32, #tpu.memory_space<vmem>>
        %dma_start3A_658 = tpu.memref_squeeze %dma_start3A_657 : memref<1x64xi32, #tpu.memory_space<vmem>> -> memref<64xi32, #tpu.memory_space<vmem>>
        %dma_start3A_659 = arith.constant 0 : i32
        %dma_start3A_660 = arith.constant 0 : i32
        %dma_start3A_661 = tpu.memref_slice %arg11[%dma_start3A_659, %dma_start3A_660] : memref<10112x128xf32, #tpu.memory_space<vmem_shared>> -> memref<10112x128xf32, #tpu.memory_space<vmem_shared>>
        tpu.enqueue_indirect_dma source(%arg10 : memref<64x128xf32, #tpu.memory_space<vmem>>) target(%dma_start3A_661 : memref<10112x128xf32, #tpu.memory_space<vmem_shared>>) offsets(%dma_start3A_658 : memref<64xi32, #tpu.memory_space<vmem>>) semaphore(%run_scoped3A_655 : memref<!tpu.dma_semaphore, #tpu.memory_space<semaphore_mem>>) {add = true}
        %dma_wait3A_662 = arith.constant 0 : i32
        %dma_wait3A_663 = tpu.memref_slice %arg7[%run_scoped3A_555, %dma_wait3A_662] : memref<3x64xi32, #tpu.memory_space<vmem>> -> memref<1x64xi32, #tpu.memory_space<vmem>>
        %dma_wait3A_664 = tpu.memref_squeeze %dma_wait3A_663 : memref<1x64xi32, #tpu.memory_space<vmem>> -> memref<64xi32, #tpu.memory_space<vmem>>
        %dma_wait3A_665 = arith.constant 0 : i32
        %dma_wait3A_666 = arith.constant 0 : i32
        %dma_wait3A_667 = tpu.memref_slice %arg11[%dma_wait3A_665, %dma_wait3A_666] : memref<10112x128xf32, #tpu.memory_space<vmem_shared>> -> memref<10112x128xf32, #tpu.memory_space<vmem_shared>>
        tpu.wait_indirect_dma semaphore(%run_scoped3A_655 : memref<!tpu.dma_semaphore, #tpu.memory_space<semaphore_mem>>) src(%arg10 : memref<64x128xf32, #tpu.memory_space<vmem>>) dst(%dma_wait3A_667 : memref<10112x128xf32, #tpu.memory_space<vmem_shared>>)
        tpu.yield
      }) : () -> ()
      %add3A_556 = arith.constant 2 : i32
      %add3A_557 = arith.addi %mul3A_333, %add3A_556 : i32
      %add3A_558 = arith.constant 3 : i32
      %add3A_559 = arith.addi %add3A_557, %add3A_558 : i32
      %get3A_560 = arith.index_cast %add3A_559 : i32 to index
      %get3A_561 = arith.constant 0 : index
      %get3A_562 = tpu.vector_load %arg5[%get3A_560, %get3A_561] {strides = array<i32>} : memref<159x64xi32, #tpu.memory_space<vmem>>, vector<1x16xi32>,
      %get3A_563 = vector.shape_cast %get3A_562 : vector<1x16xi32> to vector<16xi32>
      %and3A_564 = arith.constant 16383 : i32
      %and3A_565 = vector.broadcast %and3A_564 : i32 to vector<16xi32>
      %and3A_566 = arith.andi %get3A_563, %and3A_565 : vector<16xi32>
      %swap3A_567 = arith.constant 2 : i32
      %swap3A_568 = arith.index_cast %swap3A_567 : i32 to index
      %swap3A_569 = arith.constant 0 : index
      %swap3A_570 = tpu.vector_load %arg6[%swap3A_568, %swap3A_569] {strides = array<i32>} : memref<3x64xi32, #tpu.memory_space<vmem>>, vector<1x16xi32>,
      %swap3A_571 = vector.shape_cast %swap3A_570 : vector<1x16xi32> to vector<16xi32>
      %swap3A_572 = vector.shape_cast %and3A_566 : vector<16xi32> to vector<1x16xi32>
      tpu.vector_store %arg6[%swap3A_568, %swap3A_569], %swap3A_572 {strides = array<i32>} : memref<3x64xi32, #tpu.memory_space<vmem>>, vector<1x16xi32>,
      %shift_right_logical3A_573 = arith.constant 14 : i32
      %shift_right_logical3A_574 = vector.broadcast %shift_right_logical3A_573 : i32 to vector<16xi32>
      %shift_right_logical3A_575 = arith.shrui %get3A_563, %shift_right_logical3A_574 : vector<16xi32>
      %swap3A_576 = arith.constant 2 : i32
      %swap3A_577 = arith.index_cast %swap3A_576 : i32 to index
      %swap3A_578 = arith.constant 0 : index
      %swap3A_579 = tpu.vector_load %arg7[%swap3A_577, %swap3A_578] {strides = array<i32>} : memref<3x64xi32, #tpu.memory_space<vmem>>, vector<1x16xi32>,
      %swap3A_580 = vector.shape_cast %swap3A_579 : vector<1x16xi32> to vector<16xi32>
      %swap3A_581 = vector.shape_cast %shift_right_logical3A_575 : vector<16xi32> to vector<1x16xi32>
      tpu.vector_store %arg7[%swap3A_577, %swap3A_578], %swap3A_581 {strides = array<i32>} : memref<3x64xi32, #tpu.memory_space<vmem>>, vector<1x16xi32>,
      %get3A_582 = arith.index_cast %add3A_559 : i32 to index
      %get3A_583 = arith.constant 16 : index
      %get3A_584 = tpu.vector_load %arg5[%get3A_582, %get3A_583] {strides = array<i32>} : memref<159x64xi32, #tpu.memory_space<vmem>>, vector<1x16xi32>,
      %get3A_585 = vector.shape_cast %get3A_584 : vector<1x16xi32> to vector<16xi32>
      %and3A_586 = arith.constant 16383 : i32
      %and3A_587 = vector.broadcast %and3A_586 : i32 to vector<16xi32>
      %and3A_588 = arith.andi %get3A_585, %and3A_587 : vector<16xi32>
      %swap3A_589 = arith.constant 2 : i32
      %swap3A_590 = arith.index_cast %swap3A_589 : i32 to index
      %swap3A_591 = arith.constant 16 : index
      %swap3A_592 = tpu.vector_load %arg6[%swap3A_590, %swap3A_591] {strides = array<i32>} : memref<3x64xi32, #tpu.memory_space<vmem>>, vector<1x16xi32>,
      %swap3A_593 = vector.shape_cast %swap3A_592 : vector<1x16xi32> to vector<16xi32>
      %swap3A_594 = vector.shape_cast %and3A_588 : vector<16xi32> to vector<1x16xi32>
      tpu.vector_store %arg6[%swap3A_590, %swap3A_591], %swap3A_594 {strides = array<i32>} : memref<3x64xi32, #tpu.memory_space<vmem>>, vector<1x16xi32>,
      %shift_right_logical3A_595 = arith.constant 14 : i32
      %shift_right_logical3A_596 = vector.broadcast %shift_right_logical3A_595 : i32 to vector<16xi32>
      %shift_right_logical3A_597 = arith.shrui %get3A_585, %shift_right_logical3A_596 : vector<16xi32>
      %swap3A_598 = arith.constant 2 : i32
      %swap3A_599 = arith.index_cast %swap3A_598 : i32 to index
      %swap3A_600 = arith.constant 16 : index
      %swap3A_601 = tpu.vector_load %arg7[%swap3A_599, %swap3A_600] {strides = array<i32>} : memref<3x64xi32, #tpu.memory_space<vmem>>, vector<1x16xi32>,
      %swap3A_602 = vector.shape_cast %swap3A_601 : vector<1x16xi32> to vector<16xi32>
      %swap3A_603 = vector.shape_cast %shift_right_logical3A_597 : vector<16xi32> to vector<1x16xi32>
      tpu.vector_store %arg7[%swap3A_599, %swap3A_600], %swap3A_603 {strides = array<i32>} : memref<3x64xi32, #tpu.memory_space<vmem>>, vector<1x16xi32>,
      %get3A_604 = arith.index_cast %add3A_559 : i32 to index
      %get3A_605 = arith.constant 32 : index
      %get3A_606 = tpu.vector_load %arg5[%get3A_604, %get3A_605] {strides = array<i32>} : memref<159x64xi32, #tpu.memory_space<vmem>>, vector<1x16xi32>,
      %get3A_607 = vector.shape_cast %get3A_606 : vector<1x16xi32> to vector<16xi32>
      %and3A_608 = arith.constant 16383 : i32
      %and3A_609 = vector.broadcast %and3A_608 : i32 to vector<16xi32>
      %and3A_610 = arith.andi %get3A_607, %and3A_609 : vector<16xi32>
      %swap3A_611 = arith.constant 2 : i32
      %swap3A_612 = arith.index_cast %swap3A_611 : i32 to index
      %swap3A_613 = arith.constant 32 : index
      %swap3A_614 = tpu.vector_load %arg6[%swap3A_612, %swap3A_613] {strides = array<i32>} : memref<3x64xi32, #tpu.memory_space<vmem>>, vector<1x16xi32>,
      %swap3A_615 = vector.shape_cast %swap3A_614 : vector<1x16xi32> to vector<16xi32>
      %swap3A_616 = vector.shape_cast %and3A_610 : vector<16xi32> to vector<1x16xi32>
      tpu.vector_store %arg6[%swap3A_612, %swap3A_613], %swap3A_616 {strides = array<i32>} : memref<3x64xi32, #tpu.memory_space<vmem>>, vector<1x16xi32>,
      %shift_right_logical3A_617 = arith.constant 14 : i32
      %shift_right_logical3A_618 = vector.broadcast %shift_right_logical3A_617 : i32 to vector<16xi32>
      %shift_right_logical3A_619 = arith.shrui %get3A_607, %shift_right_logical3A_618 : vector<16xi32>
      %swap3A_620 = arith.constant 2 : i32
      %swap3A_621 = arith.index_cast %swap3A_620 : i32 to index
      %swap3A_622 = arith.constant 32 : index
      %swap3A_623 = tpu.vector_load %arg7[%swap3A_621, %swap3A_622] {strides = array<i32>} : memref<3x64xi32, #tpu.memory_space<vmem>>, vector<1x16xi32>,
      %swap3A_624 = vector.shape_cast %swap3A_623 : vector<1x16xi32> to vector<16xi32>
      %swap3A_625 = vector.shape_cast %shift_right_logical3A_619 : vector<16xi32> to vector<1x16xi32>
      tpu.vector_store %arg7[%swap3A_621, %swap3A_622], %swap3A_625 {strides = array<i32>} : memref<3x64xi32, #tpu.memory_space<vmem>>, vector<1x16xi32>,
      %get3A_626 = arith.index_cast %add3A_559 : i32 to index
      %get3A_627 = arith.constant 48 : index
      %get3A_628 = tpu.vector_load %arg5[%get3A_626, %get3A_627] {strides = array<i32>} : memref<159x64xi32, #tpu.memory_space<vmem>>, vector<1x16xi32>,
      %get3A_629 = vector.shape_cast %get3A_628 : vector<1x16xi32> to vector<16xi32>
      %and3A_630 = arith.constant 16383 : i32
      %and3A_631 = vector.broadcast %and3A_630 : i32 to vector<16xi32>
      %and3A_632 = arith.andi %get3A_629, %and3A_631 : vector<16xi32>
      %swap3A_633 = arith.constant 2 : i32
      %swap3A_634 = arith.index_cast %swap3A_633 : i32 to index
      %swap3A_635 = arith.constant 48 : index
      %swap3A_636 = tpu.vector_load %arg6[%swap3A_634, %swap3A_635] {strides = array<i32>} : memref<3x64xi32, #tpu.memory_space<vmem>>, vector<1x16xi32>,
      %swap3A_637 = vector.shape_cast %swap3A_636 : vector<1x16xi32> to vector<16xi32>
      %swap3A_638 = vector.shape_cast %and3A_632 : vector<16xi32> to vector<1x16xi32>
      tpu.vector_store %arg6[%swap3A_634, %swap3A_635], %swap3A_638 {strides = array<i32>} : memref<3x64xi32, #tpu.memory_space<vmem>>, vector<1x16xi32>,
      %shift_right_logical3A_639 = arith.constant 14 : i32
      %shift_right_logical3A_640 = vector.broadcast %shift_right_logical3A_639 : i32 to vector<16xi32>
      %shift_right_logical3A_641 = arith.shrui %get3A_629, %shift_right_logical3A_640 : vector<16xi32>
      %swap3A_642 = arith.constant 2 : i32
      %swap3A_643 = arith.index_cast %swap3A_642 : i32 to index
      %swap3A_644 = arith.constant 48 : index
      %swap3A_645 = tpu.vector_load %arg7[%swap3A_643, %swap3A_644] {strides = array<i32>} : memref<3x64xi32, #tpu.memory_space<vmem>>, vector<1x16xi32>,
      %swap3A_646 = vector.shape_cast %swap3A_645 : vector<1x16xi32> to vector<16xi32>
      %swap3A_647 = vector.shape_cast %shift_right_logical3A_641 : vector<16xi32> to vector<1x16xi32>
      tpu.vector_store %arg7[%swap3A_643, %swap3A_644], %swap3A_647 {strides = array<i32>} : memref<3x64xi32, #tpu.memory_space<vmem>>, vector<1x16xi32>,
      %dma_start3A_648 = arith.constant 2 : i32
      %dma_start3A_649 = arith.constant 0 : i32
      %dma_start3A_650 = tpu.memref_slice %arg6[%dma_start3A_648, %dma_start3A_649] : memref<3x64xi32, #tpu.memory_space<vmem>> -> memref<1x64xi32, #tpu.memory_space<vmem>>
      %dma_start3A_651 = tpu.memref_squeeze %dma_start3A_650 : memref<1x64xi32, #tpu.memory_space<vmem>> -> memref<64xi32, #tpu.memory_space<vmem>>
      %dma_start3A_652 = arith.constant 0 : i32
      %dma_start3A_653 = arith.constant 0 : i32
      %dma_start3A_654 = tpu.memref_slice %arg2[%dma_start3A_652, %dma_start3A_653] : memref<10112x128xf32, #tpu.memory_space<hbm>> -> memref<10112x128xf32, #tpu.memory_space<hbm>>
      tpu.enqueue_indirect_dma source(%dma_start3A_654 : memref<10112x128xf32, #tpu.memory_space<hbm>>) target(%arg10 : memref<64x128xf32, #tpu.memory_space<vmem>>) offsets(%dma_start3A_651 : memref<64xi32, #tpu.memory_space<vmem>>) semaphore(%arg14 : memref<!tpu.dma_semaphore, #tpu.memory_space<semaphore_mem>>)
    }
    %scan3A_306 = arith.constant 52 : i32
    %dma_wait3A_307 = arith.constant 0 : i32
    %dma_wait3A_308 = arith.constant 0 : i32
    %dma_wait3A_309 = tpu.memref_slice %arg6[%dma_wait3A_307, %dma_wait3A_308] : memref<3x64xi32, #tpu.memory_space<vmem>> -> memref<1x64xi32, #tpu.memory_space<vmem>>
    %dma_wait3A_310 = tpu.memref_squeeze %dma_wait3A_309 : memref<1x64xi32, #tpu.memory_space<vmem>> -> memref<64xi32, #tpu.memory_space<vmem>>
    %dma_wait3A_311 = arith.constant 0 : i32
    %dma_wait3A_312 = arith.constant 0 : i32
    %dma_wait3A_313 = tpu.memref_slice %arg2[%dma_wait3A_311, %dma_wait3A_312] : memref<10112x128xf32, #tpu.memory_space<hbm>> -> memref<10112x128xf32, #tpu.memory_space<hbm>>
    tpu.wait_indirect_dma semaphore(%arg12 : memref<!tpu.dma_semaphore, #tpu.memory_space<semaphore_mem>>) src(%dma_wait3A_313 : memref<10112x128xf32, #tpu.memory_space<hbm>>) dst(%arg8 : memref<64x128xf32, #tpu.memory_space<vmem>>)
    %run_scoped3A = arith.constant 0 : i32
    "tpu.region"() ({
      %run_scoped3A_331 = tpu.sem_alloc : memref<!tpu.dma_semaphore, #tpu.memory_space<semaphore_mem>>
      %dma_start3A_332 = arith.constant 0 : i32
      %dma_start3A_333 = tpu.memref_slice %arg7[%run_scoped3A, %dma_start3A_332] : memref<3x64xi32, #tpu.memory_space<vmem>> -> memref<1x64xi32, #tpu.memory_space<vmem>>
      %dma_start3A_334 = tpu.memref_squeeze %dma_start3A_333 : memref<1x64xi32, #tpu.memory_space<vmem>> -> memref<64xi32, #tpu.memory_space<vmem>>
      %dma_start3A_335 = arith.constant 0 : i32
      %dma_start3A_336 = arith.constant 0 : i32
      %dma_start3A_337 = tpu.memref_slice %arg11[%dma_start3A_335, %dma_start3A_336] : memref<10112x128xf32, #tpu.memory_space<vmem_shared>> -> memref<10112x128xf32, #tpu.memory_space<vmem_shared>>
      tpu.enqueue_indirect_dma source(%arg8 : memref<64x128xf32, #tpu.memory_space<vmem>>) target(%dma_start3A_337 : memref<10112x128xf32, #tpu.memory_space<vmem_shared>>) offsets(%dma_start3A_334 : memref<64xi32, #tpu.memory_space<vmem>>) semaphore(%run_scoped3A_331 : memref<!tpu.dma_semaphore, #tpu.memory_space<semaphore_mem>>) {add = true}
      %dma_wait3A_338 = arith.constant 0 : i32
      %dma_wait3A_339 = tpu.memref_slice %arg7[%run_scoped3A, %dma_wait3A_338] : memref<3x64xi32, #tpu.memory_space<vmem>> -> memref<1x64xi32, #tpu.memory_space<vmem>>
      %dma_wait3A_340 = tpu.memref_squeeze %dma_wait3A_339 : memref<1x64xi32, #tpu.memory_space<vmem>> -> memref<64xi32, #tpu.memory_space<vmem>>
      %dma_wait3A_341 = arith.constant 0 : i32
      %dma_wait3A_342 = arith.constant 0 : i32
      %dma_wait3A_343 = tpu.memref_slice %arg11[%dma_wait3A_341, %dma_wait3A_342] : memref<10112x128xf32, #tpu.memory_space<vmem_shared>> -> memref<10112x128xf32, #tpu.memory_space<vmem_shared>>
      tpu.wait_indirect_dma semaphore(%run_scoped3A_331 : memref<!tpu.dma_semaphore, #tpu.memory_space<semaphore_mem>>) src(%arg8 : memref<64x128xf32, #tpu.memory_space<vmem>>) dst(%dma_wait3A_343 : memref<10112x128xf32, #tpu.memory_space<vmem_shared>>)
      tpu.yield
    }) : () -> ()
    %dma_wait3A_314 = arith.constant 1 : i32
    %dma_wait3A_315 = arith.constant 0 : i32
    %dma_wait3A_316 = tpu.memref_slice %arg6[%dma_wait3A_314, %dma_wait3A_315] : memref<3x64xi32, #tpu.memory_space<vmem>> -> memref<1x64xi32, #tpu.memory_space<vmem>>
    %dma_wait3A_317 = tpu.memref_squeeze %dma_wait3A_316 : memref<1x64xi32, #tpu.memory_space<vmem>> -> memref<64xi32, #tpu.memory_space<vmem>>
    %dma_wait3A_318 = arith.constant 0 : i32
    %dma_wait3A_319 = arith.constant 0 : i32
    %dma_wait3A_320 = tpu.memref_slice %arg2[%dma_wait3A_318, %dma_wait3A_319] : memref<10112x128xf32, #tpu.memory_space<hbm>> -> memref<10112x128xf32, #tpu.memory_space<hbm>>
    tpu.wait_indirect_dma semaphore(%arg13 : memref<!tpu.dma_semaphore, #tpu.memory_space<semaphore_mem>>) src(%dma_wait3A_320 : memref<10112x128xf32, #tpu.memory_space<hbm>>) dst(%arg9 : memref<64x128xf32, #tpu.memory_space<vmem>>)
    %run_scoped3A_321 = arith.constant 1 : i32
    "tpu.region"() ({
      %run_scoped3A_331 = tpu.sem_alloc : memref<!tpu.dma_semaphore, #tpu.memory_space<semaphore_mem>>
      %dma_start3A_332 = arith.constant 0 : i32
      %dma_start3A_333 = tpu.memref_slice %arg7[%run_scoped3A_321, %dma_start3A_332] : memref<3x64xi32, #tpu.memory_space<vmem>> -> memref<1x64xi32, #tpu.memory_space<vmem>>
      %dma_start3A_334 = tpu.memref_squeeze %dma_start3A_333 : memref<1x64xi32, #tpu.memory_space<vmem>> -> memref<64xi32, #tpu.memory_space<vmem>>
      %dma_start3A_335 = arith.constant 0 : i32
      %dma_start3A_336 = arith.constant 0 : i32
      %dma_start3A_337 = tpu.memref_slice %arg11[%dma_start3A_335, %dma_start3A_336] : memref<10112x128xf32, #tpu.memory_space<vmem_shared>> -> memref<10112x128xf32, #tpu.memory_space<vmem_shared>>
      tpu.enqueue_indirect_dma source(%arg9 : memref<64x128xf32, #tpu.memory_space<vmem>>) target(%dma_start3A_337 : memref<10112x128xf32, #tpu.memory_space<vmem_shared>>) offsets(%dma_start3A_334 : memref<64xi32, #tpu.memory_space<vmem>>) semaphore(%run_scoped3A_331 : memref<!tpu.dma_semaphore, #tpu.memory_space<semaphore_mem>>) {add = true}
      %dma_wait3A_338 = arith.constant 0 : i32
      %dma_wait3A_339 = tpu.memref_slice %arg7[%run_scoped3A_321, %dma_wait3A_338] : memref<3x64xi32, #tpu.memory_space<vmem>> -> memref<1x64xi32, #tpu.memory_space<vmem>>
      %dma_wait3A_340 = tpu.memref_squeeze %dma_wait3A_339 : memref<1x64xi32, #tpu.memory_space<vmem>> -> memref<64xi32, #tpu.memory_space<vmem>>
      %dma_wait3A_341 = arith.constant 0 : i32
      %dma_wait3A_342 = arith.constant 0 : i32
      %dma_wait3A_343 = tpu.memref_slice %arg11[%dma_wait3A_341, %dma_wait3A_342] : memref<10112x128xf32, #tpu.memory_space<vmem_shared>> -> memref<10112x128xf32, #tpu.memory_space<vmem_shared>>
      tpu.wait_indirect_dma semaphore(%run_scoped3A_331 : memref<!tpu.dma_semaphore, #tpu.memory_space<semaphore_mem>>) src(%arg9 : memref<64x128xf32, #tpu.memory_space<vmem>>) dst(%dma_wait3A_343 : memref<10112x128xf32, #tpu.memory_space<vmem_shared>>)
      tpu.yield
    }) : () -> ()
    %dma_wait3A_322 = arith.constant 2 : i32
    %dma_wait3A_323 = arith.constant 0 : i32
    %dma_wait3A_324 = tpu.memref_slice %arg6[%dma_wait3A_322, %dma_wait3A_323] : memref<3x64xi32, #tpu.memory_space<vmem>> -> memref<1x64xi32, #tpu.memory_space<vmem>>
    %dma_wait3A_325 = tpu.memref_squeeze %dma_wait3A_324 : memref<1x64xi32, #tpu.memory_space<vmem>> -> memref<64xi32, #tpu.memory_space<vmem>>
    %dma_wait3A_326 = arith.constant 0 : i32
    %dma_wait3A_327 = arith.constant 0 : i32
    %dma_wait3A_328 = tpu.memref_slice %arg2[%dma_wait3A_326, %dma_wait3A_327] : memref<10112x128xf32, #tpu.memory_space<hbm>> -> memref<10112x128xf32, #tpu.memory_space<hbm>>
    tpu.wait_indirect_dma semaphore(%arg14 : memref<!tpu.dma_semaphore, #tpu.memory_space<semaphore_mem>>) src(%dma_wait3A_328 : memref<10112x128xf32, #tpu.memory_space<hbm>>) dst(%arg10 : memref<64x128xf32, #tpu.memory_space<vmem>>)
    %run_scoped3A_329 = arith.constant 2 : i32
    "tpu.region"() ({
      %run_scoped3A_331 = tpu.sem_alloc : memref<!tpu.dma_semaphore, #tpu.memory_space<semaphore_mem>>
      %dma_start3A_332 = arith.constant 0 : i32
      %dma_start3A_333 = tpu.memref_slice %arg7[%run_scoped3A_329, %dma_start3A_332] : memref<3x64xi32, #tpu.memory_space<vmem>> -> memref<1x64xi32, #tpu.memory_space<vmem>>
      %dma_start3A_334 = tpu.memref_squeeze %dma_start3A_333 : memref<1x64xi32, #tpu.memory_space<vmem>> -> memref<64xi32, #tpu.memory_space<vmem>>
      %dma_start3A_335 = arith.constant 0 : i32
      %dma_start3A_336 = arith.constant 0 : i32
      %dma_start3A_337 = tpu.memref_slice %arg11[%dma_start3A_335, %dma_start3A_336] : memref<10112x128xf32, #tpu.memory_space<vmem_shared>> -> memref<10112x128xf32, #tpu.memory_space<vmem_shared>>
      tpu.enqueue_indirect_dma source(%arg10 : memref<64x128xf32, #tpu.memory_space<vmem>>) target(%dma_start3A_337 : memref<10112x128xf32, #tpu.memory_space<vmem_shared>>) offsets(%dma_start3A_334 : memref<64xi32, #tpu.memory_space<vmem>>) semaphore(%run_scoped3A_331 : memref<!tpu.dma_semaphore, #tpu.memory_space<semaphore_mem>>) {add = true}
      %dma_wait3A_338 = arith.constant 0 : i32
      %dma_wait3A_339 = tpu.memref_slice %arg7[%run_scoped3A_329, %dma_wait3A_338] : memref<3x64xi32, #tpu.memory_space<vmem>> -> memref<1x64xi32, #tpu.memory_space<vmem>>
      %dma_wait3A_340 = tpu.memref_squeeze %dma_wait3A_339 : memref<1x64xi32, #tpu.memory_space<vmem>> -> memref<64xi32, #tpu.memory_space<vmem>>
      %dma_wait3A_341 = arith.constant 0 : i32
      %dma_wait3A_342 = arith.constant 0 : i32
      %dma_wait3A_343 = tpu.memref_slice %arg11[%dma_wait3A_341, %dma_wait3A_342] : memref<10112x128xf32, #tpu.memory_space<vmem_shared>> -> memref<10112x128xf32, #tpu.memory_space<vmem_shared>>
      tpu.wait_indirect_dma semaphore(%run_scoped3A_331 : memref<!tpu.dma_semaphore, #tpu.memory_space<semaphore_mem>>) src(%arg10 : memref<64x128xf32, #tpu.memory_space<vmem>>) dst(%dma_wait3A_343 : memref<10112x128xf32, #tpu.memory_space<vmem_shared>>)
      tpu.yield
    }) : () -> ()
    %barrier3A_330 = arith.constant 0 : index
    tpu.barrier barrier_id(%barrier3A_330)
    "tpu.region"() ({
      %run_scoped3A_331 = tpu.sem_alloc : memref<!tpu.dma_semaphore, #tpu.memory_space<semaphore_mem>>
      %dma_start3A_332 = arith.constant 0 : i32
      %dma_start3A_333 = tpu.memref_slice %arg4[%arg0, %mul3A_2, %dma_start3A_332] : memref<2x10112x128xf32, #tpu.memory_space<hbm>> -> memref<1x632x128xf32, #tpu.memory_space<hbm>>
      %dma_start3A_334 = tpu.memref_squeeze %dma_start3A_333 : memref<1x632x128xf32, #tpu.memory_space<hbm>> -> memref<632x128xf32, #tpu.memory_space<hbm>>
      %dma_start3A_335 = arith.constant 0 : i32
      %dma_start3A_336 = tpu.memref_slice %arg11[%mul3A_2, %dma_start3A_335] : memref<10112x128xf32, #tpu.memory_space<vmem_shared>> -> memref<632x128xf32, #tpu.memory_space<vmem_shared>>
      tpu.enqueue_dma source(%dma_start3A_336 : memref<632x128xf32, #tpu.memory_space<vmem_shared>>) target(%dma_start3A_334 : memref<632x128xf32, #tpu.memory_space<hbm>>) target_semaphore(%run_scoped3A_331 : memref<!tpu.dma_semaphore, #tpu.memory_space<semaphore_mem>>)
      %dma_wait3A_337 = arith.constant 0 : i32
      %dma_wait3A_338 = tpu.memref_slice %arg4[%arg0, %mul3A_2, %dma_wait3A_337] : memref<2x10112x128xf32, #tpu.memory_space<hbm>> -> memref<1x632x128xf32, #tpu.memory_space<hbm>>
      %dma_wait3A_339 = tpu.memref_squeeze %dma_wait3A_338 : memref<1x632x128xf32, #tpu.memory_space<hbm>> -> memref<632x128xf32, #tpu.memory_space<hbm>>
      %dma_wait3A_340 = arith.constant 0 : i32
      %dma_wait3A_341 = tpu.memref_slice %arg11[%mul3A_2, %dma_wait3A_340] : memref<10112x128xf32, #tpu.memory_space<vmem_shared>> -> memref<632x128xf32, #tpu.memory_space<vmem_shared>>
      tpu.wait_dma2 semaphore(%run_scoped3A_331 : memref<!tpu.dma_semaphore, #tpu.memory_space<semaphore_mem>>) src(%dma_wait3A_341 : memref<632x128xf32, #tpu.memory_space<vmem_shared>>) dst(%dma_wait3A_339 : memref<632x128xf32, #tpu.memory_space<hbm>>)
      tpu.yield
    }) : () -> ()
    return
  }
}

module attributes {stable_mosaic.version = 14 : i64} {
  func.func @_dense_block(%arg0: memref<10112x128xf32, #tpu.memory_space<vmem>>, %arg1: memref<2x10112x128xf32, #tpu.memory_space<vmem>>, %arg2: memref<128x128xf32, #tpu.memory_space<vmem>>, %arg3: memref<1x128xf32, #tpu.memory_space<vmem>>, %arg4: memref<1x128xf32, #tpu.memory_space<vmem>>, %arg5: memref<1x128xf32, #tpu.memory_space<vmem>>, %arg6: memref<128x128xf32, #tpu.memory_space<vmem>>, %arg7: memref<1x128xf32, #tpu.memory_space<vmem>>, %arg8: memref<10112x128xf32, #tpu.memory_space<vmem>>) attributes {dimension_semantics = [], scalar_prefetch = 0 : i64, scratch_operands = 0 : i64, tpu.core_type = #tpu.core_type<tc>} {
    %iota3A = tpu.iota {dimensions = array<i32: 0>} : vector<10112x1xi32>
    %lt3A = arith.constant 10000 : i32
    %lt3A_0 = vector.broadcast %lt3A : i32 to vector<10112x1xi32>
    %lt3A_1 = arith.cmpi slt, %iota3A, %lt3A_0 : vector<10112x1xi32>
    %get3A = arith.constant 0 : index
    %get3A_2 = arith.constant 0 : index
    %get3A_3 = arith.constant 0 : index
    %get3A_4 = vector.load %arg1[%get3A, %get3A_2, %get3A_3] : memref<2x10112x128xf32, #tpu.memory_space<vmem>>, vector<1x10112x128xf32>
    %get3A_5 = vector.shape_cast %get3A_4 : vector<1x10112x128xf32> to vector<10112x128xf32>
    %get3A_6 = arith.constant 1 : index
    %get3A_7 = arith.constant 0 : index
    %get3A_8 = arith.constant 0 : index
    %get3A_9 = vector.load %arg1[%get3A_6, %get3A_7, %get3A_8] : memref<2x10112x128xf32, #tpu.memory_space<vmem>>, vector<1x10112x128xf32>
    %get3A_10 = vector.shape_cast %get3A_9 : vector<1x10112x128xf32> to vector<10112x128xf32>
    %add3A = arith.addf %get3A_5, %get3A_10 : vector<10112x128xf32>
    %get3A_11 = arith.constant 0 : index
    %get3A_12 = arith.constant 0 : index
    %get3A_13 = vector.load %arg0[%get3A_11, %get3A_12] : memref<10112x128xf32, #tpu.memory_space<vmem>>, vector<10112x128xf32>
    %sub3A = arith.subf %add3A, %get3A_13 : vector<10112x128xf32>
    %jit3A = arith.constant 0.000000e+00 : f32
    %broadcast_in_dim3A = vector.shape_cast %lt3A_1 : vector<10112x1xi1> to vector<10112x1xi1>
    %broadcast_in_dim3A_14 = vector.broadcast %broadcast_in_dim3A : vector<10112x1xi1> to vector<10112x128xi1>
    %broadcast_in_dim3A_15 = vector.broadcast %jit3A : f32 to vector<10112x128xf32>
    %select_n3A = arith.select %broadcast_in_dim3A_14, %sub3A, %broadcast_in_dim3A_15 : vector<10112x128xi1>, vector<10112x128xf32>
    %get3A_16 = arith.constant 0 : index
    %get3A_17 = arith.constant 0 : index
    %get3A_18 = vector.load %arg2[%get3A_16, %get3A_17] : memref<128x128xf32, #tpu.memory_space<vmem>>, vector<128x128xf32>
    %dot_general3A = arith.constant dense<0.000000e+00> : vector<10112x128xf32>
    %dot_general3A_19 = tpu.matmul %select_n3A, %get3A_18, %dot_general3A {dimension_numbers = #tpu.dot_dimension_numbers<[1], [0], [0], [1], [0, 0, 1, 1], [], []>, transpose_lhs_hint = false} : vector<10112x128xf32>, vector<128x128xf32>, vector<10112x128xf32> -> vector<10112x128xf32>
    %get3A_20 = arith.constant 0 : index
    %get3A_21 = arith.constant 0 : index
    %get3A_22 = vector.load %arg3[%get3A_20, %get3A_21] : memref<1x128xf32, #tpu.memory_space<vmem>>, vector<1x128xf32>
    %add3A_23 = vector.broadcast %get3A_22 : vector<1x128xf32> to vector<10112x128xf32>
    %add3A_24 = arith.addf %dot_general3A_19, %add3A_23 : vector<10112x128xf32>
    %jit3A_25 = arith.constant 0.000000e+00 : f32
    %broadcast_in_dim3A_26 = vector.shape_cast %lt3A_1 : vector<10112x1xi1> to vector<10112x1xi1>
    %broadcast_in_dim3A_27 = vector.broadcast %broadcast_in_dim3A_26 : vector<10112x1xi1> to vector<10112x128xi1>
    %broadcast_in_dim3A_28 = vector.broadcast %jit3A_25 : f32 to vector<10112x128xf32>
    %select_n3A_29 = arith.select %broadcast_in_dim3A_27, %add3A_24, %broadcast_in_dim3A_28 : vector<10112x128xi1>, vector<10112x128xf32>
    %reduce_sum3A = arith.constant dense<0.000000e+00> : vector<128xf32>
    %reduce_sum3A_30 = vector.multi_reduction <add>, %select_n3A_29, %reduce_sum3A [0] : vector<10112x128xf32> to vector<128xf32>
    %broadcast_in_dim3A_31 = vector.shape_cast %reduce_sum3A_30 : vector<128xf32> to vector<1x128xf32>
    %div3A = arith.constant 1.000000e+04 : f32
    %div3A_32 = vector.broadcast %div3A : f32 to vector<1x128xf32>
    %div3A_33 = arith.divf %broadcast_in_dim3A_31, %div3A_32 : vector<1x128xf32>
    %sub3A_34 = vector.broadcast %div3A_33 : vector<1x128xf32> to vector<10112x128xf32>
    %sub3A_35 = arith.subf %add3A_24, %sub3A_34 : vector<10112x128xf32>
    %mul3A = arith.mulf %sub3A_35, %sub3A_35 : vector<10112x128xf32>
    %jit3A_36 = arith.constant 0.000000e+00 : f32
    %broadcast_in_dim3A_37 = vector.shape_cast %lt3A_1 : vector<10112x1xi1> to vector<10112x1xi1>
    %broadcast_in_dim3A_38 = vector.broadcast %broadcast_in_dim3A_37 : vector<10112x1xi1> to vector<10112x128xi1>
    %broadcast_in_dim3A_39 = vector.broadcast %jit3A_36 : f32 to vector<10112x128xf32>
    %select_n3A_40 = arith.select %broadcast_in_dim3A_38, %mul3A, %broadcast_in_dim3A_39 : vector<10112x128xi1>, vector<10112x128xf32>
    %reduce_sum3A_41 = arith.constant dense<0.000000e+00> : vector<128xf32>
    %reduce_sum3A_42 = vector.multi_reduction <add>, %select_n3A_40, %reduce_sum3A_41 [0] : vector<10112x128xf32> to vector<128xf32>
    %broadcast_in_dim3A_43 = vector.shape_cast %reduce_sum3A_42 : vector<128xf32> to vector<1x128xf32>
    %div3A_44 = arith.constant 1.000000e+04 : f32
    %div3A_45 = vector.broadcast %div3A_44 : f32 to vector<1x128xf32>
    %div3A_46 = arith.divf %broadcast_in_dim3A_43, %div3A_45 : vector<1x128xf32>
    %add3A_47 = arith.constant 9.99999974E-6 : f32
    %add3A_48 = vector.broadcast %add3A_47 : f32 to vector<1x128xf32>
    %add3A_49 = arith.addf %div3A_46, %add3A_48 : vector<1x128xf32>
    %rsqrt3A = math.rsqrt %add3A_49 : vector<1x128xf32>
    %mul3A_50 = vector.broadcast %rsqrt3A : vector<1x128xf32> to vector<10112x128xf32>
    %mul3A_51 = arith.mulf %sub3A_35, %mul3A_50 : vector<10112x128xf32>
    %get3A_52 = arith.constant 0 : index
    %get3A_53 = arith.constant 0 : index
    %get3A_54 = vector.load %arg4[%get3A_52, %get3A_53] : memref<1x128xf32, #tpu.memory_space<vmem>>, vector<1x128xf32>
    %mul3A_55 = vector.broadcast %get3A_54 : vector<1x128xf32> to vector<10112x128xf32>
    %mul3A_56 = arith.mulf %mul3A_51, %mul3A_55 : vector<10112x128xf32>
    %get3A_57 = arith.constant 0 : index
    %get3A_58 = arith.constant 0 : index
    %get3A_59 = vector.load %arg5[%get3A_57, %get3A_58] : memref<1x128xf32, #tpu.memory_space<vmem>>, vector<1x128xf32>
    %add3A_60 = vector.broadcast %get3A_59 : vector<1x128xf32> to vector<10112x128xf32>
    %add3A_61 = arith.addf %mul3A_56, %add3A_60 : vector<10112x128xf32>
    %max3A = arith.constant 0.000000e+00 : f32
    %max3A_62 = vector.broadcast %max3A : f32 to vector<10112x128xf32>
    %max3A_63 = arith.maximumf %add3A_61, %max3A_62 : vector<10112x128xf32>
    %get3A_64 = arith.constant 0 : index
    %get3A_65 = arith.constant 0 : index
    %get3A_66 = vector.load %arg6[%get3A_64, %get3A_65] : memref<128x128xf32, #tpu.memory_space<vmem>>, vector<128x128xf32>
    %dot_general3A_67 = arith.constant dense<0.000000e+00> : vector<10112x128xf32>
    %dot_general3A_68 = tpu.matmul %max3A_63, %get3A_66, %dot_general3A_67 {dimension_numbers = #tpu.dot_dimension_numbers<[1], [0], [0], [1], [0, 0, 1, 1], [], []>, transpose_lhs_hint = false} : vector<10112x128xf32>, vector<128x128xf32>, vector<10112x128xf32> -> vector<10112x128xf32>
    %get3A_69 = arith.constant 0 : index
    %get3A_70 = arith.constant 0 : index
    %get3A_71 = vector.load %arg7[%get3A_69, %get3A_70] : memref<1x128xf32, #tpu.memory_space<vmem>>, vector<1x128xf32>
    %add3A_72 = vector.broadcast %get3A_71 : vector<1x128xf32> to vector<10112x128xf32>
    %add3A_73 = arith.addf %dot_general3A_68, %add3A_72 : vector<10112x128xf32>
    %max3A_74 = arith.constant 0.000000e+00 : f32
    %max3A_75 = vector.broadcast %max3A_74 : f32 to vector<10112x128xf32>
    %max3A_76 = arith.maximumf %add3A_73, %max3A_75 : vector<10112x128xf32>
    %jit3A_77 = arith.constant 0.000000e+00 : f32
    %broadcast_in_dim3A_78 = vector.shape_cast %lt3A_1 : vector<10112x1xi1> to vector<10112x1xi1>
    %broadcast_in_dim3A_79 = vector.broadcast %broadcast_in_dim3A_78 : vector<10112x1xi1> to vector<10112x128xi1>
    %broadcast_in_dim3A_80 = vector.broadcast %jit3A_77 : f32 to vector<10112x128xf32>
    %select_n3A_81 = arith.select %broadcast_in_dim3A_79, %max3A_76, %broadcast_in_dim3A_80 : vector<10112x128xi1>, vector<10112x128xf32>
    %swap3A = arith.constant 0 : index
    %swap3A_82 = arith.constant 0 : index
    %swap3A_83 = vector.load %arg8[%swap3A, %swap3A_82] : memref<10112x128xf32, #tpu.memory_space<vmem>>, vector<10112x128xf32>
    tpu.vector_store %arg8[%swap3A, %swap3A_82], %select_n3A_81 {strides = array<i32>} : memref<10112x128xf32, #tpu.memory_space<vmem>>, vector<10112x128xf32>,
    return
  }
}

module attributes {stable_mosaic.version = 14 : i64} {
  func.func @_final_block(%arg0: memref<10112x128xf32, #tpu.memory_space<vmem>>, %arg1: memref<2x10112x128xf32, #tpu.memory_space<vmem>>, %arg2: memref<128x128xf32, #tpu.memory_space<vmem>>, %arg3: memref<1x128xf32, #tpu.memory_space<vmem>>, %arg4: memref<1x128xf32, #tpu.memory_space<vmem>>, %arg5: memref<1x128xf32, #tpu.memory_space<vmem>>, %arg6: memref<128x128xf32, #tpu.memory_space<vmem>>, %arg7: memref<1x128xf32, #tpu.memory_space<vmem>>, %arg8: memref<128x2xf32, #tpu.memory_space<vmem>>, %arg9: memref<1x2xf32, #tpu.memory_space<vmem>>, %arg10: memref<10000x2xf32, #tpu.memory_space<vmem>>) attributes {dimension_semantics = [], scalar_prefetch = 0 : i64, scratch_operands = 0 : i64, tpu.core_type = #tpu.core_type<tc>} {
    %iota3A = tpu.iota {dimensions = array<i32: 0>} : vector<10112x1xi32>
    %lt3A = arith.constant 10000 : i32
    %lt3A_0 = vector.broadcast %lt3A : i32 to vector<10112x1xi32>
    %lt3A_1 = arith.cmpi slt, %iota3A, %lt3A_0 : vector<10112x1xi32>
    %get3A = arith.constant 0 : index
    %get3A_2 = arith.constant 0 : index
    %get3A_3 = arith.constant 0 : index
    %get3A_4 = vector.load %arg1[%get3A, %get3A_2, %get3A_3] : memref<2x10112x128xf32, #tpu.memory_space<vmem>>, vector<1x10112x128xf32>
    %get3A_5 = vector.shape_cast %get3A_4 : vector<1x10112x128xf32> to vector<10112x128xf32>
    %get3A_6 = arith.constant 1 : index
    %get3A_7 = arith.constant 0 : index
    %get3A_8 = arith.constant 0 : index
    %get3A_9 = vector.load %arg1[%get3A_6, %get3A_7, %get3A_8] : memref<2x10112x128xf32, #tpu.memory_space<vmem>>, vector<1x10112x128xf32>
    %get3A_10 = vector.shape_cast %get3A_9 : vector<1x10112x128xf32> to vector<10112x128xf32>
    %add3A = arith.addf %get3A_5, %get3A_10 : vector<10112x128xf32>
    %get3A_11 = arith.constant 0 : index
    %get3A_12 = arith.constant 0 : index
    %get3A_13 = vector.load %arg0[%get3A_11, %get3A_12] : memref<10112x128xf32, #tpu.memory_space<vmem>>, vector<10112x128xf32>
    %sub3A = arith.subf %add3A, %get3A_13 : vector<10112x128xf32>
    %jit3A = arith.constant 0.000000e+00 : f32
    %broadcast_in_dim3A = vector.shape_cast %lt3A_1 : vector<10112x1xi1> to vector<10112x1xi1>
    %broadcast_in_dim3A_14 = vector.broadcast %broadcast_in_dim3A : vector<10112x1xi1> to vector<10112x128xi1>
    %broadcast_in_dim3A_15 = vector.broadcast %jit3A : f32 to vector<10112x128xf32>
    %select_n3A = arith.select %broadcast_in_dim3A_14, %sub3A, %broadcast_in_dim3A_15 : vector<10112x128xi1>, vector<10112x128xf32>
    %get3A_16 = arith.constant 0 : index
    %get3A_17 = arith.constant 0 : index
    %get3A_18 = vector.load %arg2[%get3A_16, %get3A_17] : memref<128x128xf32, #tpu.memory_space<vmem>>, vector<128x128xf32>
    %dot_general3A = arith.constant dense<0.000000e+00> : vector<10112x128xf32>
    %dot_general3A_19 = tpu.matmul %select_n3A, %get3A_18, %dot_general3A {dimension_numbers = #tpu.dot_dimension_numbers<[1], [0], [0], [1], [0, 0, 1, 1], [], []>, transpose_lhs_hint = false} : vector<10112x128xf32>, vector<128x128xf32>, vector<10112x128xf32> -> vector<10112x128xf32>
    %get3A_20 = arith.constant 0 : index
    %get3A_21 = arith.constant 0 : index
    %get3A_22 = vector.load %arg3[%get3A_20, %get3A_21] : memref<1x128xf32, #tpu.memory_space<vmem>>, vector<1x128xf32>
    %add3A_23 = vector.broadcast %get3A_22 : vector<1x128xf32> to vector<10112x128xf32>
    %add3A_24 = arith.addf %dot_general3A_19, %add3A_23 : vector<10112x128xf32>
    %jit3A_25 = arith.constant 0.000000e+00 : f32
    %broadcast_in_dim3A_26 = vector.shape_cast %lt3A_1 : vector<10112x1xi1> to vector<10112x1xi1>
    %broadcast_in_dim3A_27 = vector.broadcast %broadcast_in_dim3A_26 : vector<10112x1xi1> to vector<10112x128xi1>
    %broadcast_in_dim3A_28 = vector.broadcast %jit3A_25 : f32 to vector<10112x128xf32>
    %select_n3A_29 = arith.select %broadcast_in_dim3A_27, %add3A_24, %broadcast_in_dim3A_28 : vector<10112x128xi1>, vector<10112x128xf32>
    %reduce_sum3A = arith.constant dense<0.000000e+00> : vector<128xf32>
    %reduce_sum3A_30 = vector.multi_reduction <add>, %select_n3A_29, %reduce_sum3A [0] : vector<10112x128xf32> to vector<128xf32>
    %broadcast_in_dim3A_31 = vector.shape_cast %reduce_sum3A_30 : vector<128xf32> to vector<1x128xf32>
    %div3A = arith.constant 1.000000e+04 : f32
    %div3A_32 = vector.broadcast %div3A : f32 to vector<1x128xf32>
    %div3A_33 = arith.divf %broadcast_in_dim3A_31, %div3A_32 : vector<1x128xf32>
    %sub3A_34 = vector.broadcast %div3A_33 : vector<1x128xf32> to vector<10112x128xf32>
    %sub3A_35 = arith.subf %add3A_24, %sub3A_34 : vector<10112x128xf32>
    %mul3A = arith.mulf %sub3A_35, %sub3A_35 : vector<10112x128xf32>
    %jit3A_36 = arith.constant 0.000000e+00 : f32
    %broadcast_in_dim3A_37 = vector.shape_cast %lt3A_1 : vector<10112x1xi1> to vector<10112x1xi1>
    %broadcast_in_dim3A_38 = vector.broadcast %broadcast_in_dim3A_37 : vector<10112x1xi1> to vector<10112x128xi1>
    %broadcast_in_dim3A_39 = vector.broadcast %jit3A_36 : f32 to vector<10112x128xf32>
    %select_n3A_40 = arith.select %broadcast_in_dim3A_38, %mul3A, %broadcast_in_dim3A_39 : vector<10112x128xi1>, vector<10112x128xf32>
    %reduce_sum3A_41 = arith.constant dense<0.000000e+00> : vector<128xf32>
    %reduce_sum3A_42 = vector.multi_reduction <add>, %select_n3A_40, %reduce_sum3A_41 [0] : vector<10112x128xf32> to vector<128xf32>
    %broadcast_in_dim3A_43 = vector.shape_cast %reduce_sum3A_42 : vector<128xf32> to vector<1x128xf32>
    %div3A_44 = arith.constant 1.000000e+04 : f32
    %div3A_45 = vector.broadcast %div3A_44 : f32 to vector<1x128xf32>
    %div3A_46 = arith.divf %broadcast_in_dim3A_43, %div3A_45 : vector<1x128xf32>
    %add3A_47 = arith.constant 9.99999974E-6 : f32
    %add3A_48 = vector.broadcast %add3A_47 : f32 to vector<1x128xf32>
    %add3A_49 = arith.addf %div3A_46, %add3A_48 : vector<1x128xf32>
    %rsqrt3A = math.rsqrt %add3A_49 : vector<1x128xf32>
    %mul3A_50 = vector.broadcast %rsqrt3A : vector<1x128xf32> to vector<10112x128xf32>
    %mul3A_51 = arith.mulf %sub3A_35, %mul3A_50 : vector<10112x128xf32>
    %get3A_52 = arith.constant 0 : index
    %get3A_53 = arith.constant 0 : index
    %get3A_54 = vector.load %arg4[%get3A_52, %get3A_53] : memref<1x128xf32, #tpu.memory_space<vmem>>, vector<1x128xf32>
    %mul3A_55 = vector.broadcast %get3A_54 : vector<1x128xf32> to vector<10112x128xf32>
    %mul3A_56 = arith.mulf %mul3A_51, %mul3A_55 : vector<10112x128xf32>
    %get3A_57 = arith.constant 0 : index
    %get3A_58 = arith.constant 0 : index
    %get3A_59 = vector.load %arg5[%get3A_57, %get3A_58] : memref<1x128xf32, #tpu.memory_space<vmem>>, vector<1x128xf32>
    %add3A_60 = vector.broadcast %get3A_59 : vector<1x128xf32> to vector<10112x128xf32>
    %add3A_61 = arith.addf %mul3A_56, %add3A_60 : vector<10112x128xf32>
    %max3A = arith.constant 0.000000e+00 : f32
    %max3A_62 = vector.broadcast %max3A : f32 to vector<10112x128xf32>
    %max3A_63 = arith.maximumf %add3A_61, %max3A_62 : vector<10112x128xf32>
    %get3A_64 = arith.constant 0 : index
    %get3A_65 = arith.constant 0 : index
    %get3A_66 = vector.load %arg6[%get3A_64, %get3A_65] : memref<128x128xf32, #tpu.memory_space<vmem>>, vector<128x128xf32>
    %get3A_67 = arith.constant 0 : index
    %get3A_68 = arith.constant 0 : index
    %get3A_69 = vector.load %arg8[%get3A_67, %get3A_68] : memref<128x2xf32, #tpu.memory_space<vmem>>, vector<128x2xf32>
    %dot_general3A_70 = arith.constant dense<0.000000e+00> : vector<128x2xf32>
    %dot_general3A_71 = tpu.matmul %get3A_66, %get3A_69, %dot_general3A_70 {dimension_numbers = #tpu.dot_dimension_numbers<[1], [0], [0], [1], [0, 0, 1, 1], [], []>, transpose_lhs_hint = false} : vector<128x128xf32>, vector<128x2xf32>, vector<128x2xf32> -> vector<128x2xf32>
    %get3A_72 = arith.constant 0 : index
    %get3A_73 = arith.constant 0 : index
    %get3A_74 = vector.load %arg7[%get3A_72, %get3A_73] : memref<1x128xf32, #tpu.memory_space<vmem>>, vector<1x128xf32>
    %get3A_75 = arith.constant 0 : index
    %get3A_76 = arith.constant 0 : index
    %get3A_77 = vector.load %arg8[%get3A_75, %get3A_76] : memref<128x2xf32, #tpu.memory_space<vmem>>, vector<128x2xf32>
    %dot_general3A_78 = arith.constant dense<0.000000e+00> : vector<1x2xf32>
    %dot_general3A_79 = tpu.matmul %get3A_74, %get3A_77, %dot_general3A_78 {dimension_numbers = #tpu.dot_dimension_numbers<[1], [0], [0], [1], [0, 0, 1, 1], [], []>, transpose_lhs_hint = false} : vector<1x128xf32>, vector<128x2xf32>, vector<1x2xf32> -> vector<1x2xf32>
    %get3A_80 = arith.constant 0 : index
    %get3A_81 = arith.constant 0 : index
    %get3A_82 = vector.load %arg9[%get3A_80, %get3A_81] : memref<1x2xf32, #tpu.memory_space<vmem>>, vector<1x2xf32>
    %add3A_83 = arith.addf %dot_general3A_79, %get3A_82 : vector<1x2xf32>
    %slice3A = vector.extract_strided_slice %max3A_63 {offsets = [0, 0], sizes = [10000, 128], strides = [1, 1]} : vector<10112x128xf32> to vector<10000x128xf32>
    %dot_general3A_84 = arith.constant dense<0.000000e+00> : vector<10000x2xf32>
    %dot_general3A_85 = tpu.matmul %slice3A, %dot_general3A_71, %dot_general3A_84 {dimension_numbers = #tpu.dot_dimension_numbers<[1], [0], [0], [1], [0, 0, 1, 1], [], []>, transpose_lhs_hint = false} : vector<10000x128xf32>, vector<128x2xf32>, vector<10000x2xf32> -> vector<10000x2xf32>
    %add3A_86 = vector.broadcast %add3A_83 : vector<1x2xf32> to vector<10000x2xf32>
    %add3A_87 = arith.addf %dot_general3A_85, %add3A_86 : vector<10000x2xf32>
    %swap3A = arith.constant 0 : index
    %swap3A_88 = arith.constant 0 : index
    %swap3A_89 = vector.load %arg10[%swap3A, %swap3A_88] : memref<10000x2xf32, #tpu.memory_space<vmem>>, vector<10000x2xf32>
    tpu.vector_store %arg10[%swap3A, %swap3A_88], %add3A_87 {strides = array<i32>} : memref<10000x2xf32, #tpu.memory_space<vmem>>, vector<10000x2xf32>,
    return
  }
}

</mosaic_0001>

<sc_bundles>
// kernel: kernel.11.cloned.1.call-start
scs
__scs_entry_jumppad:
0x0: {  	(pc) =	sbr.rel $0x88, $3  }
0x1: {  	(tag) =	ssettag $0x0;
	lr =	simm.s32 $0x1  }
0x2: {  	[smem:$0x3F8B] =	sst lr;
	_ =	strace $0xD0000000  }
0x3: {  	_ = 	snop  }
0x4: {  	_ = 	snop  }
0x5: {  	_ = 	snop  }
0x6: {  	_ = 	snop  }
0x7: {  	_ = 	snop  }
__scs_overlays_trampoline_lowered:
0x8: {  	[smem:$0x3F9A] =	sst s0  }
0x9: {  	[smem:$0x3F9B] =	sst s1  }
0xa: {  	[smem:$0x3F9C] =	sst s2  }
0xb: {  	[smem:$0x3F9D] =	sst s3  }
0xc: {  	[smem:$0x3F9E] =	sst s4  }
0xd: {  	[smem:$0x3F9F] =	sst s5  }
0xe: {  	[smem:$0x3FA0] =	sst s6  }
0xf: {  	[smem:$0x3FA1] =	sst s7  }
0x10: {  	[smem:$0x3FA2] =	sst s8  }
0x11: {  	[smem:$0x3FA3] =	sst s9;
	s0 =	simm.s32 @!p0 $0x0  }
0x12: {  	s1 =	sld [smem:$0x3F89];
	s0 =	simm.s32 @p0 $0x1  }
0x13: {  	[smem:$0x3FA4] =	sst s0;
	s0 =	simm.s32 @!p1 $0x0  }
0x14: {  	s2 =	sld [smem:$0x3F88];
	s0 =	simm.s32 @p1 $0x1  }
0x15: {  	[smem:$0x3FA5] =	sst s0;
	s0 =	simm.s32 @!p2 $0x0  }
0x16: {  	s3 =	sld [smem:$0x3FDB];
	s0 =	simm.s32 @p2 $0x1  }
0x17: {  	s4 =	simm.s32 $0x1BF5;
	[smem:$0x3FA7] =	sst s0  }
0x18: {  	s0 =	sld [smem:$0x3F8A];
	_ =	swait.ge [sflag:s4], $0x0  }
0x19: {  	s7 =	sld [smem:$0x3F8B]  }
0x1a: {  	s8 =	sadd.s32 $0xFFFFE003, lr  }
0x1b: {  	s9 =	sadd.s32 $0xFFFFFEF7, lr;
	s5 =	simm.s32 $0xFFFFFFFF;
	p2 =	slt.u32 s8, $0xFFFFF086  }
0x1c: {  	p1 =	slt.u32 s9, $0xF7A;
	s5 =	simm.s32 @!p2 $0x0  }
0x1d: {  	s5 =	simm.s32 @p1 $0x1;
	p0 =	seq.s32 s7, s2  }
0x1e: {  	s7 =	smul.u32 @!p0 $0xF7A, s2;
	p2 =	seq.s32 @!p0 s5, $0x0  }
0x1f: {  	s9 =	smul.u32 $0xF7A, s1;
	s8 =	simm.s32 @!p0 $0x1BF5;
	p2 =	por !p2, p0  }
0x20: {  	[sflag:s8] =	ssyncset.s32 @!p0 $0xFFFFF086;
	s6 =	sadd.s32 @!p0 s3, s7;
	s7 =	simm.s32 @!p0 $0x108  }
0x21: {  	s3 =	sadd.s32 s3, s9;
	s6 =	sadd.s32 @!p0 $0x88, s6;
	s7 =	simm.s32 @p2 $0x1082  }
0x22: {  	[simem:s7], [sflag:s8] =	dma.local @!p0 [hbm:s6], $0xF7A  }
0x23: {  	s9 =	sor.u32 $0xD0000000, s2;
	s6 =	simm.s32 $0x108;
	_ =	swait.ge @!p0 [sflag:s8], $0x0  }
0x24: {  	s3 =	sadd.s32 $0x88, s3;
	s6 =	simm.s32 @!p1 $0x1082;
	[sflag:s4] =	ssyncset.s32 $0xFFFFF086  }
0x25: {  	[simem:s6], [sflag:s4] =	dma.local [hbm:s3], $0xF7A  }
0x26: {  	[smem:$0x3F8B] =	sst s1;
	(tag) =	ssettag s2;
	_ =	strace s9  }
0x27: {  	s1 =	sld [smem:$0x3F9B]  }
0x28: {  	s2 =	sld [smem:$0x3F9C]  }
0x29: {  	s4 =	sld [smem:$0x3F9E]  }
0x2a: {  	p0 =	seq.s32 s5, $0x0;
	s5 =	sld [smem:$0x3F9F]  }
0x2b: {  	s6 =	sld [smem:$0x3FA0]  }
0x2c: {  	s7 =	sld [smem:$0x3FA1]  }
0x2d: {  	s3 =	simm.s32 $0x108;
	s8 =	sld [smem:$0x3FA2]  }
0x2e: {  	s3 =	simm.s32 @!p0 $0x1082;
	s9 =	sld [smem:$0x3FA3]  }
0x2f: {  	lr =	sadd.s32 s0, s3;
	s0 =	sld [smem:$0x3F9A]  }
0x30: {  	s3 =	sld [smem:$0x3F9D]  }
0x31: {  	[smem:$0x3FA6] =	sst s10  }
0x32: {  	s10 =	sld [smem:$0x3FA4];
	_ =	sdelay $0x3  }
0x33: {  	p0 =	seq.s32 s10, $0x1;
	s10 =	sld [smem:$0x3FA6];
	_ =	sdelay $0x3  }
0x34: {  	[smem:$0x3FA6] =	sst s10  }
0x35: {  	s10 =	sld [smem:$0x3FA5];
	_ =	sdelay $0x3  }
0x36: {  	p1 =	seq.s32 s10, $0x1;
	s10 =	sld [smem:$0x3FA6];
	_ =	sdelay $0x3  }
0x37: {  	[smem:$0x3FA6] =	sst s10  }
0x38: {  	s10 =	sld [smem:$0x3FA7]  }
0x39: {  	_ = 	snop;
	(pc) =	sbr.ind lr, $3  }
0x3a: {  	_ = 	snop  }
0x3b: {  	_ = 	snop  }
0x3c: {  	p2 =	seq.s32 s10, $0x1;
	s10 =	sld [smem:$0x3FA6]  }
0x3d: {  	_ =	shalt  }
0x3e: {  	_ =	shalt  }
0x3f: {  	_ =	shalt  }
0x40: {  	_ =	shalt  }
0x41: {  	_ =	shalt  }
0x42: {  	_ =	shalt  }
0x43: {  	_ =	shalt  }
0x44: {  	_ =	shalt  }
0x45: {  	_ =	shalt  }
0x46: {  	_ =	shalt  }
0x47: {  	_ =	shalt  }
0x48: {  	_ =	shalt  }
0x49: {  	_ =	shalt  }
0x4a: {  	_ =	shalt  }
0x4b: {  	_ =	shalt  }
0x4c: {  	_ =	shalt  }
0x4d: {  	_ =	shalt  }
0x4e: {  	_ =	shalt  }
0x4f: {  	_ =	shalt  }
0x50: {  	_ =	shalt  }
0x51: {  	_ =	shalt  }
0x52: {  	_ =	shalt  }
0x53: {  	_ =	shalt  }
0x54: {  	_ =	shalt  }
0x55: {  	_ =	shalt  }
0x56: {  	_ =	shalt  }
0x57: {  	_ =	shalt  }
0x58: {  	_ =	shalt  }
0x59: {  	_ =	shalt  }
0x5a: {  	_ =	shalt  }
0x5b: {  	_ =	shalt  }
0x5c: {  	_ =	shalt  }
0x5d: {  	_ =	shalt  }
0x5e: {  	_ =	shalt  }
0x5f: {  	_ =	shalt  }
0x60: {  	_ =	shalt  }
0x61: {  	_ =	shalt  }
0x62: {  	_ =	shalt  }
0x63: {  	_ =	shalt  }
0x64: {  	_ =	shalt  }
0x65: {  	_ =	shalt  }
0x66: {  	_ =	shalt  }
0x67: {  	_ =	shalt  }
0x68: {  	_ =	shalt  }
0x69: {  	_ =	shalt  }
0x6a: {  	_ =	shalt  }
0x6b: {  	_ =	shalt  }
0x6c: {  	_ =	shalt  }
0x6d: {  	_ =	shalt  }
0x6e: {  	_ =	shalt  }
0x6f: {  	_ =	shalt  }
0x70: {  	_ =	shalt  }
0x71: {  	_ =	shalt  }
0x72: {  	_ =	shalt  }
0x73: {  	_ =	shalt  }
0x74: {  	_ =	shalt  }
0x75: {  	_ =	shalt  }
0x76: {  	_ =	shalt  }
0x77: {  	_ =	shalt  }
0x78: {  	_ =	shalt  }
0x79: {  	_ =	shalt  }
0x7a: {  	_ =	shalt  }
0x7b: {  	_ =	shalt  }
0x7c: {  	_ =	shalt  }
0x7d: {  	_ =	shalt  }
0x7e: {  	_ =	shalt  }
0x7f: {  	_ =	shalt  }
0x80: {  	_ =	shalt  }
0x81: {  	_ =	shalt  }
0x82: {  	_ =	shalt  }
0x83: {  	_ =	shalt  }
0x84: {  	_ =	shalt  }
0x85: {  	_ =	shalt  }
0x86: {  	_ =	shalt  }
0x87: {  	_ =	shalt  }
.Lfunc_end0:
.L_simem_size_0:
called_computation.1_lowered:
.L_overlay_start_0:
0x88: {  	s2 =	sld [smem:$0x3FD9]  }
0x89: {  	s3 =	sld [smem:$0x3FFE];
	_ =	sdelay $0x1  }
0x8a: {  	s1 =	srdreg.scid  }
0x8b: {  	s0 =	sand.u32 $0x1, s1  }
0x8c: {  	s16 =	sshll.u32 s0, $0xA;
	s2 =	sadd.s32 s3, s2  }
0x8d: {  	s2 =	sadd.s32 s2, s16  }
0x8e: {  	[smem:$0x3FB2] =	sst s2  }
0x8f: {  	_ = 	snop  }
0x90: {  	(tm) =	ssettm $0x1  }
0x91: {  	s17 =	sld [smem:$0x3FFB];
	_ =	sdelay $0x3  }
0x92: {  	_ =	strace s17  }
0x93: {  	s2 =	sld [smem:$0x3FFC];
	_ =	sdelay $0x3  }
0x94: {  	_ =	strace s2  }
0x95: {  	s2 =	sld [smem:$0x3FFD];
	_ =	sdelay $0x3  }
0x96: {  	_ =	strace s2  }
0x97: {  	_ =	strace $0x8FFFFFFF  }
0x98: {  	s18 =	sld [smem:$0x3FDB];
	_ =	sdelay $0x1  }
0x99: {  	s19 =	simm.s32 $_scs_section_size  }
0x9a: {  	s4 =	simm.s32 $_size__tile_overlayer_lowered;
	s5 =	simm.s32 $_tile_overlayer_lowered  }
0x9b: {  	s22 =	simm.s32 $0x1BFF;
	s21 =	sshll.u32 s5, $0x1;
	s2 =	sadd.s32 s19, s18  }
0x9c: {  	s6 =	simm.s32 $0x0;
	s20 =	sshll.u32 s4, $0x1;
	s4 =	sadd.s32 s21, s2  }
0x9d: {  	[timem:s6], [sflag:s22] =	dma.local [hbm:s4], s20  }
0x9e: {  	_ =	swait.ge [sflag:s22], s20  }
0x9f: {  	s3 =	ssub.s32 $0x0, s20;
	[sflag:s22] =	ssyncset.done $0x0  }
0xa0: {  	[sflag:s22] =	ssyncadd.s32 s3;
	_ =	sdelay $0x1  }
0xa1: {  	s23 =	simm.s32 $0x1B8B  }
0xa2: {  	_ =	swait.ge [sflag:s23], $0x1  }
0xa3: {  	[sflag:s23] =	ssyncset.done $0x0  }
0xa4: {  	s25 =	simm.s32 $0x1B8E;
	s24 =	sld [smem:$0x3FFE];
	[sflag:s23] =	ssyncadd.s32 $0xFFFFFFFF  }
0xa5: {  	s26 =	simm.s32 $execute0_lowered;
	[smem:$0x3FD2] =	sst s25  }
0xa6: {  	s4 =	sshll.u32 s26, $0x1;
	_ =	strace $0x80000049;
	[dreg:$0x1] =	wrdreg $0xFFFFFFFF  }
0xa7: {  	s28 =	simm.s32 $_size_execute0_lowered;
	s2 =	sadd.s32 s2, s4;
	[dreg:$0x0] =	wrdreg $0x0  }
0xa8: {  	s4 =	sshll.u32 s28, $0x1;
	[dreg:$0x2] =	wrdreg s2  }
0xa9: {  	[dreg:$0x3] =	wrdreg s4  }
0xaa: {  	[dreg:$0x4] =	wrdreg $0xC0  }
0xab: {  	_ =	task [dreg:s6], $0x5FFFF  }
0xac: {  	[dreg:$0x1] =	wrdreg $0xFFFFFFFF  }
0xad: {  	[dreg:$0x0] =	wrdreg $0x60  }
0xae: {  	[dreg:$0x2] =	wrdreg s24  }
0xaf: {  	[dreg:$0x3] =	wrdreg $0xB4000  }
0xb0: {  	[dreg:$0x4] =	wrdreg $0x9  }
0xb1: {  	_ =	task.clear_ibuf [dreg:s6], $0x5FFFF;
	_ =	strace $0x90000049  }
0xb2: {  	s29 =	simm.s32 $0x9;
	_ =	strace $0x8000004B  }
0xb3: {  	_ =	swait.ge [sflag:s29], $0x1  }
0xb4: {  	[sflag:s29] =	ssyncadd.s32 $0xFFFFFFFF  }
0xb5: {  	_ =	strace $0x9000004B  }
0xb6: {  	_ =	sfence  }
0xb7: {  	s30 =	sld [smem:$0x0];
	_ =	sdelay $0x2  }
0xb8: {  	s31 =	sshll.u32 s1, $0xD;
	s1 =	sshrl.u32 s1, $0x2  }
0xb9: {  	s3 =	sand.u32 $0x4000, s31;
	s1 =	sadd.s32 s1, s30  }
0xba: {  	s0 =	sor.u32 s3, s0;
	s1 =	sshll.u32 s1, $0x11  }
0xbb: {  	s0 =	sor.u32 s1, s0  }
0xbc: {  	s0 =	sadd.s32 $0x8F2B, s0  }
0xbd: {  	[sflag:s0] =	ssyncadd.remote.s32 $0x1  }
0xbe: {  	_ =	sfence.sel $0xFFFF  }
0xbf: {  	[dreg:$0x0] =	wrdreg $0xFFFFFFFF;
	(pc) =	sbr.abs _section_cstart, $3  }
0xc0: {  	[dreg:$0x1] =	wrdreg $0xFFFFFFFF  }
0xc1: {  	_ =	task.clear_ibuf [dreg:s6], $0x2FFFF;
	_ =	strace $0x9FFFFFFF  }
0xc2: {  	(tm) =	ssettm $0x7FFFFFFF  }
0xc3: {  	_ =	shalt  }
tec
execute0_lowered:
.L_overlay_start_1:
0x0: {  	(tag) =	ssettag $0x1  }
0x1: {  	s5 =	rddreg [dreg:$0x0]  }
0x2: {  	s2 =	rddreg [dreg:$0x1]  }
0x3: {  	s0 =	rddreg [dreg:$0x2];
	s4 =	srdreg.scid  }
0x4: {  	s1 =	stileid.u32;
	s3 =	simm.s32 $0x0;
	s14 =	simm.s32 $0x5000  }
0x5: {  	s15 =	simm.s32 $0x5400;
	s16 =	simm.s32 $0x5080;
	s17 =	simm.s32 $0x7400  }
0x6: {  	s18 =	simm.s32 $0x5100;
	s19 =	simm.s32 $0x9400;
	s20 =	simm.s32 $0x4  }
0x7: {  	s21 =	simm.s32 $0x1;
	s22 =	simm.s32 $0x5200;
	s23 =	simm.s32 $0x2  }
0x8: {  	s24 =	simm.s32 $0x5280;
	s25 =	simm.s32 $0x3;
	s26 =	simm.s32 $0x5300  }
0x9: {  	s28 =	simm.s32 $0x0;
	s6 =	sand.u32 $0x1, s4;
	s7 =	smul.u32 $0x13C00, s1  }
0xa: {  	[smem:$0x7FF] =	sst s3;
	s10 =	smul.u32 $0x4F000, s1;
	s4 =	sshll.u32 s6, $0x4  }
0xb: {  	s8 =	smul.u32 $0x13C000, s6;
	_ =	strace $0x8000004A;
	s6 =	ssub.s32 $0x2, s6  }
0xc: {  	s9 =	sor.u32 s1, s4;
	s4 =	sadd.s32 $0x18C00, s5;
	s29 =	sshrl.u32 s6, $0x1  }
0xd: {  	s30 =	sshrl.u32 s10, $0x2;
	s31 =	sshrl.u32 s7, $0x3;
	s9 =	smul.u32 $0xA00, s9  }
0xe: {  	s8 =	sadd.s32 s7, s8;
	s12 =	ssub.s32 s6, s29;
	s6 =	sshll.u32 s1, $0x6  }
0xf: {  	s13 =	sadd.s32 s30, s2;
	s8 =	sshrl.u32 s8, $0x3;
	s7 =	sor.u32 $0x1C04, s6  }
0x10: {  	s10 =	smax.u32 s12, $0x1;
	s12 =	simm.s32 $0x5;
	s9 =	sadd.s32 s9, s5  }
0x11: {  	s11 =	sadd.s32 s8, s5;
	s5 =	sadd.s32 s4, s31;
	s8 =	sadd.s32 $0x4C00, s9  }
0x12: {  	s9 =	sadd.s32 $0x40400, s11;
	s11 =	sshrl.u32 s13, $0x3;
	s13 =	simm.s32 $0x40  }
.LBB2_1:
0x13: {  	[spmem:s11], [sflag:s7] =	dma.local [hbm:s5], $0x2780  }
0x14: {  	[tilespmem:s3], [sflag:$0x5] =	stream.linear.gather [hbm4b:s8+s3], $0x4F80, $0x38;
	[tilespmem:$0x1F000] =	vst v63  }
0x15: {  	_ =	swait.ge [sflag:s12], $0x4F80  }
0x16: {  	[sflag:s12] =	ssyncset.done $0x0  }
0x17: {  	[sflag:s12] =	ssyncadd.s32 $0xFFFFB080  }
0x18: {  	v0 =	vld [tilespmem:$0x0];
	_ =	sdelay $0x1  }
0x19: {  	v1 =	vld [tilespmem:$0x10];
	_ =	sdelay $0x1  }
0x1a: {  	v2 =	vld [tilespmem:$0x20]  }
0x1b: {  	v3 =	vand.u32 $0x3FFF, v0  }
0x1c: {  	v0 =	vshrl.u32 v0, $0xE;
	[tilespmem:$0x5000] =	vst v3;
	v3 =	vld [tilespmem:$0x30]  }
0x1d: {  	[tilespmem:$0x5200] =	vst v0;
	v0 =	vand.u32 $0x3FFF, v1  }
0x1e: {  	[tilespmem:$0x5010] =	vst v0;
	v0 =	vshrl.u32 v1, $0xE  }
0x1f: {  	[tilespmem:$0x5210] =	vst v0;
	v0 =	vand.u32 $0x3FFF, v2  }
0x20: {  	[tilespmem:$0x5020] =	vst v0;
	v0 =	vshrl.u32 v2, $0xE  }
0x21: {  	[tilespmem:$0x5220] =	vst v0;
	v0 =	vand.u32 $0x3FFF, v3  }
0x22: {  	[tilespmem:$0x5030] =	vst v0;
	v0 =	vshrl.u32 v3, $0xE  }
0x23: {  	[tilespmem:$0x5230] =	vst v0  }
0x24: {  	[tilespmem:s15], [sflag:$0x1] =	stream.indirect.gather [hbm4b:s4+s13], $0x80, s14, s13, $0xb8;
	[tilespmem:$0x1F000] =	vst v63  }
0x25: {  	v0 =	vld [tilespmem:$0x80];
	_ =	sdelay $0x1  }
0x26: {  	v1 =	vld [tilespmem:$0x90];
	_ =	sdelay $0x1  }
0x27: {  	v2 =	vld [tilespmem:$0xA0]  }
0x28: {  	v3 =	vand.u32 $0x3FFF, v0  }
0x29: {  	v0 =	vshrl.u32 v0, $0xE;
	[tilespmem:$0x5080] =	vst v3;
	v3 =	vld [tilespmem:$0xB0]  }
0x2a: {  	[tilespmem:$0x5280] =	vst v0;
	v0 =	vand.u32 $0x3FFF, v1  }
0x2b: {  	[tilespmem:$0x5090] =	vst v0;
	v0 =	vshrl.u32 v1, $0xE  }
0x2c: {  	[tilespmem:$0x5290] =	vst v0;
	v0 =	vand.u32 $0x3FFF, v2  }
0x2d: {  	[tilespmem:$0x50A0] =	vst v0;
	v0 =	vshrl.u32 v2, $0xE  }
0x2e: {  	[tilespmem:$0x52A0] =	vst v0;
	v0 =	vand.u32 $0x3FFF, v3  }
0x2f: {  	[tilespmem:$0x50B0] =	vst v0;
	v0 =	vshrl.u32 v3, $0xE  }
0x30: {  	[tilespmem:$0x52B0] =	vst v0  }
0x31: {  	[tilespmem:s17], [sflag:$0x2] =	stream.indirect.gather [hbm4b:s4+s13], $0x80, s16, s13, $0xb8;
	[tilespmem:$0x1F000] =	vst v63  }
0x32: {  	v0 =	vld [tilespmem:$0x100];
	_ =	sdelay $0x1  }
0x33: {  	v1 =	vld [tilespmem:$0x110];
	_ =	sdelay $0x1  }
0x34: {  	v2 =	vld [tilespmem:$0x120]  }
0x35: {  	v3 =	vand.u32 $0x3FFF, v0  }
0x36: {  	v0 =	vshrl.u32 v0, $0xE;
	[tilespmem:$0x5100] =	vst v3;
	v3 =	vld [tilespmem:$0x130]  }
0x37: {  	[tilespmem:$0x5300] =	vst v0;
	v0 =	vand.u32 $0x3FFF, v1  }
0x38: {  	[tilespmem:$0x5110] =	vst v0;
	v0 =	vshrl.u32 v1, $0xE  }
0x39: {  	[tilespmem:$0x5310] =	vst v0;
	v0 =	vand.u32 $0x3FFF, v2  }
0x3a: {  	[tilespmem:$0x5120] =	vst v0;
	v0 =	vshrl.u32 v2, $0xE  }
0x3b: {  	[tilespmem:$0x5320] =	vst v0;
	v0 =	vand.u32 $0x3FFF, v3  }
0x3c: {  	[tilespmem:$0x5130] =	vst v0;
	v0 =	vshrl.u32 v3, $0xE  }
0x3d: {  	[tilespmem:$0x5330] =	vst v0  }
0x3e: {  	[tilespmem:s19], [sflag:$0x3] =	stream.indirect.gather [hbm4b:s4+s13], $0x80, s18, s13, $0xb8;
	[tilespmem:$0x1F000] =	vst v63  }
0x3f: {  	_ =	swait.ge [sflag:s20], $0x2780  }
0x40: {  	[sflag:s20] =	ssyncset.done $0x0  }
0x41: {  	[sflag:s20] =	ssyncadd.s32 $0xFFFFD880  }
0x42: {  	[bflag:$0x0] =	sbarrier.arrive $0xFFFF  }
0x43: {  	_ =	swait.ge [sflag:s21], $0x2000  }
0x44: {  	[sflag:s21] =	ssyncset.done $0x0  }
0x45: {  	[sflag:s21] =	ssyncadd.s32 $0xFFFFE000  }
0x46: {  	[spmem:s2] =	stream.indirect.scatter.add.f32 [tilespmem:s15], [sflag:$0x5], $0x80, s22, s13, $0xb8;
	[tilespmem:$0x1F000] =	vst v63  }
0x47: {  	_ =	swait.ge [sflag:s12], $0x2000  }
0x48: {  	[sflag:s12] =	ssyncset.done $0x0  }
0x49: {  	s29 =	simm.s32 $0x2B0;
	[sflag:s12] =	ssyncadd.s32 $0xFFFFE000  }
0x4a: {  	v0 =	vld [tilespmem:s29+$0xFFFFFED0];
	_ =	sdelay $0x4  }
0x4b: {  	v1 =	vand.u32 $0x3FFF, v0  }
0x4c: {  	v0 =	vshrl.u32 v0, $0xE;
	[tilespmem:$0x5000] =	vst v1  }
0x4d: {  	[tilespmem:$0x5200] =	vst v0  }
0x4e: {  	v0 =	vld [tilespmem:s29+$0xFFFFFEE0];
	_ =	sdelay $0x4  }
0x4f: {  	v1 =	vand.u32 $0x3FFF, v0  }
0x50: {  	v0 =	vshrl.u32 v0, $0xE;
	[tilespmem:$0x5010] =	vst v1  }
0x51: {  	[tilespmem:$0x5210] =	vst v0  }
0x52: {  	v0 =	vld [tilespmem:s29+$0xFFFFFEF0];
	_ =	sdelay $0x4  }
0x53: {  	v1 =	vand.u32 $0x3FFF, v0  }
0x54: {  	v0 =	vshrl.u32 v0, $0xE;
	[tilespmem:$0x5020] =	vst v1  }
0x55: {  	[tilespmem:$0x5220] =	vst v0  }
0x56: {  	v0 =	vld [tilespmem:s29+$0xFFFFFF00];
	_ =	sdelay $0x4  }
0x57: {  	v1 =	vand.u32 $0x3FFF, v0  }
0x58: {  	v0 =	vshrl.u32 v0, $0xE;
	[tilespmem:$0x5030] =	vst v1  }
0x59: {  	[tilespmem:$0x5230] =	vst v0  }
0x5a: {  	[tilespmem:s15], [sflag:$0x1] =	stream.indirect.gather [hbm4b:s4+s13], $0x80, s14, s13, $0xb8;
	[tilespmem:$0x1F000] =	vst v63  }
0x5b: {  	_ =	swait.ge [sflag:s23], $0x2000  }
0x5c: {  	[sflag:s23] =	ssyncset.done $0x0  }
0x5d: {  	[sflag:s23] =	ssyncadd.s32 $0xFFFFE000  }
0x5e: {  	[spmem:s2] =	stream.indirect.scatter.add.f32 [tilespmem:s17], [sflag:$0x5], $0x80, s24, s13, $0xb8;
	[tilespmem:$0x1F000] =	vst v63  }
0x5f: {  	_ =	swait.ge [sflag:s12], $0x2000  }
0x60: {  	[sflag:s12] =	ssyncset.done $0x0  }
0x61: {  	[sflag:s12] =	ssyncadd.s32 $0xFFFFE000  }
0x62: {  	v0 =	vld [tilespmem:s29+$0xFFFFFF50];
	_ =	sdelay $0x4  }
0x63: {  	v1 =	vand.u32 $0x3FFF, v0  }
0x64: {  	v0 =	vshrl.u32 v0, $0xE;
	[tilespmem:$0x5080] =	vst v1  }
0x65: {  	[tilespmem:$0x5280] =	vst v0  }
0x66: {  	v0 =	vld [tilespmem:s29+$0xFFFFFF60];
	_ =	sdelay $0x4  }
0x67: {  	v1 =	vand.u32 $0x3FFF, v0  }
0x68: {  	v0 =	vshrl.u32 v0, $0xE;
	[tilespmem:$0x5090] =	vst v1  }
0x69: {  	[tilespmem:$0x5290] =	vst v0  }
0x6a: {  	v0 =	vld [tilespmem:s29+$0xFFFFFF70];
	_ =	sdelay $0x4  }
0x6b: {  	v1 =	vand.u32 $0x3FFF, v0  }
0x6c: {  	v0 =	vshrl.u32 v0, $0xE;
	[tilespmem:$0x50A0] =	vst v1  }
0x6d: {  	[tilespmem:$0x52A0] =	vst v0  }
0x6e: {  	v0 =	vld [tilespmem:s29+$0xFFFFFF80];
	_ =	sdelay $0x4  }
0x6f: {  	v1 =	vand.u32 $0x3FFF, v0  }
0x70: {  	v0 =	vshrl.u32 v0, $0xE;
	[tilespmem:$0x50B0] =	vst v1  }
0x71: {  	[tilespmem:$0x52B0] =	vst v0  }
0x72: {  	[tilespmem:s17], [sflag:$0x2] =	stream.indirect.gather [hbm4b:s4+s13], $0x80, s16, s13, $0xb8;
	[tilespmem:$0x1F000] =	vst v63  }
0x73: {  	_ =	swait.ge [sflag:s25], $0x2000  }
0x74: {  	[sflag:s25] =	ssyncset.done $0x0  }
0x75: {  	[sflag:s25] =	ssyncadd.s32 $0xFFFFE000  }
0x76: {  	[spmem:s2] =	stream.indirect.scatter.add.f32 [tilespmem:s19], [sflag:$0x5], $0x80, s26, s13, $0xb8;
	[tilespmem:$0x1F000] =	vst v63  }
0x77: {  	_ =	swait.ge [sflag:s12], $0x2000  }
0x78: {  	[sflag:s12] =	ssyncset.done $0x0  }
0x79: {  	[sflag:s12] =	ssyncadd.s32 $0xFFFFE000  }
0x7a: {  	v0 =	vld [tilespmem:s29+$0xFFFFFFD0];
	_ =	sdelay $0x4  }
0x7b: {  	v1 =	vand.u32 $0x3FFF, v0  }
0x7c: {  	v0 =	vshrl.u32 v0, $0xE;
	[tilespmem:$0x5100] =	vst v1  }
0x7d: {  	[tilespmem:$0x5300] =	vst v0  }
0x7e: {  	v0 =	vld [tilespmem:s29+$0xFFFFFFE0];
	_ =	sdelay $0x4  }
0x7f: {  	v1 =	vand.u32 $0x3FFF, v0  }
0x80: {  	v0 =	vshrl.u32 v0, $0xE;
	[tilespmem:$0x5110] =	vst v1  }
0x81: {  	[tilespmem:$0x5310] =	vst v0  }
0x82: {  	s30 =	simm.s32 $0x10C0;
	v0 =	vld [tilespmem:s29+$0xFFFFFFF0]  }
.LBB2_2:
0x83: {  	_ =	sdelay $0x2  }
0x84: {  	p0 =	sne.s32 s30, $0x13CC0;
	s31 =	smov.u32 s30;
	s30 =	sadd.s32 $0x600, s30  }
0x85: {  	v1 =	vand.u32 $0x3FFF, v0;
	v0 =	vshrl.u32 v0, $0xE  }
0x86: {  	[tilespmem:$0x5120] =	vst v1  }
0x87: {  	[tilespmem:$0x5320] =	vst v0  }
0x88: {  	v0 =	vld [tilespmem:s29+$0x0];
	_ =	sdelay $0x4  }
0x89: {  	v1 =	vand.u32 $0x3FFF, v0;
	v0 =	vshrl.u32 v0, $0xE  }
0x8a: {  	[tilespmem:$0x5130] =	vst v1  }
0x8b: {  	[tilespmem:$0x5330] =	vst v0  }
0x8c: {  	[tilespmem:s19], [sflag:$0x3] =	stream.indirect.gather [hbm4b:s4+s13], $0x80, s18, s13, $0xb8;
	[tilespmem:$0x1F000] =	vst v63  }
0x8d: {  	_ =	swait.ge [sflag:s21], $0x2000  }
0x8e: {  	[sflag:s21] =	ssyncset.done $0x0  }
0x8f: {  	[sflag:s21] =	ssyncadd.s32 $0xFFFFE000  }
0x90: {  	[spmem:s2] =	stream.indirect.scatter.add.f32 [tilespmem:s15], [sflag:$0x5], $0x80, s22, s13, $0xb8;
	[tilespmem:$0x1F000] =	vst v63  }
0x91: {  	_ =	swait.ge [sflag:s12], $0x2000  }
0x92: {  	[sflag:s12] =	ssyncset.done $0x0  }
0x93: {  	s29 =	sshra.s32 s31, $0x2;
	[sflag:s12] =	ssyncadd.s32 $0xFFFFE000  }
0x94: {  	v0 =	vld [tilespmem:s29+$0xFFFFFED0];
	_ =	sdelay $0x4  }
0x95: {  	v1 =	vand.u32 $0x3FFF, v0;
	v0 =	vshrl.u32 v0, $0xE  }
0x96: {  	[tilespmem:$0x5000] =	vst v1  }
0x97: {  	[tilespmem:$0x5200] =	vst v0  }
0x98: {  	v0 =	vld [tilespmem:s29+$0xFFFFFEE0];
	_ =	sdelay $0x4  }
0x99: {  	v1 =	vand.u32 $0x3FFF, v0;
	v0 =	vshrl.u32 v0, $0xE  }
0x9a: {  	[tilespmem:$0x5010] =	vst v1  }
0x9b: {  	[tilespmem:$0x5210] =	vst v0  }
0x9c: {  	v0 =	vld [tilespmem:s29+$0xFFFFFEF0];
	_ =	sdelay $0x4  }
0x9d: {  	v1 =	vand.u32 $0x3FFF, v0;
	v0 =	vshrl.u32 v0, $0xE  }
0x9e: {  	[tilespmem:$0x5020] =	vst v1  }
0x9f: {  	[tilespmem:$0x5220] =	vst v0  }
0xa0: {  	v0 =	vld [tilespmem:s29+$0xFFFFFF00];
	_ =	sdelay $0x4  }
0xa1: {  	v1 =	vand.u32 $0x3FFF, v0;
	v0 =	vshrl.u32 v0, $0xE  }
0xa2: {  	[tilespmem:$0x5030] =	vst v1  }
0xa3: {  	[tilespmem:$0x5230] =	vst v0  }
0xa4: {  	[tilespmem:s15], [sflag:$0x1] =	stream.indirect.gather [hbm4b:s4+s13], $0x80, s14, s13, $0xb8;
	[tilespmem:$0x1F000] =	vst v63  }
0xa5: {  	_ =	swait.ge [sflag:s23], $0x2000  }
0xa6: {  	[sflag:s23] =	ssyncset.done $0x0  }
0xa7: {  	[sflag:s23] =	ssyncadd.s32 $0xFFFFE000  }
0xa8: {  	[spmem:s2] =	stream.indirect.scatter.add.f32 [tilespmem:s17], [sflag:$0x5], $0x80, s24, s13, $0xb8;
	[tilespmem:$0x1F000] =	vst v63  }
0xa9: {  	_ =	swait.ge [sflag:s12], $0x2000  }
0xaa: {  	[sflag:s12] =	ssyncset.done $0x0  }
0xab: {  	[sflag:s12] =	ssyncadd.s32 $0xFFFFE000  }
0xac: {  	v0 =	vld [tilespmem:s29+$0xFFFFFF50];
	_ =	sdelay $0x4  }
0xad: {  	v1 =	vand.u32 $0x3FFF, v0;
	v0 =	vshrl.u32 v0, $0xE  }
0xae: {  	[tilespmem:$0x5080] =	vst v1  }
0xaf: {  	[tilespmem:$0x5280] =	vst v0  }
0xb0: {  	v0 =	vld [tilespmem:s29+$0xFFFFFF60];
	_ =	sdelay $0x4  }
0xb1: {  	v1 =	vand.u32 $0x3FFF, v0;
	v0 =	vshrl.u32 v0, $0xE  }
0xb2: {  	[tilespmem:$0x5090] =	vst v1  }
0xb3: {  	[tilespmem:$0x5290] =	vst v0  }
0xb4: {  	v0 =	vld [tilespmem:s29+$0xFFFFFF70];
	_ =	sdelay $0x4  }
0xb5: {  	v1 =	vand.u32 $0x3FFF, v0;
	v0 =	vshrl.u32 v0, $0xE  }
0xb6: {  	[tilespmem:$0x50A0] =	vst v1  }
0xb7: {  	[tilespmem:$0x52A0] =	vst v0  }
0xb8: {  	v0 =	vld [tilespmem:s29+$0xFFFFFF80];
	_ =	sdelay $0x4  }
0xb9: {  	v1 =	vand.u32 $0x3FFF, v0;
	v0 =	vshrl.u32 v0, $0xE  }
0xba: {  	[tilespmem:$0x50B0] =	vst v1  }
0xbb: {  	[tilespmem:$0x52B0] =	vst v0  }
0xbc: {  	[tilespmem:s17], [sflag:$0x2] =	stream.indirect.gather [hbm4b:s4+s13], $0x80, s16, s13, $0xb8;
	[tilespmem:$0x1F000] =	vst v63  }
0xbd: {  	_ =	swait.ge [sflag:s25], $0x2000  }
0xbe: {  	[sflag:s25] =	ssyncset.done $0x0  }
0xbf: {  	[sflag:s25] =	ssyncadd.s32 $0xFFFFE000  }
0xc0: {  	[spmem:s2] =	stream.indirect.scatter.add.f32 [tilespmem:s19], [sflag:$0x5], $0x80, s26, s13, $0xb8;
	[tilespmem:$0x1F000] =	vst v63  }
0xc1: {  	_ =	swait.ge [sflag:s12], $0x2000  }
0xc2: {  	[sflag:s12] =	ssyncset.done $0x0  }
0xc3: {  	[sflag:s12] =	ssyncadd.s32 $0xFFFFE000  }
0xc4: {  	v0 =	vld [tilespmem:s29+$0xFFFFFFD0];
	_ =	sdelay $0x4  }
0xc5: {  	v1 =	vand.u32 $0x3FFF, v0;
	v0 =	vshrl.u32 v0, $0xE  }
0xc6: {  	[tilespmem:$0x5100] =	vst v1  }
0xc7: {  	[tilespmem:$0x5300] =	vst v0  }
0xc8: {  	v0 =	vld [tilespmem:s29+$0xFFFFFFE0];
	_ =	sdelay $0x3  }
.Ltmp0:
0xc9: {  	(pc) =	sbr.rel @p0 .LBB2_2-.Ltmp0, $4  }
0xca: {  	v1 =	vand.u32 $0x3FFF, v0;
	v0 =	vshrl.u32 v0, $0xE  }
0xcb: {  	[tilespmem:$0x5110] =	vst v1  }
0xcc: {  	[tilespmem:$0x5310] =	vst v0  }
0xcd: {  	v0 =	vld [tilespmem:s29+$0xFFFFFFF0]  }
0xce: {  	_ =	sdelay $0x3  }
0xcf: {  	v1 =	vand.u32 $0x3FFF, v0  }
0xd0: {  	v62 =	vshrl.u32 v0, $0xE;
	[tilespmem:$0x5120] =	vst v1  }
0xd1: {  	[tilespmem:$0x5320] =	vst v62  }
0xd2: {  	v0 =	vld [tilespmem:s29+$0x0];
	_ =	sdelay $0x4  }
0xd3: {  	v63 =	vand.u32 $0x3FFF, v0  }
0xd4: {  	v0 =	vshrl.u32 v0, $0xE;
	[tilespmem:$0x5130] =	vst v63  }
0xd5: {  	[tilespmem:$0x5330] =	vst v0  }
0xd6: {  	[tilespmem:s19], [sflag:$0x3] =	stream.indirect.gather [hbm4b:s4+s13], $0x80, s18, s13, $0xb8;
	[tilespmem:$0x1F000] =	vst v63  }
0xd7: {  	_ =	swait.ge [sflag:s21], $0x2000  }
0xd8: {  	[sflag:s21] =	ssyncset.done $0x0  }
0xd9: {  	[sflag:s21] =	ssyncadd.s32 $0xFFFFE000  }
0xda: {  	[spmem:s2] =	stream.indirect.scatter.add.f32 [tilespmem:s15], [sflag:$0x5], $0x80, s22, s13, $0xb8;
	[tilespmem:$0x1F000] =	vst v63  }
0xdb: {  	_ =	swait.ge [sflag:s12], $0x2000  }
0xdc: {  	[sflag:s12] =	ssyncset.done $0x0  }
0xdd: {  	[sflag:s12] =	ssyncadd.s32 $0xFFFFE000  }
0xde: {  	_ =	swait.ge [sflag:s23], $0x2000  }
0xdf: {  	[sflag:s23] =	ssyncset.done $0x0  }
0xe0: {  	[sflag:s23] =	ssyncadd.s32 $0xFFFFE000  }
0xe1: {  	[spmem:s2] =	stream.indirect.scatter.add.f32 [tilespmem:s17], [sflag:$0x5], $0x80, s24, s13, $0xb8;
	[tilespmem:$0x1F000] =	vst v63  }
0xe2: {  	_ =	swait.ge [sflag:s12], $0x2000  }
0xe3: {  	[sflag:s12] =	ssyncset.done $0x0  }
0xe4: {  	[sflag:s12] =	ssyncadd.s32 $0xFFFFE000  }
0xe5: {  	_ =	swait.ge [sflag:s25], $0x2000  }
0xe6: {  	[sflag:s25] =	ssyncset.done $0x0  }
0xe7: {  	[sflag:s25] =	ssyncadd.s32 $0xFFFFE000  }
0xe8: {  	[spmem:s2] =	stream.indirect.scatter.add.f32 [tilespmem:s19], [sflag:$0x5], $0x80, s26, s13, $0xb8;
	[tilespmem:$0x1F000] =	vst v63  }
0xe9: {  	_ =	swait.ge [sflag:s12], $0x2000  }
0xea: {  	s28 =	sadd.s32 $0x1, s28;
	[sflag:s12] =	ssyncset.done $0x0  }
0xeb: {  	p0 =	sne.s32 s28, s10;
	[sflag:s12] =	ssyncadd.s32 $0xFFFFE000  }
.Ltmp1:
0xec: {  	s31 =	sor.u32 $0x1C05, s6;
	[bflag:$0x0] =	sbarrier.arrive $0xFFFF;
	(pc) =	sbr.rel @p0 .LBB2_1-.Ltmp1, $4  }
0xed: {  	[hbm:s9], [sflag:s31] =	dma.local [spmem:s11], $0x2780  }
0xee: {  	_ =	swait.ge [sflag:s12], $0x2780  }
0xef: {  	[sflag:s12] =	ssyncset.done $0x0  }
0xf0: {  	[sflag:s12] =	ssyncadd.s32 $0xFFFFD880  }
0xf1: {  	_ =	sfence.sel $0x180000  }
0xf2: {  	[bflag:$0x0] =	sbarrier.arrive $0xFFFF  }
0xf3: {  	p0 =	sne.s32 s1, $0x0;
	_ =	strace $0x9000004A  }
0xf4: {  	s0 =	sadd.s32 @!p0 $0x100000, s0;
	[bflag:$0x2] =	sbarrier.arrive $0xFFFF  }
0xf5: {  	[sflag:s0] =	ssyncadd.tile.s32 @!p0 $0x1;
	_ =	shalt  }
.Lfunc_end2:
_tile_overlayer_lowered:
.L_overlay_start_2:
0xf6: {  	(tag) =	ssettag $0x2  }
0xf7: {  	s0 =	rddreg [dreg:$0x0];
	s2 =	stileid.u32  }
0xf8: {  	s1 =	rddreg [dreg:$0x1];
	p0 =	sne.s32 s2, $0x0  }
0xf9: {  	s3 =	rddreg [dreg:$0x2];
	[bflag:$0x3] =	sbarrier.arrive $0xFFFF;
	s2 =	simm.s32 @!p0 $0x1C05  }
0xfa: {  	[timem:s3], [sflag:s2] =	dma.local @!p0 [hbm:s0], s1  }
0xfb: {  	s0 =	simm.s32 @!p0 $0x5  }
0xfc: {  	_ =	swait.ge @!p0 [sflag:s0], s1  }
0xfd: {  	s1 =	ssub.s32 @!p0 $0x0, s1;
	[sflag:s0] =	ssyncset.done @!p0 $0x0  }
0xfe: {  	[sflag:s0] =	ssyncadd.s32 @!p0 s1  }
0xff: {  	[bflag:$0x3] =	sbarrier.arrive $0xFFFF  }
0x100: {  	_ =	shalt  }

// kernel: kernel.14.cloned.1.call-start
scs
__scs_entry_jumppad:
0x0: {  	(pc) =	sbr.rel $0x88, $3  }
0x1: {  	(tag) =	ssettag $0x0;
	lr =	simm.s32 $0x1  }
0x2: {  	[smem:$0x3F8B] =	sst lr;
	_ =	strace $0xD0000000  }
0x3: {  	_ = 	snop  }
0x4: {  	_ = 	snop  }
0x5: {  	_ = 	snop  }
0x6: {  	_ = 	snop  }
0x7: {  	_ = 	snop  }
__scs_overlays_trampoline_lowered:
0x8: {  	[smem:$0x3F9A] =	sst s0  }
0x9: {  	[smem:$0x3F9B] =	sst s1  }
0xa: {  	[smem:$0x3F9C] =	sst s2  }
0xb: {  	[smem:$0x3F9D] =	sst s3  }
0xc: {  	[smem:$0x3F9E] =	sst s4  }
0xd: {  	[smem:$0x3F9F] =	sst s5  }
0xe: {  	[smem:$0x3FA0] =	sst s6  }
0xf: {  	[smem:$0x3FA1] =	sst s7  }
0x10: {  	[smem:$0x3FA2] =	sst s8  }
0x11: {  	[smem:$0x3FA3] =	sst s9;
	s0 =	simm.s32 @!p0 $0x0  }
0x12: {  	s1 =	sld [smem:$0x3F89];
	s0 =	simm.s32 @p0 $0x1  }
0x13: {  	[smem:$0x3FA4] =	sst s0;
	s0 =	simm.s32 @!p1 $0x0  }
0x14: {  	s2 =	sld [smem:$0x3F88];
	s0 =	simm.s32 @p1 $0x1  }
0x15: {  	[smem:$0x3FA5] =	sst s0;
	s0 =	simm.s32 @!p2 $0x0  }
0x16: {  	s3 =	sld [smem:$0x3FDB];
	s0 =	simm.s32 @p2 $0x1  }
0x17: {  	s4 =	simm.s32 $0x1BF5;
	[smem:$0x3FA7] =	sst s0  }
0x18: {  	s0 =	sld [smem:$0x3F8A];
	_ =	swait.ge [sflag:s4], $0x0  }
0x19: {  	s7 =	sld [smem:$0x3F8B]  }
0x1a: {  	s8 =	sadd.s32 $0xFFFFE003, lr  }
0x1b: {  	s9 =	sadd.s32 $0xFFFFFEF7, lr;
	s5 =	simm.s32 $0xFFFFFFFF;
	p2 =	slt.u32 s8, $0xFFFFF086  }
0x1c: {  	p1 =	slt.u32 s9, $0xF7A;
	s5 =	simm.s32 @!p2 $0x0  }
0x1d: {  	s5 =	simm.s32 @p1 $0x1;
	p0 =	seq.s32 s7, s2  }
0x1e: {  	s7 =	smul.u32 @!p0 $0xF7A, s2;
	p2 =	seq.s32 @!p0 s5, $0x0  }
0x1f: {  	s9 =	smul.u32 $0xF7A, s1;
	s8 =	simm.s32 @!p0 $0x1BF5;
	p2 =	por !p2, p0  }
0x20: {  	[sflag:s8] =	ssyncset.s32 @!p0 $0xFFFFF086;
	s6 =	sadd.s32 @!p0 s3, s7;
	s7 =	simm.s32 @!p0 $0x108  }
0x21: {  	s3 =	sadd.s32 s3, s9;
	s6 =	sadd.s32 @!p0 $0x88, s6;
	s7 =	simm.s32 @p2 $0x1082  }
0x22: {  	[simem:s7], [sflag:s8] =	dma.local @!p0 [hbm:s6], $0xF7A  }
0x23: {  	s9 =	sor.u32 $0xD0000000, s2;
	s6 =	simm.s32 $0x108;
	_ =	swait.ge @!p0 [sflag:s8], $0x0  }
0x24: {  	s3 =	sadd.s32 $0x88, s3;
	s6 =	simm.s32 @!p1 $0x1082;
	[sflag:s4] =	ssyncset.s32 $0xFFFFF086  }
0x25: {  	[simem:s6], [sflag:s4] =	dma.local [hbm:s3], $0xF7A  }
0x26: {  	[smem:$0x3F8B] =	sst s1;
	(tag) =	ssettag s2;
	_ =	strace s9  }
0x27: {  	s1 =	sld [smem:$0x3F9B]  }
0x28: {  	s2 =	sld [smem:$0x3F9C]  }
0x29: {  	s4 =	sld [smem:$0x3F9E]  }
0x2a: {  	p0 =	seq.s32 s5, $0x0;
	s5 =	sld [smem:$0x3F9F]  }
0x2b: {  	s6 =	sld [smem:$0x3FA0]  }
0x2c: {  	s7 =	sld [smem:$0x3FA1]  }
0x2d: {  	s3 =	simm.s32 $0x108;
	s8 =	sld [smem:$0x3FA2]  }
0x2e: {  	s3 =	simm.s32 @!p0 $0x1082;
	s9 =	sld [smem:$0x3FA3]  }
0x2f: {  	lr =	sadd.s32 s0, s3;
	s0 =	sld [smem:$0x3F9A]  }
0x30: {  	s3 =	sld [smem:$0x3F9D]  }
0x31: {  	[smem:$0x3FA6] =	sst s10  }
0x32: {  	s10 =	sld [smem:$0x3FA4];
	_ =	sdelay $0x3  }
0x33: {  	p0 =	seq.s32 s10, $0x1;
	s10 =	sld [smem:$0x3FA6];
	_ =	sdelay $0x3  }
0x34: {  	[smem:$0x3FA6] =	sst s10  }
0x35: {  	s10 =	sld [smem:$0x3FA5];
	_ =	sdelay $0x3  }
0x36: {  	p1 =	seq.s32 s10, $0x1;
	s10 =	sld [smem:$0x3FA6];
	_ =	sdelay $0x3  }
0x37: {  	[smem:$0x3FA6] =	sst s10  }
0x38: {  	s10 =	sld [smem:$0x3FA7]  }
0x39: {  	_ = 	snop;
	(pc) =	sbr.ind lr, $3  }
0x3a: {  	_ = 	snop  }
0x3b: {  	_ = 	snop  }
0x3c: {  	p2 =	seq.s32 s10, $0x1;
	s10 =	sld [smem:$0x3FA6]  }
0x3d: {  	_ =	shalt  }
0x3e: {  	_ =	shalt  }
0x3f: {  	_ =	shalt  }
0x40: {  	_ =	shalt  }
0x41: {  	_ =	shalt  }
0x42: {  	_ =	shalt  }
0x43: {  	_ =	shalt  }
0x44: {  	_ =	shalt  }
0x45: {  	_ =	shalt  }
0x46: {  	_ =	shalt  }
0x47: {  	_ =	shalt  }
0x48: {  	_ =	shalt  }
0x49: {  	_ =	shalt  }
0x4a: {  	_ =	shalt  }
0x4b: {  	_ =	shalt  }
0x4c: {  	_ =	shalt  }
0x4d: {  	_ =	shalt  }
0x4e: {  	_ =	shalt  }
0x4f: {  	_ =	shalt  }
0x50: {  	_ =	shalt  }
0x51: {  	_ =	shalt  }
0x52: {  	_ =	shalt  }
0x53: {  	_ =	shalt  }
0x54: {  	_ =	shalt  }
0x55: {  	_ =	shalt  }
0x56: {  	_ =	shalt  }
0x57: {  	_ =	shalt  }
0x58: {  	_ =	shalt  }
0x59: {  	_ =	shalt  }
0x5a: {  	_ =	shalt  }
0x5b: {  	_ =	shalt  }
0x5c: {  	_ =	shalt  }
0x5d: {  	_ =	shalt  }
0x5e: {  	_ =	shalt  }
0x5f: {  	_ =	shalt  }
0x60: {  	_ =	shalt  }
0x61: {  	_ =	shalt  }
0x62: {  	_ =	shalt  }
0x63: {  	_ =	shalt  }
0x64: {  	_ =	shalt  }
0x65: {  	_ =	shalt  }
0x66: {  	_ =	shalt  }
0x67: {  	_ =	shalt  }
0x68: {  	_ =	shalt  }
0x69: {  	_ =	shalt  }
0x6a: {  	_ =	shalt  }
0x6b: {  	_ =	shalt  }
0x6c: {  	_ =	shalt  }
0x6d: {  	_ =	shalt  }
0x6e: {  	_ =	shalt  }
0x6f: {  	_ =	shalt  }
0x70: {  	_ =	shalt  }
0x71: {  	_ =	shalt  }
0x72: {  	_ =	shalt  }
0x73: {  	_ =	shalt  }
0x74: {  	_ =	shalt  }
0x75: {  	_ =	shalt  }
0x76: {  	_ =	shalt  }
0x77: {  	_ =	shalt  }
0x78: {  	_ =	shalt  }
0x79: {  	_ =	shalt  }
0x7a: {  	_ =	shalt  }
0x7b: {  	_ =	shalt  }
0x7c: {  	_ =	shalt  }
0x7d: {  	_ =	shalt  }
0x7e: {  	_ =	shalt  }
0x7f: {  	_ =	shalt  }
0x80: {  	_ =	shalt  }
0x81: {  	_ =	shalt  }
0x82: {  	_ =	shalt  }
0x83: {  	_ =	shalt  }
0x84: {  	_ =	shalt  }
0x85: {  	_ =	shalt  }
0x86: {  	_ =	shalt  }
0x87: {  	_ =	shalt  }
.Lfunc_end0:
.L_simem_size_0:
called_computation.2_lowered:
.L_overlay_start_0:
0x88: {  	s2 =	sld [smem:$0x3FD9]  }
0x89: {  	s3 =	sld [smem:$0x3FFE];
	_ =	sdelay $0x1  }
0x8a: {  	s1 =	srdreg.scid  }
0x8b: {  	s0 =	sand.u32 $0x1, s1  }
0x8c: {  	s16 =	sshll.u32 s0, $0xA;
	s2 =	sadd.s32 s3, s2  }
0x8d: {  	s2 =	sadd.s32 s2, s16  }
0x8e: {  	[smem:$0x3FB2] =	sst s2  }
0x8f: {  	_ = 	snop  }
0x90: {  	(tm) =	ssettm $0x1  }
0x91: {  	s17 =	sld [smem:$0x3FFB];
	_ =	sdelay $0x3  }
0x92: {  	_ =	strace s17  }
0x93: {  	s2 =	sld [smem:$0x3FFC];
	_ =	sdelay $0x3  }
0x94: {  	_ =	strace s2  }
0x95: {  	s2 =	sld [smem:$0x3FFD];
	_ =	sdelay $0x3  }
0x96: {  	_ =	strace s2  }
0x97: {  	_ =	strace $0x8FFFFFFF  }
0x98: {  	s18 =	sld [smem:$0x3FDB];
	_ =	sdelay $0x1  }
0x99: {  	s19 =	simm.s32 $_scs_section_size  }
0x9a: {  	s4 =	simm.s32 $_size__tile_overlayer_lowered;
	s5 =	simm.s32 $_tile_overlayer_lowered  }
0x9b: {  	s22 =	simm.s32 $0x1BFF;
	s21 =	sshll.u32 s5, $0x1;
	s2 =	sadd.s32 s19, s18  }
0x9c: {  	s6 =	simm.s32 $0x0;
	s20 =	sshll.u32 s4, $0x1;
	s4 =	sadd.s32 s21, s2  }
0x9d: {  	[timem:s6], [sflag:s22] =	dma.local [hbm:s4], s20  }
0x9e: {  	_ =	swait.ge [sflag:s22], s20  }
0x9f: {  	s3 =	ssub.s32 $0x0, s20;
	[sflag:s22] =	ssyncset.done $0x0  }
0xa0: {  	[sflag:s22] =	ssyncadd.s32 s3;
	_ =	sdelay $0x1  }
0xa1: {  	s23 =	simm.s32 $0x1B8B  }
0xa2: {  	_ =	swait.ge [sflag:s23], $0x1  }
0xa3: {  	[sflag:s23] =	ssyncset.done $0x0  }
0xa4: {  	s25 =	simm.s32 $0x1B8E;
	s24 =	sld [smem:$0x3FFE];
	[sflag:s23] =	ssyncadd.s32 $0xFFFFFFFF  }
0xa5: {  	s26 =	simm.s32 $execute0_lowered;
	[smem:$0x3FD2] =	sst s25  }
0xa6: {  	s4 =	sshll.u32 s26, $0x1;
	_ =	strace $0x8000004C;
	[dreg:$0x1] =	wrdreg $0xFFFFFFFF  }
0xa7: {  	s28 =	simm.s32 $_size_execute0_lowered;
	s2 =	sadd.s32 s2, s4;
	[dreg:$0x0] =	wrdreg $0x0  }
0xa8: {  	s4 =	sshll.u32 s28, $0x1;
	[dreg:$0x2] =	wrdreg s2  }
0xa9: {  	[dreg:$0x3] =	wrdreg s4  }
0xaa: {  	[dreg:$0x4] =	wrdreg $0xC0  }
0xab: {  	_ =	task [dreg:s6], $0x5FFFF  }
0xac: {  	[dreg:$0x1] =	wrdreg $0xFFFFFFFF  }
0xad: {  	[dreg:$0x0] =	wrdreg $0x60  }
0xae: {  	[dreg:$0x2] =	wrdreg s24  }
0xaf: {  	[dreg:$0x3] =	wrdreg $0xB4000  }
0xb0: {  	[dreg:$0x4] =	wrdreg $0x9  }
0xb1: {  	_ =	task.clear_ibuf [dreg:s6], $0x5FFFF;
	_ =	strace $0x9000004C  }
0xb2: {  	s29 =	simm.s32 $0x9;
	_ =	strace $0x8000004E  }
0xb3: {  	_ =	swait.ge [sflag:s29], $0x1  }
0xb4: {  	[sflag:s29] =	ssyncadd.s32 $0xFFFFFFFF  }
0xb5: {  	_ =	strace $0x9000004E  }
0xb6: {  	_ =	sfence  }
0xb7: {  	s30 =	sld [smem:$0x0];
	_ =	sdelay $0x2  }
0xb8: {  	s31 =	sshll.u32 s1, $0xD;
	s1 =	sshrl.u32 s1, $0x2  }
0xb9: {  	s3 =	sand.u32 $0x4000, s31;
	s1 =	sadd.s32 s1, s30  }
0xba: {  	s0 =	sor.u32 s3, s0;
	s1 =	sshll.u32 s1, $0x11  }
0xbb: {  	s0 =	sor.u32 s1, s0  }
0xbc: {  	s0 =	sadd.s32 $0x8F2B, s0  }
0xbd: {  	[sflag:s0] =	ssyncadd.remote.s32 $0x1  }
0xbe: {  	_ =	sfence.sel $0xFFFF  }
0xbf: {  	[dreg:$0x0] =	wrdreg $0xFFFFFFFF;
	(pc) =	sbr.abs _section_cstart, $3  }
0xc0: {  	[dreg:$0x1] =	wrdreg $0xFFFFFFFF  }
0xc1: {  	_ =	task.clear_ibuf [dreg:s6], $0x2FFFF;
	_ =	strace $0x9FFFFFFF  }
0xc2: {  	(tm) =	ssettm $0x7FFFFFFF  }
0xc3: {  	_ =	shalt  }
tec
execute0_lowered:
.L_overlay_start_1:
0x0: {  	(tag) =	ssettag $0x1  }
0x1: {  	s5 =	rddreg [dreg:$0x0]  }
0x2: {  	s2 =	rddreg [dreg:$0x1]  }
0x3: {  	s0 =	rddreg [dreg:$0x2];
	s4 =	srdreg.scid  }
0x4: {  	s1 =	stileid.u32;
	s3 =	simm.s32 $0x0;
	s14 =	simm.s32 $0x5000  }
0x5: {  	s15 =	simm.s32 $0x5400;
	s16 =	simm.s32 $0x5080;
	s17 =	simm.s32 $0x7400  }
0x6: {  	s18 =	simm.s32 $0x5100;
	s19 =	simm.s32 $0x9400;
	s20 =	simm.s32 $0x4  }
0x7: {  	s21 =	simm.s32 $0x1;
	s22 =	simm.s32 $0x5200;
	s23 =	simm.s32 $0x2  }
0x8: {  	s24 =	simm.s32 $0x5280;
	s25 =	simm.s32 $0x3;
	s26 =	simm.s32 $0x5300  }
0x9: {  	s28 =	simm.s32 $0x0;
	s6 =	sand.u32 $0x1, s4;
	s7 =	smul.u32 $0x13C00, s1  }
0xa: {  	[smem:$0x7FF] =	sst s3;
	s10 =	smul.u32 $0x4F000, s1;
	s4 =	sshll.u32 s6, $0x4  }
0xb: {  	s8 =	smul.u32 $0x13C000, s6;
	_ =	strace $0x8000004D;
	s6 =	ssub.s32 $0x2, s6  }
0xc: {  	s9 =	sor.u32 s1, s4;
	s4 =	sadd.s32 $0x18C00, s5;
	s29 =	sshrl.u32 s6, $0x1  }
0xd: {  	s30 =	sshrl.u32 s10, $0x2;
	s31 =	sshrl.u32 s7, $0x3;
	s9 =	smul.u32 $0xA00, s9  }
0xe: {  	s8 =	sadd.s32 s7, s8;
	s12 =	ssub.s32 s6, s29;
	s6 =	sshll.u32 s1, $0x6  }
0xf: {  	s13 =	sadd.s32 s30, s2;
	s8 =	sshrl.u32 s8, $0x3;
	s7 =	sor.u32 $0x1C04, s6  }
0x10: {  	s10 =	smax.u32 s12, $0x1;
	s12 =	simm.s32 $0x5;
	s9 =	sadd.s32 s9, s5  }
0x11: {  	s11 =	sadd.s32 s8, s5;
	s5 =	sadd.s32 s4, s31;
	s8 =	sadd.s32 $0x4C00, s9  }
0x12: {  	s9 =	sadd.s32 $0x40400, s11;
	s11 =	sshrl.u32 s13, $0x3;
	s13 =	simm.s32 $0x40  }
.LBB2_1:
0x13: {  	[spmem:s11], [sflag:s7] =	dma.local [hbm:s5], $0x2780  }
0x14: {  	[tilespmem:s3], [sflag:$0x5] =	stream.linear.gather [hbm4b:s8+s3], $0x4F80, $0x38;
	[tilespmem:$0x1F000] =	vst v63  }
0x15: {  	_ =	swait.ge [sflag:s12], $0x4F80  }
0x16: {  	[sflag:s12] =	ssyncset.done $0x0  }
0x17: {  	[sflag:s12] =	ssyncadd.s32 $0xFFFFB080  }
0x18: {  	v0 =	vld [tilespmem:$0x0];
	_ =	sdelay $0x1  }
0x19: {  	v1 =	vld [tilespmem:$0x10];
	_ =	sdelay $0x1  }
0x1a: {  	v2 =	vld [tilespmem:$0x20]  }
0x1b: {  	v3 =	vand.u32 $0x3FFF, v0  }
0x1c: {  	v0 =	vshrl.u32 v0, $0xE;
	[tilespmem:$0x5000] =	vst v3;
	v3 =	vld [tilespmem:$0x30]  }
0x1d: {  	[tilespmem:$0x5200] =	vst v0;
	v0 =	vand.u32 $0x3FFF, v1  }
0x1e: {  	[tilespmem:$0x5010] =	vst v0;
	v0 =	vshrl.u32 v1, $0xE  }
0x1f: {  	[tilespmem:$0x5210] =	vst v0;
	v0 =	vand.u32 $0x3FFF, v2  }
0x20: {  	[tilespmem:$0x5020] =	vst v0;
	v0 =	vshrl.u32 v2, $0xE  }
0x21: {  	[tilespmem:$0x5220] =	vst v0;
	v0 =	vand.u32 $0x3FFF, v3  }
0x22: {  	[tilespmem:$0x5030] =	vst v0;
	v0 =	vshrl.u32 v3, $0xE  }
0x23: {  	[tilespmem:$0x5230] =	vst v0  }
0x24: {  	[tilespmem:s15], [sflag:$0x1] =	stream.indirect.gather [hbm4b:s4+s13], $0x80, s14, s13, $0xb8;
	[tilespmem:$0x1F000] =	vst v63  }
0x25: {  	v0 =	vld [tilespmem:$0x80];
	_ =	sdelay $0x1  }
0x26: {  	v1 =	vld [tilespmem:$0x90];
	_ =	sdelay $0x1  }
0x27: {  	v2 =	vld [tilespmem:$0xA0]  }
0x28: {  	v3 =	vand.u32 $0x3FFF, v0  }
0x29: {  	v0 =	vshrl.u32 v0, $0xE;
	[tilespmem:$0x5080] =	vst v3;
	v3 =	vld [tilespmem:$0xB0]  }
0x2a: {  	[tilespmem:$0x5280] =	vst v0;
	v0 =	vand.u32 $0x3FFF, v1  }
0x2b: {  	[tilespmem:$0x5090] =	vst v0;
	v0 =	vshrl.u32 v1, $0xE  }
0x2c: {  	[tilespmem:$0x5290] =	vst v0;
	v0 =	vand.u32 $0x3FFF, v2  }
0x2d: {  	[tilespmem:$0x50A0] =	vst v0;
	v0 =	vshrl.u32 v2, $0xE  }
0x2e: {  	[tilespmem:$0x52A0] =	vst v0;
	v0 =	vand.u32 $0x3FFF, v3  }
0x2f: {  	[tilespmem:$0x50B0] =	vst v0;
	v0 =	vshrl.u32 v3, $0xE  }
0x30: {  	[tilespmem:$0x52B0] =	vst v0  }
0x31: {  	[tilespmem:s17], [sflag:$0x2] =	stream.indirect.gather [hbm4b:s4+s13], $0x80, s16, s13, $0xb8;
	[tilespmem:$0x1F000] =	vst v63  }
0x32: {  	v0 =	vld [tilespmem:$0x100];
	_ =	sdelay $0x1  }
0x33: {  	v1 =	vld [tilespmem:$0x110];
	_ =	sdelay $0x1  }
0x34: {  	v2 =	vld [tilespmem:$0x120]  }
0x35: {  	v3 =	vand.u32 $0x3FFF, v0  }
0x36: {  	v0 =	vshrl.u32 v0, $0xE;
	[tilespmem:$0x5100] =	vst v3;
	v3 =	vld [tilespmem:$0x130]  }
0x37: {  	[tilespmem:$0x5300] =	vst v0;
	v0 =	vand.u32 $0x3FFF, v1  }
0x38: {  	[tilespmem:$0x5110] =	vst v0;
	v0 =	vshrl.u32 v1, $0xE  }
0x39: {  	[tilespmem:$0x5310] =	vst v0;
	v0 =	vand.u32 $0x3FFF, v2  }
0x3a: {  	[tilespmem:$0x5120] =	vst v0;
	v0 =	vshrl.u32 v2, $0xE  }
0x3b: {  	[tilespmem:$0x5320] =	vst v0;
	v0 =	vand.u32 $0x3FFF, v3  }
0x3c: {  	[tilespmem:$0x5130] =	vst v0;
	v0 =	vshrl.u32 v3, $0xE  }
0x3d: {  	[tilespmem:$0x5330] =	vst v0  }
0x3e: {  	[tilespmem:s19], [sflag:$0x3] =	stream.indirect.gather [hbm4b:s4+s13], $0x80, s18, s13, $0xb8;
	[tilespmem:$0x1F000] =	vst v63  }
0x3f: {  	_ =	swait.ge [sflag:s20], $0x2780  }
0x40: {  	[sflag:s20] =	ssyncset.done $0x0  }
0x41: {  	[sflag:s20] =	ssyncadd.s32 $0xFFFFD880  }
0x42: {  	[bflag:$0x0] =	sbarrier.arrive $0xFFFF  }
0x43: {  	_ =	swait.ge [sflag:s21], $0x2000  }
0x44: {  	[sflag:s21] =	ssyncset.done $0x0  }
0x45: {  	[sflag:s21] =	ssyncadd.s32 $0xFFFFE000  }
0x46: {  	[spmem:s2] =	stream.indirect.scatter.add.f32 [tilespmem:s15], [sflag:$0x5], $0x80, s22, s13, $0xb8;
	[tilespmem:$0x1F000] =	vst v63  }
0x47: {  	_ =	swait.ge [sflag:s12], $0x2000  }
0x48: {  	[sflag:s12] =	ssyncset.done $0x0  }
0x49: {  	s29 =	simm.s32 $0x2B0;
	[sflag:s12] =	ssyncadd.s32 $0xFFFFE000  }
0x4a: {  	v0 =	vld [tilespmem:s29+$0xFFFFFED0];
	_ =	sdelay $0x4  }
0x4b: {  	v1 =	vand.u32 $0x3FFF, v0  }
0x4c: {  	v0 =	vshrl.u32 v0, $0xE;
	[tilespmem:$0x5000] =	vst v1  }
0x4d: {  	[tilespmem:$0x5200] =	vst v0  }
0x4e: {  	v0 =	vld [tilespmem:s29+$0xFFFFFEE0];
	_ =	sdelay $0x4  }
0x4f: {  	v1 =	vand.u32 $0x3FFF, v0  }
0x50: {  	v0 =	vshrl.u32 v0, $0xE;
	[tilespmem:$0x5010] =	vst v1  }
0x51: {  	[tilespmem:$0x5210] =	vst v0  }
0x52: {  	v0 =	vld [tilespmem:s29+$0xFFFFFEF0];
	_ =	sdelay $0x4  }
0x53: {  	v1 =	vand.u32 $0x3FFF, v0  }
0x54: {  	v0 =	vshrl.u32 v0, $0xE;
	[tilespmem:$0x5020] =	vst v1  }
0x55: {  	[tilespmem:$0x5220] =	vst v0  }
0x56: {  	v0 =	vld [tilespmem:s29+$0xFFFFFF00];
	_ =	sdelay $0x4  }
0x57: {  	v1 =	vand.u32 $0x3FFF, v0  }
0x58: {  	v0 =	vshrl.u32 v0, $0xE;
	[tilespmem:$0x5030] =	vst v1  }
0x59: {  	[tilespmem:$0x5230] =	vst v0  }
0x5a: {  	[tilespmem:s15], [sflag:$0x1] =	stream.indirect.gather [hbm4b:s4+s13], $0x80, s14, s13, $0xb8;
	[tilespmem:$0x1F000] =	vst v63  }
0x5b: {  	_ =	swait.ge [sflag:s23], $0x2000  }
0x5c: {  	[sflag:s23] =	ssyncset.done $0x0  }
0x5d: {  	[sflag:s23] =	ssyncadd.s32 $0xFFFFE000  }
0x5e: {  	[spmem:s2] =	stream.indirect.scatter.add.f32 [tilespmem:s17], [sflag:$0x5], $0x80, s24, s13, $0xb8;
	[tilespmem:$0x1F000] =	vst v63  }
0x5f: {  	_ =	swait.ge [sflag:s12], $0x2000  }
0x60: {  	[sflag:s12] =	ssyncset.done $0x0  }
0x61: {  	[sflag:s12] =	ssyncadd.s32 $0xFFFFE000  }
0x62: {  	v0 =	vld [tilespmem:s29+$0xFFFFFF50];
	_ =	sdelay $0x4  }
0x63: {  	v1 =	vand.u32 $0x3FFF, v0  }
0x64: {  	v0 =	vshrl.u32 v0, $0xE;
	[tilespmem:$0x5080] =	vst v1  }
0x65: {  	[tilespmem:$0x5280] =	vst v0  }
0x66: {  	v0 =	vld [tilespmem:s29+$0xFFFFFF60];
	_ =	sdelay $0x4  }
0x67: {  	v1 =	vand.u32 $0x3FFF, v0  }
0x68: {  	v0 =	vshrl.u32 v0, $0xE;
	[tilespmem:$0x5090] =	vst v1  }
0x69: {  	[tilespmem:$0x5290] =	vst v0  }
0x6a: {  	v0 =	vld [tilespmem:s29+$0xFFFFFF70];
	_ =	sdelay $0x4  }
0x6b: {  	v1 =	vand.u32 $0x3FFF, v0  }
0x6c: {  	v0 =	vshrl.u32 v0, $0xE;
	[tilespmem:$0x50A0] =	vst v1  }
0x6d: {  	[tilespmem:$0x52A0] =	vst v0  }
0x6e: {  	v0 =	vld [tilespmem:s29+$0xFFFFFF80];
	_ =	sdelay $0x4  }
0x6f: {  	v1 =	vand.u32 $0x3FFF, v0  }
0x70: {  	v0 =	vshrl.u32 v0, $0xE;
	[tilespmem:$0x50B0] =	vst v1  }
0x71: {  	[tilespmem:$0x52B0] =	vst v0  }
0x72: {  	[tilespmem:s17], [sflag:$0x2] =	stream.indirect.gather [hbm4b:s4+s13], $0x80, s16, s13, $0xb8;
	[tilespmem:$0x1F000] =	vst v63  }
0x73: {  	_ =	swait.ge [sflag:s25], $0x2000  }
0x74: {  	[sflag:s25] =	ssyncset.done $0x0  }
0x75: {  	[sflag:s25] =	ssyncadd.s32 $0xFFFFE000  }
0x76: {  	[spmem:s2] =	stream.indirect.scatter.add.f32 [tilespmem:s19], [sflag:$0x5], $0x80, s26, s13, $0xb8;
	[tilespmem:$0x1F000] =	vst v63  }
0x77: {  	_ =	swait.ge [sflag:s12], $0x2000  }
0x78: {  	[sflag:s12] =	ssyncset.done $0x0  }
0x79: {  	[sflag:s12] =	ssyncadd.s32 $0xFFFFE000  }
0x7a: {  	v0 =	vld [tilespmem:s29+$0xFFFFFFD0];
	_ =	sdelay $0x4  }
0x7b: {  	v1 =	vand.u32 $0x3FFF, v0  }
0x7c: {  	v0 =	vshrl.u32 v0, $0xE;
	[tilespmem:$0x5100] =	vst v1  }
0x7d: {  	[tilespmem:$0x5300] =	vst v0  }
0x7e: {  	v0 =	vld [tilespmem:s29+$0xFFFFFFE0];
	_ =	sdelay $0x4  }
0x7f: {  	v1 =	vand.u32 $0x3FFF, v0  }
0x80: {  	v0 =	vshrl.u32 v0, $0xE;
	[tilespmem:$0x5110] =	vst v1  }
0x81: {  	[tilespmem:$0x5310] =	vst v0  }
0x82: {  	s30 =	simm.s32 $0x10C0;
	v0 =	vld [tilespmem:s29+$0xFFFFFFF0]  }
.LBB2_2:
0x83: {  	_ =	sdelay $0x2  }
0x84: {  	p0 =	sne.s32 s30, $0x13CC0;
	s31 =	smov.u32 s30;
	s30 =	sadd.s32 $0x600, s30  }
0x85: {  	v1 =	vand.u32 $0x3FFF, v0;
	v0 =	vshrl.u32 v0, $0xE  }
0x86: {  	[tilespmem:$0x5120] =	vst v1  }
0x87: {  	[tilespmem:$0x5320] =	vst v0  }
0x88: {  	v0 =	vld [tilespmem:s29+$0x0];
	_ =	sdelay $0x4  }
0x89: {  	v1 =	vand.u32 $0x3FFF, v0;
	v0 =	vshrl.u32 v0, $0xE  }
0x8a: {  	[tilespmem:$0x5130] =	vst v1  }
0x8b: {  	[tilespmem:$0x5330] =	vst v0  }
0x8c: {  	[tilespmem:s19], [sflag:$0x3] =	stream.indirect.gather [hbm4b:s4+s13], $0x80, s18, s13, $0xb8;
	[tilespmem:$0x1F000] =	vst v63  }
0x8d: {  	_ =	swait.ge [sflag:s21], $0x2000  }
0x8e: {  	[sflag:s21] =	ssyncset.done $0x0  }
0x8f: {  	[sflag:s21] =	ssyncadd.s32 $0xFFFFE000  }
0x90: {  	[spmem:s2] =	stream.indirect.scatter.add.f32 [tilespmem:s15], [sflag:$0x5], $0x80, s22, s13, $0xb8;
	[tilespmem:$0x1F000] =	vst v63  }
0x91: {  	_ =	swait.ge [sflag:s12], $0x2000  }
0x92: {  	[sflag:s12] =	ssyncset.done $0x0  }
0x93: {  	s29 =	sshra.s32 s31, $0x2;
	[sflag:s12] =	ssyncadd.s32 $0xFFFFE000  }
0x94: {  	v0 =	vld [tilespmem:s29+$0xFFFFFED0];
	_ =	sdelay $0x4  }
0x95: {  	v1 =	vand.u32 $0x3FFF, v0;
	v0 =	vshrl.u32 v0, $0xE  }
0x96: {  	[tilespmem:$0x5000] =	vst v1  }
0x97: {  	[tilespmem:$0x5200] =	vst v0  }
0x98: {  	v0 =	vld [tilespmem:s29+$0xFFFFFEE0];
	_ =	sdelay $0x4  }
0x99: {  	v1 =	vand.u32 $0x3FFF, v0;
	v0 =	vshrl.u32 v0, $0xE  }
0x9a: {  	[tilespmem:$0x5010] =	vst v1  }
0x9b: {  	[tilespmem:$0x5210] =	vst v0  }
0x9c: {  	v0 =	vld [tilespmem:s29+$0xFFFFFEF0];
	_ =	sdelay $0x4  }
0x9d: {  	v1 =	vand.u32 $0x3FFF, v0;
	v0 =	vshrl.u32 v0, $0xE  }
0x9e: {  	[tilespmem:$0x5020] =	vst v1  }
0x9f: {  	[tilespmem:$0x5220] =	vst v0  }
0xa0: {  	v0 =	vld [tilespmem:s29+$0xFFFFFF00];
	_ =	sdelay $0x4  }
0xa1: {  	v1 =	vand.u32 $0x3FFF, v0;
	v0 =	vshrl.u32 v0, $0xE  }
0xa2: {  	[tilespmem:$0x5030] =	vst v1  }
0xa3: {  	[tilespmem:$0x5230] =	vst v0  }
0xa4: {  	[tilespmem:s15], [sflag:$0x1] =	stream.indirect.gather [hbm4b:s4+s13], $0x80, s14, s13, $0xb8;
	[tilespmem:$0x1F000] =	vst v63  }
0xa5: {  	_ =	swait.ge [sflag:s23], $0x2000  }
0xa6: {  	[sflag:s23] =	ssyncset.done $0x0  }
0xa7: {  	[sflag:s23] =	ssyncadd.s32 $0xFFFFE000  }
0xa8: {  	[spmem:s2] =	stream.indirect.scatter.add.f32 [tilespmem:s17], [sflag:$0x5], $0x80, s24, s13, $0xb8;
	[tilespmem:$0x1F000] =	vst v63  }
0xa9: {  	_ =	swait.ge [sflag:s12], $0x2000  }
0xaa: {  	[sflag:s12] =	ssyncset.done $0x0  }
0xab: {  	[sflag:s12] =	ssyncadd.s32 $0xFFFFE000  }
0xac: {  	v0 =	vld [tilespmem:s29+$0xFFFFFF50];
	_ =	sdelay $0x4  }
0xad: {  	v1 =	vand.u32 $0x3FFF, v0;
	v0 =	vshrl.u32 v0, $0xE  }
0xae: {  	[tilespmem:$0x5080] =	vst v1  }
0xaf: {  	[tilespmem:$0x5280] =	vst v0  }
0xb0: {  	v0 =	vld [tilespmem:s29+$0xFFFFFF60];
	_ =	sdelay $0x4  }
0xb1: {  	v1 =	vand.u32 $0x3FFF, v0;
	v0 =	vshrl.u32 v0, $0xE  }
0xb2: {  	[tilespmem:$0x5090] =	vst v1  }
0xb3: {  	[tilespmem:$0x5290] =	vst v0  }
0xb4: {  	v0 =	vld [tilespmem:s29+$0xFFFFFF70];
	_ =	sdelay $0x4  }
0xb5: {  	v1 =	vand.u32 $0x3FFF, v0;
	v0 =	vshrl.u32 v0, $0xE  }
0xb6: {  	[tilespmem:$0x50A0] =	vst v1  }
0xb7: {  	[tilespmem:$0x52A0] =	vst v0  }
0xb8: {  	v0 =	vld [tilespmem:s29+$0xFFFFFF80];
	_ =	sdelay $0x4  }
0xb9: {  	v1 =	vand.u32 $0x3FFF, v0;
	v0 =	vshrl.u32 v0, $0xE  }
0xba: {  	[tilespmem:$0x50B0] =	vst v1  }
0xbb: {  	[tilespmem:$0x52B0] =	vst v0  }
0xbc: {  	[tilespmem:s17], [sflag:$0x2] =	stream.indirect.gather [hbm4b:s4+s13], $0x80, s16, s13, $0xb8;
	[tilespmem:$0x1F000] =	vst v63  }
0xbd: {  	_ =	swait.ge [sflag:s25], $0x2000  }
0xbe: {  	[sflag:s25] =	ssyncset.done $0x0  }
0xbf: {  	[sflag:s25] =	ssyncadd.s32 $0xFFFFE000  }
0xc0: {  	[spmem:s2] =	stream.indirect.scatter.add.f32 [tilespmem:s19], [sflag:$0x5], $0x80, s26, s13, $0xb8;
	[tilespmem:$0x1F000] =	vst v63  }
0xc1: {  	_ =	swait.ge [sflag:s12], $0x2000  }
0xc2: {  	[sflag:s12] =	ssyncset.done $0x0  }
0xc3: {  	[sflag:s12] =	ssyncadd.s32 $0xFFFFE000  }
0xc4: {  	v0 =	vld [tilespmem:s29+$0xFFFFFFD0];
	_ =	sdelay $0x4  }
0xc5: {  	v1 =	vand.u32 $0x3FFF, v0;
	v0 =	vshrl.u32 v0, $0xE  }
0xc6: {  	[tilespmem:$0x5100] =	vst v1  }
0xc7: {  	[tilespmem:$0x5300] =	vst v0  }
0xc8: {  	v0 =	vld [tilespmem:s29+$0xFFFFFFE0];
	_ =	sdelay $0x3  }
.Ltmp0:
0xc9: {  	(pc) =	sbr.rel @p0 .LBB2_2-.Ltmp0, $4  }
0xca: {  	v1 =	vand.u32 $0x3FFF, v0;
	v0 =	vshrl.u32 v0, $0xE  }
0xcb: {  	[tilespmem:$0x5110] =	vst v1  }
0xcc: {  	[tilespmem:$0x5310] =	vst v0  }
0xcd: {  	v0 =	vld [tilespmem:s29+$0xFFFFFFF0]  }
0xce: {  	_ =	sdelay $0x3  }
0xcf: {  	v1 =	vand.u32 $0x3FFF, v0  }
0xd0: {  	v62 =	vshrl.u32 v0, $0xE;
	[tilespmem:$0x5120] =	vst v1  }
0xd1: {  	[tilespmem:$0x5320] =	vst v62  }
0xd2: {  	v0 =	vld [tilespmem:s29+$0x0];
	_ =	sdelay $0x4  }
0xd3: {  	v63 =	vand.u32 $0x3FFF, v0  }
0xd4: {  	v0 =	vshrl.u32 v0, $0xE;
	[tilespmem:$0x5130] =	vst v63  }
0xd5: {  	[tilespmem:$0x5330] =	vst v0  }
0xd6: {  	[tilespmem:s19], [sflag:$0x3] =	stream.indirect.gather [hbm4b:s4+s13], $0x80, s18, s13, $0xb8;
	[tilespmem:$0x1F000] =	vst v63  }
0xd7: {  	_ =	swait.ge [sflag:s21], $0x2000  }
0xd8: {  	[sflag:s21] =	ssyncset.done $0x0  }
0xd9: {  	[sflag:s21] =	ssyncadd.s32 $0xFFFFE000  }
0xda: {  	[spmem:s2] =	stream.indirect.scatter.add.f32 [tilespmem:s15], [sflag:$0x5], $0x80, s22, s13, $0xb8;
	[tilespmem:$0x1F000] =	vst v63  }
0xdb: {  	_ =	swait.ge [sflag:s12], $0x2000  }
0xdc: {  	[sflag:s12] =	ssyncset.done $0x0  }
0xdd: {  	[sflag:s12] =	ssyncadd.s32 $0xFFFFE000  }
0xde: {  	_ =	swait.ge [sflag:s23], $0x2000  }
0xdf: {  	[sflag:s23] =	ssyncset.done $0x0  }
0xe0: {  	[sflag:s23] =	ssyncadd.s32 $0xFFFFE000  }
0xe1: {  	[spmem:s2] =	stream.indirect.scatter.add.f32 [tilespmem:s17], [sflag:$0x5], $0x80, s24, s13, $0xb8;
	[tilespmem:$0x1F000] =	vst v63  }
0xe2: {  	_ =	swait.ge [sflag:s12], $0x2000  }
0xe3: {  	[sflag:s12] =	ssyncset.done $0x0  }
0xe4: {  	[sflag:s12] =	ssyncadd.s32 $0xFFFFE000  }
0xe5: {  	_ =	swait.ge [sflag:s25], $0x2000  }
0xe6: {  	[sflag:s25] =	ssyncset.done $0x0  }
0xe7: {  	[sflag:s25] =	ssyncadd.s32 $0xFFFFE000  }
0xe8: {  	[spmem:s2] =	stream.indirect.scatter.add.f32 [tilespmem:s19], [sflag:$0x5], $0x80, s26, s13, $0xb8;
	[tilespmem:$0x1F000] =	vst v63  }
0xe9: {  	_ =	swait.ge [sflag:s12], $0x2000  }
0xea: {  	s28 =	sadd.s32 $0x1, s28;
	[sflag:s12] =	ssyncset.done $0x0  }
0xeb: {  	p0 =	sne.s32 s28, s10;
	[sflag:s12] =	ssyncadd.s32 $0xFFFFE000  }
.Ltmp1:
0xec: {  	s31 =	sor.u32 $0x1C05, s6;
	[bflag:$0x0] =	sbarrier.arrive $0xFFFF;
	(pc) =	sbr.rel @p0 .LBB2_1-.Ltmp1, $4  }
0xed: {  	[hbm:s9], [sflag:s31] =	dma.local [spmem:s11], $0x2780  }
0xee: {  	_ =	swait.ge [sflag:s12], $0x2780  }
0xef: {  	[sflag:s12] =	ssyncset.done $0x0  }
0xf0: {  	[sflag:s12] =	ssyncadd.s32 $0xFFFFD880  }
0xf1: {  	_ =	sfence.sel $0x180000  }
0xf2: {  	[bflag:$0x0] =	sbarrier.arrive $0xFFFF  }
0xf3: {  	p0 =	sne.s32 s1, $0x0;
	_ =	strace $0x9000004D  }
0xf4: {  	s0 =	sadd.s32 @!p0 $0x100000, s0;
	[bflag:$0x2] =	sbarrier.arrive $0xFFFF  }
0xf5: {  	[sflag:s0] =	ssyncadd.tile.s32 @!p0 $0x1;
	_ =	shalt  }
.Lfunc_end2:
_tile_overlayer_lowered:
.L_overlay_start_2:
0xf6: {  	(tag) =	ssettag $0x2  }
0xf7: {  	s0 =	rddreg [dreg:$0x0];
	s2 =	stileid.u32  }
0xf8: {  	s1 =	rddreg [dreg:$0x1];
	p0 =	sne.s32 s2, $0x0  }
0xf9: {  	s3 =	rddreg [dreg:$0x2];
	[bflag:$0x3] =	sbarrier.arrive $0xFFFF;
	s2 =	simm.s32 @!p0 $0x1C05  }
0xfa: {  	[timem:s3], [sflag:s2] =	dma.local @!p0 [hbm:s0], s1  }
0xfb: {  	s0 =	simm.s32 @!p0 $0x5  }
0xfc: {  	_ =	swait.ge @!p0 [sflag:s0], s1  }
0xfd: {  	s1 =	ssub.s32 @!p0 $0x0, s1;
	[sflag:s0] =	ssyncset.done @!p0 $0x0  }
0xfe: {  	[sflag:s0] =	ssyncadd.s32 @!p0 s1  }
0xff: {  	[bflag:$0x3] =	sbarrier.arrive $0xFFFF  }
0x100: {  	_ =	shalt  }

// kernel: kernel.8.cloned.1.call-start
scs
__scs_entry_jumppad:
0x0: {  	(pc) =	sbr.rel $0x88, $3  }
0x1: {  	(tag) =	ssettag $0x0;
	lr =	simm.s32 $0x1  }
0x2: {  	[smem:$0x3F8B] =	sst lr;
	_ =	strace $0xD0000000  }
0x3: {  	_ = 	snop  }
0x4: {  	_ = 	snop  }
0x5: {  	_ = 	snop  }
0x6: {  	_ = 	snop  }
0x7: {  	_ = 	snop  }
__scs_overlays_trampoline_lowered:
0x8: {  	[smem:$0x3F9A] =	sst s0  }
0x9: {  	[smem:$0x3F9B] =	sst s1  }
0xa: {  	[smem:$0x3F9C] =	sst s2  }
0xb: {  	[smem:$0x3F9D] =	sst s3  }
0xc: {  	[smem:$0x3F9E] =	sst s4  }
0xd: {  	[smem:$0x3F9F] =	sst s5  }
0xe: {  	[smem:$0x3FA0] =	sst s6  }
0xf: {  	[smem:$0x3FA1] =	sst s7  }
0x10: {  	[smem:$0x3FA2] =	sst s8  }
0x11: {  	[smem:$0x3FA3] =	sst s9;
	s0 =	simm.s32 @!p0 $0x0  }
0x12: {  	s1 =	sld [smem:$0x3F89];
	s0 =	simm.s32 @p0 $0x1  }
0x13: {  	[smem:$0x3FA4] =	sst s0;
	s0 =	simm.s32 @!p1 $0x0  }
0x14: {  	s2 =	sld [smem:$0x3F88];
	s0 =	simm.s32 @p1 $0x1  }
0x15: {  	[smem:$0x3FA5] =	sst s0;
	s0 =	simm.s32 @!p2 $0x0  }
0x16: {  	s3 =	sld [smem:$0x3FDB];
	s0 =	simm.s32 @p2 $0x1  }
0x17: {  	s4 =	simm.s32 $0x1BF5;
	[smem:$0x3FA7] =	sst s0  }
0x18: {  	s0 =	sld [smem:$0x3F8A];
	_ =	swait.ge [sflag:s4], $0x0  }
0x19: {  	s7 =	sld [smem:$0x3F8B]  }
0x1a: {  	s8 =	sadd.s32 $0xFFFFE003, lr  }
0x1b: {  	s9 =	sadd.s32 $0xFFFFFEF7, lr;
	s5 =	simm.s32 $0xFFFFFFFF;
	p2 =	slt.u32 s8, $0xFFFFF086  }
0x1c: {  	p1 =	slt.u32 s9, $0xF7A;
	s5 =	simm.s32 @!p2 $0x0  }
0x1d: {  	s5 =	simm.s32 @p1 $0x1;
	p0 =	seq.s32 s7, s2  }
0x1e: {  	s7 =	smul.u32 @!p0 $0xF7A, s2;
	p2 =	seq.s32 @!p0 s5, $0x0  }
0x1f: {  	s9 =	smul.u32 $0xF7A, s1;
	s8 =	simm.s32 @!p0 $0x1BF5;
	p2 =	por !p2, p0  }
0x20: {  	[sflag:s8] =	ssyncset.s32 @!p0 $0xFFFFF086;
	s6 =	sadd.s32 @!p0 s3, s7;
	s7 =	simm.s32 @!p0 $0x108  }
0x21: {  	s3 =	sadd.s32 s3, s9;
	s6 =	sadd.s32 @!p0 $0x88, s6;
	s7 =	simm.s32 @p2 $0x1082  }
0x22: {  	[simem:s7], [sflag:s8] =	dma.local @!p0 [hbm:s6], $0xF7A  }
0x23: {  	s9 =	sor.u32 $0xD0000000, s2;
	s6 =	simm.s32 $0x108;
	_ =	swait.ge @!p0 [sflag:s8], $0x0  }
0x24: {  	s3 =	sadd.s32 $0x88, s3;
	s6 =	simm.s32 @!p1 $0x1082;
	[sflag:s4] =	ssyncset.s32 $0xFFFFF086  }
0x25: {  	[simem:s6], [sflag:s4] =	dma.local [hbm:s3], $0xF7A  }
0x26: {  	[smem:$0x3F8B] =	sst s1;
	(tag) =	ssettag s2;
	_ =	strace s9  }
0x27: {  	s1 =	sld [smem:$0x3F9B]  }
0x28: {  	s2 =	sld [smem:$0x3F9C]  }
0x29: {  	s4 =	sld [smem:$0x3F9E]  }
0x2a: {  	p0 =	seq.s32 s5, $0x0;
	s5 =	sld [smem:$0x3F9F]  }
0x2b: {  	s6 =	sld [smem:$0x3FA0]  }
0x2c: {  	s7 =	sld [smem:$0x3FA1]  }
0x2d: {  	s3 =	simm.s32 $0x108;
	s8 =	sld [smem:$0x3FA2]  }
0x2e: {  	s3 =	simm.s32 @!p0 $0x1082;
	s9 =	sld [smem:$0x3FA3]  }
0x2f: {  	lr =	sadd.s32 s0, s3;
	s0 =	sld [smem:$0x3F9A]  }
0x30: {  	s3 =	sld [smem:$0x3F9D]  }
0x31: {  	[smem:$0x3FA6] =	sst s10  }
0x32: {  	s10 =	sld [smem:$0x3FA4];
	_ =	sdelay $0x3  }
0x33: {  	p0 =	seq.s32 s10, $0x1;
	s10 =	sld [smem:$0x3FA6];
	_ =	sdelay $0x3  }
0x34: {  	[smem:$0x3FA6] =	sst s10  }
0x35: {  	s10 =	sld [smem:$0x3FA5];
	_ =	sdelay $0x3  }
0x36: {  	p1 =	seq.s32 s10, $0x1;
	s10 =	sld [smem:$0x3FA6];
	_ =	sdelay $0x3  }
0x37: {  	[smem:$0x3FA6] =	sst s10  }
0x38: {  	s10 =	sld [smem:$0x3FA7]  }
0x39: {  	_ = 	snop;
	(pc) =	sbr.ind lr, $3  }
0x3a: {  	_ = 	snop  }
0x3b: {  	_ = 	snop  }
0x3c: {  	p2 =	seq.s32 s10, $0x1;
	s10 =	sld [smem:$0x3FA6]  }
0x3d: {  	_ =	shalt  }
0x3e: {  	_ =	shalt  }
0x3f: {  	_ =	shalt  }
0x40: {  	_ =	shalt  }
0x41: {  	_ =	shalt  }
0x42: {  	_ =	shalt  }
0x43: {  	_ =	shalt  }
0x44: {  	_ =	shalt  }
0x45: {  	_ =	shalt  }
0x46: {  	_ =	shalt  }
0x47: {  	_ =	shalt  }
0x48: {  	_ =	shalt  }
0x49: {  	_ =	shalt  }
0x4a: {  	_ =	shalt  }
0x4b: {  	_ =	shalt  }
0x4c: {  	_ =	shalt  }
0x4d: {  	_ =	shalt  }
0x4e: {  	_ =	shalt  }
0x4f: {  	_ =	shalt  }
0x50: {  	_ =	shalt  }
0x51: {  	_ =	shalt  }
0x52: {  	_ =	shalt  }
0x53: {  	_ =	shalt  }
0x54: {  	_ =	shalt  }
0x55: {  	_ =	shalt  }
0x56: {  	_ =	shalt  }
0x57: {  	_ =	shalt  }
0x58: {  	_ =	shalt  }
0x59: {  	_ =	shalt  }
0x5a: {  	_ =	shalt  }
0x5b: {  	_ =	shalt  }
0x5c: {  	_ =	shalt  }
0x5d: {  	_ =	shalt  }
0x5e: {  	_ =	shalt  }
0x5f: {  	_ =	shalt  }
0x60: {  	_ =	shalt  }
0x61: {  	_ =	shalt  }
0x62: {  	_ =	shalt  }
0x63: {  	_ =	shalt  }
0x64: {  	_ =	shalt  }
0x65: {  	_ =	shalt  }
0x66: {  	_ =	shalt  }
0x67: {  	_ =	shalt  }
0x68: {  	_ =	shalt  }
0x69: {  	_ =	shalt  }
0x6a: {  	_ =	shalt  }
0x6b: {  	_ =	shalt  }
0x6c: {  	_ =	shalt  }
0x6d: {  	_ =	shalt  }
0x6e: {  	_ =	shalt  }
0x6f: {  	_ =	shalt  }
0x70: {  	_ =	shalt  }
0x71: {  	_ =	shalt  }
0x72: {  	_ =	shalt  }
0x73: {  	_ =	shalt  }
0x74: {  	_ =	shalt  }
0x75: {  	_ =	shalt  }
0x76: {  	_ =	shalt  }
0x77: {  	_ =	shalt  }
0x78: {  	_ =	shalt  }
0x79: {  	_ =	shalt  }
0x7a: {  	_ =	shalt  }
0x7b: {  	_ =	shalt  }
0x7c: {  	_ =	shalt  }
0x7d: {  	_ =	shalt  }
0x7e: {  	_ =	shalt  }
0x7f: {  	_ =	shalt  }
0x80: {  	_ =	shalt  }
0x81: {  	_ =	shalt  }
0x82: {  	_ =	shalt  }
0x83: {  	_ =	shalt  }
0x84: {  	_ =	shalt  }
0x85: {  	_ =	shalt  }
0x86: {  	_ =	shalt  }
0x87: {  	_ =	shalt  }
.Lfunc_end0:
.L_simem_size_0:
called_computation_lowered:
.L_overlay_start_0:
0x88: {  	s2 =	sld [smem:$0x3FD9]  }
0x89: {  	s3 =	sld [smem:$0x3FFE];
	_ =	sdelay $0x1  }
0x8a: {  	s1 =	srdreg.scid  }
0x8b: {  	s0 =	sand.u32 $0x1, s1  }
0x8c: {  	s16 =	sshll.u32 s0, $0xA;
	s2 =	sadd.s32 s3, s2  }
0x8d: {  	s2 =	sadd.s32 s2, s16  }
0x8e: {  	[smem:$0x3FB2] =	sst s2  }
0x8f: {  	_ = 	snop  }
0x90: {  	(tm) =	ssettm $0x1  }
0x91: {  	s17 =	sld [smem:$0x3FFB];
	_ =	sdelay $0x3  }
0x92: {  	_ =	strace s17  }
0x93: {  	s2 =	sld [smem:$0x3FFC];
	_ =	sdelay $0x3  }
0x94: {  	_ =	strace s2  }
0x95: {  	s2 =	sld [smem:$0x3FFD];
	_ =	sdelay $0x3  }
0x96: {  	_ =	strace s2  }
0x97: {  	_ =	strace $0x8FFFFFFF  }
0x98: {  	s18 =	sld [smem:$0x3FDB];
	_ =	sdelay $0x1  }
0x99: {  	s19 =	simm.s32 $_scs_section_size  }
0x9a: {  	s4 =	simm.s32 $_size__tile_overlayer_lowered;
	s5 =	simm.s32 $_tile_overlayer_lowered  }
0x9b: {  	s22 =	simm.s32 $0x1BFF;
	s21 =	sshll.u32 s5, $0x1;
	s2 =	sadd.s32 s19, s18  }
0x9c: {  	s6 =	simm.s32 $0x0;
	s20 =	sshll.u32 s4, $0x1;
	s4 =	sadd.s32 s21, s2  }
0x9d: {  	[timem:s6], [sflag:s22] =	dma.local [hbm:s4], s20  }
0x9e: {  	_ =	swait.ge [sflag:s22], s20  }
0x9f: {  	s3 =	ssub.s32 $0x0, s20;
	[sflag:s22] =	ssyncset.done $0x0  }
0xa0: {  	[sflag:s22] =	ssyncadd.s32 s3;
	_ =	sdelay $0x1  }
0xa1: {  	s23 =	simm.s32 $0x1B8B  }
0xa2: {  	_ =	swait.ge [sflag:s23], $0x1  }
0xa3: {  	[sflag:s23] =	ssyncset.done $0x0  }
0xa4: {  	s25 =	simm.s32 $0x1B8E;
	s24 =	sld [smem:$0x3FFE];
	[sflag:s23] =	ssyncadd.s32 $0xFFFFFFFF  }
0xa5: {  	s26 =	simm.s32 $execute0_lowered;
	[smem:$0x3FD2] =	sst s25  }
0xa6: {  	s4 =	sshll.u32 s26, $0x1;
	_ =	strace $0x80000046;
	[dreg:$0x1] =	wrdreg $0xFFFFFFFF  }
0xa7: {  	s28 =	simm.s32 $_size_execute0_lowered;
	s2 =	sadd.s32 s2, s4;
	[dreg:$0x0] =	wrdreg $0x0  }
0xa8: {  	s4 =	sshll.u32 s28, $0x1;
	[dreg:$0x2] =	wrdreg s2  }
0xa9: {  	[dreg:$0x3] =	wrdreg s4  }
0xaa: {  	[dreg:$0x4] =	wrdreg $0xC0  }
0xab: {  	_ =	task [dreg:s6], $0x5FFFF  }
0xac: {  	[dreg:$0x1] =	wrdreg $0xFFFFFFFF  }
0xad: {  	[dreg:$0x0] =	wrdreg $0x60  }
0xae: {  	[dreg:$0x2] =	wrdreg s24  }
0xaf: {  	[dreg:$0x3] =	wrdreg $0xB4000  }
0xb0: {  	[dreg:$0x4] =	wrdreg $0x9  }
0xb1: {  	_ =	task.clear_ibuf [dreg:s6], $0x5FFFF;
	_ =	strace $0x90000046  }
0xb2: {  	s29 =	simm.s32 $0x9;
	_ =	strace $0x80000048  }
0xb3: {  	_ =	swait.ge [sflag:s29], $0x1  }
0xb4: {  	[sflag:s29] =	ssyncadd.s32 $0xFFFFFFFF  }
0xb5: {  	_ =	strace $0x90000048  }
0xb6: {  	_ =	sfence  }
0xb7: {  	s30 =	sld [smem:$0x0];
	_ =	sdelay $0x2  }
0xb8: {  	s31 =	sshll.u32 s1, $0xD;
	s1 =	sshrl.u32 s1, $0x2  }
0xb9: {  	s3 =	sand.u32 $0x4000, s31;
	s1 =	sadd.s32 s1, s30  }
0xba: {  	s0 =	sor.u32 s3, s0;
	s1 =	sshll.u32 s1, $0x11  }
0xbb: {  	s0 =	sor.u32 s1, s0  }
0xbc: {  	s0 =	sadd.s32 $0x8F2B, s0  }
0xbd: {  	[sflag:s0] =	ssyncadd.remote.s32 $0x1  }
0xbe: {  	_ =	sfence.sel $0xFFFF  }
0xbf: {  	[dreg:$0x0] =	wrdreg $0xFFFFFFFF;
	(pc) =	sbr.abs _section_cstart, $3  }
0xc0: {  	[dreg:$0x1] =	wrdreg $0xFFFFFFFF  }
0xc1: {  	_ =	task.clear_ibuf [dreg:s6], $0x2FFFF;
	_ =	strace $0x9FFFFFFF  }
0xc2: {  	(tm) =	ssettm $0x7FFFFFFF  }
0xc3: {  	_ =	shalt  }
tec
execute0_lowered:
.L_overlay_start_1:
0x0: {  	(tag) =	ssettag $0x1  }
0x1: {  	s5 =	rddreg [dreg:$0x0]  }
0x2: {  	s2 =	rddreg [dreg:$0x1]  }
0x3: {  	s0 =	rddreg [dreg:$0x2];
	s4 =	srdreg.scid  }
0x4: {  	s1 =	stileid.u32;
	s3 =	simm.s32 $0x0;
	s14 =	simm.s32 $0x5000  }
0x5: {  	s15 =	simm.s32 $0x5400;
	s16 =	simm.s32 $0x5080;
	s17 =	simm.s32 $0x7400  }
0x6: {  	s18 =	simm.s32 $0x5100;
	s19 =	simm.s32 $0x9400;
	s20 =	simm.s32 $0x4  }
0x7: {  	s21 =	simm.s32 $0x1;
	s22 =	simm.s32 $0x5200;
	s23 =	simm.s32 $0x2  }
0x8: {  	s24 =	simm.s32 $0x5280;
	s25 =	simm.s32 $0x3;
	s26 =	simm.s32 $0x5300  }
0x9: {  	s28 =	simm.s32 $0x0;
	s6 =	sand.u32 $0x1, s4;
	s7 =	smul.u32 $0x13C00, s1  }
0xa: {  	[smem:$0x7FF] =	sst s3;
	s10 =	smul.u32 $0x4F000, s1;
	s4 =	sshll.u32 s6, $0x4  }
0xb: {  	s8 =	smul.u32 $0x13C000, s6;
	_ =	strace $0x80000047;
	s6 =	ssub.s32 $0x2, s6  }
0xc: {  	s9 =	sor.u32 s1, s4;
	s4 =	sadd.s32 $0x18C00, s5;
	s29 =	sshrl.u32 s6, $0x1  }
0xd: {  	s30 =	sshrl.u32 s10, $0x2;
	s31 =	sshrl.u32 s7, $0x3;
	s9 =	smul.u32 $0xA00, s9  }
0xe: {  	s8 =	sadd.s32 s7, s8;
	s12 =	ssub.s32 s6, s29;
	s6 =	sshll.u32 s1, $0x6  }
0xf: {  	s13 =	sadd.s32 s30, s2;
	s8 =	sshrl.u32 s8, $0x3;
	s7 =	sor.u32 $0x1C04, s6  }
0x10: {  	s10 =	smax.u32 s12, $0x1;
	s12 =	simm.s32 $0x5;
	s9 =	sadd.s32 s9, s5  }
0x11: {  	s11 =	sadd.s32 s8, s5;
	s5 =	sadd.s32 s4, s31;
	s8 =	sadd.s32 $0x4C00, s9  }
0x12: {  	s9 =	sadd.s32 $0x40400, s11;
	s11 =	sshrl.u32 s13, $0x3;
	s13 =	simm.s32 $0x40  }
.LBB2_1:
0x13: {  	[spmem:s11], [sflag:s7] =	dma.local [hbm:s5], $0x2780  }
0x14: {  	[tilespmem:s3], [sflag:$0x5] =	stream.linear.gather [hbm4b:s8+s3], $0x4F80, $0x38;
	[tilespmem:$0x1F000] =	vst v63  }
0x15: {  	_ =	swait.ge [sflag:s12], $0x4F80  }
0x16: {  	[sflag:s12] =	ssyncset.done $0x0  }
0x17: {  	[sflag:s12] =	ssyncadd.s32 $0xFFFFB080  }
0x18: {  	v0 =	vld [tilespmem:$0x0];
	_ =	sdelay $0x1  }
0x19: {  	v1 =	vld [tilespmem:$0x10];
	_ =	sdelay $0x1  }
0x1a: {  	v2 =	vld [tilespmem:$0x20]  }
0x1b: {  	v3 =	vand.u32 $0x3FFF, v0  }
0x1c: {  	v0 =	vshrl.u32 v0, $0xE;
	[tilespmem:$0x5000] =	vst v3;
	v3 =	vld [tilespmem:$0x30]  }
0x1d: {  	[tilespmem:$0x5200] =	vst v0;
	v0 =	vand.u32 $0x3FFF, v1  }
0x1e: {  	[tilespmem:$0x5010] =	vst v0;
	v0 =	vshrl.u32 v1, $0xE  }
0x1f: {  	[tilespmem:$0x5210] =	vst v0;
	v0 =	vand.u32 $0x3FFF, v2  }
0x20: {  	[tilespmem:$0x5020] =	vst v0;
	v0 =	vshrl.u32 v2, $0xE  }
0x21: {  	[tilespmem:$0x5220] =	vst v0;
	v0 =	vand.u32 $0x3FFF, v3  }
0x22: {  	[tilespmem:$0x5030] =	vst v0;
	v0 =	vshrl.u32 v3, $0xE  }
0x23: {  	[tilespmem:$0x5230] =	vst v0  }
0x24: {  	[tilespmem:s15], [sflag:$0x1] =	stream.indirect.gather [hbm4b:s4+s13], $0x80, s14, s13, $0xb8;
	[tilespmem:$0x1F000] =	vst v63  }
0x25: {  	v0 =	vld [tilespmem:$0x80];
	_ =	sdelay $0x1  }
0x26: {  	v1 =	vld [tilespmem:$0x90];
	_ =	sdelay $0x1  }
0x27: {  	v2 =	vld [tilespmem:$0xA0]  }
0x28: {  	v3 =	vand.u32 $0x3FFF, v0  }
0x29: {  	v0 =	vshrl.u32 v0, $0xE;
	[tilespmem:$0x5080] =	vst v3;
	v3 =	vld [tilespmem:$0xB0]  }
0x2a: {  	[tilespmem:$0x5280] =	vst v0;
	v0 =	vand.u32 $0x3FFF, v1  }
0x2b: {  	[tilespmem:$0x5090] =	vst v0;
	v0 =	vshrl.u32 v1, $0xE  }
0x2c: {  	[tilespmem:$0x5290] =	vst v0;
	v0 =	vand.u32 $0x3FFF, v2  }
0x2d: {  	[tilespmem:$0x50A0] =	vst v0;
	v0 =	vshrl.u32 v2, $0xE  }
0x2e: {  	[tilespmem:$0x52A0] =	vst v0;
	v0 =	vand.u32 $0x3FFF, v3  }
0x2f: {  	[tilespmem:$0x50B0] =	vst v0;
	v0 =	vshrl.u32 v3, $0xE  }
0x30: {  	[tilespmem:$0x52B0] =	vst v0  }
0x31: {  	[tilespmem:s17], [sflag:$0x2] =	stream.indirect.gather [hbm4b:s4+s13], $0x80, s16, s13, $0xb8;
	[tilespmem:$0x1F000] =	vst v63  }
0x32: {  	v0 =	vld [tilespmem:$0x100];
	_ =	sdelay $0x1  }
0x33: {  	v1 =	vld [tilespmem:$0x110];
	_ =	sdelay $0x1  }
0x34: {  	v2 =	vld [tilespmem:$0x120]  }
0x35: {  	v3 =	vand.u32 $0x3FFF, v0  }
0x36: {  	v0 =	vshrl.u32 v0, $0xE;
	[tilespmem:$0x5100] =	vst v3;
	v3 =	vld [tilespmem:$0x130]  }
0x37: {  	[tilespmem:$0x5300] =	vst v0;
	v0 =	vand.u32 $0x3FFF, v1  }
0x38: {  	[tilespmem:$0x5110] =	vst v0;
	v0 =	vshrl.u32 v1, $0xE  }
0x39: {  	[tilespmem:$0x5310] =	vst v0;
	v0 =	vand.u32 $0x3FFF, v2  }
0x3a: {  	[tilespmem:$0x5120] =	vst v0;
	v0 =	vshrl.u32 v2, $0xE  }
0x3b: {  	[tilespmem:$0x5320] =	vst v0;
	v0 =	vand.u32 $0x3FFF, v3  }
0x3c: {  	[tilespmem:$0x5130] =	vst v0;
	v0 =	vshrl.u32 v3, $0xE  }
0x3d: {  	[tilespmem:$0x5330] =	vst v0  }
0x3e: {  	[tilespmem:s19], [sflag:$0x3] =	stream.indirect.gather [hbm4b:s4+s13], $0x80, s18, s13, $0xb8;
	[tilespmem:$0x1F000] =	vst v63  }
0x3f: {  	_ =	swait.ge [sflag:s20], $0x2780  }
0x40: {  	[sflag:s20] =	ssyncset.done $0x0  }
0x41: {  	[sflag:s20] =	ssyncadd.s32 $0xFFFFD880  }
0x42: {  	[bflag:$0x0] =	sbarrier.arrive $0xFFFF  }
0x43: {  	_ =	swait.ge [sflag:s21], $0x2000  }
0x44: {  	[sflag:s21] =	ssyncset.done $0x0  }
0x45: {  	[sflag:s21] =	ssyncadd.s32 $0xFFFFE000  }
0x46: {  	[spmem:s2] =	stream.indirect.scatter.add.f32 [tilespmem:s15], [sflag:$0x5], $0x80, s22, s13, $0xb8;
	[tilespmem:$0x1F000] =	vst v63  }
0x47: {  	_ =	swait.ge [sflag:s12], $0x2000  }
0x48: {  	[sflag:s12] =	ssyncset.done $0x0  }
0x49: {  	s29 =	simm.s32 $0x2B0;
	[sflag:s12] =	ssyncadd.s32 $0xFFFFE000  }
0x4a: {  	v0 =	vld [tilespmem:s29+$0xFFFFFED0];
	_ =	sdelay $0x4  }
0x4b: {  	v1 =	vand.u32 $0x3FFF, v0  }
0x4c: {  	v0 =	vshrl.u32 v0, $0xE;
	[tilespmem:$0x5000] =	vst v1  }
0x4d: {  	[tilespmem:$0x5200] =	vst v0  }
0x4e: {  	v0 =	vld [tilespmem:s29+$0xFFFFFEE0];
	_ =	sdelay $0x4  }
0x4f: {  	v1 =	vand.u32 $0x3FFF, v0  }
0x50: {  	v0 =	vshrl.u32 v0, $0xE;
	[tilespmem:$0x5010] =	vst v1  }
0x51: {  	[tilespmem:$0x5210] =	vst v0  }
0x52: {  	v0 =	vld [tilespmem:s29+$0xFFFFFEF0];
	_ =	sdelay $0x4  }
0x53: {  	v1 =	vand.u32 $0x3FFF, v0  }
0x54: {  	v0 =	vshrl.u32 v0, $0xE;
	[tilespmem:$0x5020] =	vst v1  }
0x55: {  	[tilespmem:$0x5220] =	vst v0  }
0x56: {  	v0 =	vld [tilespmem:s29+$0xFFFFFF00];
	_ =	sdelay $0x4  }
0x57: {  	v1 =	vand.u32 $0x3FFF, v0  }
0x58: {  	v0 =	vshrl.u32 v0, $0xE;
	[tilespmem:$0x5030] =	vst v1  }
0x59: {  	[tilespmem:$0x5230] =	vst v0  }
0x5a: {  	[tilespmem:s15], [sflag:$0x1] =	stream.indirect.gather [hbm4b:s4+s13], $0x80, s14, s13, $0xb8;
	[tilespmem:$0x1F000] =	vst v63  }
0x5b: {  	_ =	swait.ge [sflag:s23], $0x2000  }
0x5c: {  	[sflag:s23] =	ssyncset.done $0x0  }
0x5d: {  	[sflag:s23] =	ssyncadd.s32 $0xFFFFE000  }
0x5e: {  	[spmem:s2] =	stream.indirect.scatter.add.f32 [tilespmem:s17], [sflag:$0x5], $0x80, s24, s13, $0xb8;
	[tilespmem:$0x1F000] =	vst v63  }
0x5f: {  	_ =	swait.ge [sflag:s12], $0x2000  }
0x60: {  	[sflag:s12] =	ssyncset.done $0x0  }
0x61: {  	[sflag:s12] =	ssyncadd.s32 $0xFFFFE000  }
0x62: {  	v0 =	vld [tilespmem:s29+$0xFFFFFF50];
	_ =	sdelay $0x4  }
0x63: {  	v1 =	vand.u32 $0x3FFF, v0  }
0x64: {  	v0 =	vshrl.u32 v0, $0xE;
	[tilespmem:$0x5080] =	vst v1  }
0x65: {  	[tilespmem:$0x5280] =	vst v0  }
0x66: {  	v0 =	vld [tilespmem:s29+$0xFFFFFF60];
	_ =	sdelay $0x4  }
0x67: {  	v1 =	vand.u32 $0x3FFF, v0  }
0x68: {  	v0 =	vshrl.u32 v0, $0xE;
	[tilespmem:$0x5090] =	vst v1  }
0x69: {  	[tilespmem:$0x5290] =	vst v0  }
0x6a: {  	v0 =	vld [tilespmem:s29+$0xFFFFFF70];
	_ =	sdelay $0x4  }
0x6b: {  	v1 =	vand.u32 $0x3FFF, v0  }
0x6c: {  	v0 =	vshrl.u32 v0, $0xE;
	[tilespmem:$0x50A0] =	vst v1  }
0x6d: {  	[tilespmem:$0x52A0] =	vst v0  }
0x6e: {  	v0 =	vld [tilespmem:s29+$0xFFFFFF80];
	_ =	sdelay $0x4  }
0x6f: {  	v1 =	vand.u32 $0x3FFF, v0  }
0x70: {  	v0 =	vshrl.u32 v0, $0xE;
	[tilespmem:$0x50B0] =	vst v1  }
0x71: {  	[tilespmem:$0x52B0] =	vst v0  }
0x72: {  	[tilespmem:s17], [sflag:$0x2] =	stream.indirect.gather [hbm4b:s4+s13], $0x80, s16, s13, $0xb8;
	[tilespmem:$0x1F000] =	vst v63  }
0x73: {  	_ =	swait.ge [sflag:s25], $0x2000  }
0x74: {  	[sflag:s25] =	ssyncset.done $0x0  }
0x75: {  	[sflag:s25] =	ssyncadd.s32 $0xFFFFE000  }
0x76: {  	[spmem:s2] =	stream.indirect.scatter.add.f32 [tilespmem:s19], [sflag:$0x5], $0x80, s26, s13, $0xb8;
	[tilespmem:$0x1F000] =	vst v63  }
0x77: {  	_ =	swait.ge [sflag:s12], $0x2000  }
0x78: {  	[sflag:s12] =	ssyncset.done $0x0  }
0x79: {  	[sflag:s12] =	ssyncadd.s32 $0xFFFFE000  }
0x7a: {  	v0 =	vld [tilespmem:s29+$0xFFFFFFD0];
	_ =	sdelay $0x4  }
0x7b: {  	v1 =	vand.u32 $0x3FFF, v0  }
0x7c: {  	v0 =	vshrl.u32 v0, $0xE;
	[tilespmem:$0x5100] =	vst v1  }
0x7d: {  	[tilespmem:$0x5300] =	vst v0  }
0x7e: {  	v0 =	vld [tilespmem:s29+$0xFFFFFFE0];
	_ =	sdelay $0x4  }
0x7f: {  	v1 =	vand.u32 $0x3FFF, v0  }
0x80: {  	v0 =	vshrl.u32 v0, $0xE;
	[tilespmem:$0x5110] =	vst v1  }
0x81: {  	[tilespmem:$0x5310] =	vst v0  }
0x82: {  	s30 =	simm.s32 $0x10C0;
	v0 =	vld [tilespmem:s29+$0xFFFFFFF0]  }
.LBB2_2:
0x83: {  	_ =	sdelay $0x2  }
0x84: {  	p0 =	sne.s32 s30, $0x13CC0;
	s31 =	smov.u32 s30;
	s30 =	sadd.s32 $0x600, s30  }
0x85: {  	v1 =	vand.u32 $0x3FFF, v0;
	v0 =	vshrl.u32 v0, $0xE  }
0x86: {  	[tilespmem:$0x5120] =	vst v1  }
0x87: {  	[tilespmem:$0x5320] =	vst v0  }
0x88: {  	v0 =	vld [tilespmem:s29+$0x0];
	_ =	sdelay $0x4  }
0x89: {  	v1 =	vand.u32 $0x3FFF, v0;
	v0 =	vshrl.u32 v0, $0xE  }
0x8a: {  	[tilespmem:$0x5130] =	vst v1  }
0x8b: {  	[tilespmem:$0x5330] =	vst v0  }
0x8c: {  	[tilespmem:s19], [sflag:$0x3] =	stream.indirect.gather [hbm4b:s4+s13], $0x80, s18, s13, $0xb8;
	[tilespmem:$0x1F000] =	vst v63  }
0x8d: {  	_ =	swait.ge [sflag:s21], $0x2000  }
0x8e: {  	[sflag:s21] =	ssyncset.done $0x0  }
0x8f: {  	[sflag:s21] =	ssyncadd.s32 $0xFFFFE000  }
0x90: {  	[spmem:s2] =	stream.indirect.scatter.add.f32 [tilespmem:s15], [sflag:$0x5], $0x80, s22, s13, $0xb8;
	[tilespmem:$0x1F000] =	vst v63  }
0x91: {  	_ =	swait.ge [sflag:s12], $0x2000  }
0x92: {  	[sflag:s12] =	ssyncset.done $0x0  }
0x93: {  	s29 =	sshra.s32 s31, $0x2;
	[sflag:s12] =	ssyncadd.s32 $0xFFFFE000  }
0x94: {  	v0 =	vld [tilespmem:s29+$0xFFFFFED0];
	_ =	sdelay $0x4  }
0x95: {  	v1 =	vand.u32 $0x3FFF, v0;
	v0 =	vshrl.u32 v0, $0xE  }
0x96: {  	[tilespmem:$0x5000] =	vst v1  }
0x97: {  	[tilespmem:$0x5200] =	vst v0  }
0x98: {  	v0 =	vld [tilespmem:s29+$0xFFFFFEE0];
	_ =	sdelay $0x4  }
0x99: {  	v1 =	vand.u32 $0x3FFF, v0;
	v0 =	vshrl.u32 v0, $0xE  }
0x9a: {  	[tilespmem:$0x5010] =	vst v1  }
0x9b: {  	[tilespmem:$0x5210] =	vst v0  }
0x9c: {  	v0 =	vld [tilespmem:s29+$0xFFFFFEF0];
	_ =	sdelay $0x4  }
0x9d: {  	v1 =	vand.u32 $0x3FFF, v0;
	v0 =	vshrl.u32 v0, $0xE  }
0x9e: {  	[tilespmem:$0x5020] =	vst v1  }
0x9f: {  	[tilespmem:$0x5220] =	vst v0  }
0xa0: {  	v0 =	vld [tilespmem:s29+$0xFFFFFF00];
	_ =	sdelay $0x4  }
0xa1: {  	v1 =	vand.u32 $0x3FFF, v0;
	v0 =	vshrl.u32 v0, $0xE  }
0xa2: {  	[tilespmem:$0x5030] =	vst v1  }
0xa3: {  	[tilespmem:$0x5230] =	vst v0  }
0xa4: {  	[tilespmem:s15], [sflag:$0x1] =	stream.indirect.gather [hbm4b:s4+s13], $0x80, s14, s13, $0xb8;
	[tilespmem:$0x1F000] =	vst v63  }
0xa5: {  	_ =	swait.ge [sflag:s23], $0x2000  }
0xa6: {  	[sflag:s23] =	ssyncset.done $0x0  }
0xa7: {  	[sflag:s23] =	ssyncadd.s32 $0xFFFFE000  }
0xa8: {  	[spmem:s2] =	stream.indirect.scatter.add.f32 [tilespmem:s17], [sflag:$0x5], $0x80, s24, s13, $0xb8;
	[tilespmem:$0x1F000] =	vst v63  }
0xa9: {  	_ =	swait.ge [sflag:s12], $0x2000  }
0xaa: {  	[sflag:s12] =	ssyncset.done $0x0  }
0xab: {  	[sflag:s12] =	ssyncadd.s32 $0xFFFFE000  }
0xac: {  	v0 =	vld [tilespmem:s29+$0xFFFFFF50];
	_ =	sdelay $0x4  }
0xad: {  	v1 =	vand.u32 $0x3FFF, v0;
	v0 =	vshrl.u32 v0, $0xE  }
0xae: {  	[tilespmem:$0x5080] =	vst v1  }
0xaf: {  	[tilespmem:$0x5280] =	vst v0  }
0xb0: {  	v0 =	vld [tilespmem:s29+$0xFFFFFF60];
	_ =	sdelay $0x4  }
0xb1: {  	v1 =	vand.u32 $0x3FFF, v0;
	v0 =	vshrl.u32 v0, $0xE  }
0xb2: {  	[tilespmem:$0x5090] =	vst v1  }
0xb3: {  	[tilespmem:$0x5290] =	vst v0  }
0xb4: {  	v0 =	vld [tilespmem:s29+$0xFFFFFF70];
	_ =	sdelay $0x4  }
0xb5: {  	v1 =	vand.u32 $0x3FFF, v0;
	v0 =	vshrl.u32 v0, $0xE  }
0xb6: {  	[tilespmem:$0x50A0] =	vst v1  }
0xb7: {  	[tilespmem:$0x52A0] =	vst v0  }
0xb8: {  	v0 =	vld [tilespmem:s29+$0xFFFFFF80];
	_ =	sdelay $0x4  }
0xb9: {  	v1 =	vand.u32 $0x3FFF, v0;
	v0 =	vshrl.u32 v0, $0xE  }
0xba: {  	[tilespmem:$0x50B0] =	vst v1  }
0xbb: {  	[tilespmem:$0x52B0] =	vst v0  }
0xbc: {  	[tilespmem:s17], [sflag:$0x2] =	stream.indirect.gather [hbm4b:s4+s13], $0x80, s16, s13, $0xb8;
	[tilespmem:$0x1F000] =	vst v63  }
0xbd: {  	_ =	swait.ge [sflag:s25], $0x2000  }
0xbe: {  	[sflag:s25] =	ssyncset.done $0x0  }
0xbf: {  	[sflag:s25] =	ssyncadd.s32 $0xFFFFE000  }
0xc0: {  	[spmem:s2] =	stream.indirect.scatter.add.f32 [tilespmem:s19], [sflag:$0x5], $0x80, s26, s13, $0xb8;
	[tilespmem:$0x1F000] =	vst v63  }
0xc1: {  	_ =	swait.ge [sflag:s12], $0x2000  }
0xc2: {  	[sflag:s12] =	ssyncset.done $0x0  }
0xc3: {  	[sflag:s12] =	ssyncadd.s32 $0xFFFFE000  }
0xc4: {  	v0 =	vld [tilespmem:s29+$0xFFFFFFD0];
	_ =	sdelay $0x4  }
0xc5: {  	v1 =	vand.u32 $0x3FFF, v0;
	v0 =	vshrl.u32 v0, $0xE  }
0xc6: {  	[tilespmem:$0x5100] =	vst v1  }
0xc7: {  	[tilespmem:$0x5300] =	vst v0  }
0xc8: {  	v0 =	vld [tilespmem:s29+$0xFFFFFFE0];
	_ =	sdelay $0x3  }
.Ltmp0:
0xc9: {  	(pc) =	sbr.rel @p0 .LBB2_2-.Ltmp0, $4  }
0xca: {  	v1 =	vand.u32 $0x3FFF, v0;
	v0 =	vshrl.u32 v0, $0xE  }
0xcb: {  	[tilespmem:$0x5110] =	vst v1  }
0xcc: {  	[tilespmem:$0x5310] =	vst v0  }
0xcd: {  	v0 =	vld [tilespmem:s29+$0xFFFFFFF0]  }
0xce: {  	_ =	sdelay $0x3  }
0xcf: {  	v1 =	vand.u32 $0x3FFF, v0  }
0xd0: {  	v62 =	vshrl.u32 v0, $0xE;
	[tilespmem:$0x5120] =	vst v1  }
0xd1: {  	[tilespmem:$0x5320] =	vst v62  }
0xd2: {  	v0 =	vld [tilespmem:s29+$0x0];
	_ =	sdelay $0x4  }
0xd3: {  	v63 =	vand.u32 $0x3FFF, v0  }
0xd4: {  	v0 =	vshrl.u32 v0, $0xE;
	[tilespmem:$0x5130] =	vst v63  }
0xd5: {  	[tilespmem:$0x5330] =	vst v0  }
0xd6: {  	[tilespmem:s19], [sflag:$0x3] =	stream.indirect.gather [hbm4b:s4+s13], $0x80, s18, s13, $0xb8;
	[tilespmem:$0x1F000] =	vst v63  }
0xd7: {  	_ =	swait.ge [sflag:s21], $0x2000  }
0xd8: {  	[sflag:s21] =	ssyncset.done $0x0  }
0xd9: {  	[sflag:s21] =	ssyncadd.s32 $0xFFFFE000  }
0xda: {  	[spmem:s2] =	stream.indirect.scatter.add.f32 [tilespmem:s15], [sflag:$0x5], $0x80, s22, s13, $0xb8;
	[tilespmem:$0x1F000] =	vst v63  }
0xdb: {  	_ =	swait.ge [sflag:s12], $0x2000  }
0xdc: {  	[sflag:s12] =	ssyncset.done $0x0  }
0xdd: {  	[sflag:s12] =	ssyncadd.s32 $0xFFFFE000  }
0xde: {  	_ =	swait.ge [sflag:s23], $0x2000  }
0xdf: {  	[sflag:s23] =	ssyncset.done $0x0  }
0xe0: {  	[sflag:s23] =	ssyncadd.s32 $0xFFFFE000  }
0xe1: {  	[spmem:s2] =	stream.indirect.scatter.add.f32 [tilespmem:s17], [sflag:$0x5], $0x80, s24, s13, $0xb8;
	[tilespmem:$0x1F000] =	vst v63  }
0xe2: {  	_ =	swait.ge [sflag:s12], $0x2000  }
0xe3: {  	[sflag:s12] =	ssyncset.done $0x0  }
0xe4: {  	[sflag:s12] =	ssyncadd.s32 $0xFFFFE000  }
0xe5: {  	_ =	swait.ge [sflag:s25], $0x2000  }
0xe6: {  	[sflag:s25] =	ssyncset.done $0x0  }
0xe7: {  	[sflag:s25] =	ssyncadd.s32 $0xFFFFE000  }
0xe8: {  	[spmem:s2] =	stream.indirect.scatter.add.f32 [tilespmem:s19], [sflag:$0x5], $0x80, s26, s13, $0xb8;
	[tilespmem:$0x1F000] =	vst v63  }
0xe9: {  	_ =	swait.ge [sflag:s12], $0x2000  }
0xea: {  	s28 =	sadd.s32 $0x1, s28;
	[sflag:s12] =	ssyncset.done $0x0  }
0xeb: {  	p0 =	sne.s32 s28, s10;
	[sflag:s12] =	ssyncadd.s32 $0xFFFFE000  }
.Ltmp1:
0xec: {  	s31 =	sor.u32 $0x1C05, s6;
	[bflag:$0x0] =	sbarrier.arrive $0xFFFF;
	(pc) =	sbr.rel @p0 .LBB2_1-.Ltmp1, $4  }
0xed: {  	[hbm:s9], [sflag:s31] =	dma.local [spmem:s11], $0x2780  }
0xee: {  	_ =	swait.ge [sflag:s12], $0x2780  }
0xef: {  	[sflag:s12] =	ssyncset.done $0x0  }
0xf0: {  	[sflag:s12] =	ssyncadd.s32 $0xFFFFD880  }
0xf1: {  	_ =	sfence.sel $0x180000  }
0xf2: {  	[bflag:$0x0] =	sbarrier.arrive $0xFFFF  }
0xf3: {  	p0 =	sne.s32 s1, $0x0;
	_ =	strace $0x90000047  }
0xf4: {  	s0 =	sadd.s32 @!p0 $0x100000, s0;
	[bflag:$0x2] =	sbarrier.arrive $0xFFFF  }
0xf5: {  	[sflag:s0] =	ssyncadd.tile.s32 @!p0 $0x1;
	_ =	shalt  }
.Lfunc_end2:
_tile_overlayer_lowered:
.L_overlay_start_2:
0xf6: {  	(tag) =	ssettag $0x2  }
0xf7: {  	s0 =	rddreg [dreg:$0x0];
	s2 =	stileid.u32  }
0xf8: {  	s1 =	rddreg [dreg:$0x1];
	p0 =	sne.s32 s2, $0x0  }
0xf9: {  	s3 =	rddreg [dreg:$0x2];
	[bflag:$0x3] =	sbarrier.arrive $0xFFFF;
	s2 =	simm.s32 @!p0 $0x1C05  }
0xfa: {  	[timem:s3], [sflag:s2] =	dma.local @!p0 [hbm:s0], s1  }
0xfb: {  	s0 =	simm.s32 @!p0 $0x5  }
0xfc: {  	_ =	swait.ge @!p0 [sflag:s0], s1  }
0xfd: {  	s1 =	ssub.s32 @!p0 $0x0, s1;
	[sflag:s0] =	ssyncset.done @!p0 $0x0  }
0xfe: {  	[sflag:s0] =	ssyncadd.s32 @!p0 s1  }
0xff: {  	[bflag:$0x3] =	sbarrier.arrive $0xFFFF  }
0x100: {  	_ =	shalt  }

</sc_bundles>
